<compile_context>
chip_gen: v7x
topology: tpu7x:2x2x1
jax: 0.10.2.dev20260603
libtpu: 0.0.44.dev20260713+nightly
codegen_flags: <defaults>
</compile_context>

<pallas_src>
import dataclasses
import functools

import jax
import jax.numpy as jnp
from jax import lax
from jax.experimental import pallas as pl
from jax.experimental.pallas import tpu as pltpu
from jax.experimental.pallas import tpu_sc as plsc

N = 10000
E = 320000
C = 128

NW = 32
R = 320
NPAD = NW * R
CHUNK = 2000
GB = 64
CAP = 8192
MASK = CAP - 1
TH = CAP - CHUNK
L = 16


def _tc_tables(xg, xr, W, b):
    BLK = 1024
    dn = (((1,), (1,)), ((), ()))

    def body(xg_ref, xr_ref, w_ref, b_ref, g_ref, rb_ref):
        w = w_ref[...]
        g_ref[...] = lax.dot_general(xg_ref[...], w, dn,
                                     preferred_element_type=jnp.float32)
        rb_ref[...] = lax.dot_general(xr_ref[...], w, dn,
                                      preferred_element_type=jnp.float32) - b_ref[...]

    return pl.pallas_call(
        body,
        grid=(NPAD // BLK,),
        in_specs=[
            pl.BlockSpec((BLK, C), lambda i: (i, 0)),
            pl.BlockSpec((BLK, C), lambda i: (i, 0)),
            pl.BlockSpec((C, C), lambda i: (0, 0)),
            pl.BlockSpec((1, C), lambda i: (0, 0)),
        ],
        out_specs=[
            pl.BlockSpec((BLK, C), lambda i: (i, 0)),
            pl.BlockSpec((BLK, C), lambda i: (i, 0)),
        ],
        out_shape=[jax.ShapeDtypeStruct((NPAD, C), jnp.float32)] * 2,
    )(xg, xr, W, b.reshape(1, C))


def _sc_segment_reduce(src, dst, g, rb):
    mesh = plsc.VectorSubcoreMesh(core_axis_name="c", subcore_axis_name="s")
    cp = pltpu.CompilerParams()
    if "needs_layout_passes" in pltpu.CompilerParams.__dataclass_fields__:
        cp = dataclasses.replace(cp, needs_layout_passes=False)

    @functools.partial(
        pl.kernel,
        out_type=[jax.ShapeDtypeStruct((NPAD * C,), jnp.float32)] * 2,
        mesh=mesh,
        compiler_params=cp,
        scratch_types=[
            pltpu.VMEM((R * C,), jnp.float32),
            pltpu.VMEM((R * C,), jnp.float32),
            pltpu.VMEM((R * L,), jnp.float32),
            pltpu.VMEM((CHUNK,), jnp.int32),
            pltpu.VMEM((CHUNK,), jnp.int32),
            pltpu.VMEM((CHUNK,), jnp.int32),
            pltpu.VMEM((CHUNK,), jnp.int32),
            pltpu.VMEM((CAP,), jnp.int32),
            pltpu.VMEM((CAP,), jnp.int32),
            pltpu.VMEM((GB, C), jnp.float32),
            pltpu.VMEM((GB, C), jnp.float32),
            pltpu.SemaphoreType.DMA,
            pltpu.SemaphoreType.DMA,
            pltpu.SemaphoreType.DMA,
            pltpu.SemaphoreType.DMA,
        ],
    )
    def sc_kernel(src_hbm, dst_hbm, g_hbm, rb_hbm, omax_hbm, omean_hbm,
                  acc_max, acc_sum, cnt, sbufa, dbufa, sbufb, dbufb,
                  slist, dlist, gr0, rr0,
                  semca, semcb, semg0, semr0):
        wid = lax.axis_index("s") * 2 + lax.axis_index("c")
        lo = wid * R
        zvec = jnp.zeros((L,), jnp.float32)
        zivec = jnp.zeros((L,), jnp.int32)
        ones = jnp.ones((L,), jnp.float32)
        lanes = lax.iota(jnp.int32, L)

        @pl.loop(0, R * C, step=L)
        def _init(i):
            acc_max[pl.ds(i, L)] = zvec
            acc_sum[pl.ds(i, L)] = zvec

        @pl.loop(0, R * L, step=L)
        def _init_cnt(i):
            cnt[pl.ds(i, L)] = zvec

        @pl.loop(0, CAP, step=L)
        def _init_lists(i):
            slist[pl.ds(i, L)] = zivec
            dlist[pl.ds(i, L)] = zivec

        def fire_gather(b0, grows, rrows, sg, sr):
            cg = pltpu.make_async_copy(g_hbm.at[slist.at[pl.ds(b0, GB)]],
                                       grows, sg)
            cr = pltpu.make_async_copy(rb_hbm.at[dlist.at[pl.ds(b0, GB)]],
                                       rrows, sr)
            cg.start()
            cr.start()

        def wait_gather(b0, grows, rrows, sg, sr):
            pltpu.make_async_copy(g_hbm.at[slist.at[pl.ds(b0, GB)]],
                                  grows, sg).wait()
            pltpu.make_async_copy(rb_hbm.at[dlist.at[pl.ds(b0, GB)]],
                                  rrows, sr).wait()

        def accum(b0, nb, grows, rrows):
            def edge(j, _):
                pos = b0 + j
                dvj = plsc.load_gather(dlist, [jnp.full((L,), pos, jnp.int32)])
                rowbase = (dvj - lo) * C + lanes
                for c in range(0, C, L):
                    gv = grows[j, pl.ds(c, L)]
                    rv = rrows[j, pl.ds(c, L)]
                    z = jnp.maximum(gv - rv, 0.0)
                    idxv = rowbase + c
                    mold = plsc.load_gather(acc_max, [idxv])
                    plsc.store_scatter(acc_max, [idxv], jnp.maximum(mold, z))
                    plsc.addupdate_scatter(acc_sum, [idxv], z)
                plsc.addupdate_scatter(cnt, [(dvj - lo) * L + lanes], ones)
                return 0

            lax.fori_loop(0, nb, edge, 0,
                          unroll=2 if isinstance(nb, int) else 1)

        def fire_pair(b0):
            fire_gather(b0, gr0, rr0, semg0, semr0)

        def consume_pair(b0, n0):
            wait_gather(b0, gr0, rr0, semg0, semr0)
            accum(b0, n0, gr0, rr0)

        def drain_pairs(cons, off, floor):
            def cond(cn):
                return off - cn > floor

            def body(cn):
                b0 = pl.multiple_of(cn & MASK, GB)
                fire_pair(b0)
                consume_pair(b0, GB)
                return cn + GB

            return lax.while_loop(cond, body, cons)

        def fire_chunk(ci, sbuf, dbuf, sem):
            e0 = ci * CHUNK
            pltpu.make_async_copy(src_hbm.at[pl.ds(e0, CHUNK)], sbuf,
                                  sem).start()
            pltpu.make_async_copy(dst_hbm.at[pl.ds(e0, CHUNK)], dbuf,
                                  sem).start()

        def wait_chunk(ci, sbuf, dbuf, sem):
            e0 = ci * CHUNK
            pltpu.make_async_copy(src_hbm.at[pl.ds(e0, CHUNK)], sbuf,
                                  sem).wait()
            pltpu.make_async_copy(dst_hbm.at[pl.ds(e0, CHUNK)], dbuf,
                                  sem).wait()

        def scan_chunk(sbuf, dbuf, off_v):
            def body(k, ov):
                d = dbuf[pl.ds(k * L, L)]
                s = sbuf[pl.ds(k * L, L)]
                ui = d - lo
                m = plsc.bitcast(ui, jnp.uint32) < jnp.uint32(R)
                mi = jnp.where(m, 1, 0)
                pos = (ov + plsc.cumsum(mi) - mi) & MASK
                plsc.store_scatter(slist, [pos], s, mask=m)
                plsc.store_scatter(dlist, [pos], d, mask=m)
                return ov + plsc.all_reduce_population_count(m)

            return lax.fori_loop(0, CHUNK // L, body, off_v, unroll=4)

        NCH = E // CHUNK
        fire_chunk(0, sbufa, dbufa, semca)

        def half_step(off_v, cons):
            off = jnp.max(off_v)
            do = off - cons >= GB
            b0 = pl.multiple_of(cons & MASK, GB)

            @pl.when(do)
            def _():
                fire_pair(b0)

            return off, do, b0

        def half_finish(off_v, do, b0, cons):
            @pl.when(do)
            def _():
                consume_pair(b0, GB)

            cons = jnp.where(do, cons + GB, cons)
            return drain_pairs(cons, jnp.max(off_v), TH)

        def chunk_pair(t, carry):
            off_v, cons = carry
            ci = 2 * t
            wait_chunk(ci, sbufa, dbufa, semca)
            fire_chunk(ci + 1, sbufb, dbufb, semcb)
            off, do, b0 = half_step(off_v, cons)
            off_v = scan_chunk(sbufa, dbufa, off_v)
            cons = half_finish(off_v, do, b0, cons)
            wait_chunk(ci + 1, sbufb, dbufb, semcb)
            fire_chunk(jnp.minimum(ci + 2, NCH - 2), sbufa, dbufa, semca)
            off, do, b0 = half_step(off_v, cons)
            off_v = scan_chunk(sbufb, dbufb, off_v)
            cons = half_finish(off_v, do, b0, cons)
            return off_v, cons

        off_v, cons = lax.fori_loop(
            0, NCH // 2, chunk_pair,
            (jnp.zeros((L,), jnp.int32), jnp.int32(0)))
        wait_chunk(NCH - 2, sbufa, dbufa, semca)
        off = jnp.max(off_v)
        cons = drain_pairs(cons, off, GB - 1)
        pend = off - cons
        bf = pl.multiple_of(cons & MASK, GB)
        fire_pair(bf)
        consume_pair(bf, jnp.maximum(0, jnp.minimum(GB, pend)))

        @pl.loop(0, R)
        def _finalize(r):
            denom = jnp.maximum(cnt[pl.ds(r * L, L)], 1.0)
            for c in range(0, C, L):
                slc = acc_sum.at[pl.ds(r * C + c, L)]
                slc[...] = slc[...] / denom

        pltpu.sync_copy(acc_max, omax_hbm.at[pl.ds(lo * C, R * C)])
        pltpu.sync_copy(acc_sum, omean_hbm.at[pl.ds(lo * C, R * C)])

    return sc_kernel(src, dst, g, rb)


def kernel(x_g, x_rsc, edge_index, W, b):
    src = edge_index[0]
    dst = edge_index[1]
    pad = ((0, NPAD - N), (0, 0))
    xg = jnp.pad(x_g, pad)
    xr = jnp.pad(x_rsc, pad)
    g, rb = _tc_tables(xg, xr, W, b)
    omax, omean = _sc_segment_reduce(src, dst, g, rb)
    omax = omax.reshape(NPAD, C)[:N]
    omean = omean.reshape(NPAD, C)[:N]
    return jnp.concatenate([omax, omean], axis=-1)

# --- scband reference (transcript-rebuilt; emitter-appended) ---
"""Pipeline reference for scband-relative-spatial-encoding-9612136808564 (READ-ONLY COPY).

The authoritative reference and input builder live on the scoring server;
editing this copy changes nothing except your own understanding.
"""

import jax, jax.numpy as jnp
import numpy as np

N = 10000
E = 320000
C_IN = 128
C_OUT = 128


def setup_inputs(seed: int = 0) -> dict:
    key = jax.random.key(seed)
    k1, k2, k3, k4, k5 = jax.random.split(key, 5)
    x_g = jax.random.normal(k1, (N, C_IN), dtype=jnp.float32)
    x_rsc = jax.random.normal(k2, (N, C_IN), dtype=jnp.float32)
    edge_index = jax.random.randint(k3, (2, E), 0, N, dtype=jnp.int32)
    # Linear(c_in -> c_out) parameters (torch convention: W [c_out, c_in], b [c_out])
    W = jax.random.normal(k4, (C_OUT, C_IN), dtype=jnp.float32) * 0.05
    b = jax.random.normal(k5, (C_OUT,), dtype=jnp.float32) * 0.05
    return {"x_g": x_g, "x_rsc": x_rsc, "edge_index": edge_index, "W": W, "b": b}


def reference(x_g, x_rsc, edge_index, W, b):
    src = edge_index[0]
    dst = edge_index[1]
    # encode: per-edge relative position between src 'G' node and dst 'RSC' node
    rel = jnp.take(x_g, src, axis=0) - jnp.take(x_rsc, dst, axis=0)
    enc = jnp.maximum(rel @ W.T + b, 0.0)  # Linear + ReLU, [E, C_OUT]
    # reduce: per-dst-node max and mean over incoming edge messages, concatenated
    seg_max = jax.ops.segment_max(enc, dst, num_segments=N)
    seg_max = jnp.where(jnp.isfinite(seg_max), seg_max, 0.0)  # empty mailboxes -> 0
    seg_sum = jax.ops.segment_sum(enc, dst, num_segments=N)
    counts = jax.ops.segment_sum(jnp.ones((enc.shape[0],), dtype=jnp.float32), dst, num_segments=N)
    seg_mean = seg_sum / jnp.maximum(counts, 1.0)[:, None]
    rsc_encoded = jnp.concatenate([seg_max, seg_mean], axis=-1)  # [N, 2*C_OUT]
    return rsc_encoded

if __name__ == "__main__":
    import jax
    _d = setup_inputs()
    print(jax.jit(kernel)(*tuple(_d.values())))

</pallas_src>

<mosaic_0001>
#map = affine_map<(d0, d1) -> (0)>
#map1 = affine_map<(d0, d1) -> (0, 0)>
module attributes {stable_mosaic.version = 14 : i64} {
  func.func @sc_kernel(%arg0: i32, %arg1: i32, %arg2: memref<320000xi32, #tpu.memory_space<hbm>>, %arg3: memref<320000xi32, #tpu.memory_space<hbm>>, %arg4: memref<10240x128xf32, #tpu.memory_space<hbm>>, %arg5: memref<10240x128xf32, #tpu.memory_space<hbm>>, %arg6: memref<1310720xf32, #tpu.memory_space<hbm>>, %arg7: memref<1310720xf32, #tpu.memory_space<hbm>>, %arg8: memref<40960xf32, #tpu.memory_space<vmem>>, %arg9: memref<40960xf32, #tpu.memory_space<vmem>>, %arg10: memref<5120xf32, #tpu.memory_space<vmem>>, %arg11: memref<2000xi32, #tpu.memory_space<vmem>>, %arg12: memref<2000xi32, #tpu.memory_space<vmem>>, %arg13: memref<2000xi32, #tpu.memory_space<vmem>>, %arg14: memref<2000xi32, #tpu.memory_space<vmem>>, %arg15: memref<8192xi32, #tpu.memory_space<vmem>>, %arg16: memref<8192xi32, #tpu.memory_space<vmem>>, %arg17: memref<64x128xf32, #tpu.memory_space<vmem>>, %arg18: memref<64x128xf32, #tpu.memory_space<vmem>>, %arg19: memref<!tpu.dma_semaphore, #tpu.memory_space<semaphore_mem>>, %arg20: memref<!tpu.dma_semaphore, #tpu.memory_space<semaphore_mem>>, %arg21: memref<!tpu.dma_semaphore, #tpu.memory_space<semaphore_mem>>, %arg22: memref<!tpu.dma_semaphore, #tpu.memory_space<semaphore_mem>>) attributes {dimension_semantics = [#tpu.dimension_semantics<core_parallel>, #tpu.dimension_semantics<subcore_parallel>], iteration_bounds = array<i64: 2, 16>, scalar_prefetch = 0 : i64, scratch_operands = 15 : i64, tpu.core_type = #tpu.core_type<sc_vector_subcore>, window_params = [{transform_indices = #map}, {transform_indices = #map}, {transform_indices = #map1}, {transform_indices = #map1}, {transform_indices = #map}, {transform_indices = #map}]} {
    %mul3A = arith.constant 2 : i32
    %mul3A_0 = arith.muli %arg1, %mul3A : i32
    %add3A = arith.addi %mul3A_0, %arg0 : i32
    %mul3A_1 = arith.constant 320 : i32
    %mul3A_2 = arith.muli %add3A, %mul3A_1 : i32
    %broadcast_in_dim3A = arith.constant 0.000000e+00 : f32
    %broadcast_in_dim3A_3 = vector.broadcast %broadcast_in_dim3A : f32 to vector<16xf32>
    %broadcast_in_dim3A_4 = arith.constant 0 : i32
    %broadcast_in_dim3A_5 = vector.broadcast %broadcast_in_dim3A_4 : i32 to vector<16xi32>
    %broadcast_in_dim3A_6 = arith.constant 1.000000e+00 : f32
    %broadcast_in_dim3A_7 = vector.broadcast %broadcast_in_dim3A_6 : f32 to vector<16xf32>
    %iota3A = tpu.iota {dimensions = array<i32: 0>} : vector<16xi32>
    %scan3A = arith.constant 0 : i32
    %scan3A_8 = arith.constant 2560 : i32
    %scan3A_9 = arith.addi %scan3A, %scan3A_8 : i32
    %scan3A_10 = arith.constant 1 : i32
    scf.for %scan3A_92 = %scan3A to %scan3A_9 step %scan3A_10  : i32 {
      %mul3A_93 = arith.constant 16 : i32
      %mul3A_94 = arith.muli %scan3A_92, %mul3A_93 : i32
      %add3A_95 = arith.constant 0 : i32
      %add3A_96 = arith.addi %add3A_95, %mul3A_94 : i32
      %swap3A = arith.index_cast %add3A_96 : i32 to index
      %swap3A_97 = tpu.vector_load %arg8[%swap3A] {strides = array<i32>} : memref<40960xf32, #tpu.memory_space<vmem>>, vector<16xf32>,
      tpu.vector_store %arg8[%swap3A], %broadcast_in_dim3A_3 {strides = array<i32>} : memref<40960xf32, #tpu.memory_space<vmem>>, vector<16xf32>,
      %swap3A_98 = arith.index_cast %add3A_96 : i32 to index
      %swap3A_99 = tpu.vector_load %arg9[%swap3A_98] {strides = array<i32>} : memref<40960xf32, #tpu.memory_space<vmem>>, vector<16xf32>,
      tpu.vector_store %arg9[%swap3A_98], %broadcast_in_dim3A_3 {strides = array<i32>} : memref<40960xf32, #tpu.memory_space<vmem>>, vector<16xf32>,
    }
    %scan3A_11 = arith.constant 2560 : i32
    %scan3A_12 = arith.constant 0 : i32
    %scan3A_13 = arith.constant 320 : i32
    %scan3A_14 = arith.addi %scan3A_12, %scan3A_13 : i32
    %scan3A_15 = arith.constant 1 : i32
    scf.for %scan3A_92 = %scan3A_12 to %scan3A_14 step %scan3A_15  : i32 {
      %mul3A_93 = arith.constant 16 : i32
      %mul3A_94 = arith.muli %scan3A_92, %mul3A_93 : i32
      %add3A_95 = arith.constant 0 : i32
      %add3A_96 = arith.addi %add3A_95, %mul3A_94 : i32
      %swap3A = arith.index_cast %add3A_96 : i32 to index
      %swap3A_97 = tpu.vector_load %arg10[%swap3A] {strides = array<i32>} : memref<5120xf32, #tpu.memory_space<vmem>>, vector<16xf32>,
      tpu.vector_store %arg10[%swap3A], %broadcast_in_dim3A_3 {strides = array<i32>} : memref<5120xf32, #tpu.memory_space<vmem>>, vector<16xf32>,
    }
    %scan3A_16 = arith.constant 320 : i32
    %scan3A_17 = arith.constant 0 : i32
    %scan3A_18 = arith.constant 512 : i32
    %scan3A_19 = arith.addi %scan3A_17, %scan3A_18 : i32
    %scan3A_20 = arith.constant 1 : i32
    scf.for %scan3A_92 = %scan3A_17 to %scan3A_19 step %scan3A_20  : i32 {
      %mul3A_93 = arith.constant 16 : i32
      %mul3A_94 = arith.muli %scan3A_92, %mul3A_93 : i32
      %add3A_95 = arith.constant 0 : i32
      %add3A_96 = arith.addi %add3A_95, %mul3A_94 : i32
      %swap3A = arith.index_cast %add3A_96 : i32 to index
      %swap3A_97 = tpu.vector_load %arg15[%swap3A] {strides = array<i32>} : memref<8192xi32, #tpu.memory_space<vmem>>, vector<16xi32>,
      tpu.vector_store %arg15[%swap3A], %broadcast_in_dim3A_5 {strides = array<i32>} : memref<8192xi32, #tpu.memory_space<vmem>>, vector<16xi32>,
      %swap3A_98 = arith.index_cast %add3A_96 : i32 to index
      %swap3A_99 = tpu.vector_load %arg16[%swap3A_98] {strides = array<i32>} : memref<8192xi32, #tpu.memory_space<vmem>>, vector<16xi32>,
      tpu.vector_store %arg16[%swap3A_98], %broadcast_in_dim3A_5 {strides = array<i32>} : memref<8192xi32, #tpu.memory_space<vmem>>, vector<16xi32>,
    }
    %scan3A_21 = arith.constant 512 : i32
    %dma_start3A = arith.constant 0 : i32
    %dma_start3A_22 = tpu.memref_slice %arg2[%dma_start3A] : memref<320000xi32, #tpu.memory_space<hbm>> -> memref<2000xi32, #tpu.memory_space<hbm>>
    %dma_start3A_23 = arith.constant 0 : i32
    %dma_start3A_24 = tpu.memref_slice %arg2[%dma_start3A_23] : memref<320000xi32, #tpu.memory_space<hbm>> -> memref<2000xi32, #tpu.memory_space<hbm>>
    tpu.enqueue_dma source(%dma_start3A_24 : memref<2000xi32, #tpu.memory_space<hbm>>) target(%arg11 : memref<2000xi32, #tpu.memory_space<vmem>>) target_semaphore(%arg19 : memref<!tpu.dma_semaphore, #tpu.memory_space<semaphore_mem>>)
    %dma_start3A_25 = arith.constant 0 : i32
    %dma_start3A_26 = tpu.memref_slice %arg3[%dma_start3A_25] : memref<320000xi32, #tpu.memory_space<hbm>> -> memref<2000xi32, #tpu.memory_space<hbm>>
    %dma_start3A_27 = arith.constant 0 : i32
    %dma_start3A_28 = tpu.memref_slice %arg3[%dma_start3A_27] : memref<320000xi32, #tpu.memory_space<hbm>> -> memref<2000xi32, #tpu.memory_space<hbm>>
    tpu.enqueue_dma source(%dma_start3A_28 : memref<2000xi32, #tpu.memory_space<hbm>>) target(%arg12 : memref<2000xi32, #tpu.memory_space<vmem>>) target_semaphore(%arg19 : memref<!tpu.dma_semaphore, #tpu.memory_space<semaphore_mem>>)
    %broadcast_in_dim3A_29 = arith.constant 0 : i32
    %broadcast_in_dim3A_30 = vector.broadcast %broadcast_in_dim3A_29 : i32 to vector<16xi32>
    %scan3A_31 = arith.constant 0 : i32
    %scan3A_32 = arith.constant 0 : i32
    %scan3A_33 = arith.constant 80 : i32
    %scan3A_34 = arith.addi %scan3A_32, %scan3A_33 : i32
    %scan3A_35 = arith.constant 1 : i32
    %scan3A_36:2 = scf.for %scan3A_92 = %scan3A_32 to %scan3A_34 step %scan3A_35 iter_args(%scan3A_93 = %broadcast_in_dim3A_30, %scan3A_94 = %scan3A_31) -> (vector<16xi32>, i32)  : i32 {
      %mul3A_95 = arith.constant 2 : i32
      %mul3A_96 = arith.muli %mul3A_95, %scan3A_92 : i32
      %mul3A_97 = arith.constant 2000 : i32
      %mul3A_98 = arith.muli %mul3A_96, %mul3A_97 : i32
      %dma_wait3A_99 = tpu.memref_slice %arg2[%mul3A_98] : memref<320000xi32, #tpu.memory_space<hbm>> -> memref<2000xi32, #tpu.memory_space<hbm>>
      %dma_wait3A_100 = tpu.memref_slice %arg2[%mul3A_98] : memref<320000xi32, #tpu.memory_space<hbm>> -> memref<2000xi32, #tpu.memory_space<hbm>>
      tpu.wait_dma2 semaphore(%arg19 : memref<!tpu.dma_semaphore, #tpu.memory_space<semaphore_mem>>) src(%dma_wait3A_100 : memref<2000xi32, #tpu.memory_space<hbm>>) dst(%arg11 : memref<2000xi32, #tpu.memory_space<vmem>>)
      %dma_wait3A_101 = tpu.memref_slice %arg3[%mul3A_98] : memref<320000xi32, #tpu.memory_space<hbm>> -> memref<2000xi32, #tpu.memory_space<hbm>>
      %dma_wait3A_102 = tpu.memref_slice %arg3[%mul3A_98] : memref<320000xi32, #tpu.memory_space<hbm>> -> memref<2000xi32, #tpu.memory_space<hbm>>
      tpu.wait_dma2 semaphore(%arg19 : memref<!tpu.dma_semaphore, #tpu.memory_space<semaphore_mem>>) src(%dma_wait3A_102 : memref<2000xi32, #tpu.memory_space<hbm>>) dst(%arg12 : memref<2000xi32, #tpu.memory_space<vmem>>)
      %add3A_103 = arith.constant 1 : i32
      %add3A_104 = arith.addi %mul3A_96, %add3A_103 : i32
      %mul3A_105 = arith.constant 2000 : i32
      %mul3A_106 = arith.muli %add3A_104, %mul3A_105 : i32
      %dma_start3A_107 = tpu.memref_slice %arg2[%mul3A_106] : memref<320000xi32, #tpu.memory_space<hbm>> -> memref<2000xi32, #tpu.memory_space<hbm>>
      %dma_start3A_108 = tpu.memref_slice %arg2[%mul3A_106] : memref<320000xi32, #tpu.memory_space<hbm>> -> memref<2000xi32, #tpu.memory_space<hbm>>
      tpu.enqueue_dma source(%dma_start3A_108 : memref<2000xi32, #tpu.memory_space<hbm>>) target(%arg13 : memref<2000xi32, #tpu.memory_space<vmem>>) target_semaphore(%arg20 : memref<!tpu.dma_semaphore, #tpu.memory_space<semaphore_mem>>)
      %dma_start3A_109 = tpu.memref_slice %arg3[%mul3A_106] : memref<320000xi32, #tpu.memory_space<hbm>> -> memref<2000xi32, #tpu.memory_space<hbm>>
      %dma_start3A_110 = tpu.memref_slice %arg3[%mul3A_106] : memref<320000xi32, #tpu.memory_space<hbm>> -> memref<2000xi32, #tpu.memory_space<hbm>>
      tpu.enqueue_dma source(%dma_start3A_110 : memref<2000xi32, #tpu.memory_space<hbm>>) target(%arg14 : memref<2000xi32, #tpu.memory_space<vmem>>) target_semaphore(%arg20 : memref<!tpu.dma_semaphore, #tpu.memory_space<semaphore_mem>>)
      %reduce_max3A_111 = arith.constant true
      %reduce_max3A_112 = vector.broadcast %reduce_max3A_111 : i1 to vector<16xi1>
      %reduce_max3A_113 = arith.constant -2147483648 : i32
      %reduce_max3A_114 = vector.broadcast %reduce_max3A_113 : i32 to vector<16xi32>
      %reduce_max3A_115 = arith.xori %scan3A_93, %reduce_max3A_114 : vector<16xi32>
      %reduce_max3A_116 = tpu.scan <max>, %reduce_max3A_115 masked %reduce_max3A_112 : vector<16xi32>, vector<16xi1> -> vector<16xi32>
      %reduce_max3A_117 = arith.xori %reduce_max3A_116, %reduce_max3A_114 : vector<16xi32>
      %reduce_max3A_118 = vector.extract %reduce_max3A_117[15] : i32 from vector<16xi32>
      %sub3A_119 = arith.subi %reduce_max3A_118, %scan3A_94 : i32
      %ge3A = arith.constant 64 : i32
      %ge3A_120 = arith.cmpi sge, %sub3A_119, %ge3A : i32
      %and3A_121 = arith.constant 8191 : i32
      %and3A_122 = arith.andi %scan3A_94, %and3A_121 : i32
      %multiple_of3A_123 = tpu.assume_multiple %and3A_122, 64 : i32
      %convert_element_type3A = arith.extui %ge3A_120 : i1 to i32
      %cond3A = arith.constant 0 : i32
      %cond3A_124 = arith.cmpi ne, %convert_element_type3A, %cond3A : i32
      scf.if %cond3A_124 {
        %dma_start3A_257 = tpu.memref_slice %arg15[%multiple_of3A_123] : memref<8192xi32, #tpu.memory_space<vmem>> -> memref<64xi32, #tpu.memory_space<vmem>>
        %dma_start3A_258 = arith.constant 0 : i32
        %dma_start3A_259 = arith.constant 0 : i32
        %dma_start3A_260 = tpu.memref_slice %arg4[%dma_start3A_258, %dma_start3A_259] : memref<10240x128xf32, #tpu.memory_space<hbm>> -> memref<10240x128xf32, #tpu.memory_space<hbm>>
        tpu.enqueue_indirect_dma source(%dma_start3A_260 : memref<10240x128xf32, #tpu.memory_space<hbm>>) target(%arg17 : memref<64x128xf32, #tpu.memory_space<vmem>>) offsets(%dma_start3A_257 : memref<64xi32, #tpu.memory_space<vmem>>) semaphore(%arg21 : memref<!tpu.dma_semaphore, #tpu.memory_space<semaphore_mem>>)
        %dma_start3A_261 = tpu.memref_slice %arg16[%multiple_of3A_123] : memref<8192xi32, #tpu.memory_space<vmem>> -> memref<64xi32, #tpu.memory_space<vmem>>
        %dma_start3A_262 = arith.constant 0 : i32
        %dma_start3A_263 = arith.constant 0 : i32
        %dma_start3A_264 = tpu.memref_slice %arg5[%dma_start3A_262, %dma_start3A_263] : memref<10240x128xf32, #tpu.memory_space<hbm>> -> memref<10240x128xf32, #tpu.memory_space<hbm>>
        tpu.enqueue_indirect_dma source(%dma_start3A_264 : memref<10240x128xf32, #tpu.memory_space<hbm>>) target(%arg18 : memref<64x128xf32, #tpu.memory_space<vmem>>) offsets(%dma_start3A_261 : memref<64xi32, #tpu.memory_space<vmem>>) semaphore(%arg22 : memref<!tpu.dma_semaphore, #tpu.memory_space<semaphore_mem>>)
      } else {
      }
      %scan3A_125 = arith.constant 0 : i32
      %scan3A_126 = arith.constant 124 : i32
      %scan3A_127 = arith.addi %scan3A_125, %scan3A_126 : i32
      %scan3A_128 = arith.constant 4 : i32
      %scan3A_129 = scf.for %scan3A_257 = %scan3A_125 to %scan3A_127 step %scan3A_128 iter_args(%scan3A_258 = %scan3A_93) -> (vector<16xi32>)  : i32 {
        %mul3A_259 = arith.constant 16 : i32
        %mul3A_260 = arith.muli %scan3A_257, %mul3A_259 : i32
        %get3A_261 = arith.index_cast %mul3A_260 : i32 to index
        %get3A_262 = tpu.vector_load %arg12[%get3A_261] {strides = array<i32>} : memref<2000xi32, #tpu.memory_space<vmem>>, vector<16xi32>,
        %mul3A_263 = arith.constant 16 : i32
        %mul3A_264 = arith.muli %scan3A_257, %mul3A_263 : i32
        %get3A_265 = arith.index_cast %mul3A_264 : i32 to index
        %get3A_266 = tpu.vector_load %arg11[%get3A_265] {strides = array<i32>} : memref<2000xi32, #tpu.memory_space<vmem>>, vector<16xi32>,
        %sub3A_267 = vector.broadcast %mul3A_2 : i32 to vector<16xi32>
        %sub3A_268 = arith.subi %get3A_262, %sub3A_267 : vector<16xi32>
        %bitcast3A_269 = vector.bitcast %sub3A_268 : vector<16xi32> to vector<16xi32>
        %lt3A_270 = arith.constant 320 : i32
        %lt3A_271 = vector.broadcast %lt3A_270 : i32 to vector<16xi32>
        %lt3A_272 = arith.cmpi ult, %bitcast3A_269, %lt3A_271 : vector<16xi32>
        %jit3A_273 = arith.constant 1 : i32
        %jit3A_274 = arith.constant 0 : i32
        %broadcast_in_dim3A_275 = vector.broadcast %jit3A_273 : i32 to vector<16xi32>
        %broadcast_in_dim3A_276 = vector.broadcast %jit3A_274 : i32 to vector<16xi32>
        %select_n3A_277 = arith.select %lt3A_272, %broadcast_in_dim3A_275, %broadcast_in_dim3A_276 : vector<16xi1>, vector<16xi32>
        %broadcast_in_dim3A_278 = arith.constant true
        %broadcast_in_dim3A_279 = vector.broadcast %broadcast_in_dim3A_278 : i1 to vector<16xi1>
        %masked_cumsum3A_280 = tpu.scan <sum>, %select_n3A_277 masked %broadcast_in_dim3A_279 : vector<16xi32>, vector<16xi1> -> vector<16xi32>
        %add3A_281 = arith.addi %scan3A_258, %masked_cumsum3A_280 : vector<16xi32>
        %sub3A_282 = arith.subi %add3A_281, %select_n3A_277 : vector<16xi32>
        %and3A_283 = arith.constant 8191 : i32
        %and3A_284 = vector.broadcast %and3A_283 : i32 to vector<16xi32>
        %and3A_285 = arith.andi %sub3A_282, %and3A_284 : vector<16xi32>
        tpu.vector_store_idx %arg15[%and3A_285], %get3A_266 masked %lt3A_272 : memref<8192xi32, #tpu.memory_space<vmem>>[vector<16xi32>], vector<16xi32>, vector<16xi1>
        tpu.vector_store_idx %arg16[%and3A_285], %get3A_262 masked %lt3A_272 : memref<8192xi32, #tpu.memory_space<vmem>>[vector<16xi32>], vector<16xi32>, vector<16xi1>
        %all_reduce_population_count3A_286 = tpu.all_reduce %lt3A_272 {dim = 0 : i64, kind = #tpu.reduction_kind<sum>} : vector<16xi1> -> vector<16xi32>
        %add3A_287 = arith.addi %scan3A_258, %all_reduce_population_count3A_286 : vector<16xi32>
        %scan3A_288 = arith.constant 1 : i32
        %scan3A_289 = arith.addi %scan3A_257, %scan3A_288 : i32
        %mul3A_290 = arith.constant 16 : i32
        %mul3A_291 = arith.muli %scan3A_289, %mul3A_290 : i32
        %get3A_292 = arith.index_cast %mul3A_291 : i32 to index
        %get3A_293 = tpu.vector_load %arg12[%get3A_292] {strides = array<i32>} : memref<2000xi32, #tpu.memory_space<vmem>>, vector<16xi32>,
        %mul3A_294 = arith.constant 16 : i32
        %mul3A_295 = arith.muli %scan3A_289, %mul3A_294 : i32
        %get3A_296 = arith.index_cast %mul3A_295 : i32 to index
        %get3A_297 = tpu.vector_load %arg11[%get3A_296] {strides = array<i32>} : memref<2000xi32, #tpu.memory_space<vmem>>, vector<16xi32>,
        %sub3A_298 = vector.broadcast %mul3A_2 : i32 to vector<16xi32>
        %sub3A_299 = arith.subi %get3A_293, %sub3A_298 : vector<16xi32>
        %bitcast3A_300 = vector.bitcast %sub3A_299 : vector<16xi32> to vector<16xi32>
        %lt3A_301 = arith.constant 320 : i32
        %lt3A_302 = vector.broadcast %lt3A_301 : i32 to vector<16xi32>
        %lt3A_303 = arith.cmpi ult, %bitcast3A_300, %lt3A_302 : vector<16xi32>
        %jit3A_304 = arith.constant 1 : i32
        %jit3A_305 = arith.constant 0 : i32
        %broadcast_in_dim3A_306 = vector.broadcast %jit3A_304 : i32 to vector<16xi32>
        %broadcast_in_dim3A_307 = vector.broadcast %jit3A_305 : i32 to vector<16xi32>
        %select_n3A_308 = arith.select %lt3A_303, %broadcast_in_dim3A_306, %broadcast_in_dim3A_307 : vector<16xi1>, vector<16xi32>
        %broadcast_in_dim3A_309 = arith.constant true
        %broadcast_in_dim3A_310 = vector.broadcast %broadcast_in_dim3A_309 : i1 to vector<16xi1>
        %masked_cumsum3A_311 = tpu.scan <sum>, %select_n3A_308 masked %broadcast_in_dim3A_310 : vector<16xi32>, vector<16xi1> -> vector<16xi32>
        %add3A_312 = arith.addi %add3A_287, %masked_cumsum3A_311 : vector<16xi32>
        %sub3A_313 = arith.subi %add3A_312, %select_n3A_308 : vector<16xi32>
        %and3A_314 = arith.constant 8191 : i32
        %and3A_315 = vector.broadcast %and3A_314 : i32 to vector<16xi32>
        %and3A_316 = arith.andi %sub3A_313, %and3A_315 : vector<16xi32>
        tpu.vector_store_idx %arg15[%and3A_316], %get3A_297 masked %lt3A_303 : memref<8192xi32, #tpu.memory_space<vmem>>[vector<16xi32>], vector<16xi32>, vector<16xi1>
        tpu.vector_store_idx %arg16[%and3A_316], %get3A_293 masked %lt3A_303 : memref<8192xi32, #tpu.memory_space<vmem>>[vector<16xi32>], vector<16xi32>, vector<16xi1>
        %all_reduce_population_count3A_317 = tpu.all_reduce %lt3A_303 {dim = 0 : i64, kind = #tpu.reduction_kind<sum>} : vector<16xi1> -> vector<16xi32>
        %add3A_318 = arith.addi %add3A_287, %all_reduce_population_count3A_317 : vector<16xi32>
        %scan3A_319 = arith.constant 2 : i32
        %scan3A_320 = arith.addi %scan3A_257, %scan3A_319 : i32
        %mul3A_321 = arith.constant 16 : i32
        %mul3A_322 = arith.muli %scan3A_320, %mul3A_321 : i32
        %get3A_323 = arith.index_cast %mul3A_322 : i32 to index
        %get3A_324 = tpu.vector_load %arg12[%get3A_323] {strides = array<i32>} : memref<2000xi32, #tpu.memory_space<vmem>>, vector<16xi32>,
        %mul3A_325 = arith.constant 16 : i32
        %mul3A_326 = arith.muli %scan3A_320, %mul3A_325 : i32
        %get3A_327 = arith.index_cast %mul3A_326 : i32 to index
        %get3A_328 = tpu.vector_load %arg11[%get3A_327] {strides = array<i32>} : memref<2000xi32, #tpu.memory_space<vmem>>, vector<16xi32>,
        %sub3A_329 = vector.broadcast %mul3A_2 : i32 to vector<16xi32>
        %sub3A_330 = arith.subi %get3A_324, %sub3A_329 : vector<16xi32>
        %bitcast3A_331 = vector.bitcast %sub3A_330 : vector<16xi32> to vector<16xi32>
        %lt3A_332 = arith.constant 320 : i32
        %lt3A_333 = vector.broadcast %lt3A_332 : i32 to vector<16xi32>
        %lt3A_334 = arith.cmpi ult, %bitcast3A_331, %lt3A_333 : vector<16xi32>
        %jit3A_335 = arith.constant 1 : i32
        %jit3A_336 = arith.constant 0 : i32
        %broadcast_in_dim3A_337 = vector.broadcast %jit3A_335 : i32 to vector<16xi32>
        %broadcast_in_dim3A_338 = vector.broadcast %jit3A_336 : i32 to vector<16xi32>
        %select_n3A_339 = arith.select %lt3A_334, %broadcast_in_dim3A_337, %broadcast_in_dim3A_338 : vector<16xi1>, vector<16xi32>
        %broadcast_in_dim3A_340 = arith.constant true
        %broadcast_in_dim3A_341 = vector.broadcast %broadcast_in_dim3A_340 : i1 to vector<16xi1>
        %masked_cumsum3A_342 = tpu.scan <sum>, %select_n3A_339 masked %broadcast_in_dim3A_341 : vector<16xi32>, vector<16xi1> -> vector<16xi32>
        %add3A_343 = arith.addi %add3A_318, %masked_cumsum3A_342 : vector<16xi32>
        %sub3A_344 = arith.subi %add3A_343, %select_n3A_339 : vector<16xi32>
        %and3A_345 = arith.constant 8191 : i32
        %and3A_346 = vector.broadcast %and3A_345 : i32 to vector<16xi32>
        %and3A_347 = arith.andi %sub3A_344, %and3A_346 : vector<16xi32>
        tpu.vector_store_idx %arg15[%and3A_347], %get3A_328 masked %lt3A_334 : memref<8192xi32, #tpu.memory_space<vmem>>[vector<16xi32>], vector<16xi32>, vector<16xi1>
        tpu.vector_store_idx %arg16[%and3A_347], %get3A_324 masked %lt3A_334 : memref<8192xi32, #tpu.memory_space<vmem>>[vector<16xi32>], vector<16xi32>, vector<16xi1>
        %all_reduce_population_count3A_348 = tpu.all_reduce %lt3A_334 {dim = 0 : i64, kind = #tpu.reduction_kind<sum>} : vector<16xi1> -> vector<16xi32>
        %add3A_349 = arith.addi %add3A_318, %all_reduce_population_count3A_348 : vector<16xi32>
        %scan3A_350 = arith.constant 3 : i32
        %scan3A_351 = arith.addi %scan3A_257, %scan3A_350 : i32
        %mul3A_352 = arith.constant 16 : i32
        %mul3A_353 = arith.muli %scan3A_351, %mul3A_352 : i32
        %get3A_354 = arith.index_cast %mul3A_353 : i32 to index
        %get3A_355 = tpu.vector_load %arg12[%get3A_354] {strides = array<i32>} : memref<2000xi32, #tpu.memory_space<vmem>>, vector<16xi32>,
        %mul3A_356 = arith.constant 16 : i32
        %mul3A_357 = arith.muli %scan3A_351, %mul3A_356 : i32
        %get3A_358 = arith.index_cast %mul3A_357 : i32 to index
        %get3A_359 = tpu.vector_load %arg11[%get3A_358] {strides = array<i32>} : memref<2000xi32, #tpu.memory_space<vmem>>, vector<16xi32>,
        %sub3A_360 = vector.broadcast %mul3A_2 : i32 to vector<16xi32>
        %sub3A_361 = arith.subi %get3A_355, %sub3A_360 : vector<16xi32>
        %bitcast3A_362 = vector.bitcast %sub3A_361 : vector<16xi32> to vector<16xi32>
        %lt3A_363 = arith.constant 320 : i32
        %lt3A_364 = vector.broadcast %lt3A_363 : i32 to vector<16xi32>
        %lt3A_365 = arith.cmpi ult, %bitcast3A_362, %lt3A_364 : vector<16xi32>
        %jit3A_366 = arith.constant 1 : i32
        %jit3A_367 = arith.constant 0 : i32
        %broadcast_in_dim3A_368 = vector.broadcast %jit3A_366 : i32 to vector<16xi32>
        %broadcast_in_dim3A_369 = vector.broadcast %jit3A_367 : i32 to vector<16xi32>
        %select_n3A_370 = arith.select %lt3A_365, %broadcast_in_dim3A_368, %broadcast_in_dim3A_369 : vector<16xi1>, vector<16xi32>
        %broadcast_in_dim3A_371 = arith.constant true
        %broadcast_in_dim3A_372 = vector.broadcast %broadcast_in_dim3A_371 : i1 to vector<16xi1>
        %masked_cumsum3A_373 = tpu.scan <sum>, %select_n3A_370 masked %broadcast_in_dim3A_372 : vector<16xi32>, vector<16xi1> -> vector<16xi32>
        %add3A_374 = arith.addi %add3A_349, %masked_cumsum3A_373 : vector<16xi32>
        %sub3A_375 = arith.subi %add3A_374, %select_n3A_370 : vector<16xi32>
        %and3A_376 = arith.constant 8191 : i32
        %and3A_377 = vector.broadcast %and3A_376 : i32 to vector<16xi32>
        %and3A_378 = arith.andi %sub3A_375, %and3A_377 : vector<16xi32>
        tpu.vector_store_idx %arg15[%and3A_378], %get3A_359 masked %lt3A_365 : memref<8192xi32, #tpu.memory_space<vmem>>[vector<16xi32>], vector<16xi32>, vector<16xi1>
        tpu.vector_store_idx %arg16[%and3A_378], %get3A_355 masked %lt3A_365 : memref<8192xi32, #tpu.memory_space<vmem>>[vector<16xi32>], vector<16xi32>, vector<16xi1>
        %all_reduce_population_count3A_379 = tpu.all_reduce %lt3A_365 {dim = 0 : i64, kind = #tpu.reduction_kind<sum>} : vector<16xi1> -> vector<16xi32>
        %add3A_380 = arith.addi %add3A_349, %all_reduce_population_count3A_379 : vector<16xi32>
        scf.yield %add3A_380 : vector<16xi32>
      }
      %scan3A_130 = arith.constant 124 : i32
      %scan3A_131 = arith.addi %scan3A_125, %scan3A_130 : i32
      %mul3A_132 = arith.constant 16 : i32
      %mul3A_133 = arith.muli %scan3A_131, %mul3A_132 : i32
      %get3A = arith.index_cast %mul3A_133 : i32 to index
      %get3A_134 = tpu.vector_load %arg12[%get3A] {strides = array<i32>} : memref<2000xi32, #tpu.memory_space<vmem>>, vector<16xi32>,
      %mul3A_135 = arith.constant 16 : i32
      %mul3A_136 = arith.muli %scan3A_131, %mul3A_135 : i32
      %get3A_137 = arith.index_cast %mul3A_136 : i32 to index
      %get3A_138 = tpu.vector_load %arg11[%get3A_137] {strides = array<i32>} : memref<2000xi32, #tpu.memory_space<vmem>>, vector<16xi32>,
      %sub3A_139 = vector.broadcast %mul3A_2 : i32 to vector<16xi32>
      %sub3A_140 = arith.subi %get3A_134, %sub3A_139 : vector<16xi32>
      %bitcast3A = vector.bitcast %sub3A_140 : vector<16xi32> to vector<16xi32>
      %lt3A = arith.constant 320 : i32
      %lt3A_141 = vector.broadcast %lt3A : i32 to vector<16xi32>
      %lt3A_142 = arith.cmpi ult, %bitcast3A, %lt3A_141 : vector<16xi32>
      %jit3A = arith.constant 1 : i32
      %jit3A_143 = arith.constant 0 : i32
      %broadcast_in_dim3A_144 = vector.broadcast %jit3A : i32 to vector<16xi32>
      %broadcast_in_dim3A_145 = vector.broadcast %jit3A_143 : i32 to vector<16xi32>
      %select_n3A = arith.select %lt3A_142, %broadcast_in_dim3A_144, %broadcast_in_dim3A_145 : vector<16xi1>, vector<16xi32>
      %broadcast_in_dim3A_146 = arith.constant true
      %broadcast_in_dim3A_147 = vector.broadcast %broadcast_in_dim3A_146 : i1 to vector<16xi1>
      %masked_cumsum3A = tpu.scan <sum>, %select_n3A masked %broadcast_in_dim3A_147 : vector<16xi32>, vector<16xi1> -> vector<16xi32>
      %add3A_148 = arith.addi %scan3A_129, %masked_cumsum3A : vector<16xi32>
      %sub3A_149 = arith.subi %add3A_148, %select_n3A : vector<16xi32>
      %and3A_150 = arith.constant 8191 : i32
      %and3A_151 = vector.broadcast %and3A_150 : i32 to vector<16xi32>
      %and3A_152 = arith.andi %sub3A_149, %and3A_151 : vector<16xi32>
      tpu.vector_store_idx %arg15[%and3A_152], %get3A_138 masked %lt3A_142 : memref<8192xi32, #tpu.memory_space<vmem>>[vector<16xi32>], vector<16xi32>, vector<16xi1>
      tpu.vector_store_idx %arg16[%and3A_152], %get3A_134 masked %lt3A_142 : memref<8192xi32, #tpu.memory_space<vmem>>[vector<16xi32>], vector<16xi32>, vector<16xi1>
      %all_reduce_population_count3A = tpu.all_reduce %lt3A_142 {dim = 0 : i64, kind = #tpu.reduction_kind<sum>} : vector<16xi1> -> vector<16xi32>
      %add3A_153 = arith.addi %scan3A_129, %all_reduce_population_count3A : vector<16xi32>
      %scan3A_154 = arith.constant 125 : i32
      %convert_element_type3A_155 = arith.extui %ge3A_120 : i1 to i32
      %cond3A_156 = arith.constant 0 : i32
      %cond3A_157 = arith.cmpi ne, %convert_element_type3A_155, %cond3A_156 : i32
      scf.if %cond3A_157 {
        %dma_wait3A_257 = tpu.memref_slice %arg15[%multiple_of3A_123] : memref<8192xi32, #tpu.memory_space<vmem>> -> memref<64xi32, #tpu.memory_space<vmem>>
        %dma_wait3A_258 = arith.constant 0 : i32
        %dma_wait3A_259 = arith.constant 0 : i32
        %dma_wait3A_260 = tpu.memref_slice %arg4[%dma_wait3A_258, %dma_wait3A_259] : memref<10240x128xf32, #tpu.memory_space<hbm>> -> memref<10240x128xf32, #tpu.memory_space<hbm>>
        tpu.wait_indirect_dma semaphore(%arg21 : memref<!tpu.dma_semaphore, #tpu.memory_space<semaphore_mem>>) src(%dma_wait3A_260 : memref<10240x128xf32, #tpu.memory_space<hbm>>) dst(%arg17 : memref<64x128xf32, #tpu.memory_space<vmem>>)
        %dma_wait3A_261 = tpu.memref_slice %arg16[%multiple_of3A_123] : memref<8192xi32, #tpu.memory_space<vmem>> -> memref<64xi32, #tpu.memory_space<vmem>>
        %dma_wait3A_262 = arith.constant 0 : i32
        %dma_wait3A_263 = arith.constant 0 : i32
        %dma_wait3A_264 = tpu.memref_slice %arg5[%dma_wait3A_262, %dma_wait3A_263] : memref<10240x128xf32, #tpu.memory_space<hbm>> -> memref<10240x128xf32, #tpu.memory_space<hbm>>
        tpu.wait_indirect_dma semaphore(%arg22 : memref<!tpu.dma_semaphore, #tpu.memory_space<semaphore_mem>>) src(%dma_wait3A_264 : memref<10240x128xf32, #tpu.memory_space<hbm>>) dst(%arg18 : memref<64x128xf32, #tpu.memory_space<vmem>>)
        %scan3A_265 = arith.constant 0 : i32
        %scan3A_266 = arith.constant 0 : i32
        %scan3A_267 = arith.constant 64 : i32
        %scan3A_268 = arith.addi %scan3A_266, %scan3A_267 : i32
        %scan3A_269 = arith.constant 2 : i32
        %scan3A_270 = scf.for %scan3A_272 = %scan3A_266 to %scan3A_268 step %scan3A_269 iter_args(%scan3A_273 = %scan3A_265) -> (i32)  : i32 {
          %add3A_274 = arith.addi %multiple_of3A_123, %scan3A_272 : i32
          %broadcast_in_dim3A_275 = vector.broadcast %add3A_274 : i32 to vector<16xi32>
          %gather3A = tpu.vector_load_idx %arg16[%broadcast_in_dim3A_275] : memref<8192xi32, #tpu.memory_space<vmem>>[vector<16xi32>], vector<16xi32>,
          %sub3A_276 = vector.broadcast %mul3A_2 : i32 to vector<16xi32>
          %sub3A_277 = arith.subi %gather3A, %sub3A_276 : vector<16xi32>
          %mul3A_278 = arith.constant 128 : i32
          %mul3A_279 = vector.broadcast %mul3A_278 : i32 to vector<16xi32>
          %mul3A_280 = arith.muli %sub3A_277, %mul3A_279 : vector<16xi32>
          %add3A_281 = arith.addi %mul3A_280, %iota3A : vector<16xi32>
          %get3A_282 = arith.index_cast %scan3A_272 : i32 to index
          %get3A_283 = arith.constant 0 : index
          %get3A_284 = tpu.vector_load %arg17[%get3A_282, %get3A_283] {strides = array<i32>} : memref<64x128xf32, #tpu.memory_space<vmem>>, vector<16xf32>,
          %get3A_285 = arith.index_cast %scan3A_272 : i32 to index
          %get3A_286 = arith.constant 0 : index
          %get3A_287 = tpu.vector_load %arg18[%get3A_285, %get3A_286] {strides = array<i32>} : memref<64x128xf32, #tpu.memory_space<vmem>>, vector<16xf32>,
          %sub3A_288 = arith.subf %get3A_284, %get3A_287 : vector<16xf32>
          %max3A_289 = arith.constant 0.000000e+00 : f32
          %max3A_290 = vector.broadcast %max3A_289 : f32 to vector<16xf32>
          %max3A_291 = arith.maximumf %sub3A_288, %max3A_290 : vector<16xf32>
          %add3A_292 = arith.constant 0 : i32
          %add3A_293 = vector.broadcast %add3A_292 : i32 to vector<16xi32>
          %add3A_294 = arith.addi %add3A_281, %add3A_293 : vector<16xi32>
          %gather3A_295 = tpu.vector_load_idx %arg8[%add3A_294] : memref<40960xf32, #tpu.memory_space<vmem>>[vector<16xi32>], vector<16xf32>,
          %max3A_296 = arith.maximumf %gather3A_295, %max3A_291 : vector<16xf32>
          tpu.vector_store_idx %arg8[%add3A_294], %max3A_296 : memref<40960xf32, #tpu.memory_space<vmem>>[vector<16xi32>], vector<16xf32>,
          tpu.vector_store_idx %arg9[%add3A_294], %max3A_291 {add = true} : memref<40960xf32, #tpu.memory_space<vmem>>[vector<16xi32>], vector<16xf32>,
          %get3A_297 = arith.index_cast %scan3A_272 : i32 to index
          %get3A_298 = arith.constant 16 : index
          %get3A_299 = tpu.vector_load %arg17[%get3A_297, %get3A_298] {strides = array<i32>} : memref<64x128xf32, #tpu.memory_space<vmem>>, vector<16xf32>,
          %get3A_300 = arith.index_cast %scan3A_272 : i32 to index
          %get3A_301 = arith.constant 16 : index
          %get3A_302 = tpu.vector_load %arg18[%get3A_300, %get3A_301] {strides = array<i32>} : memref<64x128xf32, #tpu.memory_space<vmem>>, vector<16xf32>,
          %sub3A_303 = arith.subf %get3A_299, %get3A_302 : vector<16xf32>
          %max3A_304 = arith.constant 0.000000e+00 : f32
          %max3A_305 = vector.broadcast %max3A_304 : f32 to vector<16xf32>
          %max3A_306 = arith.maximumf %sub3A_303, %max3A_305 : vector<16xf32>
          %add3A_307 = arith.constant 16 : i32
          %add3A_308 = vector.broadcast %add3A_307 : i32 to vector<16xi32>
          %add3A_309 = arith.addi %add3A_281, %add3A_308 : vector<16xi32>
          %gather3A_310 = tpu.vector_load_idx %arg8[%add3A_309] : memref<40960xf32, #tpu.memory_space<vmem>>[vector<16xi32>], vector<16xf32>,
          %max3A_311 = arith.maximumf %gather3A_310, %max3A_306 : vector<16xf32>
          tpu.vector_store_idx %arg8[%add3A_309], %max3A_311 : memref<40960xf32, #tpu.memory_space<vmem>>[vector<16xi32>], vector<16xf32>,
          tpu.vector_store_idx %arg9[%add3A_309], %max3A_306 {add = true} : memref<40960xf32, #tpu.memory_space<vmem>>[vector<16xi32>], vector<16xf32>,
          %get3A_312 = arith.index_cast %scan3A_272 : i32 to index
          %get3A_313 = arith.constant 32 : index
          %get3A_314 = tpu.vector_load %arg17[%get3A_312, %get3A_313] {strides = array<i32>} : memref<64x128xf32, #tpu.memory_space<vmem>>, vector<16xf32>,
          %get3A_315 = arith.index_cast %scan3A_272 : i32 to index
          %get3A_316 = arith.constant 32 : index
          %get3A_317 = tpu.vector_load %arg18[%get3A_315, %get3A_316] {strides = array<i32>} : memref<64x128xf32, #tpu.memory_space<vmem>>, vector<16xf32>,
          %sub3A_318 = arith.subf %get3A_314, %get3A_317 : vector<16xf32>
          %max3A_319 = arith.constant 0.000000e+00 : f32
          %max3A_320 = vector.broadcast %max3A_319 : f32 to vector<16xf32>
          %max3A_321 = arith.maximumf %sub3A_318, %max3A_320 : vector<16xf32>
          %add3A_322 = arith.constant 32 : i32
          %add3A_323 = vector.broadcast %add3A_322 : i32 to vector<16xi32>
          %add3A_324 = arith.addi %add3A_281, %add3A_323 : vector<16xi32>
          %gather3A_325 = tpu.vector_load_idx %arg8[%add3A_324] : memref<40960xf32, #tpu.memory_space<vmem>>[vector<16xi32>], vector<16xf32>,
          %max3A_326 = arith.maximumf %gather3A_325, %max3A_321 : vector<16xf32>
          tpu.vector_store_idx %arg8[%add3A_324], %max3A_326 : memref<40960xf32, #tpu.memory_space<vmem>>[vector<16xi32>], vector<16xf32>,
          tpu.vector_store_idx %arg9[%add3A_324], %max3A_321 {add = true} : memref<40960xf32, #tpu.memory_space<vmem>>[vector<16xi32>], vector<16xf32>,
          %get3A_327 = arith.index_cast %scan3A_272 : i32 to index
          %get3A_328 = arith.constant 48 : index
          %get3A_329 = tpu.vector_load %arg17[%get3A_327, %get3A_328] {strides = array<i32>} : memref<64x128xf32, #tpu.memory_space<vmem>>, vector<16xf32>,
          %get3A_330 = arith.index_cast %scan3A_272 : i32 to index
          %get3A_331 = arith.constant 48 : index
          %get3A_332 = tpu.vector_load %arg18[%get3A_330, %get3A_331] {strides = array<i32>} : memref<64x128xf32, #tpu.memory_space<vmem>>, vector<16xf32>,
          %sub3A_333 = arith.subf %get3A_329, %get3A_332 : vector<16xf32>
          %max3A_334 = arith.constant 0.000000e+00 : f32
          %max3A_335 = vector.broadcast %max3A_334 : f32 to vector<16xf32>
          %max3A_336 = arith.maximumf %sub3A_333, %max3A_335 : vector<16xf32>
          %add3A_337 = arith.constant 48 : i32
          %add3A_338 = vector.broadcast %add3A_337 : i32 to vector<16xi32>
          %add3A_339 = arith.addi %add3A_281, %add3A_338 : vector<16xi32>
          %gather3A_340 = tpu.vector_load_idx %arg8[%add3A_339] : memref<40960xf32, #tpu.memory_space<vmem>>[vector<16xi32>], vector<16xf32>,
          %max3A_341 = arith.maximumf %gather3A_340, %max3A_336 : vector<16xf32>
          tpu.vector_store_idx %arg8[%add3A_339], %max3A_341 : memref<40960xf32, #tpu.memory_space<vmem>>[vector<16xi32>], vector<16xf32>,
          tpu.vector_store_idx %arg9[%add3A_339], %max3A_336 {add = true} : memref<40960xf32, #tpu.memory_space<vmem>>[vector<16xi32>], vector<16xf32>,
          %get3A_342 = arith.index_cast %scan3A_272 : i32 to index
          %get3A_343 = arith.constant 64 : index
          %get3A_344 = tpu.vector_load %arg17[%get3A_342, %get3A_343] {strides = array<i32>} : memref<64x128xf32, #tpu.memory_space<vmem>>, vector<16xf32>,
          %get3A_345 = arith.index_cast %scan3A_272 : i32 to index
          %get3A_346 = arith.constant 64 : index
          %get3A_347 = tpu.vector_load %arg18[%get3A_345, %get3A_346] {strides = array<i32>} : memref<64x128xf32, #tpu.memory_space<vmem>>, vector<16xf32>,
          %sub3A_348 = arith.subf %get3A_344, %get3A_347 : vector<16xf32>
          %max3A_349 = arith.constant 0.000000e+00 : f32
          %max3A_350 = vector.broadcast %max3A_349 : f32 to vector<16xf32>
          %max3A_351 = arith.maximumf %sub3A_348, %max3A_350 : vector<16xf32>
          %add3A_352 = arith.constant 64 : i32
          %add3A_353 = vector.broadcast %add3A_352 : i32 to vector<16xi32>
          %add3A_354 = arith.addi %add3A_281, %add3A_353 : vector<16xi32>
          %gather3A_355 = tpu.vector_load_idx %arg8[%add3A_354] : memref<40960xf32, #tpu.memory_space<vmem>>[vector<16xi32>], vector<16xf32>,
          %max3A_356 = arith.maximumf %gather3A_355, %max3A_351 : vector<16xf32>
          tpu.vector_store_idx %arg8[%add3A_354], %max3A_356 : memref<40960xf32, #tpu.memory_space<vmem>>[vector<16xi32>], vector<16xf32>,
          tpu.vector_store_idx %arg9[%add3A_354], %max3A_351 {add = true} : memref<40960xf32, #tpu.memory_space<vmem>>[vector<16xi32>], vector<16xf32>,
          %get3A_357 = arith.index_cast %scan3A_272 : i32 to index
          %get3A_358 = arith.constant 80 : index
          %get3A_359 = tpu.vector_load %arg17[%get3A_357, %get3A_358] {strides = array<i32>} : memref<64x128xf32, #tpu.memory_space<vmem>>, vector<16xf32>,
          %get3A_360 = arith.index_cast %scan3A_272 : i32 to index
          %get3A_361 = arith.constant 80 : index
          %get3A_362 = tpu.vector_load %arg18[%get3A_360, %get3A_361] {strides = array<i32>} : memref<64x128xf32, #tpu.memory_space<vmem>>, vector<16xf32>,
          %sub3A_363 = arith.subf %get3A_359, %get3A_362 : vector<16xf32>
          %max3A_364 = arith.constant 0.000000e+00 : f32
          %max3A_365 = vector.broadcast %max3A_364 : f32 to vector<16xf32>
          %max3A_366 = arith.maximumf %sub3A_363, %max3A_365 : vector<16xf32>
          %add3A_367 = arith.constant 80 : i32
          %add3A_368 = vector.broadcast %add3A_367 : i32 to vector<16xi32>
          %add3A_369 = arith.addi %add3A_281, %add3A_368 : vector<16xi32>
          %gather3A_370 = tpu.vector_load_idx %arg8[%add3A_369] : memref<40960xf32, #tpu.memory_space<vmem>>[vector<16xi32>], vector<16xf32>,
          %max3A_371 = arith.maximumf %gather3A_370, %max3A_366 : vector<16xf32>
          tpu.vector_store_idx %arg8[%add3A_369], %max3A_371 : memref<40960xf32, #tpu.memory_space<vmem>>[vector<16xi32>], vector<16xf32>,
          tpu.vector_store_idx %arg9[%add3A_369], %max3A_366 {add = true} : memref<40960xf32, #tpu.memory_space<vmem>>[vector<16xi32>], vector<16xf32>,
          %get3A_372 = arith.index_cast %scan3A_272 : i32 to index
          %get3A_373 = arith.constant 96 : index
          %get3A_374 = tpu.vector_load %arg17[%get3A_372, %get3A_373] {strides = array<i32>} : memref<64x128xf32, #tpu.memory_space<vmem>>, vector<16xf32>,
          %get3A_375 = arith.index_cast %scan3A_272 : i32 to index
          %get3A_376 = arith.constant 96 : index
          %get3A_377 = tpu.vector_load %arg18[%get3A_375, %get3A_376] {strides = array<i32>} : memref<64x128xf32, #tpu.memory_space<vmem>>, vector<16xf32>,
          %sub3A_378 = arith.subf %get3A_374, %get3A_377 : vector<16xf32>
          %max3A_379 = arith.constant 0.000000e+00 : f32
          %max3A_380 = vector.broadcast %max3A_379 : f32 to vector<16xf32>
          %max3A_381 = arith.maximumf %sub3A_378, %max3A_380 : vector<16xf32>
          %add3A_382 = arith.constant 96 : i32
          %add3A_383 = vector.broadcast %add3A_382 : i32 to vector<16xi32>
          %add3A_384 = arith.addi %add3A_281, %add3A_383 : vector<16xi32>
          %gather3A_385 = tpu.vector_load_idx %arg8[%add3A_384] : memref<40960xf32, #tpu.memory_space<vmem>>[vector<16xi32>], vector<16xf32>,
          %max3A_386 = arith.maximumf %gather3A_385, %max3A_381 : vector<16xf32>
          tpu.vector_store_idx %arg8[%add3A_384], %max3A_386 : memref<40960xf32, #tpu.memory_space<vmem>>[vector<16xi32>], vector<16xf32>,
          tpu.vector_store_idx %arg9[%add3A_384], %max3A_381 {add = true} : memref<40960xf32, #tpu.memory_space<vmem>>[vector<16xi32>], vector<16xf32>,
          %get3A_387 = arith.index_cast %scan3A_272 : i32 to index
          %get3A_388 = arith.constant 112 : index
          %get3A_389 = tpu.vector_load %arg17[%get3A_387, %get3A_388] {strides = array<i32>} : memref<64x128xf32, #tpu.memory_space<vmem>>, vector<16xf32>,
          %get3A_390 = arith.index_cast %scan3A_272 : i32 to index
          %get3A_391 = arith.constant 112 : index
          %get3A_392 = tpu.vector_load %arg18[%get3A_390, %get3A_391] {strides = array<i32>} : memref<64x128xf32, #tpu.memory_space<vmem>>, vector<16xf32>,
          %sub3A_393 = arith.subf %get3A_389, %get3A_392 : vector<16xf32>
          %max3A_394 = arith.constant 0.000000e+00 : f32
          %max3A_395 = vector.broadcast %max3A_394 : f32 to vector<16xf32>
          %max3A_396 = arith.maximumf %sub3A_393, %max3A_395 : vector<16xf32>
          %add3A_397 = arith.constant 112 : i32
          %add3A_398 = vector.broadcast %add3A_397 : i32 to vector<16xi32>
          %add3A_399 = arith.addi %add3A_281, %add3A_398 : vector<16xi32>
          %gather3A_400 = tpu.vector_load_idx %arg8[%add3A_399] : memref<40960xf32, #tpu.memory_space<vmem>>[vector<16xi32>], vector<16xf32>,
          %max3A_401 = arith.maximumf %gather3A_400, %max3A_396 : vector<16xf32>
          tpu.vector_store_idx %arg8[%add3A_399], %max3A_401 : memref<40960xf32, #tpu.memory_space<vmem>>[vector<16xi32>], vector<16xf32>,
          tpu.vector_store_idx %arg9[%add3A_399], %max3A_396 {add = true} : memref<40960xf32, #tpu.memory_space<vmem>>[vector<16xi32>], vector<16xf32>,
          %sub3A_402 = vector.broadcast %mul3A_2 : i32 to vector<16xi32>
          %sub3A_403 = arith.subi %gather3A, %sub3A_402 : vector<16xi32>
          %mul3A_404 = arith.constant 16 : i32
          %mul3A_405 = vector.broadcast %mul3A_404 : i32 to vector<16xi32>
          %mul3A_406 = arith.muli %sub3A_403, %mul3A_405 : vector<16xi32>
          %add3A_407 = arith.addi %mul3A_406, %iota3A : vector<16xi32>
          tpu.vector_store_idx %arg10[%add3A_407], %broadcast_in_dim3A_7 {add = true} : memref<5120xf32, #tpu.memory_space<vmem>>[vector<16xi32>], vector<16xf32>,
          %scan3A_408 = arith.constant 0 : i32
          %scan3A_409 = arith.constant 1 : i32
          %scan3A_410 = arith.addi %scan3A_272, %scan3A_409 : i32
          %add3A_411 = arith.addi %multiple_of3A_123, %scan3A_410 : i32
          %broadcast_in_dim3A_412 = vector.broadcast %add3A_411 : i32 to vector<16xi32>
          %gather3A_413 = tpu.vector_load_idx %arg16[%broadcast_in_dim3A_412] : memref<8192xi32, #tpu.memory_space<vmem>>[vector<16xi32>], vector<16xi32>,
          %sub3A_414 = vector.broadcast %mul3A_2 : i32 to vector<16xi32>
          %sub3A_415 = arith.subi %gather3A_413, %sub3A_414 : vector<16xi32>
          %mul3A_416 = arith.constant 128 : i32
          %mul3A_417 = vector.broadcast %mul3A_416 : i32 to vector<16xi32>
          %mul3A_418 = arith.muli %sub3A_415, %mul3A_417 : vector<16xi32>
          %add3A_419 = arith.addi %mul3A_418, %iota3A : vector<16xi32>
          %get3A_420 = arith.index_cast %scan3A_410 : i32 to index
          %get3A_421 = arith.constant 0 : index
          %get3A_422 = tpu.vector_load %arg17[%get3A_420, %get3A_421] {strides = array<i32>} : memref<64x128xf32, #tpu.memory_space<vmem>>, vector<16xf32>,
          %get3A_423 = arith.index_cast %scan3A_410 : i32 to index
          %get3A_424 = arith.constant 0 : index
          %get3A_425 = tpu.vector_load %arg18[%get3A_423, %get3A_424] {strides = array<i32>} : memref<64x128xf32, #tpu.memory_space<vmem>>, vector<16xf32>,
          %sub3A_426 = arith.subf %get3A_422, %get3A_425 : vector<16xf32>
          %max3A_427 = arith.constant 0.000000e+00 : f32
          %max3A_428 = vector.broadcast %max3A_427 : f32 to vector<16xf32>
          %max3A_429 = arith.maximumf %sub3A_426, %max3A_428 : vector<16xf32>
          %add3A_430 = arith.constant 0 : i32
          %add3A_431 = vector.broadcast %add3A_430 : i32 to vector<16xi32>
          %add3A_432 = arith.addi %add3A_419, %add3A_431 : vector<16xi32>
          %gather3A_433 = tpu.vector_load_idx %arg8[%add3A_432] : memref<40960xf32, #tpu.memory_space<vmem>>[vector<16xi32>], vector<16xf32>,
          %max3A_434 = arith.maximumf %gather3A_433, %max3A_429 : vector<16xf32>
          tpu.vector_store_idx %arg8[%add3A_432], %max3A_434 : memref<40960xf32, #tpu.memory_space<vmem>>[vector<16xi32>], vector<16xf32>,
          tpu.vector_store_idx %arg9[%add3A_432], %max3A_429 {add = true} : memref<40960xf32, #tpu.memory_space<vmem>>[vector<16xi32>], vector<16xf32>,
          %get3A_435 = arith.index_cast %scan3A_410 : i32 to index
          %get3A_436 = arith.constant 16 : index
          %get3A_437 = tpu.vector_load %arg17[%get3A_435, %get3A_436] {strides = array<i32>} : memref<64x128xf32, #tpu.memory_space<vmem>>, vector<16xf32>,
          %get3A_438 = arith.index_cast %scan3A_410 : i32 to index
          %get3A_439 = arith.constant 16 : index
          %get3A_440 = tpu.vector_load %arg18[%get3A_438, %get3A_439] {strides = array<i32>} : memref<64x128xf32, #tpu.memory_space<vmem>>, vector<16xf32>,
          %sub3A_441 = arith.subf %get3A_437, %get3A_440 : vector<16xf32>
          %max3A_442 = arith.constant 0.000000e+00 : f32
          %max3A_443 = vector.broadcast %max3A_442 : f32 to vector<16xf32>
          %max3A_444 = arith.maximumf %sub3A_441, %max3A_443 : vector<16xf32>
          %add3A_445 = arith.constant 16 : i32
          %add3A_446 = vector.broadcast %add3A_445 : i32 to vector<16xi32>
          %add3A_447 = arith.addi %add3A_419, %add3A_446 : vector<16xi32>
          %gather3A_448 = tpu.vector_load_idx %arg8[%add3A_447] : memref<40960xf32, #tpu.memory_space<vmem>>[vector<16xi32>], vector<16xf32>,
          %max3A_449 = arith.maximumf %gather3A_448, %max3A_444 : vector<16xf32>
          tpu.vector_store_idx %arg8[%add3A_447], %max3A_449 : memref<40960xf32, #tpu.memory_space<vmem>>[vector<16xi32>], vector<16xf32>,
          tpu.vector_store_idx %arg9[%add3A_447], %max3A_444 {add = true} : memref<40960xf32, #tpu.memory_space<vmem>>[vector<16xi32>], vector<16xf32>,
          %get3A_450 = arith.index_cast %scan3A_410 : i32 to index
          %get3A_451 = arith.constant 32 : index
          %get3A_452 = tpu.vector_load %arg17[%get3A_450, %get3A_451] {strides = array<i32>} : memref<64x128xf32, #tpu.memory_space<vmem>>, vector<16xf32>,
          %get3A_453 = arith.index_cast %scan3A_410 : i32 to index
          %get3A_454 = arith.constant 32 : index
          %get3A_455 = tpu.vector_load %arg18[%get3A_453, %get3A_454] {strides = array<i32>} : memref<64x128xf32, #tpu.memory_space<vmem>>, vector<16xf32>,
          %sub3A_456 = arith.subf %get3A_452, %get3A_455 : vector<16xf32>
          %max3A_457 = arith.constant 0.000000e+00 : f32
          %max3A_458 = vector.broadcast %max3A_457 : f32 to vector<16xf32>
          %max3A_459 = arith.maximumf %sub3A_456, %max3A_458 : vector<16xf32>
          %add3A_460 = arith.constant 32 : i32
          %add3A_461 = vector.broadcast %add3A_460 : i32 to vector<16xi32>
          %add3A_462 = arith.addi %add3A_419, %add3A_461 : vector<16xi32>
          %gather3A_463 = tpu.vector_load_idx %arg8[%add3A_462] : memref<40960xf32, #tpu.memory_space<vmem>>[vector<16xi32>], vector<16xf32>,
          %max3A_464 = arith.maximumf %gather3A_463, %max3A_459 : vector<16xf32>
          tpu.vector_store_idx %arg8[%add3A_462], %max3A_464 : memref<40960xf32, #tpu.memory_space<vmem>>[vector<16xi32>], vector<16xf32>,
          tpu.vector_store_idx %arg9[%add3A_462], %max3A_459 {add = true} : memref<40960xf32, #tpu.memory_space<vmem>>[vector<16xi32>], vector<16xf32>,
          %get3A_465 = arith.index_cast %scan3A_410 : i32 to index
          %get3A_466 = arith.constant 48 : index
          %get3A_467 = tpu.vector_load %arg17[%get3A_465, %get3A_466] {strides = array<i32>} : memref<64x128xf32, #tpu.memory_space<vmem>>, vector<16xf32>,
          %get3A_468 = arith.index_cast %scan3A_410 : i32 to index
          %get3A_469 = arith.constant 48 : index
          %get3A_470 = tpu.vector_load %arg18[%get3A_468, %get3A_469] {strides = array<i32>} : memref<64x128xf32, #tpu.memory_space<vmem>>, vector<16xf32>,
          %sub3A_471 = arith.subf %get3A_467, %get3A_470 : vector<16xf32>
          %max3A_472 = arith.constant 0.000000e+00 : f32
          %max3A_473 = vector.broadcast %max3A_472 : f32 to vector<16xf32>
          %max3A_474 = arith.maximumf %sub3A_471, %max3A_473 : vector<16xf32>
          %add3A_475 = arith.constant 48 : i32
          %add3A_476 = vector.broadcast %add3A_475 : i32 to vector<16xi32>
          %add3A_477 = arith.addi %add3A_419, %add3A_476 : vector<16xi32>
          %gather3A_478 = tpu.vector_load_idx %arg8[%add3A_477] : memref<40960xf32, #tpu.memory_space<vmem>>[vector<16xi32>], vector<16xf32>,
          %max3A_479 = arith.maximumf %gather3A_478, %max3A_474 : vector<16xf32>
          tpu.vector_store_idx %arg8[%add3A_477], %max3A_479 : memref<40960xf32, #tpu.memory_space<vmem>>[vector<16xi32>], vector<16xf32>,
          tpu.vector_store_idx %arg9[%add3A_477], %max3A_474 {add = true} : memref<40960xf32, #tpu.memory_space<vmem>>[vector<16xi32>], vector<16xf32>,
          %get3A_480 = arith.index_cast %scan3A_410 : i32 to index
          %get3A_481 = arith.constant 64 : index
          %get3A_482 = tpu.vector_load %arg17[%get3A_480, %get3A_481] {strides = array<i32>} : memref<64x128xf32, #tpu.memory_space<vmem>>, vector<16xf32>,
          %get3A_483 = arith.index_cast %scan3A_410 : i32 to index
          %get3A_484 = arith.constant 64 : index
          %get3A_485 = tpu.vector_load %arg18[%get3A_483, %get3A_484] {strides = array<i32>} : memref<64x128xf32, #tpu.memory_space<vmem>>, vector<16xf32>,
          %sub3A_486 = arith.subf %get3A_482, %get3A_485 : vector<16xf32>
          %max3A_487 = arith.constant 0.000000e+00 : f32
          %max3A_488 = vector.broadcast %max3A_487 : f32 to vector<16xf32>
          %max3A_489 = arith.maximumf %sub3A_486, %max3A_488 : vector<16xf32>
          %add3A_490 = arith.constant 64 : i32
          %add3A_491 = vector.broadcast %add3A_490 : i32 to vector<16xi32>
          %add3A_492 = arith.addi %add3A_419, %add3A_491 : vector<16xi32>
          %gather3A_493 = tpu.vector_load_idx %arg8[%add3A_492] : memref<40960xf32, #tpu.memory_space<vmem>>[vector<16xi32>], vector<16xf32>,
          %max3A_494 = arith.maximumf %gather3A_493, %max3A_489 : vector<16xf32>
          tpu.vector_store_idx %arg8[%add3A_492], %max3A_494 : memref<40960xf32, #tpu.memory_space<vmem>>[vector<16xi32>], vector<16xf32>,
          tpu.vector_store_idx %arg9[%add3A_492], %max3A_489 {add = true} : memref<40960xf32, #tpu.memory_space<vmem>>[vector<16xi32>], vector<16xf32>,
          %get3A_495 = arith.index_cast %scan3A_410 : i32 to index
          %get3A_496 = arith.constant 80 : index
          %get3A_497 = tpu.vector_load %arg17[%get3A_495, %get3A_496] {strides = array<i32>} : memref<64x128xf32, #tpu.memory_space<vmem>>, vector<16xf32>,
          %get3A_498 = arith.index_cast %scan3A_410 : i32 to index
          %get3A_499 = arith.constant 80 : index
          %get3A_500 = tpu.vector_load %arg18[%get3A_498, %get3A_499] {strides = array<i32>} : memref<64x128xf32, #tpu.memory_space<vmem>>, vector<16xf32>,
          %sub3A_501 = arith.subf %get3A_497, %get3A_500 : vector<16xf32>
          %max3A_502 = arith.constant 0.000000e+00 : f32
          %max3A_503 = vector.broadcast %max3A_502 : f32 to vector<16xf32>
          %max3A_504 = arith.maximumf %sub3A_501, %max3A_503 : vector<16xf32>
          %add3A_505 = arith.constant 80 : i32
          %add3A_506 = vector.broadcast %add3A_505 : i32 to vector<16xi32>
          %add3A_507 = arith.addi %add3A_419, %add3A_506 : vector<16xi32>
          %gather3A_508 = tpu.vector_load_idx %arg8[%add3A_507] : memref<40960xf32, #tpu.memory_space<vmem>>[vector<16xi32>], vector<16xf32>,
          %max3A_509 = arith.maximumf %gather3A_508, %max3A_504 : vector<16xf32>
          tpu.vector_store_idx %arg8[%add3A_507], %max3A_509 : memref<40960xf32, #tpu.memory_space<vmem>>[vector<16xi32>], vector<16xf32>,
          tpu.vector_store_idx %arg9[%add3A_507], %max3A_504 {add = true} : memref<40960xf32, #tpu.memory_space<vmem>>[vector<16xi32>], vector<16xf32>,
          %get3A_510 = arith.index_cast %scan3A_410 : i32 to index
          %get3A_511 = arith.constant 96 : index
          %get3A_512 = tpu.vector_load %arg17[%get3A_510, %get3A_511] {strides = array<i32>} : memref<64x128xf32, #tpu.memory_space<vmem>>, vector<16xf32>,
          %get3A_513 = arith.index_cast %scan3A_410 : i32 to index
          %get3A_514 = arith.constant 96 : index
          %get3A_515 = tpu.vector_load %arg18[%get3A_513, %get3A_514] {strides = array<i32>} : memref<64x128xf32, #tpu.memory_space<vmem>>, vector<16xf32>,
          %sub3A_516 = arith.subf %get3A_512, %get3A_515 : vector<16xf32>
          %max3A_517 = arith.constant 0.000000e+00 : f32
          %max3A_518 = vector.broadcast %max3A_517 : f32 to vector<16xf32>
          %max3A_519 = arith.maximumf %sub3A_516, %max3A_518 : vector<16xf32>
          %add3A_520 = arith.constant 96 : i32
          %add3A_521 = vector.broadcast %add3A_520 : i32 to vector<16xi32>
          %add3A_522 = arith.addi %add3A_419, %add3A_521 : vector<16xi32>
          %gather3A_523 = tpu.vector_load_idx %arg8[%add3A_522] : memref<40960xf32, #tpu.memory_space<vmem>>[vector<16xi32>], vector<16xf32>,
          %max3A_524 = arith.maximumf %gather3A_523, %max3A_519 : vector<16xf32>
          tpu.vector_store_idx %arg8[%add3A_522], %max3A_524 : memref<40960xf32, #tpu.memory_space<vmem>>[vector<16xi32>], vector<16xf32>,
          tpu.vector_store_idx %arg9[%add3A_522], %max3A_519 {add = true} : memref<40960xf32, #tpu.memory_space<vmem>>[vector<16xi32>], vector<16xf32>,
          %get3A_525 = arith.index_cast %scan3A_410 : i32 to index
          %get3A_526 = arith.constant 112 : index
          %get3A_527 = tpu.vector_load %arg17[%get3A_525, %get3A_526] {strides = array<i32>} : memref<64x128xf32, #tpu.memory_space<vmem>>, vector<16xf32>,
          %get3A_528 = arith.index_cast %scan3A_410 : i32 to index
          %get3A_529 = arith.constant 112 : index
          %get3A_530 = tpu.vector_load %arg18[%get3A_528, %get3A_529] {strides = array<i32>} : memref<64x128xf32, #tpu.memory_space<vmem>>, vector<16xf32>,
          %sub3A_531 = arith.subf %get3A_527, %get3A_530 : vector<16xf32>
          %max3A_532 = arith.constant 0.000000e+00 : f32
          %max3A_533 = vector.broadcast %max3A_532 : f32 to vector<16xf32>
          %max3A_534 = arith.maximumf %sub3A_531, %max3A_533 : vector<16xf32>
          %add3A_535 = arith.constant 112 : i32
          %add3A_536 = vector.broadcast %add3A_535 : i32 to vector<16xi32>
          %add3A_537 = arith.addi %add3A_419, %add3A_536 : vector<16xi32>
          %gather3A_538 = tpu.vector_load_idx %arg8[%add3A_537] : memref<40960xf32, #tpu.memory_space<vmem>>[vector<16xi32>], vector<16xf32>,
          %max3A_539 = arith.maximumf %gather3A_538, %max3A_534 : vector<16xf32>
          tpu.vector_store_idx %arg8[%add3A_537], %max3A_539 : memref<40960xf32, #tpu.memory_space<vmem>>[vector<16xi32>], vector<16xf32>,
          tpu.vector_store_idx %arg9[%add3A_537], %max3A_534 {add = true} : memref<40960xf32, #tpu.memory_space<vmem>>[vector<16xi32>], vector<16xf32>,
          %sub3A_540 = vector.broadcast %mul3A_2 : i32 to vector<16xi32>
          %sub3A_541 = arith.subi %gather3A_413, %sub3A_540 : vector<16xi32>
          %mul3A_542 = arith.constant 16 : i32
          %mul3A_543 = vector.broadcast %mul3A_542 : i32 to vector<16xi32>
          %mul3A_544 = arith.muli %sub3A_541, %mul3A_543 : vector<16xi32>
          %add3A_545 = arith.addi %mul3A_544, %iota3A : vector<16xi32>
          tpu.vector_store_idx %arg10[%add3A_545], %broadcast_in_dim3A_7 {add = true} : memref<5120xf32, #tpu.memory_space<vmem>>[vector<16xi32>], vector<16xf32>,
          %scan3A_546 = arith.constant 0 : i32
          scf.yield %scan3A_546 : i32
        }
        %scan3A_271 = arith.constant 64 : i32
      } else {
      }
      %add3A_158 = arith.constant 64 : i32
      %add3A_159 = arith.addi %scan3A_94, %add3A_158 : i32
      %select_n3A_160 = arith.select %ge3A_120, %add3A_159, %scan3A_94 : i32
      %reduce_max3A_161 = arith.constant true
      %reduce_max3A_162 = vector.broadcast %reduce_max3A_161 : i1 to vector<16xi1>
      %reduce_max3A_163 = arith.constant -2147483648 : i32
      %reduce_max3A_164 = vector.broadcast %reduce_max3A_163 : i32 to vector<16xi32>
      %reduce_max3A_165 = arith.xori %add3A_153, %reduce_max3A_164 : vector<16xi32>
      %reduce_max3A_166 = tpu.scan <max>, %reduce_max3A_165 masked %reduce_max3A_162 : vector<16xi32>, vector<16xi1> -> vector<16xi32>
      %reduce_max3A_167 = arith.xori %reduce_max3A_166, %reduce_max3A_164 : vector<16xi32>
      %reduce_max3A_168 = vector.extract %reduce_max3A_167[15] : i32 from vector<16xi32>
      %while3A_169 = scf.while (%while3A_257 = %select_n3A_160) : (i32) -> i32 {
        %sub3A_258 = arith.subi %reduce_max3A_168, %while3A_257 : i32
        %gt3A = arith.constant 6192 : i32
        %gt3A_259 = arith.cmpi sgt, %sub3A_258, %gt3A : i32
        scf.condition(%gt3A_259) %while3A_257 : i32
      } do {
      ^bb0(%while3A_257: i32):
        %and3A_258 = arith.constant 8191 : i32
        %and3A_259 = arith.andi %while3A_257, %and3A_258 : i32
        %multiple_of3A_260 = tpu.assume_multiple %and3A_259, 64 : i32
        %dma_start3A_261 = tpu.memref_slice %arg15[%multiple_of3A_260] : memref<8192xi32, #tpu.memory_space<vmem>> -> memref<64xi32, #tpu.memory_space<vmem>>
        %dma_start3A_262 = arith.constant 0 : i32
        %dma_start3A_263 = arith.constant 0 : i32
        %dma_start3A_264 = tpu.memref_slice %arg4[%dma_start3A_262, %dma_start3A_263] : memref<10240x128xf32, #tpu.memory_space<hbm>> -> memref<10240x128xf32, #tpu.memory_space<hbm>>
        tpu.enqueue_indirect_dma source(%dma_start3A_264 : memref<10240x128xf32, #tpu.memory_space<hbm>>) target(%arg17 : memref<64x128xf32, #tpu.memory_space<vmem>>) offsets(%dma_start3A_261 : memref<64xi32, #tpu.memory_space<vmem>>) semaphore(%arg21 : memref<!tpu.dma_semaphore, #tpu.memory_space<semaphore_mem>>)
        %dma_start3A_265 = tpu.memref_slice %arg16[%multiple_of3A_260] : memref<8192xi32, #tpu.memory_space<vmem>> -> memref<64xi32, #tpu.memory_space<vmem>>
        %dma_start3A_266 = arith.constant 0 : i32
        %dma_start3A_267 = arith.constant 0 : i32
        %dma_start3A_268 = tpu.memref_slice %arg5[%dma_start3A_266, %dma_start3A_267] : memref<10240x128xf32, #tpu.memory_space<hbm>> -> memref<10240x128xf32, #tpu.memory_space<hbm>>
        tpu.enqueue_indirect_dma source(%dma_start3A_268 : memref<10240x128xf32, #tpu.memory_space<hbm>>) target(%arg18 : memref<64x128xf32, #tpu.memory_space<vmem>>) offsets(%dma_start3A_265 : memref<64xi32, #tpu.memory_space<vmem>>) semaphore(%arg22 : memref<!tpu.dma_semaphore, #tpu.memory_space<semaphore_mem>>)
        %dma_wait3A_269 = tpu.memref_slice %arg15[%multiple_of3A_260] : memref<8192xi32, #tpu.memory_space<vmem>> -> memref<64xi32, #tpu.memory_space<vmem>>
        %dma_wait3A_270 = arith.constant 0 : i32
        %dma_wait3A_271 = arith.constant 0 : i32
        %dma_wait3A_272 = tpu.memref_slice %arg4[%dma_wait3A_270, %dma_wait3A_271] : memref<10240x128xf32, #tpu.memory_space<hbm>> -> memref<10240x128xf32, #tpu.memory_space<hbm>>
        tpu.wait_indirect_dma semaphore(%arg21 : memref<!tpu.dma_semaphore, #tpu.memory_space<semaphore_mem>>) src(%dma_wait3A_272 : memref<10240x128xf32, #tpu.memory_space<hbm>>) dst(%arg17 : memref<64x128xf32, #tpu.memory_space<vmem>>)
        %dma_wait3A_273 = tpu.memref_slice %arg16[%multiple_of3A_260] : memref<8192xi32, #tpu.memory_space<vmem>> -> memref<64xi32, #tpu.memory_space<vmem>>
        %dma_wait3A_274 = arith.constant 0 : i32
        %dma_wait3A_275 = arith.constant 0 : i32
        %dma_wait3A_276 = tpu.memref_slice %arg5[%dma_wait3A_274, %dma_wait3A_275] : memref<10240x128xf32, #tpu.memory_space<hbm>> -> memref<10240x128xf32, #tpu.memory_space<hbm>>
        tpu.wait_indirect_dma semaphore(%arg22 : memref<!tpu.dma_semaphore, #tpu.memory_space<semaphore_mem>>) src(%dma_wait3A_276 : memref<10240x128xf32, #tpu.memory_space<hbm>>) dst(%arg18 : memref<64x128xf32, #tpu.memory_space<vmem>>)
        %scan3A_277 = arith.constant 0 : i32
        %scan3A_278 = arith.constant 0 : i32
        %scan3A_279 = arith.constant 64 : i32
        %scan3A_280 = arith.addi %scan3A_278, %scan3A_279 : i32
        %scan3A_281 = arith.constant 2 : i32
        %scan3A_282 = scf.for %scan3A_286 = %scan3A_278 to %scan3A_280 step %scan3A_281 iter_args(%scan3A_287 = %scan3A_277) -> (i32)  : i32 {
          %add3A_288 = arith.addi %multiple_of3A_260, %scan3A_286 : i32
          %broadcast_in_dim3A_289 = vector.broadcast %add3A_288 : i32 to vector<16xi32>
          %gather3A = tpu.vector_load_idx %arg16[%broadcast_in_dim3A_289] : memref<8192xi32, #tpu.memory_space<vmem>>[vector<16xi32>], vector<16xi32>,
          %sub3A_290 = vector.broadcast %mul3A_2 : i32 to vector<16xi32>
          %sub3A_291 = arith.subi %gather3A, %sub3A_290 : vector<16xi32>
          %mul3A_292 = arith.constant 128 : i32
          %mul3A_293 = vector.broadcast %mul3A_292 : i32 to vector<16xi32>
          %mul3A_294 = arith.muli %sub3A_291, %mul3A_293 : vector<16xi32>
          %add3A_295 = arith.addi %mul3A_294, %iota3A : vector<16xi32>
          %get3A_296 = arith.index_cast %scan3A_286 : i32 to index
          %get3A_297 = arith.constant 0 : index
          %get3A_298 = tpu.vector_load %arg17[%get3A_296, %get3A_297] {strides = array<i32>} : memref<64x128xf32, #tpu.memory_space<vmem>>, vector<16xf32>,
          %get3A_299 = arith.index_cast %scan3A_286 : i32 to index
          %get3A_300 = arith.constant 0 : index
          %get3A_301 = tpu.vector_load %arg18[%get3A_299, %get3A_300] {strides = array<i32>} : memref<64x128xf32, #tpu.memory_space<vmem>>, vector<16xf32>,
          %sub3A_302 = arith.subf %get3A_298, %get3A_301 : vector<16xf32>
          %max3A_303 = arith.constant 0.000000e+00 : f32
          %max3A_304 = vector.broadcast %max3A_303 : f32 to vector<16xf32>
          %max3A_305 = arith.maximumf %sub3A_302, %max3A_304 : vector<16xf32>
          %add3A_306 = arith.constant 0 : i32
          %add3A_307 = vector.broadcast %add3A_306 : i32 to vector<16xi32>
          %add3A_308 = arith.addi %add3A_295, %add3A_307 : vector<16xi32>
          %gather3A_309 = tpu.vector_load_idx %arg8[%add3A_308] : memref<40960xf32, #tpu.memory_space<vmem>>[vector<16xi32>], vector<16xf32>,
          %max3A_310 = arith.maximumf %gather3A_309, %max3A_305 : vector<16xf32>
          tpu.vector_store_idx %arg8[%add3A_308], %max3A_310 : memref<40960xf32, #tpu.memory_space<vmem>>[vector<16xi32>], vector<16xf32>,
          tpu.vector_store_idx %arg9[%add3A_308], %max3A_305 {add = true} : memref<40960xf32, #tpu.memory_space<vmem>>[vector<16xi32>], vector<16xf32>,
          %get3A_311 = arith.index_cast %scan3A_286 : i32 to index
          %get3A_312 = arith.constant 16 : index
          %get3A_313 = tpu.vector_load %arg17[%get3A_311, %get3A_312] {strides = array<i32>} : memref<64x128xf32, #tpu.memory_space<vmem>>, vector<16xf32>,
          %get3A_314 = arith.index_cast %scan3A_286 : i32 to index
          %get3A_315 = arith.constant 16 : index
          %get3A_316 = tpu.vector_load %arg18[%get3A_314, %get3A_315] {strides = array<i32>} : memref<64x128xf32, #tpu.memory_space<vmem>>, vector<16xf32>,
          %sub3A_317 = arith.subf %get3A_313, %get3A_316 : vector<16xf32>
          %max3A_318 = arith.constant 0.000000e+00 : f32
          %max3A_319 = vector.broadcast %max3A_318 : f32 to vector<16xf32>
          %max3A_320 = arith.maximumf %sub3A_317, %max3A_319 : vector<16xf32>
          %add3A_321 = arith.constant 16 : i32
          %add3A_322 = vector.broadcast %add3A_321 : i32 to vector<16xi32>
          %add3A_323 = arith.addi %add3A_295, %add3A_322 : vector<16xi32>
          %gather3A_324 = tpu.vector_load_idx %arg8[%add3A_323] : memref<40960xf32, #tpu.memory_space<vmem>>[vector<16xi32>], vector<16xf32>,
          %max3A_325 = arith.maximumf %gather3A_324, %max3A_320 : vector<16xf32>
          tpu.vector_store_idx %arg8[%add3A_323], %max3A_325 : memref<40960xf32, #tpu.memory_space<vmem>>[vector<16xi32>], vector<16xf32>,
          tpu.vector_store_idx %arg9[%add3A_323], %max3A_320 {add = true} : memref<40960xf32, #tpu.memory_space<vmem>>[vector<16xi32>], vector<16xf32>,
          %get3A_326 = arith.index_cast %scan3A_286 : i32 to index
          %get3A_327 = arith.constant 32 : index
          %get3A_328 = tpu.vector_load %arg17[%get3A_326, %get3A_327] {strides = array<i32>} : memref<64x128xf32, #tpu.memory_space<vmem>>, vector<16xf32>,
          %get3A_329 = arith.index_cast %scan3A_286 : i32 to index
          %get3A_330 = arith.constant 32 : index
          %get3A_331 = tpu.vector_load %arg18[%get3A_329, %get3A_330] {strides = array<i32>} : memref<64x128xf32, #tpu.memory_space<vmem>>, vector<16xf32>,
          %sub3A_332 = arith.subf %get3A_328, %get3A_331 : vector<16xf32>
          %max3A_333 = arith.constant 0.000000e+00 : f32
          %max3A_334 = vector.broadcast %max3A_333 : f32 to vector<16xf32>
          %max3A_335 = arith.maximumf %sub3A_332, %max3A_334 : vector<16xf32>
          %add3A_336 = arith.constant 32 : i32
          %add3A_337 = vector.broadcast %add3A_336 : i32 to vector<16xi32>
          %add3A_338 = arith.addi %add3A_295, %add3A_337 : vector<16xi32>
          %gather3A_339 = tpu.vector_load_idx %arg8[%add3A_338] : memref<40960xf32, #tpu.memory_space<vmem>>[vector<16xi32>], vector<16xf32>,
          %max3A_340 = arith.maximumf %gather3A_339, %max3A_335 : vector<16xf32>
          tpu.vector_store_idx %arg8[%add3A_338], %max3A_340 : memref<40960xf32, #tpu.memory_space<vmem>>[vector<16xi32>], vector<16xf32>,
          tpu.vector_store_idx %arg9[%add3A_338], %max3A_335 {add = true} : memref<40960xf32, #tpu.memory_space<vmem>>[vector<16xi32>], vector<16xf32>,
          %get3A_341 = arith.index_cast %scan3A_286 : i32 to index
          %get3A_342 = arith.constant 48 : index
          %get3A_343 = tpu.vector_load %arg17[%get3A_341, %get3A_342] {strides = array<i32>} : memref<64x128xf32, #tpu.memory_space<vmem>>, vector<16xf32>,
          %get3A_344 = arith.index_cast %scan3A_286 : i32 to index
          %get3A_345 = arith.constant 48 : index
          %get3A_346 = tpu.vector_load %arg18[%get3A_344, %get3A_345] {strides = array<i32>} : memref<64x128xf32, #tpu.memory_space<vmem>>, vector<16xf32>,
          %sub3A_347 = arith.subf %get3A_343, %get3A_346 : vector<16xf32>
          %max3A_348 = arith.constant 0.000000e+00 : f32
          %max3A_349 = vector.broadcast %max3A_348 : f32 to vector<16xf32>
          %max3A_350 = arith.maximumf %sub3A_347, %max3A_349 : vector<16xf32>
          %add3A_351 = arith.constant 48 : i32
          %add3A_352 = vector.broadcast %add3A_351 : i32 to vector<16xi32>
          %add3A_353 = arith.addi %add3A_295, %add3A_352 : vector<16xi32>
          %gather3A_354 = tpu.vector_load_idx %arg8[%add3A_353] : memref<40960xf32, #tpu.memory_space<vmem>>[vector<16xi32>], vector<16xf32>,
          %max3A_355 = arith.maximumf %gather3A_354, %max3A_350 : vector<16xf32>
          tpu.vector_store_idx %arg8[%add3A_353], %max3A_355 : memref<40960xf32, #tpu.memory_space<vmem>>[vector<16xi32>], vector<16xf32>,
          tpu.vector_store_idx %arg9[%add3A_353], %max3A_350 {add = true} : memref<40960xf32, #tpu.memory_space<vmem>>[vector<16xi32>], vector<16xf32>,
          %get3A_356 = arith.index_cast %scan3A_286 : i32 to index
          %get3A_357 = arith.constant 64 : index
          %get3A_358 = tpu.vector_load %arg17[%get3A_356, %get3A_357] {strides = array<i32>} : memref<64x128xf32, #tpu.memory_space<vmem>>, vector<16xf32>,
          %get3A_359 = arith.index_cast %scan3A_286 : i32 to index
          %get3A_360 = arith.constant 64 : index
          %get3A_361 = tpu.vector_load %arg18[%get3A_359, %get3A_360] {strides = array<i32>} : memref<64x128xf32, #tpu.memory_space<vmem>>, vector<16xf32>,
          %sub3A_362 = arith.subf %get3A_358, %get3A_361 : vector<16xf32>
          %max3A_363 = arith.constant 0.000000e+00 : f32
          %max3A_364 = vector.broadcast %max3A_363 : f32 to vector<16xf32>
          %max3A_365 = arith.maximumf %sub3A_362, %max3A_364 : vector<16xf32>
          %add3A_366 = arith.constant 64 : i32
          %add3A_367 = vector.broadcast %add3A_366 : i32 to vector<16xi32>
          %add3A_368 = arith.addi %add3A_295, %add3A_367 : vector<16xi32>
          %gather3A_369 = tpu.vector_load_idx %arg8[%add3A_368] : memref<40960xf32, #tpu.memory_space<vmem>>[vector<16xi32>], vector<16xf32>,
          %max3A_370 = arith.maximumf %gather3A_369, %max3A_365 : vector<16xf32>
          tpu.vector_store_idx %arg8[%add3A_368], %max3A_370 : memref<40960xf32, #tpu.memory_space<vmem>>[vector<16xi32>], vector<16xf32>,
          tpu.vector_store_idx %arg9[%add3A_368], %max3A_365 {add = true} : memref<40960xf32, #tpu.memory_space<vmem>>[vector<16xi32>], vector<16xf32>,
          %get3A_371 = arith.index_cast %scan3A_286 : i32 to index
          %get3A_372 = arith.constant 80 : index
          %get3A_373 = tpu.vector_load %arg17[%get3A_371, %get3A_372] {strides = array<i32>} : memref<64x128xf32, #tpu.memory_space<vmem>>, vector<16xf32>,
          %get3A_374 = arith.index_cast %scan3A_286 : i32 to index
          %get3A_375 = arith.constant 80 : index
          %get3A_376 = tpu.vector_load %arg18[%get3A_374, %get3A_375] {strides = array<i32>} : memref<64x128xf32, #tpu.memory_space<vmem>>, vector<16xf32>,
          %sub3A_377 = arith.subf %get3A_373, %get3A_376 : vector<16xf32>
          %max3A_378 = arith.constant 0.000000e+00 : f32
          %max3A_379 = vector.broadcast %max3A_378 : f32 to vector<16xf32>
          %max3A_380 = arith.maximumf %sub3A_377, %max3A_379 : vector<16xf32>
          %add3A_381 = arith.constant 80 : i32
          %add3A_382 = vector.broadcast %add3A_381 : i32 to vector<16xi32>
          %add3A_383 = arith.addi %add3A_295, %add3A_382 : vector<16xi32>
          %gather3A_384 = tpu.vector_load_idx %arg8[%add3A_383] : memref<40960xf32, #tpu.memory_space<vmem>>[vector<16xi32>], vector<16xf32>,
          %max3A_385 = arith.maximumf %gather3A_384, %max3A_380 : vector<16xf32>
          tpu.vector_store_idx %arg8[%add3A_383], %max3A_385 : memref<40960xf32, #tpu.memory_space<vmem>>[vector<16xi32>], vector<16xf32>,
          tpu.vector_store_idx %arg9[%add3A_383], %max3A_380 {add = true} : memref<40960xf32, #tpu.memory_space<vmem>>[vector<16xi32>], vector<16xf32>,
          %get3A_386 = arith.index_cast %scan3A_286 : i32 to index
          %get3A_387 = arith.constant 96 : index
          %get3A_388 = tpu.vector_load %arg17[%get3A_386, %get3A_387] {strides = array<i32>} : memref<64x128xf32, #tpu.memory_space<vmem>>, vector<16xf32>,
          %get3A_389 = arith.index_cast %scan3A_286 : i32 to index
          %get3A_390 = arith.constant 96 : index
          %get3A_391 = tpu.vector_load %arg18[%get3A_389, %get3A_390] {strides = array<i32>} : memref<64x128xf32, #tpu.memory_space<vmem>>, vector<16xf32>,
          %sub3A_392 = arith.subf %get3A_388, %get3A_391 : vector<16xf32>
          %max3A_393 = arith.constant 0.000000e+00 : f32
          %max3A_394 = vector.broadcast %max3A_393 : f32 to vector<16xf32>
          %max3A_395 = arith.maximumf %sub3A_392, %max3A_394 : vector<16xf32>
          %add3A_396 = arith.constant 96 : i32
          %add3A_397 = vector.broadcast %add3A_396 : i32 to vector<16xi32>
          %add3A_398 = arith.addi %add3A_295, %add3A_397 : vector<16xi32>
          %gather3A_399 = tpu.vector_load_idx %arg8[%add3A_398] : memref<40960xf32, #tpu.memory_space<vmem>>[vector<16xi32>], vector<16xf32>,
          %max3A_400 = arith.maximumf %gather3A_399, %max3A_395 : vector<16xf32>
          tpu.vector_store_idx %arg8[%add3A_398], %max3A_400 : memref<40960xf32, #tpu.memory_space<vmem>>[vector<16xi32>], vector<16xf32>,
          tpu.vector_store_idx %arg9[%add3A_398], %max3A_395 {add = true} : memref<40960xf32, #tpu.memory_space<vmem>>[vector<16xi32>], vector<16xf32>,
          %get3A_401 = arith.index_cast %scan3A_286 : i32 to index
          %get3A_402 = arith.constant 112 : index
          %get3A_403 = tpu.vector_load %arg17[%get3A_401, %get3A_402] {strides = array<i32>} : memref<64x128xf32, #tpu.memory_space<vmem>>, vector<16xf32>,
          %get3A_404 = arith.index_cast %scan3A_286 : i32 to index
          %get3A_405 = arith.constant 112 : index
          %get3A_406 = tpu.vector_load %arg18[%get3A_404, %get3A_405] {strides = array<i32>} : memref<64x128xf32, #tpu.memory_space<vmem>>, vector<16xf32>,
          %sub3A_407 = arith.subf %get3A_403, %get3A_406 : vector<16xf32>
          %max3A_408 = arith.constant 0.000000e+00 : f32
          %max3A_409 = vector.broadcast %max3A_408 : f32 to vector<16xf32>
          %max3A_410 = arith.maximumf %sub3A_407, %max3A_409 : vector<16xf32>
          %add3A_411 = arith.constant 112 : i32
          %add3A_412 = vector.broadcast %add3A_411 : i32 to vector<16xi32>
          %add3A_413 = arith.addi %add3A_295, %add3A_412 : vector<16xi32>
          %gather3A_414 = tpu.vector_load_idx %arg8[%add3A_413] : memref<40960xf32, #tpu.memory_space<vmem>>[vector<16xi32>], vector<16xf32>,
          %max3A_415 = arith.maximumf %gather3A_414, %max3A_410 : vector<16xf32>
          tpu.vector_store_idx %arg8[%add3A_413], %max3A_415 : memref<40960xf32, #tpu.memory_space<vmem>>[vector<16xi32>], vector<16xf32>,
          tpu.vector_store_idx %arg9[%add3A_413], %max3A_410 {add = true} : memref<40960xf32, #tpu.memory_space<vmem>>[vector<16xi32>], vector<16xf32>,
          %sub3A_416 = vector.broadcast %mul3A_2 : i32 to vector<16xi32>
          %sub3A_417 = arith.subi %gather3A, %sub3A_416 : vector<16xi32>
          %mul3A_418 = arith.constant 16 : i32
          %mul3A_419 = vector.broadcast %mul3A_418 : i32 to vector<16xi32>
          %mul3A_420 = arith.muli %sub3A_417, %mul3A_419 : vector<16xi32>
          %add3A_421 = arith.addi %mul3A_420, %iota3A : vector<16xi32>
          tpu.vector_store_idx %arg10[%add3A_421], %broadcast_in_dim3A_7 {add = true} : memref<5120xf32, #tpu.memory_space<vmem>>[vector<16xi32>], vector<16xf32>,
          %scan3A_422 = arith.constant 0 : i32
          %scan3A_423 = arith.constant 1 : i32
          %scan3A_424 = arith.addi %scan3A_286, %scan3A_423 : i32
          %add3A_425 = arith.addi %multiple_of3A_260, %scan3A_424 : i32
          %broadcast_in_dim3A_426 = vector.broadcast %add3A_425 : i32 to vector<16xi32>
          %gather3A_427 = tpu.vector_load_idx %arg16[%broadcast_in_dim3A_426] : memref<8192xi32, #tpu.memory_space<vmem>>[vector<16xi32>], vector<16xi32>,
          %sub3A_428 = vector.broadcast %mul3A_2 : i32 to vector<16xi32>
          %sub3A_429 = arith.subi %gather3A_427, %sub3A_428 : vector<16xi32>
          %mul3A_430 = arith.constant 128 : i32
          %mul3A_431 = vector.broadcast %mul3A_430 : i32 to vector<16xi32>
          %mul3A_432 = arith.muli %sub3A_429, %mul3A_431 : vector<16xi32>
          %add3A_433 = arith.addi %mul3A_432, %iota3A : vector<16xi32>
          %get3A_434 = arith.index_cast %scan3A_424 : i32 to index
          %get3A_435 = arith.constant 0 : index
          %get3A_436 = tpu.vector_load %arg17[%get3A_434, %get3A_435] {strides = array<i32>} : memref<64x128xf32, #tpu.memory_space<vmem>>, vector<16xf32>,
          %get3A_437 = arith.index_cast %scan3A_424 : i32 to index
          %get3A_438 = arith.constant 0 : index
          %get3A_439 = tpu.vector_load %arg18[%get3A_437, %get3A_438] {strides = array<i32>} : memref<64x128xf32, #tpu.memory_space<vmem>>, vector<16xf32>,
          %sub3A_440 = arith.subf %get3A_436, %get3A_439 : vector<16xf32>
          %max3A_441 = arith.constant 0.000000e+00 : f32
          %max3A_442 = vector.broadcast %max3A_441 : f32 to vector<16xf32>
          %max3A_443 = arith.maximumf %sub3A_440, %max3A_442 : vector<16xf32>
          %add3A_444 = arith.constant 0 : i32
          %add3A_445 = vector.broadcast %add3A_444 : i32 to vector<16xi32>
          %add3A_446 = arith.addi %add3A_433, %add3A_445 : vector<16xi32>
          %gather3A_447 = tpu.vector_load_idx %arg8[%add3A_446] : memref<40960xf32, #tpu.memory_space<vmem>>[vector<16xi32>], vector<16xf32>,
          %max3A_448 = arith.maximumf %gather3A_447, %max3A_443 : vector<16xf32>
          tpu.vector_store_idx %arg8[%add3A_446], %max3A_448 : memref<40960xf32, #tpu.memory_space<vmem>>[vector<16xi32>], vector<16xf32>,
          tpu.vector_store_idx %arg9[%add3A_446], %max3A_443 {add = true} : memref<40960xf32, #tpu.memory_space<vmem>>[vector<16xi32>], vector<16xf32>,
          %get3A_449 = arith.index_cast %scan3A_424 : i32 to index
          %get3A_450 = arith.constant 16 : index
          %get3A_451 = tpu.vector_load %arg17[%get3A_449, %get3A_450] {strides = array<i32>} : memref<64x128xf32, #tpu.memory_space<vmem>>, vector<16xf32>,
          %get3A_452 = arith.index_cast %scan3A_424 : i32 to index
          %get3A_453 = arith.constant 16 : index
          %get3A_454 = tpu.vector_load %arg18[%get3A_452, %get3A_453] {strides = array<i32>} : memref<64x128xf32, #tpu.memory_space<vmem>>, vector<16xf32>,
          %sub3A_455 = arith.subf %get3A_451, %get3A_454 : vector<16xf32>
          %max3A_456 = arith.constant 0.000000e+00 : f32
          %max3A_457 = vector.broadcast %max3A_456 : f32 to vector<16xf32>
          %max3A_458 = arith.maximumf %sub3A_455, %max3A_457 : vector<16xf32>
          %add3A_459 = arith.constant 16 : i32
          %add3A_460 = vector.broadcast %add3A_459 : i32 to vector<16xi32>
          %add3A_461 = arith.addi %add3A_433, %add3A_460 : vector<16xi32>
          %gather3A_462 = tpu.vector_load_idx %arg8[%add3A_461] : memref<40960xf32, #tpu.memory_space<vmem>>[vector<16xi32>], vector<16xf32>,
          %max3A_463 = arith.maximumf %gather3A_462, %max3A_458 : vector<16xf32>
          tpu.vector_store_idx %arg8[%add3A_461], %max3A_463 : memref<40960xf32, #tpu.memory_space<vmem>>[vector<16xi32>], vector<16xf32>,
          tpu.vector_store_idx %arg9[%add3A_461], %max3A_458 {add = true} : memref<40960xf32, #tpu.memory_space<vmem>>[vector<16xi32>], vector<16xf32>,
          %get3A_464 = arith.index_cast %scan3A_424 : i32 to index
          %get3A_465 = arith.constant 32 : index
          %get3A_466 = tpu.vector_load %arg17[%get3A_464, %get3A_465] {strides = array<i32>} : memref<64x128xf32, #tpu.memory_space<vmem>>, vector<16xf32>,
          %get3A_467 = arith.index_cast %scan3A_424 : i32 to index
          %get3A_468 = arith.constant 32 : index
          %get3A_469 = tpu.vector_load %arg18[%get3A_467, %get3A_468] {strides = array<i32>} : memref<64x128xf32, #tpu.memory_space<vmem>>, vector<16xf32>,
          %sub3A_470 = arith.subf %get3A_466, %get3A_469 : vector<16xf32>
          %max3A_471 = arith.constant 0.000000e+00 : f32
          %max3A_472 = vector.broadcast %max3A_471 : f32 to vector<16xf32>
          %max3A_473 = arith.maximumf %sub3A_470, %max3A_472 : vector<16xf32>
          %add3A_474 = arith.constant 32 : i32
          %add3A_475 = vector.broadcast %add3A_474 : i32 to vector<16xi32>
          %add3A_476 = arith.addi %add3A_433, %add3A_475 : vector<16xi32>
          %gather3A_477 = tpu.vector_load_idx %arg8[%add3A_476] : memref<40960xf32, #tpu.memory_space<vmem>>[vector<16xi32>], vector<16xf32>,
          %max3A_478 = arith.maximumf %gather3A_477, %max3A_473 : vector<16xf32>
          tpu.vector_store_idx %arg8[%add3A_476], %max3A_478 : memref<40960xf32, #tpu.memory_space<vmem>>[vector<16xi32>], vector<16xf32>,
          tpu.vector_store_idx %arg9[%add3A_476], %max3A_473 {add = true} : memref<40960xf32, #tpu.memory_space<vmem>>[vector<16xi32>], vector<16xf32>,
          %get3A_479 = arith.index_cast %scan3A_424 : i32 to index
          %get3A_480 = arith.constant 48 : index
          %get3A_481 = tpu.vector_load %arg17[%get3A_479, %get3A_480] {strides = array<i32>} : memref<64x128xf32, #tpu.memory_space<vmem>>, vector<16xf32>,
          %get3A_482 = arith.index_cast %scan3A_424 : i32 to index
          %get3A_483 = arith.constant 48 : index
          %get3A_484 = tpu.vector_load %arg18[%get3A_482, %get3A_483] {strides = array<i32>} : memref<64x128xf32, #tpu.memory_space<vmem>>, vector<16xf32>,
          %sub3A_485 = arith.subf %get3A_481, %get3A_484 : vector<16xf32>
          %max3A_486 = arith.constant 0.000000e+00 : f32
          %max3A_487 = vector.broadcast %max3A_486 : f32 to vector<16xf32>
          %max3A_488 = arith.maximumf %sub3A_485, %max3A_487 : vector<16xf32>
          %add3A_489 = arith.constant 48 : i32
          %add3A_490 = vector.broadcast %add3A_489 : i32 to vector<16xi32>
          %add3A_491 = arith.addi %add3A_433, %add3A_490 : vector<16xi32>
          %gather3A_492 = tpu.vector_load_idx %arg8[%add3A_491] : memref<40960xf32, #tpu.memory_space<vmem>>[vector<16xi32>], vector<16xf32>,
          %max3A_493 = arith.maximumf %gather3A_492, %max3A_488 : vector<16xf32>
          tpu.vector_store_idx %arg8[%add3A_491], %max3A_493 : memref<40960xf32, #tpu.memory_space<vmem>>[vector<16xi32>], vector<16xf32>,
          tpu.vector_store_idx %arg9[%add3A_491], %max3A_488 {add = true} : memref<40960xf32, #tpu.memory_space<vmem>>[vector<16xi32>], vector<16xf32>,
          %get3A_494 = arith.index_cast %scan3A_424 : i32 to index
          %get3A_495 = arith.constant 64 : index
          %get3A_496 = tpu.vector_load %arg17[%get3A_494, %get3A_495] {strides = array<i32>} : memref<64x128xf32, #tpu.memory_space<vmem>>, vector<16xf32>,
          %get3A_497 = arith.index_cast %scan3A_424 : i32 to index
          %get3A_498 = arith.constant 64 : index
          %get3A_499 = tpu.vector_load %arg18[%get3A_497, %get3A_498] {strides = array<i32>} : memref<64x128xf32, #tpu.memory_space<vmem>>, vector<16xf32>,
          %sub3A_500 = arith.subf %get3A_496, %get3A_499 : vector<16xf32>
          %max3A_501 = arith.constant 0.000000e+00 : f32
          %max3A_502 = vector.broadcast %max3A_501 : f32 to vector<16xf32>
          %max3A_503 = arith.maximumf %sub3A_500, %max3A_502 : vector<16xf32>
          %add3A_504 = arith.constant 64 : i32
          %add3A_505 = vector.broadcast %add3A_504 : i32 to vector<16xi32>
          %add3A_506 = arith.addi %add3A_433, %add3A_505 : vector<16xi32>
          %gather3A_507 = tpu.vector_load_idx %arg8[%add3A_506] : memref<40960xf32, #tpu.memory_space<vmem>>[vector<16xi32>], vector<16xf32>,
          %max3A_508 = arith.maximumf %gather3A_507, %max3A_503 : vector<16xf32>
          tpu.vector_store_idx %arg8[%add3A_506], %max3A_508 : memref<40960xf32, #tpu.memory_space<vmem>>[vector<16xi32>], vector<16xf32>,
          tpu.vector_store_idx %arg9[%add3A_506], %max3A_503 {add = true} : memref<40960xf32, #tpu.memory_space<vmem>>[vector<16xi32>], vector<16xf32>,
          %get3A_509 = arith.index_cast %scan3A_424 : i32 to index
          %get3A_510 = arith.constant 80 : index
          %get3A_511 = tpu.vector_load %arg17[%get3A_509, %get3A_510] {strides = array<i32>} : memref<64x128xf32, #tpu.memory_space<vmem>>, vector<16xf32>,
          %get3A_512 = arith.index_cast %scan3A_424 : i32 to index
          %get3A_513 = arith.constant 80 : index
          %get3A_514 = tpu.vector_load %arg18[%get3A_512, %get3A_513] {strides = array<i32>} : memref<64x128xf32, #tpu.memory_space<vmem>>, vector<16xf32>,
          %sub3A_515 = arith.subf %get3A_511, %get3A_514 : vector<16xf32>
          %max3A_516 = arith.constant 0.000000e+00 : f32
          %max3A_517 = vector.broadcast %max3A_516 : f32 to vector<16xf32>
          %max3A_518 = arith.maximumf %sub3A_515, %max3A_517 : vector<16xf32>
          %add3A_519 = arith.constant 80 : i32
          %add3A_520 = vector.broadcast %add3A_519 : i32 to vector<16xi32>
          %add3A_521 = arith.addi %add3A_433, %add3A_520 : vector<16xi32>
          %gather3A_522 = tpu.vector_load_idx %arg8[%add3A_521] : memref<40960xf32, #tpu.memory_space<vmem>>[vector<16xi32>], vector<16xf32>,
          %max3A_523 = arith.maximumf %gather3A_522, %max3A_518 : vector<16xf32>
          tpu.vector_store_idx %arg8[%add3A_521], %max3A_523 : memref<40960xf32, #tpu.memory_space<vmem>>[vector<16xi32>], vector<16xf32>,
          tpu.vector_store_idx %arg9[%add3A_521], %max3A_518 {add = true} : memref<40960xf32, #tpu.memory_space<vmem>>[vector<16xi32>], vector<16xf32>,
          %get3A_524 = arith.index_cast %scan3A_424 : i32 to index
          %get3A_525 = arith.constant 96 : index
          %get3A_526 = tpu.vector_load %arg17[%get3A_524, %get3A_525] {strides = array<i32>} : memref<64x128xf32, #tpu.memory_space<vmem>>, vector<16xf32>,
          %get3A_527 = arith.index_cast %scan3A_424 : i32 to index
          %get3A_528 = arith.constant 96 : index
          %get3A_529 = tpu.vector_load %arg18[%get3A_527, %get3A_528] {strides = array<i32>} : memref<64x128xf32, #tpu.memory_space<vmem>>, vector<16xf32>,
          %sub3A_530 = arith.subf %get3A_526, %get3A_529 : vector<16xf32>
          %max3A_531 = arith.constant 0.000000e+00 : f32
          %max3A_532 = vector.broadcast %max3A_531 : f32 to vector<16xf32>
          %max3A_533 = arith.maximumf %sub3A_530, %max3A_532 : vector<16xf32>
          %add3A_534 = arith.constant 96 : i32
          %add3A_535 = vector.broadcast %add3A_534 : i32 to vector<16xi32>
          %add3A_536 = arith.addi %add3A_433, %add3A_535 : vector<16xi32>
          %gather3A_537 = tpu.vector_load_idx %arg8[%add3A_536] : memref<40960xf32, #tpu.memory_space<vmem>>[vector<16xi32>], vector<16xf32>,
          %max3A_538 = arith.maximumf %gather3A_537, %max3A_533 : vector<16xf32>
          tpu.vector_store_idx %arg8[%add3A_536], %max3A_538 : memref<40960xf32, #tpu.memory_space<vmem>>[vector<16xi32>], vector<16xf32>,
          tpu.vector_store_idx %arg9[%add3A_536], %max3A_533 {add = true} : memref<40960xf32, #tpu.memory_space<vmem>>[vector<16xi32>], vector<16xf32>,
          %get3A_539 = arith.index_cast %scan3A_424 : i32 to index
          %get3A_540 = arith.constant 112 : index
          %get3A_541 = tpu.vector_load %arg17[%get3A_539, %get3A_540] {strides = array<i32>} : memref<64x128xf32, #tpu.memory_space<vmem>>, vector<16xf32>,
          %get3A_542 = arith.index_cast %scan3A_424 : i32 to index
          %get3A_543 = arith.constant 112 : index
          %get3A_544 = tpu.vector_load %arg18[%get3A_542, %get3A_543] {strides = array<i32>} : memref<64x128xf32, #tpu.memory_space<vmem>>, vector<16xf32>,
          %sub3A_545 = arith.subf %get3A_541, %get3A_544 : vector<16xf32>
          %max3A_546 = arith.constant 0.000000e+00 : f32
          %max3A_547 = vector.broadcast %max3A_546 : f32 to vector<16xf32>
          %max3A_548 = arith.maximumf %sub3A_545, %max3A_547 : vector<16xf32>
          %add3A_549 = arith.constant 112 : i32
          %add3A_550 = vector.broadcast %add3A_549 : i32 to vector<16xi32>
          %add3A_551 = arith.addi %add3A_433, %add3A_550 : vector<16xi32>
          %gather3A_552 = tpu.vector_load_idx %arg8[%add3A_551] : memref<40960xf32, #tpu.memory_space<vmem>>[vector<16xi32>], vector<16xf32>,
          %max3A_553 = arith.maximumf %gather3A_552, %max3A_548 : vector<16xf32>
          tpu.vector_store_idx %arg8[%add3A_551], %max3A_553 : memref<40960xf32, #tpu.memory_space<vmem>>[vector<16xi32>], vector<16xf32>,
          tpu.vector_store_idx %arg9[%add3A_551], %max3A_548 {add = true} : memref<40960xf32, #tpu.memory_space<vmem>>[vector<16xi32>], vector<16xf32>,
          %sub3A_554 = vector.broadcast %mul3A_2 : i32 to vector<16xi32>
          %sub3A_555 = arith.subi %gather3A_427, %sub3A_554 : vector<16xi32>
          %mul3A_556 = arith.constant 16 : i32
          %mul3A_557 = vector.broadcast %mul3A_556 : i32 to vector<16xi32>
          %mul3A_558 = arith.muli %sub3A_555, %mul3A_557 : vector<16xi32>
          %add3A_559 = arith.addi %mul3A_558, %iota3A : vector<16xi32>
          tpu.vector_store_idx %arg10[%add3A_559], %broadcast_in_dim3A_7 {add = true} : memref<5120xf32, #tpu.memory_space<vmem>>[vector<16xi32>], vector<16xf32>,
          %scan3A_560 = arith.constant 0 : i32
          scf.yield %scan3A_560 : i32
        }
        %scan3A_283 = arith.constant 64 : i32
        %add3A_284 = arith.constant 64 : i32
        %add3A_285 = arith.addi %while3A_257, %add3A_284 : i32
        scf.yield %add3A_285 : i32
      }
      %add3A_170 = arith.constant 1 : i32
      %add3A_171 = arith.addi %mul3A_96, %add3A_170 : i32
      %mul3A_172 = arith.constant 2000 : i32
      %mul3A_173 = arith.muli %add3A_171, %mul3A_172 : i32
      %dma_wait3A_174 = tpu.memref_slice %arg2[%mul3A_173] : memref<320000xi32, #tpu.memory_space<hbm>> -> memref<2000xi32, #tpu.memory_space<hbm>>
      %dma_wait3A_175 = tpu.memref_slice %arg2[%mul3A_173] : memref<320000xi32, #tpu.memory_space<hbm>> -> memref<2000xi32, #tpu.memory_space<hbm>>
      tpu.wait_dma2 semaphore(%arg20 : memref<!tpu.dma_semaphore, #tpu.memory_space<semaphore_mem>>) src(%dma_wait3A_175 : memref<2000xi32, #tpu.memory_space<hbm>>) dst(%arg13 : memref<2000xi32, #tpu.memory_space<vmem>>)
      %dma_wait3A_176 = tpu.memref_slice %arg3[%mul3A_173] : memref<320000xi32, #tpu.memory_space<hbm>> -> memref<2000xi32, #tpu.memory_space<hbm>>
      %dma_wait3A_177 = tpu.memref_slice %arg3[%mul3A_173] : memref<320000xi32, #tpu.memory_space<hbm>> -> memref<2000xi32, #tpu.memory_space<hbm>>
      tpu.wait_dma2 semaphore(%arg20 : memref<!tpu.dma_semaphore, #tpu.memory_space<semaphore_mem>>) src(%dma_wait3A_177 : memref<2000xi32, #tpu.memory_space<hbm>>) dst(%arg14 : memref<2000xi32, #tpu.memory_space<vmem>>)
      %add3A_178 = arith.constant 2 : i32
      %add3A_179 = arith.addi %mul3A_96, %add3A_178 : i32
      %min3A_180 = arith.constant 158 : i32
      %min3A_181 = arith.minsi %add3A_179, %min3A_180 : i32
      %mul3A_182 = arith.constant 2000 : i32
      %mul3A_183 = arith.muli %min3A_181, %mul3A_182 : i32
      %dma_start3A_184 = tpu.memref_slice %arg2[%mul3A_183] : memref<320000xi32, #tpu.memory_space<hbm>> -> memref<2000xi32, #tpu.memory_space<hbm>>
      %dma_start3A_185 = tpu.memref_slice %arg2[%mul3A_183] : memref<320000xi32, #tpu.memory_space<hbm>> -> memref<2000xi32, #tpu.memory_space<hbm>>
      tpu.enqueue_dma source(%dma_start3A_185 : memref<2000xi32, #tpu.memory_space<hbm>>) target(%arg11 : memref<2000xi32, #tpu.memory_space<vmem>>) target_semaphore(%arg19 : memref<!tpu.dma_semaphore, #tpu.memory_space<semaphore_mem>>)
      %dma_start3A_186 = tpu.memref_slice %arg3[%mul3A_183] : memref<320000xi32, #tpu.memory_space<hbm>> -> memref<2000xi32, #tpu.memory_space<hbm>>
      %dma_start3A_187 = tpu.memref_slice %arg3[%mul3A_183] : memref<320000xi32, #tpu.memory_space<hbm>> -> memref<2000xi32, #tpu.memory_space<hbm>>
      tpu.enqueue_dma source(%dma_start3A_187 : memref<2000xi32, #tpu.memory_space<hbm>>) target(%arg12 : memref<2000xi32, #tpu.memory_space<vmem>>) target_semaphore(%arg19 : memref<!tpu.dma_semaphore, #tpu.memory_space<semaphore_mem>>)
      %reduce_max3A_188 = arith.constant true
      %reduce_max3A_189 = vector.broadcast %reduce_max3A_188 : i1 to vector<16xi1>
      %reduce_max3A_190 = arith.constant -2147483648 : i32
      %reduce_max3A_191 = vector.broadcast %reduce_max3A_190 : i32 to vector<16xi32>
      %reduce_max3A_192 = arith.xori %add3A_153, %reduce_max3A_191 : vector<16xi32>
      %reduce_max3A_193 = tpu.scan <max>, %reduce_max3A_192 masked %reduce_max3A_189 : vector<16xi32>, vector<16xi1> -> vector<16xi32>
      %reduce_max3A_194 = arith.xori %reduce_max3A_193, %reduce_max3A_191 : vector<16xi32>
      %reduce_max3A_195 = vector.extract %reduce_max3A_194[15] : i32 from vector<16xi32>
      %sub3A_196 = arith.subi %reduce_max3A_195, %while3A_169 : i32
      %ge3A_197 = arith.constant 64 : i32
      %ge3A_198 = arith.cmpi sge, %sub3A_196, %ge3A_197 : i32
      %and3A_199 = arith.constant 8191 : i32
      %and3A_200 = arith.andi %while3A_169, %and3A_199 : i32
      %multiple_of3A_201 = tpu.assume_multiple %and3A_200, 64 : i32
      %convert_element_type3A_202 = arith.extui %ge3A_198 : i1 to i32
      %cond3A_203 = arith.constant 0 : i32
      %cond3A_204 = arith.cmpi ne, %convert_element_type3A_202, %cond3A_203 : i32
      scf.if %cond3A_204 {
        %dma_start3A_257 = tpu.memref_slice %arg15[%multiple_of3A_201] : memref<8192xi32, #tpu.memory_space<vmem>> -> memref<64xi32, #tpu.memory_space<vmem>>
        %dma_start3A_258 = arith.constant 0 : i32
        %dma_start3A_259 = arith.constant 0 : i32
        %dma_start3A_260 = tpu.memref_slice %arg4[%dma_start3A_258, %dma_start3A_259] : memref<10240x128xf32, #tpu.memory_space<hbm>> -> memref<10240x128xf32, #tpu.memory_space<hbm>>
        tpu.enqueue_indirect_dma source(%dma_start3A_260 : memref<10240x128xf32, #tpu.memory_space<hbm>>) target(%arg17 : memref<64x128xf32, #tpu.memory_space<vmem>>) offsets(%dma_start3A_257 : memref<64xi32, #tpu.memory_space<vmem>>) semaphore(%arg21 : memref<!tpu.dma_semaphore, #tpu.memory_space<semaphore_mem>>)
        %dma_start3A_261 = tpu.memref_slice %arg16[%multiple_of3A_201] : memref<8192xi32, #tpu.memory_space<vmem>> -> memref<64xi32, #tpu.memory_space<vmem>>
        %dma_start3A_262 = arith.constant 0 : i32
        %dma_start3A_263 = arith.constant 0 : i32
        %dma_start3A_264 = tpu.memref_slice %arg5[%dma_start3A_262, %dma_start3A_263] : memref<10240x128xf32, #tpu.memory_space<hbm>> -> memref<10240x128xf32, #tpu.memory_space<hbm>>
        tpu.enqueue_indirect_dma source(%dma_start3A_264 : memref<10240x128xf32, #tpu.memory_space<hbm>>) target(%arg18 : memref<64x128xf32, #tpu.memory_space<vmem>>) offsets(%dma_start3A_261 : memref<64xi32, #tpu.memory_space<vmem>>) semaphore(%arg22 : memref<!tpu.dma_semaphore, #tpu.memory_space<semaphore_mem>>)
      } else {
      }
      %scan3A_205 = arith.constant 0 : i32
      %scan3A_206 = arith.constant 124 : i32
      %scan3A_207 = arith.addi %scan3A_205, %scan3A_206 : i32
      %scan3A_208 = arith.constant 4 : i32
      %scan3A_209 = scf.for %scan3A_257 = %scan3A_205 to %scan3A_207 step %scan3A_208 iter_args(%scan3A_258 = %add3A_153) -> (vector<16xi32>)  : i32 {
        %mul3A_259 = arith.constant 16 : i32
        %mul3A_260 = arith.muli %scan3A_257, %mul3A_259 : i32
        %get3A_261 = arith.index_cast %mul3A_260 : i32 to index
        %get3A_262 = tpu.vector_load %arg14[%get3A_261] {strides = array<i32>} : memref<2000xi32, #tpu.memory_space<vmem>>, vector<16xi32>,
        %mul3A_263 = arith.constant 16 : i32
        %mul3A_264 = arith.muli %scan3A_257, %mul3A_263 : i32
        %get3A_265 = arith.index_cast %mul3A_264 : i32 to index
        %get3A_266 = tpu.vector_load %arg13[%get3A_265] {strides = array<i32>} : memref<2000xi32, #tpu.memory_space<vmem>>, vector<16xi32>,
        %sub3A_267 = vector.broadcast %mul3A_2 : i32 to vector<16xi32>
        %sub3A_268 = arith.subi %get3A_262, %sub3A_267 : vector<16xi32>
        %bitcast3A_269 = vector.bitcast %sub3A_268 : vector<16xi32> to vector<16xi32>
        %lt3A_270 = arith.constant 320 : i32
        %lt3A_271 = vector.broadcast %lt3A_270 : i32 to vector<16xi32>
        %lt3A_272 = arith.cmpi ult, %bitcast3A_269, %lt3A_271 : vector<16xi32>
        %jit3A_273 = arith.constant 1 : i32
        %jit3A_274 = arith.constant 0 : i32
        %broadcast_in_dim3A_275 = vector.broadcast %jit3A_273 : i32 to vector<16xi32>
        %broadcast_in_dim3A_276 = vector.broadcast %jit3A_274 : i32 to vector<16xi32>
        %select_n3A_277 = arith.select %lt3A_272, %broadcast_in_dim3A_275, %broadcast_in_dim3A_276 : vector<16xi1>, vector<16xi32>
        %broadcast_in_dim3A_278 = arith.constant true
        %broadcast_in_dim3A_279 = vector.broadcast %broadcast_in_dim3A_278 : i1 to vector<16xi1>
        %masked_cumsum3A_280 = tpu.scan <sum>, %select_n3A_277 masked %broadcast_in_dim3A_279 : vector<16xi32>, vector<16xi1> -> vector<16xi32>
        %add3A_281 = arith.addi %scan3A_258, %masked_cumsum3A_280 : vector<16xi32>
        %sub3A_282 = arith.subi %add3A_281, %select_n3A_277 : vector<16xi32>
        %and3A_283 = arith.constant 8191 : i32
        %and3A_284 = vector.broadcast %and3A_283 : i32 to vector<16xi32>
        %and3A_285 = arith.andi %sub3A_282, %and3A_284 : vector<16xi32>
        tpu.vector_store_idx %arg15[%and3A_285], %get3A_266 masked %lt3A_272 : memref<8192xi32, #tpu.memory_space<vmem>>[vector<16xi32>], vector<16xi32>, vector<16xi1>
        tpu.vector_store_idx %arg16[%and3A_285], %get3A_262 masked %lt3A_272 : memref<8192xi32, #tpu.memory_space<vmem>>[vector<16xi32>], vector<16xi32>, vector<16xi1>
        %all_reduce_population_count3A_286 = tpu.all_reduce %lt3A_272 {dim = 0 : i64, kind = #tpu.reduction_kind<sum>} : vector<16xi1> -> vector<16xi32>
        %add3A_287 = arith.addi %scan3A_258, %all_reduce_population_count3A_286 : vector<16xi32>
        %scan3A_288 = arith.constant 1 : i32
        %scan3A_289 = arith.addi %scan3A_257, %scan3A_288 : i32
        %mul3A_290 = arith.constant 16 : i32
        %mul3A_291 = arith.muli %scan3A_289, %mul3A_290 : i32
        %get3A_292 = arith.index_cast %mul3A_291 : i32 to index
        %get3A_293 = tpu.vector_load %arg14[%get3A_292] {strides = array<i32>} : memref<2000xi32, #tpu.memory_space<vmem>>, vector<16xi32>,
        %mul3A_294 = arith.constant 16 : i32
        %mul3A_295 = arith.muli %scan3A_289, %mul3A_294 : i32
        %get3A_296 = arith.index_cast %mul3A_295 : i32 to index
        %get3A_297 = tpu.vector_load %arg13[%get3A_296] {strides = array<i32>} : memref<2000xi32, #tpu.memory_space<vmem>>, vector<16xi32>,
        %sub3A_298 = vector.broadcast %mul3A_2 : i32 to vector<16xi32>
        %sub3A_299 = arith.subi %get3A_293, %sub3A_298 : vector<16xi32>
        %bitcast3A_300 = vector.bitcast %sub3A_299 : vector<16xi32> to vector<16xi32>
        %lt3A_301 = arith.constant 320 : i32
        %lt3A_302 = vector.broadcast %lt3A_301 : i32 to vector<16xi32>
        %lt3A_303 = arith.cmpi ult, %bitcast3A_300, %lt3A_302 : vector<16xi32>
        %jit3A_304 = arith.constant 1 : i32
        %jit3A_305 = arith.constant 0 : i32
        %broadcast_in_dim3A_306 = vector.broadcast %jit3A_304 : i32 to vector<16xi32>
        %broadcast_in_dim3A_307 = vector.broadcast %jit3A_305 : i32 to vector<16xi32>
        %select_n3A_308 = arith.select %lt3A_303, %broadcast_in_dim3A_306, %broadcast_in_dim3A_307 : vector<16xi1>, vector<16xi32>
        %broadcast_in_dim3A_309 = arith.constant true
        %broadcast_in_dim3A_310 = vector.broadcast %broadcast_in_dim3A_309 : i1 to vector<16xi1>
        %masked_cumsum3A_311 = tpu.scan <sum>, %select_n3A_308 masked %broadcast_in_dim3A_310 : vector<16xi32>, vector<16xi1> -> vector<16xi32>
        %add3A_312 = arith.addi %add3A_287, %masked_cumsum3A_311 : vector<16xi32>
        %sub3A_313 = arith.subi %add3A_312, %select_n3A_308 : vector<16xi32>
        %and3A_314 = arith.constant 8191 : i32
        %and3A_315 = vector.broadcast %and3A_314 : i32 to vector<16xi32>
        %and3A_316 = arith.andi %sub3A_313, %and3A_315 : vector<16xi32>
        tpu.vector_store_idx %arg15[%and3A_316], %get3A_297 masked %lt3A_303 : memref<8192xi32, #tpu.memory_space<vmem>>[vector<16xi32>], vector<16xi32>, vector<16xi1>
        tpu.vector_store_idx %arg16[%and3A_316], %get3A_293 masked %lt3A_303 : memref<8192xi32, #tpu.memory_space<vmem>>[vector<16xi32>], vector<16xi32>, vector<16xi1>
        %all_reduce_population_count3A_317 = tpu.all_reduce %lt3A_303 {dim = 0 : i64, kind = #tpu.reduction_kind<sum>} : vector<16xi1> -> vector<16xi32>
        %add3A_318 = arith.addi %add3A_287, %all_reduce_population_count3A_317 : vector<16xi32>
        %scan3A_319 = arith.constant 2 : i32
        %scan3A_320 = arith.addi %scan3A_257, %scan3A_319 : i32
        %mul3A_321 = arith.constant 16 : i32
        %mul3A_322 = arith.muli %scan3A_320, %mul3A_321 : i32
        %get3A_323 = arith.index_cast %mul3A_322 : i32 to index
        %get3A_324 = tpu.vector_load %arg14[%get3A_323] {strides = array<i32>} : memref<2000xi32, #tpu.memory_space<vmem>>, vector<16xi32>,
        %mul3A_325 = arith.constant 16 : i32
        %mul3A_326 = arith.muli %scan3A_320, %mul3A_325 : i32
        %get3A_327 = arith.index_cast %mul3A_326 : i32 to index
        %get3A_328 = tpu.vector_load %arg13[%get3A_327] {strides = array<i32>} : memref<2000xi32, #tpu.memory_space<vmem>>, vector<16xi32>,
        %sub3A_329 = vector.broadcast %mul3A_2 : i32 to vector<16xi32>
        %sub3A_330 = arith.subi %get3A_324, %sub3A_329 : vector<16xi32>
        %bitcast3A_331 = vector.bitcast %sub3A_330 : vector<16xi32> to vector<16xi32>
        %lt3A_332 = arith.constant 320 : i32
        %lt3A_333 = vector.broadcast %lt3A_332 : i32 to vector<16xi32>
        %lt3A_334 = arith.cmpi ult, %bitcast3A_331, %lt3A_333 : vector<16xi32>
        %jit3A_335 = arith.constant 1 : i32
        %jit3A_336 = arith.constant 0 : i32
        %broadcast_in_dim3A_337 = vector.broadcast %jit3A_335 : i32 to vector<16xi32>
        %broadcast_in_dim3A_338 = vector.broadcast %jit3A_336 : i32 to vector<16xi32>
        %select_n3A_339 = arith.select %lt3A_334, %broadcast_in_dim3A_337, %broadcast_in_dim3A_338 : vector<16xi1>, vector<16xi32>
        %broadcast_in_dim3A_340 = arith.constant true
        %broadcast_in_dim3A_341 = vector.broadcast %broadcast_in_dim3A_340 : i1 to vector<16xi1>
        %masked_cumsum3A_342 = tpu.scan <sum>, %select_n3A_339 masked %broadcast_in_dim3A_341 : vector<16xi32>, vector<16xi1> -> vector<16xi32>
        %add3A_343 = arith.addi %add3A_318, %masked_cumsum3A_342 : vector<16xi32>
        %sub3A_344 = arith.subi %add3A_343, %select_n3A_339 : vector<16xi32>
        %and3A_345 = arith.constant 8191 : i32
        %and3A_346 = vector.broadcast %and3A_345 : i32 to vector<16xi32>
        %and3A_347 = arith.andi %sub3A_344, %and3A_346 : vector<16xi32>
        tpu.vector_store_idx %arg15[%and3A_347], %get3A_328 masked %lt3A_334 : memref<8192xi32, #tpu.memory_space<vmem>>[vector<16xi32>], vector<16xi32>, vector<16xi1>
        tpu.vector_store_idx %arg16[%and3A_347], %get3A_324 masked %lt3A_334 : memref<8192xi32, #tpu.memory_space<vmem>>[vector<16xi32>], vector<16xi32>, vector<16xi1>
        %all_reduce_population_count3A_348 = tpu.all_reduce %lt3A_334 {dim = 0 : i64, kind = #tpu.reduction_kind<sum>} : vector<16xi1> -> vector<16xi32>
        %add3A_349 = arith.addi %add3A_318, %all_reduce_population_count3A_348 : vector<16xi32>
        %scan3A_350 = arith.constant 3 : i32
        %scan3A_351 = arith.addi %scan3A_257, %scan3A_350 : i32
        %mul3A_352 = arith.constant 16 : i32
        %mul3A_353 = arith.muli %scan3A_351, %mul3A_352 : i32
        %get3A_354 = arith.index_cast %mul3A_353 : i32 to index
        %get3A_355 = tpu.vector_load %arg14[%get3A_354] {strides = array<i32>} : memref<2000xi32, #tpu.memory_space<vmem>>, vector<16xi32>,
        %mul3A_356 = arith.constant 16 : i32
        %mul3A_357 = arith.muli %scan3A_351, %mul3A_356 : i32
        %get3A_358 = arith.index_cast %mul3A_357 : i32 to index
        %get3A_359 = tpu.vector_load %arg13[%get3A_358] {strides = array<i32>} : memref<2000xi32, #tpu.memory_space<vmem>>, vector<16xi32>,
        %sub3A_360 = vector.broadcast %mul3A_2 : i32 to vector<16xi32>
        %sub3A_361 = arith.subi %get3A_355, %sub3A_360 : vector<16xi32>
        %bitcast3A_362 = vector.bitcast %sub3A_361 : vector<16xi32> to vector<16xi32>
        %lt3A_363 = arith.constant 320 : i32
        %lt3A_364 = vector.broadcast %lt3A_363 : i32 to vector<16xi32>
        %lt3A_365 = arith.cmpi ult, %bitcast3A_362, %lt3A_364 : vector<16xi32>
        %jit3A_366 = arith.constant 1 : i32
        %jit3A_367 = arith.constant 0 : i32
        %broadcast_in_dim3A_368 = vector.broadcast %jit3A_366 : i32 to vector<16xi32>
        %broadcast_in_dim3A_369 = vector.broadcast %jit3A_367 : i32 to vector<16xi32>
        %select_n3A_370 = arith.select %lt3A_365, %broadcast_in_dim3A_368, %broadcast_in_dim3A_369 : vector<16xi1>, vector<16xi32>
        %broadcast_in_dim3A_371 = arith.constant true
        %broadcast_in_dim3A_372 = vector.broadcast %broadcast_in_dim3A_371 : i1 to vector<16xi1>
        %masked_cumsum3A_373 = tpu.scan <sum>, %select_n3A_370 masked %broadcast_in_dim3A_372 : vector<16xi32>, vector<16xi1> -> vector<16xi32>
        %add3A_374 = arith.addi %add3A_349, %masked_cumsum3A_373 : vector<16xi32>
        %sub3A_375 = arith.subi %add3A_374, %select_n3A_370 : vector<16xi32>
        %and3A_376 = arith.constant 8191 : i32
        %and3A_377 = vector.broadcast %and3A_376 : i32 to vector<16xi32>
        %and3A_378 = arith.andi %sub3A_375, %and3A_377 : vector<16xi32>
        tpu.vector_store_idx %arg15[%and3A_378], %get3A_359 masked %lt3A_365 : memref<8192xi32, #tpu.memory_space<vmem>>[vector<16xi32>], vector<16xi32>, vector<16xi1>
        tpu.vector_store_idx %arg16[%and3A_378], %get3A_355 masked %lt3A_365 : memref<8192xi32, #tpu.memory_space<vmem>>[vector<16xi32>], vector<16xi32>, vector<16xi1>
        %all_reduce_population_count3A_379 = tpu.all_reduce %lt3A_365 {dim = 0 : i64, kind = #tpu.reduction_kind<sum>} : vector<16xi1> -> vector<16xi32>
        %add3A_380 = arith.addi %add3A_349, %all_reduce_population_count3A_379 : vector<16xi32>
        scf.yield %add3A_380 : vector<16xi32>
      }
      %scan3A_210 = arith.constant 124 : i32
      %scan3A_211 = arith.addi %scan3A_205, %scan3A_210 : i32
      %mul3A_212 = arith.constant 16 : i32
      %mul3A_213 = arith.muli %scan3A_211, %mul3A_212 : i32
      %get3A_214 = arith.index_cast %mul3A_213 : i32 to index
      %get3A_215 = tpu.vector_load %arg14[%get3A_214] {strides = array<i32>} : memref<2000xi32, #tpu.memory_space<vmem>>, vector<16xi32>,
      %mul3A_216 = arith.constant 16 : i32
      %mul3A_217 = arith.muli %scan3A_211, %mul3A_216 : i32
      %get3A_218 = arith.index_cast %mul3A_217 : i32 to index
      %get3A_219 = tpu.vector_load %arg13[%get3A_218] {strides = array<i32>} : memref<2000xi32, #tpu.memory_space<vmem>>, vector<16xi32>,
      %sub3A_220 = vector.broadcast %mul3A_2 : i32 to vector<16xi32>
      %sub3A_221 = arith.subi %get3A_215, %sub3A_220 : vector<16xi32>
      %bitcast3A_222 = vector.bitcast %sub3A_221 : vector<16xi32> to vector<16xi32>
      %lt3A_223 = arith.constant 320 : i32
      %lt3A_224 = vector.broadcast %lt3A_223 : i32 to vector<16xi32>
      %lt3A_225 = arith.cmpi ult, %bitcast3A_222, %lt3A_224 : vector<16xi32>
      %jit3A_226 = arith.constant 1 : i32
      %jit3A_227 = arith.constant 0 : i32
      %broadcast_in_dim3A_228 = vector.broadcast %jit3A_226 : i32 to vector<16xi32>
      %broadcast_in_dim3A_229 = vector.broadcast %jit3A_227 : i32 to vector<16xi32>
      %select_n3A_230 = arith.select %lt3A_225, %broadcast_in_dim3A_228, %broadcast_in_dim3A_229 : vector<16xi1>, vector<16xi32>
      %broadcast_in_dim3A_231 = arith.constant true
      %broadcast_in_dim3A_232 = vector.broadcast %broadcast_in_dim3A_231 : i1 to vector<16xi1>
      %masked_cumsum3A_233 = tpu.scan <sum>, %select_n3A_230 masked %broadcast_in_dim3A_232 : vector<16xi32>, vector<16xi1> -> vector<16xi32>
      %add3A_234 = arith.addi %scan3A_209, %masked_cumsum3A_233 : vector<16xi32>
      %sub3A_235 = arith.subi %add3A_234, %select_n3A_230 : vector<16xi32>
      %and3A_236 = arith.constant 8191 : i32
      %and3A_237 = vector.broadcast %and3A_236 : i32 to vector<16xi32>
      %and3A_238 = arith.andi %sub3A_235, %and3A_237 : vector<16xi32>
      tpu.vector_store_idx %arg15[%and3A_238], %get3A_219 masked %lt3A_225 : memref<8192xi32, #tpu.memory_space<vmem>>[vector<16xi32>], vector<16xi32>, vector<16xi1>
      tpu.vector_store_idx %arg16[%and3A_238], %get3A_215 masked %lt3A_225 : memref<8192xi32, #tpu.memory_space<vmem>>[vector<16xi32>], vector<16xi32>, vector<16xi1>
      %all_reduce_population_count3A_239 = tpu.all_reduce %lt3A_225 {dim = 0 : i64, kind = #tpu.reduction_kind<sum>} : vector<16xi1> -> vector<16xi32>
      %add3A_240 = arith.addi %scan3A_209, %all_reduce_population_count3A_239 : vector<16xi32>
      %scan3A_241 = arith.constant 125 : i32
      %convert_element_type3A_242 = arith.extui %ge3A_198 : i1 to i32
      %cond3A_243 = arith.constant 0 : i32
      %cond3A_244 = arith.cmpi ne, %convert_element_type3A_242, %cond3A_243 : i32
      scf.if %cond3A_244 {
        %dma_wait3A_257 = tpu.memref_slice %arg15[%multiple_of3A_201] : memref<8192xi32, #tpu.memory_space<vmem>> -> memref<64xi32, #tpu.memory_space<vmem>>
        %dma_wait3A_258 = arith.constant 0 : i32
        %dma_wait3A_259 = arith.constant 0 : i32
        %dma_wait3A_260 = tpu.memref_slice %arg4[%dma_wait3A_258, %dma_wait3A_259] : memref<10240x128xf32, #tpu.memory_space<hbm>> -> memref<10240x128xf32, #tpu.memory_space<hbm>>
        tpu.wait_indirect_dma semaphore(%arg21 : memref<!tpu.dma_semaphore, #tpu.memory_space<semaphore_mem>>) src(%dma_wait3A_260 : memref<10240x128xf32, #tpu.memory_space<hbm>>) dst(%arg17 : memref<64x128xf32, #tpu.memory_space<vmem>>)
        %dma_wait3A_261 = tpu.memref_slice %arg16[%multiple_of3A_201] : memref<8192xi32, #tpu.memory_space<vmem>> -> memref<64xi32, #tpu.memory_space<vmem>>
        %dma_wait3A_262 = arith.constant 0 : i32
        %dma_wait3A_263 = arith.constant 0 : i32
        %dma_wait3A_264 = tpu.memref_slice %arg5[%dma_wait3A_262, %dma_wait3A_263] : memref<10240x128xf32, #tpu.memory_space<hbm>> -> memref<10240x128xf32, #tpu.memory_space<hbm>>
        tpu.wait_indirect_dma semaphore(%arg22 : memref<!tpu.dma_semaphore, #tpu.memory_space<semaphore_mem>>) src(%dma_wait3A_264 : memref<10240x128xf32, #tpu.memory_space<hbm>>) dst(%arg18 : memref<64x128xf32, #tpu.memory_space<vmem>>)
        %scan3A_265 = arith.constant 0 : i32
        %scan3A_266 = arith.constant 0 : i32
        %scan3A_267 = arith.constant 64 : i32
        %scan3A_268 = arith.addi %scan3A_266, %scan3A_267 : i32
        %scan3A_269 = arith.constant 2 : i32
        %scan3A_270 = scf.for %scan3A_272 = %scan3A_266 to %scan3A_268 step %scan3A_269 iter_args(%scan3A_273 = %scan3A_265) -> (i32)  : i32 {
          %add3A_274 = arith.addi %multiple_of3A_201, %scan3A_272 : i32
          %broadcast_in_dim3A_275 = vector.broadcast %add3A_274 : i32 to vector<16xi32>
          %gather3A = tpu.vector_load_idx %arg16[%broadcast_in_dim3A_275] : memref<8192xi32, #tpu.memory_space<vmem>>[vector<16xi32>], vector<16xi32>,
          %sub3A_276 = vector.broadcast %mul3A_2 : i32 to vector<16xi32>
          %sub3A_277 = arith.subi %gather3A, %sub3A_276 : vector<16xi32>
          %mul3A_278 = arith.constant 128 : i32
          %mul3A_279 = vector.broadcast %mul3A_278 : i32 to vector<16xi32>
          %mul3A_280 = arith.muli %sub3A_277, %mul3A_279 : vector<16xi32>
          %add3A_281 = arith.addi %mul3A_280, %iota3A : vector<16xi32>
          %get3A_282 = arith.index_cast %scan3A_272 : i32 to index
          %get3A_283 = arith.constant 0 : index
          %get3A_284 = tpu.vector_load %arg17[%get3A_282, %get3A_283] {strides = array<i32>} : memref<64x128xf32, #tpu.memory_space<vmem>>, vector<16xf32>,
          %get3A_285 = arith.index_cast %scan3A_272 : i32 to index
          %get3A_286 = arith.constant 0 : index
          %get3A_287 = tpu.vector_load %arg18[%get3A_285, %get3A_286] {strides = array<i32>} : memref<64x128xf32, #tpu.memory_space<vmem>>, vector<16xf32>,
          %sub3A_288 = arith.subf %get3A_284, %get3A_287 : vector<16xf32>
          %max3A_289 = arith.constant 0.000000e+00 : f32
          %max3A_290 = vector.broadcast %max3A_289 : f32 to vector<16xf32>
          %max3A_291 = arith.maximumf %sub3A_288, %max3A_290 : vector<16xf32>
          %add3A_292 = arith.constant 0 : i32
          %add3A_293 = vector.broadcast %add3A_292 : i32 to vector<16xi32>
          %add3A_294 = arith.addi %add3A_281, %add3A_293 : vector<16xi32>
          %gather3A_295 = tpu.vector_load_idx %arg8[%add3A_294] : memref<40960xf32, #tpu.memory_space<vmem>>[vector<16xi32>], vector<16xf32>,
          %max3A_296 = arith.maximumf %gather3A_295, %max3A_291 : vector<16xf32>
          tpu.vector_store_idx %arg8[%add3A_294], %max3A_296 : memref<40960xf32, #tpu.memory_space<vmem>>[vector<16xi32>], vector<16xf32>,
          tpu.vector_store_idx %arg9[%add3A_294], %max3A_291 {add = true} : memref<40960xf32, #tpu.memory_space<vmem>>[vector<16xi32>], vector<16xf32>,
          %get3A_297 = arith.index_cast %scan3A_272 : i32 to index
          %get3A_298 = arith.constant 16 : index
          %get3A_299 = tpu.vector_load %arg17[%get3A_297, %get3A_298] {strides = array<i32>} : memref<64x128xf32, #tpu.memory_space<vmem>>, vector<16xf32>,
          %get3A_300 = arith.index_cast %scan3A_272 : i32 to index
          %get3A_301 = arith.constant 16 : index
          %get3A_302 = tpu.vector_load %arg18[%get3A_300, %get3A_301] {strides = array<i32>} : memref<64x128xf32, #tpu.memory_space<vmem>>, vector<16xf32>,
          %sub3A_303 = arith.subf %get3A_299, %get3A_302 : vector<16xf32>
          %max3A_304 = arith.constant 0.000000e+00 : f32
          %max3A_305 = vector.broadcast %max3A_304 : f32 to vector<16xf32>
          %max3A_306 = arith.maximumf %sub3A_303, %max3A_305 : vector<16xf32>
          %add3A_307 = arith.constant 16 : i32
          %add3A_308 = vector.broadcast %add3A_307 : i32 to vector<16xi32>
          %add3A_309 = arith.addi %add3A_281, %add3A_308 : vector<16xi32>
          %gather3A_310 = tpu.vector_load_idx %arg8[%add3A_309] : memref<40960xf32, #tpu.memory_space<vmem>>[vector<16xi32>], vector<16xf32>,
          %max3A_311 = arith.maximumf %gather3A_310, %max3A_306 : vector<16xf32>
          tpu.vector_store_idx %arg8[%add3A_309], %max3A_311 : memref<40960xf32, #tpu.memory_space<vmem>>[vector<16xi32>], vector<16xf32>,
          tpu.vector_store_idx %arg9[%add3A_309], %max3A_306 {add = true} : memref<40960xf32, #tpu.memory_space<vmem>>[vector<16xi32>], vector<16xf32>,
          %get3A_312 = arith.index_cast %scan3A_272 : i32 to index
          %get3A_313 = arith.constant 32 : index
          %get3A_314 = tpu.vector_load %arg17[%get3A_312, %get3A_313] {strides = array<i32>} : memref<64x128xf32, #tpu.memory_space<vmem>>, vector<16xf32>,
          %get3A_315 = arith.index_cast %scan3A_272 : i32 to index
          %get3A_316 = arith.constant 32 : index
          %get3A_317 = tpu.vector_load %arg18[%get3A_315, %get3A_316] {strides = array<i32>} : memref<64x128xf32, #tpu.memory_space<vmem>>, vector<16xf32>,
          %sub3A_318 = arith.subf %get3A_314, %get3A_317 : vector<16xf32>
          %max3A_319 = arith.constant 0.000000e+00 : f32
          %max3A_320 = vector.broadcast %max3A_319 : f32 to vector<16xf32>
          %max3A_321 = arith.maximumf %sub3A_318, %max3A_320 : vector<16xf32>
          %add3A_322 = arith.constant 32 : i32
          %add3A_323 = vector.broadcast %add3A_322 : i32 to vector<16xi32>
          %add3A_324 = arith.addi %add3A_281, %add3A_323 : vector<16xi32>
          %gather3A_325 = tpu.vector_load_idx %arg8[%add3A_324] : memref<40960xf32, #tpu.memory_space<vmem>>[vector<16xi32>], vector<16xf32>,
          %max3A_326 = arith.maximumf %gather3A_325, %max3A_321 : vector<16xf32>
          tpu.vector_store_idx %arg8[%add3A_324], %max3A_326 : memref<40960xf32, #tpu.memory_space<vmem>>[vector<16xi32>], vector<16xf32>,
          tpu.vector_store_idx %arg9[%add3A_324], %max3A_321 {add = true} : memref<40960xf32, #tpu.memory_space<vmem>>[vector<16xi32>], vector<16xf32>,
          %get3A_327 = arith.index_cast %scan3A_272 : i32 to index
          %get3A_328 = arith.constant 48 : index
          %get3A_329 = tpu.vector_load %arg17[%get3A_327, %get3A_328] {strides = array<i32>} : memref<64x128xf32, #tpu.memory_space<vmem>>, vector<16xf32>,
          %get3A_330 = arith.index_cast %scan3A_272 : i32 to index
          %get3A_331 = arith.constant 48 : index
          %get3A_332 = tpu.vector_load %arg18[%get3A_330, %get3A_331] {strides = array<i32>} : memref<64x128xf32, #tpu.memory_space<vmem>>, vector<16xf32>,
          %sub3A_333 = arith.subf %get3A_329, %get3A_332 : vector<16xf32>
          %max3A_334 = arith.constant 0.000000e+00 : f32
          %max3A_335 = vector.broadcast %max3A_334 : f32 to vector<16xf32>
          %max3A_336 = arith.maximumf %sub3A_333, %max3A_335 : vector<16xf32>
          %add3A_337 = arith.constant 48 : i32
          %add3A_338 = vector.broadcast %add3A_337 : i32 to vector<16xi32>
          %add3A_339 = arith.addi %add3A_281, %add3A_338 : vector<16xi32>
          %gather3A_340 = tpu.vector_load_idx %arg8[%add3A_339] : memref<40960xf32, #tpu.memory_space<vmem>>[vector<16xi32>], vector<16xf32>,
          %max3A_341 = arith.maximumf %gather3A_340, %max3A_336 : vector<16xf32>
          tpu.vector_store_idx %arg8[%add3A_339], %max3A_341 : memref<40960xf32, #tpu.memory_space<vmem>>[vector<16xi32>], vector<16xf32>,
          tpu.vector_store_idx %arg9[%add3A_339], %max3A_336 {add = true} : memref<40960xf32, #tpu.memory_space<vmem>>[vector<16xi32>], vector<16xf32>,
          %get3A_342 = arith.index_cast %scan3A_272 : i32 to index
          %get3A_343 = arith.constant 64 : index
          %get3A_344 = tpu.vector_load %arg17[%get3A_342, %get3A_343] {strides = array<i32>} : memref<64x128xf32, #tpu.memory_space<vmem>>, vector<16xf32>,
          %get3A_345 = arith.index_cast %scan3A_272 : i32 to index
          %get3A_346 = arith.constant 64 : index
          %get3A_347 = tpu.vector_load %arg18[%get3A_345, %get3A_346] {strides = array<i32>} : memref<64x128xf32, #tpu.memory_space<vmem>>, vector<16xf32>,
          %sub3A_348 = arith.subf %get3A_344, %get3A_347 : vector<16xf32>
          %max3A_349 = arith.constant 0.000000e+00 : f32
          %max3A_350 = vector.broadcast %max3A_349 : f32 to vector<16xf32>
          %max3A_351 = arith.maximumf %sub3A_348, %max3A_350 : vector<16xf32>
          %add3A_352 = arith.constant 64 : i32
          %add3A_353 = vector.broadcast %add3A_352 : i32 to vector<16xi32>
          %add3A_354 = arith.addi %add3A_281, %add3A_353 : vector<16xi32>
          %gather3A_355 = tpu.vector_load_idx %arg8[%add3A_354] : memref<40960xf32, #tpu.memory_space<vmem>>[vector<16xi32>], vector<16xf32>,
          %max3A_356 = arith.maximumf %gather3A_355, %max3A_351 : vector<16xf32>
          tpu.vector_store_idx %arg8[%add3A_354], %max3A_356 : memref<40960xf32, #tpu.memory_space<vmem>>[vector<16xi32>], vector<16xf32>,
          tpu.vector_store_idx %arg9[%add3A_354], %max3A_351 {add = true} : memref<40960xf32, #tpu.memory_space<vmem>>[vector<16xi32>], vector<16xf32>,
          %get3A_357 = arith.index_cast %scan3A_272 : i32 to index
          %get3A_358 = arith.constant 80 : index
          %get3A_359 = tpu.vector_load %arg17[%get3A_357, %get3A_358] {strides = array<i32>} : memref<64x128xf32, #tpu.memory_space<vmem>>, vector<16xf32>,
          %get3A_360 = arith.index_cast %scan3A_272 : i32 to index
          %get3A_361 = arith.constant 80 : index
          %get3A_362 = tpu.vector_load %arg18[%get3A_360, %get3A_361] {strides = array<i32>} : memref<64x128xf32, #tpu.memory_space<vmem>>, vector<16xf32>,
          %sub3A_363 = arith.subf %get3A_359, %get3A_362 : vector<16xf32>
          %max3A_364 = arith.constant 0.000000e+00 : f32
          %max3A_365 = vector.broadcast %max3A_364 : f32 to vector<16xf32>
          %max3A_366 = arith.maximumf %sub3A_363, %max3A_365 : vector<16xf32>
          %add3A_367 = arith.constant 80 : i32
          %add3A_368 = vector.broadcast %add3A_367 : i32 to vector<16xi32>
          %add3A_369 = arith.addi %add3A_281, %add3A_368 : vector<16xi32>
          %gather3A_370 = tpu.vector_load_idx %arg8[%add3A_369] : memref<40960xf32, #tpu.memory_space<vmem>>[vector<16xi32>], vector<16xf32>,
          %max3A_371 = arith.maximumf %gather3A_370, %max3A_366 : vector<16xf32>
          tpu.vector_store_idx %arg8[%add3A_369], %max3A_371 : memref<40960xf32, #tpu.memory_space<vmem>>[vector<16xi32>], vector<16xf32>,
          tpu.vector_store_idx %arg9[%add3A_369], %max3A_366 {add = true} : memref<40960xf32, #tpu.memory_space<vmem>>[vector<16xi32>], vector<16xf32>,
          %get3A_372 = arith.index_cast %scan3A_272 : i32 to index
          %get3A_373 = arith.constant 96 : index
          %get3A_374 = tpu.vector_load %arg17[%get3A_372, %get3A_373] {strides = array<i32>} : memref<64x128xf32, #tpu.memory_space<vmem>>, vector<16xf32>,
          %get3A_375 = arith.index_cast %scan3A_272 : i32 to index
          %get3A_376 = arith.constant 96 : index
          %get3A_377 = tpu.vector_load %arg18[%get3A_375, %get3A_376] {strides = array<i32>} : memref<64x128xf32, #tpu.memory_space<vmem>>, vector<16xf32>,
          %sub3A_378 = arith.subf %get3A_374, %get3A_377 : vector<16xf32>
          %max3A_379 = arith.constant 0.000000e+00 : f32
          %max3A_380 = vector.broadcast %max3A_379 : f32 to vector<16xf32>
          %max3A_381 = arith.maximumf %sub3A_378, %max3A_380 : vector<16xf32>
          %add3A_382 = arith.constant 96 : i32
          %add3A_383 = vector.broadcast %add3A_382 : i32 to vector<16xi32>
          %add3A_384 = arith.addi %add3A_281, %add3A_383 : vector<16xi32>
          %gather3A_385 = tpu.vector_load_idx %arg8[%add3A_384] : memref<40960xf32, #tpu.memory_space<vmem>>[vector<16xi32>], vector<16xf32>,
          %max3A_386 = arith.maximumf %gather3A_385, %max3A_381 : vector<16xf32>
          tpu.vector_store_idx %arg8[%add3A_384], %max3A_386 : memref<40960xf32, #tpu.memory_space<vmem>>[vector<16xi32>], vector<16xf32>,
          tpu.vector_store_idx %arg9[%add3A_384], %max3A_381 {add = true} : memref<40960xf32, #tpu.memory_space<vmem>>[vector<16xi32>], vector<16xf32>,
          %get3A_387 = arith.index_cast %scan3A_272 : i32 to index
          %get3A_388 = arith.constant 112 : index
          %get3A_389 = tpu.vector_load %arg17[%get3A_387, %get3A_388] {strides = array<i32>} : memref<64x128xf32, #tpu.memory_space<vmem>>, vector<16xf32>,
          %get3A_390 = arith.index_cast %scan3A_272 : i32 to index
          %get3A_391 = arith.constant 112 : index
          %get3A_392 = tpu.vector_load %arg18[%get3A_390, %get3A_391] {strides = array<i32>} : memref<64x128xf32, #tpu.memory_space<vmem>>, vector<16xf32>,
          %sub3A_393 = arith.subf %get3A_389, %get3A_392 : vector<16xf32>
          %max3A_394 = arith.constant 0.000000e+00 : f32
          %max3A_395 = vector.broadcast %max3A_394 : f32 to vector<16xf32>
          %max3A_396 = arith.maximumf %sub3A_393, %max3A_395 : vector<16xf32>
          %add3A_397 = arith.constant 112 : i32
          %add3A_398 = vector.broadcast %add3A_397 : i32 to vector<16xi32>
          %add3A_399 = arith.addi %add3A_281, %add3A_398 : vector<16xi32>
          %gather3A_400 = tpu.vector_load_idx %arg8[%add3A_399] : memref<40960xf32, #tpu.memory_space<vmem>>[vector<16xi32>], vector<16xf32>,
          %max3A_401 = arith.maximumf %gather3A_400, %max3A_396 : vector<16xf32>
          tpu.vector_store_idx %arg8[%add3A_399], %max3A_401 : memref<40960xf32, #tpu.memory_space<vmem>>[vector<16xi32>], vector<16xf32>,
          tpu.vector_store_idx %arg9[%add3A_399], %max3A_396 {add = true} : memref<40960xf32, #tpu.memory_space<vmem>>[vector<16xi32>], vector<16xf32>,
          %sub3A_402 = vector.broadcast %mul3A_2 : i32 to vector<16xi32>
          %sub3A_403 = arith.subi %gather3A, %sub3A_402 : vector<16xi32>
          %mul3A_404 = arith.constant 16 : i32
          %mul3A_405 = vector.broadcast %mul3A_404 : i32 to vector<16xi32>
          %mul3A_406 = arith.muli %sub3A_403, %mul3A_405 : vector<16xi32>
          %add3A_407 = arith.addi %mul3A_406, %iota3A : vector<16xi32>
          tpu.vector_store_idx %arg10[%add3A_407], %broadcast_in_dim3A_7 {add = true} : memref<5120xf32, #tpu.memory_space<vmem>>[vector<16xi32>], vector<16xf32>,
          %scan3A_408 = arith.constant 0 : i32
          %scan3A_409 = arith.constant 1 : i32
          %scan3A_410 = arith.addi %scan3A_272, %scan3A_409 : i32
          %add3A_411 = arith.addi %multiple_of3A_201, %scan3A_410 : i32
          %broadcast_in_dim3A_412 = vector.broadcast %add3A_411 : i32 to vector<16xi32>
          %gather3A_413 = tpu.vector_load_idx %arg16[%broadcast_in_dim3A_412] : memref<8192xi32, #tpu.memory_space<vmem>>[vector<16xi32>], vector<16xi32>,
          %sub3A_414 = vector.broadcast %mul3A_2 : i32 to vector<16xi32>
          %sub3A_415 = arith.subi %gather3A_413, %sub3A_414 : vector<16xi32>
          %mul3A_416 = arith.constant 128 : i32
          %mul3A_417 = vector.broadcast %mul3A_416 : i32 to vector<16xi32>
          %mul3A_418 = arith.muli %sub3A_415, %mul3A_417 : vector<16xi32>
          %add3A_419 = arith.addi %mul3A_418, %iota3A : vector<16xi32>
          %get3A_420 = arith.index_cast %scan3A_410 : i32 to index
          %get3A_421 = arith.constant 0 : index
          %get3A_422 = tpu.vector_load %arg17[%get3A_420, %get3A_421] {strides = array<i32>} : memref<64x128xf32, #tpu.memory_space<vmem>>, vector<16xf32>,
          %get3A_423 = arith.index_cast %scan3A_410 : i32 to index
          %get3A_424 = arith.constant 0 : index
          %get3A_425 = tpu.vector_load %arg18[%get3A_423, %get3A_424] {strides = array<i32>} : memref<64x128xf32, #tpu.memory_space<vmem>>, vector<16xf32>,
          %sub3A_426 = arith.subf %get3A_422, %get3A_425 : vector<16xf32>
          %max3A_427 = arith.constant 0.000000e+00 : f32
          %max3A_428 = vector.broadcast %max3A_427 : f32 to vector<16xf32>
          %max3A_429 = arith.maximumf %sub3A_426, %max3A_428 : vector<16xf32>
          %add3A_430 = arith.constant 0 : i32
          %add3A_431 = vector.broadcast %add3A_430 : i32 to vector<16xi32>
          %add3A_432 = arith.addi %add3A_419, %add3A_431 : vector<16xi32>
          %gather3A_433 = tpu.vector_load_idx %arg8[%add3A_432] : memref<40960xf32, #tpu.memory_space<vmem>>[vector<16xi32>], vector<16xf32>,
          %max3A_434 = arith.maximumf %gather3A_433, %max3A_429 : vector<16xf32>
          tpu.vector_store_idx %arg8[%add3A_432], %max3A_434 : memref<40960xf32, #tpu.memory_space<vmem>>[vector<16xi32>], vector<16xf32>,
          tpu.vector_store_idx %arg9[%add3A_432], %max3A_429 {add = true} : memref<40960xf32, #tpu.memory_space<vmem>>[vector<16xi32>], vector<16xf32>,
          %get3A_435 = arith.index_cast %scan3A_410 : i32 to index
          %get3A_436 = arith.constant 16 : index
          %get3A_437 = tpu.vector_load %arg17[%get3A_435, %get3A_436] {strides = array<i32>} : memref<64x128xf32, #tpu.memory_space<vmem>>, vector<16xf32>,
          %get3A_438 = arith.index_cast %scan3A_410 : i32 to index
          %get3A_439 = arith.constant 16 : index
          %get3A_440 = tpu.vector_load %arg18[%get3A_438, %get3A_439] {strides = array<i32>} : memref<64x128xf32, #tpu.memory_space<vmem>>, vector<16xf32>,
          %sub3A_441 = arith.subf %get3A_437, %get3A_440 : vector<16xf32>
          %max3A_442 = arith.constant 0.000000e+00 : f32
          %max3A_443 = vector.broadcast %max3A_442 : f32 to vector<16xf32>
          %max3A_444 = arith.maximumf %sub3A_441, %max3A_443 : vector<16xf32>
          %add3A_445 = arith.constant 16 : i32
          %add3A_446 = vector.broadcast %add3A_445 : i32 to vector<16xi32>
          %add3A_447 = arith.addi %add3A_419, %add3A_446 : vector<16xi32>
          %gather3A_448 = tpu.vector_load_idx %arg8[%add3A_447] : memref<40960xf32, #tpu.memory_space<vmem>>[vector<16xi32>], vector<16xf32>,
          %max3A_449 = arith.maximumf %gather3A_448, %max3A_444 : vector<16xf32>
          tpu.vector_store_idx %arg8[%add3A_447], %max3A_449 : memref<40960xf32, #tpu.memory_space<vmem>>[vector<16xi32>], vector<16xf32>,
          tpu.vector_store_idx %arg9[%add3A_447], %max3A_444 {add = true} : memref<40960xf32, #tpu.memory_space<vmem>>[vector<16xi32>], vector<16xf32>,
          %get3A_450 = arith.index_cast %scan3A_410 : i32 to index
          %get3A_451 = arith.constant 32 : index
          %get3A_452 = tpu.vector_load %arg17[%get3A_450, %get3A_451] {strides = array<i32>} : memref<64x128xf32, #tpu.memory_space<vmem>>, vector<16xf32>,
          %get3A_453 = arith.index_cast %scan3A_410 : i32 to index
          %get3A_454 = arith.constant 32 : index
          %get3A_455 = tpu.vector_load %arg18[%get3A_453, %get3A_454] {strides = array<i32>} : memref<64x128xf32, #tpu.memory_space<vmem>>, vector<16xf32>,
          %sub3A_456 = arith.subf %get3A_452, %get3A_455 : vector<16xf32>
          %max3A_457 = arith.constant 0.000000e+00 : f32
          %max3A_458 = vector.broadcast %max3A_457 : f32 to vector<16xf32>
          %max3A_459 = arith.maximumf %sub3A_456, %max3A_458 : vector<16xf32>
          %add3A_460 = arith.constant 32 : i32
          %add3A_461 = vector.broadcast %add3A_460 : i32 to vector<16xi32>
          %add3A_462 = arith.addi %add3A_419, %add3A_461 : vector<16xi32>
          %gather3A_463 = tpu.vector_load_idx %arg8[%add3A_462] : memref<40960xf32, #tpu.memory_space<vmem>>[vector<16xi32>], vector<16xf32>,
          %max3A_464 = arith.maximumf %gather3A_463, %max3A_459 : vector<16xf32>
          tpu.vector_store_idx %arg8[%add3A_462], %max3A_464 : memref<40960xf32, #tpu.memory_space<vmem>>[vector<16xi32>], vector<16xf32>,
          tpu.vector_store_idx %arg9[%add3A_462], %max3A_459 {add = true} : memref<40960xf32, #tpu.memory_space<vmem>>[vector<16xi32>], vector<16xf32>,
          %get3A_465 = arith.index_cast %scan3A_410 : i32 to index
          %get3A_466 = arith.constant 48 : index
          %get3A_467 = tpu.vector_load %arg17[%get3A_465, %get3A_466] {strides = array<i32>} : memref<64x128xf32, #tpu.memory_space<vmem>>, vector<16xf32>,
          %get3A_468 = arith.index_cast %scan3A_410 : i32 to index
          %get3A_469 = arith.constant 48 : index
          %get3A_470 = tpu.vector_load %arg18[%get3A_468, %get3A_469] {strides = array<i32>} : memref<64x128xf32, #tpu.memory_space<vmem>>, vector<16xf32>,
          %sub3A_471 = arith.subf %get3A_467, %get3A_470 : vector<16xf32>
          %max3A_472 = arith.constant 0.000000e+00 : f32
          %max3A_473 = vector.broadcast %max3A_472 : f32 to vector<16xf32>
          %max3A_474 = arith.maximumf %sub3A_471, %max3A_473 : vector<16xf32>
          %add3A_475 = arith.constant 48 : i32
          %add3A_476 = vector.broadcast %add3A_475 : i32 to vector<16xi32>
          %add3A_477 = arith.addi %add3A_419, %add3A_476 : vector<16xi32>
          %gather3A_478 = tpu.vector_load_idx %arg8[%add3A_477] : memref<40960xf32, #tpu.memory_space<vmem>>[vector<16xi32>], vector<16xf32>,
          %max3A_479 = arith.maximumf %gather3A_478, %max3A_474 : vector<16xf32>
          tpu.vector_store_idx %arg8[%add3A_477], %max3A_479 : memref<40960xf32, #tpu.memory_space<vmem>>[vector<16xi32>], vector<16xf32>,
          tpu.vector_store_idx %arg9[%add3A_477], %max3A_474 {add = true} : memref<40960xf32, #tpu.memory_space<vmem>>[vector<16xi32>], vector<16xf32>,
          %get3A_480 = arith.index_cast %scan3A_410 : i32 to index
          %get3A_481 = arith.constant 64 : index
          %get3A_482 = tpu.vector_load %arg17[%get3A_480, %get3A_481] {strides = array<i32>} : memref<64x128xf32, #tpu.memory_space<vmem>>, vector<16xf32>,
          %get3A_483 = arith.index_cast %scan3A_410 : i32 to index
          %get3A_484 = arith.constant 64 : index
          %get3A_485 = tpu.vector_load %arg18[%get3A_483, %get3A_484] {strides = array<i32>} : memref<64x128xf32, #tpu.memory_space<vmem>>, vector<16xf32>,
          %sub3A_486 = arith.subf %get3A_482, %get3A_485 : vector<16xf32>
          %max3A_487 = arith.constant 0.000000e+00 : f32
          %max3A_488 = vector.broadcast %max3A_487 : f32 to vector<16xf32>
          %max3A_489 = arith.maximumf %sub3A_486, %max3A_488 : vector<16xf32>
          %add3A_490 = arith.constant 64 : i32
          %add3A_491 = vector.broadcast %add3A_490 : i32 to vector<16xi32>
          %add3A_492 = arith.addi %add3A_419, %add3A_491 : vector<16xi32>
          %gather3A_493 = tpu.vector_load_idx %arg8[%add3A_492] : memref<40960xf32, #tpu.memory_space<vmem>>[vector<16xi32>], vector<16xf32>,
          %max3A_494 = arith.maximumf %gather3A_493, %max3A_489 : vector<16xf32>
          tpu.vector_store_idx %arg8[%add3A_492], %max3A_494 : memref<40960xf32, #tpu.memory_space<vmem>>[vector<16xi32>], vector<16xf32>,
          tpu.vector_store_idx %arg9[%add3A_492], %max3A_489 {add = true} : memref<40960xf32, #tpu.memory_space<vmem>>[vector<16xi32>], vector<16xf32>,
          %get3A_495 = arith.index_cast %scan3A_410 : i32 to index
          %get3A_496 = arith.constant 80 : index
          %get3A_497 = tpu.vector_load %arg17[%get3A_495, %get3A_496] {strides = array<i32>} : memref<64x128xf32, #tpu.memory_space<vmem>>, vector<16xf32>,
          %get3A_498 = arith.index_cast %scan3A_410 : i32 to index
          %get3A_499 = arith.constant 80 : index
          %get3A_500 = tpu.vector_load %arg18[%get3A_498, %get3A_499] {strides = array<i32>} : memref<64x128xf32, #tpu.memory_space<vmem>>, vector<16xf32>,
          %sub3A_501 = arith.subf %get3A_497, %get3A_500 : vector<16xf32>
          %max3A_502 = arith.constant 0.000000e+00 : f32
          %max3A_503 = vector.broadcast %max3A_502 : f32 to vector<16xf32>
          %max3A_504 = arith.maximumf %sub3A_501, %max3A_503 : vector<16xf32>
          %add3A_505 = arith.constant 80 : i32
          %add3A_506 = vector.broadcast %add3A_505 : i32 to vector<16xi32>
          %add3A_507 = arith.addi %add3A_419, %add3A_506 : vector<16xi32>
          %gather3A_508 = tpu.vector_load_idx %arg8[%add3A_507] : memref<40960xf32, #tpu.memory_space<vmem>>[vector<16xi32>], vector<16xf32>,
          %max3A_509 = arith.maximumf %gather3A_508, %max3A_504 : vector<16xf32>
          tpu.vector_store_idx %arg8[%add3A_507], %max3A_509 : memref<40960xf32, #tpu.memory_space<vmem>>[vector<16xi32>], vector<16xf32>,
          tpu.vector_store_idx %arg9[%add3A_507], %max3A_504 {add = true} : memref<40960xf32, #tpu.memory_space<vmem>>[vector<16xi32>], vector<16xf32>,
          %get3A_510 = arith.index_cast %scan3A_410 : i32 to index
          %get3A_511 = arith.constant 96 : index
          %get3A_512 = tpu.vector_load %arg17[%get3A_510, %get3A_511] {strides = array<i32>} : memref<64x128xf32, #tpu.memory_space<vmem>>, vector<16xf32>,
          %get3A_513 = arith.index_cast %scan3A_410 : i32 to index
          %get3A_514 = arith.constant 96 : index
          %get3A_515 = tpu.vector_load %arg18[%get3A_513, %get3A_514] {strides = array<i32>} : memref<64x128xf32, #tpu.memory_space<vmem>>, vector<16xf32>,
          %sub3A_516 = arith.subf %get3A_512, %get3A_515 : vector<16xf32>
          %max3A_517 = arith.constant 0.000000e+00 : f32
          %max3A_518 = vector.broadcast %max3A_517 : f32 to vector<16xf32>
          %max3A_519 = arith.maximumf %sub3A_516, %max3A_518 : vector<16xf32>
          %add3A_520 = arith.constant 96 : i32
          %add3A_521 = vector.broadcast %add3A_520 : i32 to vector<16xi32>
          %add3A_522 = arith.addi %add3A_419, %add3A_521 : vector<16xi32>
          %gather3A_523 = tpu.vector_load_idx %arg8[%add3A_522] : memref<40960xf32, #tpu.memory_space<vmem>>[vector<16xi32>], vector<16xf32>,
          %max3A_524 = arith.maximumf %gather3A_523, %max3A_519 : vector<16xf32>
          tpu.vector_store_idx %arg8[%add3A_522], %max3A_524 : memref<40960xf32, #tpu.memory_space<vmem>>[vector<16xi32>], vector<16xf32>,
          tpu.vector_store_idx %arg9[%add3A_522], %max3A_519 {add = true} : memref<40960xf32, #tpu.memory_space<vmem>>[vector<16xi32>], vector<16xf32>,
          %get3A_525 = arith.index_cast %scan3A_410 : i32 to index
          %get3A_526 = arith.constant 112 : index
          %get3A_527 = tpu.vector_load %arg17[%get3A_525, %get3A_526] {strides = array<i32>} : memref<64x128xf32, #tpu.memory_space<vmem>>, vector<16xf32>,
          %get3A_528 = arith.index_cast %scan3A_410 : i32 to index
          %get3A_529 = arith.constant 112 : index
          %get3A_530 = tpu.vector_load %arg18[%get3A_528, %get3A_529] {strides = array<i32>} : memref<64x128xf32, #tpu.memory_space<vmem>>, vector<16xf32>,
          %sub3A_531 = arith.subf %get3A_527, %get3A_530 : vector<16xf32>
          %max3A_532 = arith.constant 0.000000e+00 : f32
          %max3A_533 = vector.broadcast %max3A_532 : f32 to vector<16xf32>
          %max3A_534 = arith.maximumf %sub3A_531, %max3A_533 : vector<16xf32>
          %add3A_535 = arith.constant 112 : i32
          %add3A_536 = vector.broadcast %add3A_535 : i32 to vector<16xi32>
          %add3A_537 = arith.addi %add3A_419, %add3A_536 : vector<16xi32>
          %gather3A_538 = tpu.vector_load_idx %arg8[%add3A_537] : memref<40960xf32, #tpu.memory_space<vmem>>[vector<16xi32>], vector<16xf32>,
          %max3A_539 = arith.maximumf %gather3A_538, %max3A_534 : vector<16xf32>
          tpu.vector_store_idx %arg8[%add3A_537], %max3A_539 : memref<40960xf32, #tpu.memory_space<vmem>>[vector<16xi32>], vector<16xf32>,
          tpu.vector_store_idx %arg9[%add3A_537], %max3A_534 {add = true} : memref<40960xf32, #tpu.memory_space<vmem>>[vector<16xi32>], vector<16xf32>,
          %sub3A_540 = vector.broadcast %mul3A_2 : i32 to vector<16xi32>
          %sub3A_541 = arith.subi %gather3A_413, %sub3A_540 : vector<16xi32>
          %mul3A_542 = arith.constant 16 : i32
          %mul3A_543 = vector.broadcast %mul3A_542 : i32 to vector<16xi32>
          %mul3A_544 = arith.muli %sub3A_541, %mul3A_543 : vector<16xi32>
          %add3A_545 = arith.addi %mul3A_544, %iota3A : vector<16xi32>
          tpu.vector_store_idx %arg10[%add3A_545], %broadcast_in_dim3A_7 {add = true} : memref<5120xf32, #tpu.memory_space<vmem>>[vector<16xi32>], vector<16xf32>,
          %scan3A_546 = arith.constant 0 : i32
          scf.yield %scan3A_546 : i32
        }
        %scan3A_271 = arith.constant 64 : i32
      } else {
      }
      %add3A_245 = arith.constant 64 : i32
      %add3A_246 = arith.addi %while3A_169, %add3A_245 : i32
      %select_n3A_247 = arith.select %ge3A_198, %add3A_246, %while3A_169 : i32
      %reduce_max3A_248 = arith.constant true
      %reduce_max3A_249 = vector.broadcast %reduce_max3A_248 : i1 to vector<16xi1>
      %reduce_max3A_250 = arith.constant -2147483648 : i32
      %reduce_max3A_251 = vector.broadcast %reduce_max3A_250 : i32 to vector<16xi32>
      %reduce_max3A_252 = arith.xori %add3A_240, %reduce_max3A_251 : vector<16xi32>
      %reduce_max3A_253 = tpu.scan <max>, %reduce_max3A_252 masked %reduce_max3A_249 : vector<16xi32>, vector<16xi1> -> vector<16xi32>
      %reduce_max3A_254 = arith.xori %reduce_max3A_253, %reduce_max3A_251 : vector<16xi32>
      %reduce_max3A_255 = vector.extract %reduce_max3A_254[15] : i32 from vector<16xi32>
      %while3A_256 = scf.while (%while3A_257 = %select_n3A_247) : (i32) -> i32 {
        %sub3A_258 = arith.subi %reduce_max3A_255, %while3A_257 : i32
        %gt3A = arith.constant 6192 : i32
        %gt3A_259 = arith.cmpi sgt, %sub3A_258, %gt3A : i32
        scf.condition(%gt3A_259) %while3A_257 : i32
      } do {
      ^bb0(%while3A_257: i32):
        %and3A_258 = arith.constant 8191 : i32
        %and3A_259 = arith.andi %while3A_257, %and3A_258 : i32
        %multiple_of3A_260 = tpu.assume_multiple %and3A_259, 64 : i32
        %dma_start3A_261 = tpu.memref_slice %arg15[%multiple_of3A_260] : memref<8192xi32, #tpu.memory_space<vmem>> -> memref<64xi32, #tpu.memory_space<vmem>>
        %dma_start3A_262 = arith.constant 0 : i32
        %dma_start3A_263 = arith.constant 0 : i32
        %dma_start3A_264 = tpu.memref_slice %arg4[%dma_start3A_262, %dma_start3A_263] : memref<10240x128xf32, #tpu.memory_space<hbm>> -> memref<10240x128xf32, #tpu.memory_space<hbm>>
        tpu.enqueue_indirect_dma source(%dma_start3A_264 : memref<10240x128xf32, #tpu.memory_space<hbm>>) target(%arg17 : memref<64x128xf32, #tpu.memory_space<vmem>>) offsets(%dma_start3A_261 : memref<64xi32, #tpu.memory_space<vmem>>) semaphore(%arg21 : memref<!tpu.dma_semaphore, #tpu.memory_space<semaphore_mem>>)
        %dma_start3A_265 = tpu.memref_slice %arg16[%multiple_of3A_260] : memref<8192xi32, #tpu.memory_space<vmem>> -> memref<64xi32, #tpu.memory_space<vmem>>
        %dma_start3A_266 = arith.constant 0 : i32
        %dma_start3A_267 = arith.constant 0 : i32
        %dma_start3A_268 = tpu.memref_slice %arg5[%dma_start3A_266, %dma_start3A_267] : memref<10240x128xf32, #tpu.memory_space<hbm>> -> memref<10240x128xf32, #tpu.memory_space<hbm>>
        tpu.enqueue_indirect_dma source(%dma_start3A_268 : memref<10240x128xf32, #tpu.memory_space<hbm>>) target(%arg18 : memref<64x128xf32, #tpu.memory_space<vmem>>) offsets(%dma_start3A_265 : memref<64xi32, #tpu.memory_space<vmem>>) semaphore(%arg22 : memref<!tpu.dma_semaphore, #tpu.memory_space<semaphore_mem>>)
        %dma_wait3A_269 = tpu.memref_slice %arg15[%multiple_of3A_260] : memref<8192xi32, #tpu.memory_space<vmem>> -> memref<64xi32, #tpu.memory_space<vmem>>
        %dma_wait3A_270 = arith.constant 0 : i32
        %dma_wait3A_271 = arith.constant 0 : i32
        %dma_wait3A_272 = tpu.memref_slice %arg4[%dma_wait3A_270, %dma_wait3A_271] : memref<10240x128xf32, #tpu.memory_space<hbm>> -> memref<10240x128xf32, #tpu.memory_space<hbm>>
        tpu.wait_indirect_dma semaphore(%arg21 : memref<!tpu.dma_semaphore, #tpu.memory_space<semaphore_mem>>) src(%dma_wait3A_272 : memref<10240x128xf32, #tpu.memory_space<hbm>>) dst(%arg17 : memref<64x128xf32, #tpu.memory_space<vmem>>)
        %dma_wait3A_273 = tpu.memref_slice %arg16[%multiple_of3A_260] : memref<8192xi32, #tpu.memory_space<vmem>> -> memref<64xi32, #tpu.memory_space<vmem>>
        %dma_wait3A_274 = arith.constant 0 : i32
        %dma_wait3A_275 = arith.constant 0 : i32
        %dma_wait3A_276 = tpu.memref_slice %arg5[%dma_wait3A_274, %dma_wait3A_275] : memref<10240x128xf32, #tpu.memory_space<hbm>> -> memref<10240x128xf32, #tpu.memory_space<hbm>>
        tpu.wait_indirect_dma semaphore(%arg22 : memref<!tpu.dma_semaphore, #tpu.memory_space<semaphore_mem>>) src(%dma_wait3A_276 : memref<10240x128xf32, #tpu.memory_space<hbm>>) dst(%arg18 : memref<64x128xf32, #tpu.memory_space<vmem>>)
        %scan3A_277 = arith.constant 0 : i32
        %scan3A_278 = arith.constant 0 : i32
        %scan3A_279 = arith.constant 64 : i32
        %scan3A_280 = arith.addi %scan3A_278, %scan3A_279 : i32
        %scan3A_281 = arith.constant 2 : i32
        %scan3A_282 = scf.for %scan3A_286 = %scan3A_278 to %scan3A_280 step %scan3A_281 iter_args(%scan3A_287 = %scan3A_277) -> (i32)  : i32 {
          %add3A_288 = arith.addi %multiple_of3A_260, %scan3A_286 : i32
          %broadcast_in_dim3A_289 = vector.broadcast %add3A_288 : i32 to vector<16xi32>
          %gather3A = tpu.vector_load_idx %arg16[%broadcast_in_dim3A_289] : memref<8192xi32, #tpu.memory_space<vmem>>[vector<16xi32>], vector<16xi32>,
          %sub3A_290 = vector.broadcast %mul3A_2 : i32 to vector<16xi32>
          %sub3A_291 = arith.subi %gather3A, %sub3A_290 : vector<16xi32>
          %mul3A_292 = arith.constant 128 : i32
          %mul3A_293 = vector.broadcast %mul3A_292 : i32 to vector<16xi32>
          %mul3A_294 = arith.muli %sub3A_291, %mul3A_293 : vector<16xi32>
          %add3A_295 = arith.addi %mul3A_294, %iota3A : vector<16xi32>
          %get3A_296 = arith.index_cast %scan3A_286 : i32 to index
          %get3A_297 = arith.constant 0 : index
          %get3A_298 = tpu.vector_load %arg17[%get3A_296, %get3A_297] {strides = array<i32>} : memref<64x128xf32, #tpu.memory_space<vmem>>, vector<16xf32>,
          %get3A_299 = arith.index_cast %scan3A_286 : i32 to index
          %get3A_300 = arith.constant 0 : index
          %get3A_301 = tpu.vector_load %arg18[%get3A_299, %get3A_300] {strides = array<i32>} : memref<64x128xf32, #tpu.memory_space<vmem>>, vector<16xf32>,
          %sub3A_302 = arith.subf %get3A_298, %get3A_301 : vector<16xf32>
          %max3A_303 = arith.constant 0.000000e+00 : f32
          %max3A_304 = vector.broadcast %max3A_303 : f32 to vector<16xf32>
          %max3A_305 = arith.maximumf %sub3A_302, %max3A_304 : vector<16xf32>
          %add3A_306 = arith.constant 0 : i32
          %add3A_307 = vector.broadcast %add3A_306 : i32 to vector<16xi32>
          %add3A_308 = arith.addi %add3A_295, %add3A_307 : vector<16xi32>
          %gather3A_309 = tpu.vector_load_idx %arg8[%add3A_308] : memref<40960xf32, #tpu.memory_space<vmem>>[vector<16xi32>], vector<16xf32>,
          %max3A_310 = arith.maximumf %gather3A_309, %max3A_305 : vector<16xf32>
          tpu.vector_store_idx %arg8[%add3A_308], %max3A_310 : memref<40960xf32, #tpu.memory_space<vmem>>[vector<16xi32>], vector<16xf32>,
          tpu.vector_store_idx %arg9[%add3A_308], %max3A_305 {add = true} : memref<40960xf32, #tpu.memory_space<vmem>>[vector<16xi32>], vector<16xf32>,
          %get3A_311 = arith.index_cast %scan3A_286 : i32 to index
          %get3A_312 = arith.constant 16 : index
          %get3A_313 = tpu.vector_load %arg17[%get3A_311, %get3A_312] {strides = array<i32>} : memref<64x128xf32, #tpu.memory_space<vmem>>, vector<16xf32>,
          %get3A_314 = arith.index_cast %scan3A_286 : i32 to index
          %get3A_315 = arith.constant 16 : index
          %get3A_316 = tpu.vector_load %arg18[%get3A_314, %get3A_315] {strides = array<i32>} : memref<64x128xf32, #tpu.memory_space<vmem>>, vector<16xf32>,
          %sub3A_317 = arith.subf %get3A_313, %get3A_316 : vector<16xf32>
          %max3A_318 = arith.constant 0.000000e+00 : f32
          %max3A_319 = vector.broadcast %max3A_318 : f32 to vector<16xf32>
          %max3A_320 = arith.maximumf %sub3A_317, %max3A_319 : vector<16xf32>
          %add3A_321 = arith.constant 16 : i32
          %add3A_322 = vector.broadcast %add3A_321 : i32 to vector<16xi32>
          %add3A_323 = arith.addi %add3A_295, %add3A_322 : vector<16xi32>
          %gather3A_324 = tpu.vector_load_idx %arg8[%add3A_323] : memref<40960xf32, #tpu.memory_space<vmem>>[vector<16xi32>], vector<16xf32>,
          %max3A_325 = arith.maximumf %gather3A_324, %max3A_320 : vector<16xf32>
          tpu.vector_store_idx %arg8[%add3A_323], %max3A_325 : memref<40960xf32, #tpu.memory_space<vmem>>[vector<16xi32>], vector<16xf32>,
          tpu.vector_store_idx %arg9[%add3A_323], %max3A_320 {add = true} : memref<40960xf32, #tpu.memory_space<vmem>>[vector<16xi32>], vector<16xf32>,
          %get3A_326 = arith.index_cast %scan3A_286 : i32 to index
          %get3A_327 = arith.constant 32 : index
          %get3A_328 = tpu.vector_load %arg17[%get3A_326, %get3A_327] {strides = array<i32>} : memref<64x128xf32, #tpu.memory_space<vmem>>, vector<16xf32>,
          %get3A_329 = arith.index_cast %scan3A_286 : i32 to index
          %get3A_330 = arith.constant 32 : index
          %get3A_331 = tpu.vector_load %arg18[%get3A_329, %get3A_330] {strides = array<i32>} : memref<64x128xf32, #tpu.memory_space<vmem>>, vector<16xf32>,
          %sub3A_332 = arith.subf %get3A_328, %get3A_331 : vector<16xf32>
          %max3A_333 = arith.constant 0.000000e+00 : f32
          %max3A_334 = vector.broadcast %max3A_333 : f32 to vector<16xf32>
          %max3A_335 = arith.maximumf %sub3A_332, %max3A_334 : vector<16xf32>
          %add3A_336 = arith.constant 32 : i32
          %add3A_337 = vector.broadcast %add3A_336 : i32 to vector<16xi32>
          %add3A_338 = arith.addi %add3A_295, %add3A_337 : vector<16xi32>
          %gather3A_339 = tpu.vector_load_idx %arg8[%add3A_338] : memref<40960xf32, #tpu.memory_space<vmem>>[vector<16xi32>], vector<16xf32>,
          %max3A_340 = arith.maximumf %gather3A_339, %max3A_335 : vector<16xf32>
          tpu.vector_store_idx %arg8[%add3A_338], %max3A_340 : memref<40960xf32, #tpu.memory_space<vmem>>[vector<16xi32>], vector<16xf32>,
          tpu.vector_store_idx %arg9[%add3A_338], %max3A_335 {add = true} : memref<40960xf32, #tpu.memory_space<vmem>>[vector<16xi32>], vector<16xf32>,
          %get3A_341 = arith.index_cast %scan3A_286 : i32 to index
          %get3A_342 = arith.constant 48 : index
          %get3A_343 = tpu.vector_load %arg17[%get3A_341, %get3A_342] {strides = array<i32>} : memref<64x128xf32, #tpu.memory_space<vmem>>, vector<16xf32>,
          %get3A_344 = arith.index_cast %scan3A_286 : i32 to index
          %get3A_345 = arith.constant 48 : index
          %get3A_346 = tpu.vector_load %arg18[%get3A_344, %get3A_345] {strides = array<i32>} : memref<64x128xf32, #tpu.memory_space<vmem>>, vector<16xf32>,
          %sub3A_347 = arith.subf %get3A_343, %get3A_346 : vector<16xf32>
          %max3A_348 = arith.constant 0.000000e+00 : f32
          %max3A_349 = vector.broadcast %max3A_348 : f32 to vector<16xf32>
          %max3A_350 = arith.maximumf %sub3A_347, %max3A_349 : vector<16xf32>
          %add3A_351 = arith.constant 48 : i32
          %add3A_352 = vector.broadcast %add3A_351 : i32 to vector<16xi32>
          %add3A_353 = arith.addi %add3A_295, %add3A_352 : vector<16xi32>
          %gather3A_354 = tpu.vector_load_idx %arg8[%add3A_353] : memref<40960xf32, #tpu.memory_space<vmem>>[vector<16xi32>], vector<16xf32>,
          %max3A_355 = arith.maximumf %gather3A_354, %max3A_350 : vector<16xf32>
          tpu.vector_store_idx %arg8[%add3A_353], %max3A_355 : memref<40960xf32, #tpu.memory_space<vmem>>[vector<16xi32>], vector<16xf32>,
          tpu.vector_store_idx %arg9[%add3A_353], %max3A_350 {add = true} : memref<40960xf32, #tpu.memory_space<vmem>>[vector<16xi32>], vector<16xf32>,
          %get3A_356 = arith.index_cast %scan3A_286 : i32 to index
          %get3A_357 = arith.constant 64 : index
          %get3A_358 = tpu.vector_load %arg17[%get3A_356, %get3A_357] {strides = array<i32>} : memref<64x128xf32, #tpu.memory_space<vmem>>, vector<16xf32>,
          %get3A_359 = arith.index_cast %scan3A_286 : i32 to index
          %get3A_360 = arith.constant 64 : index
          %get3A_361 = tpu.vector_load %arg18[%get3A_359, %get3A_360] {strides = array<i32>} : memref<64x128xf32, #tpu.memory_space<vmem>>, vector<16xf32>,
          %sub3A_362 = arith.subf %get3A_358, %get3A_361 : vector<16xf32>
          %max3A_363 = arith.constant 0.000000e+00 : f32
          %max3A_364 = vector.broadcast %max3A_363 : f32 to vector<16xf32>
          %max3A_365 = arith.maximumf %sub3A_362, %max3A_364 : vector<16xf32>
          %add3A_366 = arith.constant 64 : i32
          %add3A_367 = vector.broadcast %add3A_366 : i32 to vector<16xi32>
          %add3A_368 = arith.addi %add3A_295, %add3A_367 : vector<16xi32>
          %gather3A_369 = tpu.vector_load_idx %arg8[%add3A_368] : memref<40960xf32, #tpu.memory_space<vmem>>[vector<16xi32>], vector<16xf32>,
          %max3A_370 = arith.maximumf %gather3A_369, %max3A_365 : vector<16xf32>
          tpu.vector_store_idx %arg8[%add3A_368], %max3A_370 : memref<40960xf32, #tpu.memory_space<vmem>>[vector<16xi32>], vector<16xf32>,
          tpu.vector_store_idx %arg9[%add3A_368], %max3A_365 {add = true} : memref<40960xf32, #tpu.memory_space<vmem>>[vector<16xi32>], vector<16xf32>,
          %get3A_371 = arith.index_cast %scan3A_286 : i32 to index
          %get3A_372 = arith.constant 80 : index
          %get3A_373 = tpu.vector_load %arg17[%get3A_371, %get3A_372] {strides = array<i32>} : memref<64x128xf32, #tpu.memory_space<vmem>>, vector<16xf32>,
          %get3A_374 = arith.index_cast %scan3A_286 : i32 to index
          %get3A_375 = arith.constant 80 : index
          %get3A_376 = tpu.vector_load %arg18[%get3A_374, %get3A_375] {strides = array<i32>} : memref<64x128xf32, #tpu.memory_space<vmem>>, vector<16xf32>,
          %sub3A_377 = arith.subf %get3A_373, %get3A_376 : vector<16xf32>
          %max3A_378 = arith.constant 0.000000e+00 : f32
          %max3A_379 = vector.broadcast %max3A_378 : f32 to vector<16xf32>
          %max3A_380 = arith.maximumf %sub3A_377, %max3A_379 : vector<16xf32>
          %add3A_381 = arith.constant 80 : i32
          %add3A_382 = vector.broadcast %add3A_381 : i32 to vector<16xi32>
          %add3A_383 = arith.addi %add3A_295, %add3A_382 : vector<16xi32>
          %gather3A_384 = tpu.vector_load_idx %arg8[%add3A_383] : memref<40960xf32, #tpu.memory_space<vmem>>[vector<16xi32>], vector<16xf32>,
          %max3A_385 = arith.maximumf %gather3A_384, %max3A_380 : vector<16xf32>
          tpu.vector_store_idx %arg8[%add3A_383], %max3A_385 : memref<40960xf32, #tpu.memory_space<vmem>>[vector<16xi32>], vector<16xf32>,
          tpu.vector_store_idx %arg9[%add3A_383], %max3A_380 {add = true} : memref<40960xf32, #tpu.memory_space<vmem>>[vector<16xi32>], vector<16xf32>,
          %get3A_386 = arith.index_cast %scan3A_286 : i32 to index
          %get3A_387 = arith.constant 96 : index
          %get3A_388 = tpu.vector_load %arg17[%get3A_386, %get3A_387] {strides = array<i32>} : memref<64x128xf32, #tpu.memory_space<vmem>>, vector<16xf32>,
          %get3A_389 = arith.index_cast %scan3A_286 : i32 to index
          %get3A_390 = arith.constant 96 : index
          %get3A_391 = tpu.vector_load %arg18[%get3A_389, %get3A_390] {strides = array<i32>} : memref<64x128xf32, #tpu.memory_space<vmem>>, vector<16xf32>,
          %sub3A_392 = arith.subf %get3A_388, %get3A_391 : vector<16xf32>
          %max3A_393 = arith.constant 0.000000e+00 : f32
          %max3A_394 = vector.broadcast %max3A_393 : f32 to vector<16xf32>
          %max3A_395 = arith.maximumf %sub3A_392, %max3A_394 : vector<16xf32>
          %add3A_396 = arith.constant 96 : i32
          %add3A_397 = vector.broadcast %add3A_396 : i32 to vector<16xi32>
          %add3A_398 = arith.addi %add3A_295, %add3A_397 : vector<16xi32>
          %gather3A_399 = tpu.vector_load_idx %arg8[%add3A_398] : memref<40960xf32, #tpu.memory_space<vmem>>[vector<16xi32>], vector<16xf32>,
          %max3A_400 = arith.maximumf %gather3A_399, %max3A_395 : vector<16xf32>
          tpu.vector_store_idx %arg8[%add3A_398], %max3A_400 : memref<40960xf32, #tpu.memory_space<vmem>>[vector<16xi32>], vector<16xf32>,
          tpu.vector_store_idx %arg9[%add3A_398], %max3A_395 {add = true} : memref<40960xf32, #tpu.memory_space<vmem>>[vector<16xi32>], vector<16xf32>,
          %get3A_401 = arith.index_cast %scan3A_286 : i32 to index
          %get3A_402 = arith.constant 112 : index
          %get3A_403 = tpu.vector_load %arg17[%get3A_401, %get3A_402] {strides = array<i32>} : memref<64x128xf32, #tpu.memory_space<vmem>>, vector<16xf32>,
          %get3A_404 = arith.index_cast %scan3A_286 : i32 to index
          %get3A_405 = arith.constant 112 : index
          %get3A_406 = tpu.vector_load %arg18[%get3A_404, %get3A_405] {strides = array<i32>} : memref<64x128xf32, #tpu.memory_space<vmem>>, vector<16xf32>,
          %sub3A_407 = arith.subf %get3A_403, %get3A_406 : vector<16xf32>
          %max3A_408 = arith.constant 0.000000e+00 : f32
          %max3A_409 = vector.broadcast %max3A_408 : f32 to vector<16xf32>
          %max3A_410 = arith.maximumf %sub3A_407, %max3A_409 : vector<16xf32>
          %add3A_411 = arith.constant 112 : i32
          %add3A_412 = vector.broadcast %add3A_411 : i32 to vector<16xi32>
          %add3A_413 = arith.addi %add3A_295, %add3A_412 : vector<16xi32>
          %gather3A_414 = tpu.vector_load_idx %arg8[%add3A_413] : memref<40960xf32, #tpu.memory_space<vmem>>[vector<16xi32>], vector<16xf32>,
          %max3A_415 = arith.maximumf %gather3A_414, %max3A_410 : vector<16xf32>
          tpu.vector_store_idx %arg8[%add3A_413], %max3A_415 : memref<40960xf32, #tpu.memory_space<vmem>>[vector<16xi32>], vector<16xf32>,
          tpu.vector_store_idx %arg9[%add3A_413], %max3A_410 {add = true} : memref<40960xf32, #tpu.memory_space<vmem>>[vector<16xi32>], vector<16xf32>,
          %sub3A_416 = vector.broadcast %mul3A_2 : i32 to vector<16xi32>
          %sub3A_417 = arith.subi %gather3A, %sub3A_416 : vector<16xi32>
          %mul3A_418 = arith.constant 16 : i32
          %mul3A_419 = vector.broadcast %mul3A_418 : i32 to vector<16xi32>
          %mul3A_420 = arith.muli %sub3A_417, %mul3A_419 : vector<16xi32>
          %add3A_421 = arith.addi %mul3A_420, %iota3A : vector<16xi32>
          tpu.vector_store_idx %arg10[%add3A_421], %broadcast_in_dim3A_7 {add = true} : memref<5120xf32, #tpu.memory_space<vmem>>[vector<16xi32>], vector<16xf32>,
          %scan3A_422 = arith.constant 0 : i32
          %scan3A_423 = arith.constant 1 : i32
          %scan3A_424 = arith.addi %scan3A_286, %scan3A_423 : i32
          %add3A_425 = arith.addi %multiple_of3A_260, %scan3A_424 : i32
          %broadcast_in_dim3A_426 = vector.broadcast %add3A_425 : i32 to vector<16xi32>
          %gather3A_427 = tpu.vector_load_idx %arg16[%broadcast_in_dim3A_426] : memref<8192xi32, #tpu.memory_space<vmem>>[vector<16xi32>], vector<16xi32>,
          %sub3A_428 = vector.broadcast %mul3A_2 : i32 to vector<16xi32>
          %sub3A_429 = arith.subi %gather3A_427, %sub3A_428 : vector<16xi32>
          %mul3A_430 = arith.constant 128 : i32
          %mul3A_431 = vector.broadcast %mul3A_430 : i32 to vector<16xi32>
          %mul3A_432 = arith.muli %sub3A_429, %mul3A_431 : vector<16xi32>
          %add3A_433 = arith.addi %mul3A_432, %iota3A : vector<16xi32>
          %get3A_434 = arith.index_cast %scan3A_424 : i32 to index
          %get3A_435 = arith.constant 0 : index
          %get3A_436 = tpu.vector_load %arg17[%get3A_434, %get3A_435] {strides = array<i32>} : memref<64x128xf32, #tpu.memory_space<vmem>>, vector<16xf32>,
          %get3A_437 = arith.index_cast %scan3A_424 : i32 to index
          %get3A_438 = arith.constant 0 : index
          %get3A_439 = tpu.vector_load %arg18[%get3A_437, %get3A_438] {strides = array<i32>} : memref<64x128xf32, #tpu.memory_space<vmem>>, vector<16xf32>,
          %sub3A_440 = arith.subf %get3A_436, %get3A_439 : vector<16xf32>
          %max3A_441 = arith.constant 0.000000e+00 : f32
          %max3A_442 = vector.broadcast %max3A_441 : f32 to vector<16xf32>
          %max3A_443 = arith.maximumf %sub3A_440, %max3A_442 : vector<16xf32>
          %add3A_444 = arith.constant 0 : i32
          %add3A_445 = vector.broadcast %add3A_444 : i32 to vector<16xi32>
          %add3A_446 = arith.addi %add3A_433, %add3A_445 : vector<16xi32>
          %gather3A_447 = tpu.vector_load_idx %arg8[%add3A_446] : memref<40960xf32, #tpu.memory_space<vmem>>[vector<16xi32>], vector<16xf32>,
          %max3A_448 = arith.maximumf %gather3A_447, %max3A_443 : vector<16xf32>
          tpu.vector_store_idx %arg8[%add3A_446], %max3A_448 : memref<40960xf32, #tpu.memory_space<vmem>>[vector<16xi32>], vector<16xf32>,
          tpu.vector_store_idx %arg9[%add3A_446], %max3A_443 {add = true} : memref<40960xf32, #tpu.memory_space<vmem>>[vector<16xi32>], vector<16xf32>,
          %get3A_449 = arith.index_cast %scan3A_424 : i32 to index
          %get3A_450 = arith.constant 16 : index
          %get3A_451 = tpu.vector_load %arg17[%get3A_449, %get3A_450] {strides = array<i32>} : memref<64x128xf32, #tpu.memory_space<vmem>>, vector<16xf32>,
          %get3A_452 = arith.index_cast %scan3A_424 : i32 to index
          %get3A_453 = arith.constant 16 : index
          %get3A_454 = tpu.vector_load %arg18[%get3A_452, %get3A_453] {strides = array<i32>} : memref<64x128xf32, #tpu.memory_space<vmem>>, vector<16xf32>,
          %sub3A_455 = arith.subf %get3A_451, %get3A_454 : vector<16xf32>
          %max3A_456 = arith.constant 0.000000e+00 : f32
          %max3A_457 = vector.broadcast %max3A_456 : f32 to vector<16xf32>
          %max3A_458 = arith.maximumf %sub3A_455, %max3A_457 : vector<16xf32>
          %add3A_459 = arith.constant 16 : i32
          %add3A_460 = vector.broadcast %add3A_459 : i32 to vector<16xi32>
          %add3A_461 = arith.addi %add3A_433, %add3A_460 : vector<16xi32>
          %gather3A_462 = tpu.vector_load_idx %arg8[%add3A_461] : memref<40960xf32, #tpu.memory_space<vmem>>[vector<16xi32>], vector<16xf32>,
          %max3A_463 = arith.maximumf %gather3A_462, %max3A_458 : vector<16xf32>
          tpu.vector_store_idx %arg8[%add3A_461], %max3A_463 : memref<40960xf32, #tpu.memory_space<vmem>>[vector<16xi32>], vector<16xf32>,
          tpu.vector_store_idx %arg9[%add3A_461], %max3A_458 {add = true} : memref<40960xf32, #tpu.memory_space<vmem>>[vector<16xi32>], vector<16xf32>,
          %get3A_464 = arith.index_cast %scan3A_424 : i32 to index
          %get3A_465 = arith.constant 32 : index
          %get3A_466 = tpu.vector_load %arg17[%get3A_464, %get3A_465] {strides = array<i32>} : memref<64x128xf32, #tpu.memory_space<vmem>>, vector<16xf32>,
          %get3A_467 = arith.index_cast %scan3A_424 : i32 to index
          %get3A_468 = arith.constant 32 : index
          %get3A_469 = tpu.vector_load %arg18[%get3A_467, %get3A_468] {strides = array<i32>} : memref<64x128xf32, #tpu.memory_space<vmem>>, vector<16xf32>,
          %sub3A_470 = arith.subf %get3A_466, %get3A_469 : vector<16xf32>
          %max3A_471 = arith.constant 0.000000e+00 : f32
          %max3A_472 = vector.broadcast %max3A_471 : f32 to vector<16xf32>
          %max3A_473 = arith.maximumf %sub3A_470, %max3A_472 : vector<16xf32>
          %add3A_474 = arith.constant 32 : i32
          %add3A_475 = vector.broadcast %add3A_474 : i32 to vector<16xi32>
          %add3A_476 = arith.addi %add3A_433, %add3A_475 : vector<16xi32>
          %gather3A_477 = tpu.vector_load_idx %arg8[%add3A_476] : memref<40960xf32, #tpu.memory_space<vmem>>[vector<16xi32>], vector<16xf32>,
          %max3A_478 = arith.maximumf %gather3A_477, %max3A_473 : vector<16xf32>
          tpu.vector_store_idx %arg8[%add3A_476], %max3A_478 : memref<40960xf32, #tpu.memory_space<vmem>>[vector<16xi32>], vector<16xf32>,
          tpu.vector_store_idx %arg9[%add3A_476], %max3A_473 {add = true} : memref<40960xf32, #tpu.memory_space<vmem>>[vector<16xi32>], vector<16xf32>,
          %get3A_479 = arith.index_cast %scan3A_424 : i32 to index
          %get3A_480 = arith.constant 48 : index
          %get3A_481 = tpu.vector_load %arg17[%get3A_479, %get3A_480] {strides = array<i32>} : memref<64x128xf32, #tpu.memory_space<vmem>>, vector<16xf32>,
          %get3A_482 = arith.index_cast %scan3A_424 : i32 to index
          %get3A_483 = arith.constant 48 : index
          %get3A_484 = tpu.vector_load %arg18[%get3A_482, %get3A_483] {strides = array<i32>} : memref<64x128xf32, #tpu.memory_space<vmem>>, vector<16xf32>,
          %sub3A_485 = arith.subf %get3A_481, %get3A_484 : vector<16xf32>
          %max3A_486 = arith.constant 0.000000e+00 : f32
          %max3A_487 = vector.broadcast %max3A_486 : f32 to vector<16xf32>
          %max3A_488 = arith.maximumf %sub3A_485, %max3A_487 : vector<16xf32>
          %add3A_489 = arith.constant 48 : i32
          %add3A_490 = vector.broadcast %add3A_489 : i32 to vector<16xi32>
          %add3A_491 = arith.addi %add3A_433, %add3A_490 : vector<16xi32>
          %gather3A_492 = tpu.vector_load_idx %arg8[%add3A_491] : memref<40960xf32, #tpu.memory_space<vmem>>[vector<16xi32>], vector<16xf32>,
          %max3A_493 = arith.maximumf %gather3A_492, %max3A_488 : vector<16xf32>
          tpu.vector_store_idx %arg8[%add3A_491], %max3A_493 : memref<40960xf32, #tpu.memory_space<vmem>>[vector<16xi32>], vector<16xf32>,
          tpu.vector_store_idx %arg9[%add3A_491], %max3A_488 {add = true} : memref<40960xf32, #tpu.memory_space<vmem>>[vector<16xi32>], vector<16xf32>,
          %get3A_494 = arith.index_cast %scan3A_424 : i32 to index
          %get3A_495 = arith.constant 64 : index
          %get3A_496 = tpu.vector_load %arg17[%get3A_494, %get3A_495] {strides = array<i32>} : memref<64x128xf32, #tpu.memory_space<vmem>>, vector<16xf32>,
          %get3A_497 = arith.index_cast %scan3A_424 : i32 to index
          %get3A_498 = arith.constant 64 : index
          %get3A_499 = tpu.vector_load %arg18[%get3A_497, %get3A_498] {strides = array<i32>} : memref<64x128xf32, #tpu.memory_space<vmem>>, vector<16xf32>,
          %sub3A_500 = arith.subf %get3A_496, %get3A_499 : vector<16xf32>
          %max3A_501 = arith.constant 0.000000e+00 : f32
          %max3A_502 = vector.broadcast %max3A_501 : f32 to vector<16xf32>
          %max3A_503 = arith.maximumf %sub3A_500, %max3A_502 : vector<16xf32>
          %add3A_504 = arith.constant 64 : i32
          %add3A_505 = vector.broadcast %add3A_504 : i32 to vector<16xi32>
          %add3A_506 = arith.addi %add3A_433, %add3A_505 : vector<16xi32>
          %gather3A_507 = tpu.vector_load_idx %arg8[%add3A_506] : memref<40960xf32, #tpu.memory_space<vmem>>[vector<16xi32>], vector<16xf32>,
          %max3A_508 = arith.maximumf %gather3A_507, %max3A_503 : vector<16xf32>
          tpu.vector_store_idx %arg8[%add3A_506], %max3A_508 : memref<40960xf32, #tpu.memory_space<vmem>>[vector<16xi32>], vector<16xf32>,
          tpu.vector_store_idx %arg9[%add3A_506], %max3A_503 {add = true} : memref<40960xf32, #tpu.memory_space<vmem>>[vector<16xi32>], vector<16xf32>,
          %get3A_509 = arith.index_cast %scan3A_424 : i32 to index
          %get3A_510 = arith.constant 80 : index
          %get3A_511 = tpu.vector_load %arg17[%get3A_509, %get3A_510] {strides = array<i32>} : memref<64x128xf32, #tpu.memory_space<vmem>>, vector<16xf32>,
          %get3A_512 = arith.index_cast %scan3A_424 : i32 to index
          %get3A_513 = arith.constant 80 : index
          %get3A_514 = tpu.vector_load %arg18[%get3A_512, %get3A_513] {strides = array<i32>} : memref<64x128xf32, #tpu.memory_space<vmem>>, vector<16xf32>,
          %sub3A_515 = arith.subf %get3A_511, %get3A_514 : vector<16xf32>
          %max3A_516 = arith.constant 0.000000e+00 : f32
          %max3A_517 = vector.broadcast %max3A_516 : f32 to vector<16xf32>
          %max3A_518 = arith.maximumf %sub3A_515, %max3A_517 : vector<16xf32>
          %add3A_519 = arith.constant 80 : i32
          %add3A_520 = vector.broadcast %add3A_519 : i32 to vector<16xi32>
          %add3A_521 = arith.addi %add3A_433, %add3A_520 : vector<16xi32>
          %gather3A_522 = tpu.vector_load_idx %arg8[%add3A_521] : memref<40960xf32, #tpu.memory_space<vmem>>[vector<16xi32>], vector<16xf32>,
          %max3A_523 = arith.maximumf %gather3A_522, %max3A_518 : vector<16xf32>
          tpu.vector_store_idx %arg8[%add3A_521], %max3A_523 : memref<40960xf32, #tpu.memory_space<vmem>>[vector<16xi32>], vector<16xf32>,
          tpu.vector_store_idx %arg9[%add3A_521], %max3A_518 {add = true} : memref<40960xf32, #tpu.memory_space<vmem>>[vector<16xi32>], vector<16xf32>,
          %get3A_524 = arith.index_cast %scan3A_424 : i32 to index
          %get3A_525 = arith.constant 96 : index
          %get3A_526 = tpu.vector_load %arg17[%get3A_524, %get3A_525] {strides = array<i32>} : memref<64x128xf32, #tpu.memory_space<vmem>>, vector<16xf32>,
          %get3A_527 = arith.index_cast %scan3A_424 : i32 to index
          %get3A_528 = arith.constant 96 : index
          %get3A_529 = tpu.vector_load %arg18[%get3A_527, %get3A_528] {strides = array<i32>} : memref<64x128xf32, #tpu.memory_space<vmem>>, vector<16xf32>,
          %sub3A_530 = arith.subf %get3A_526, %get3A_529 : vector<16xf32>
          %max3A_531 = arith.constant 0.000000e+00 : f32
          %max3A_532 = vector.broadcast %max3A_531 : f32 to vector<16xf32>
          %max3A_533 = arith.maximumf %sub3A_530, %max3A_532 : vector<16xf32>
          %add3A_534 = arith.constant 96 : i32
          %add3A_535 = vector.broadcast %add3A_534 : i32 to vector<16xi32>
          %add3A_536 = arith.addi %add3A_433, %add3A_535 : vector<16xi32>
          %gather3A_537 = tpu.vector_load_idx %arg8[%add3A_536] : memref<40960xf32, #tpu.memory_space<vmem>>[vector<16xi32>], vector<16xf32>,
          %max3A_538 = arith.maximumf %gather3A_537, %max3A_533 : vector<16xf32>
          tpu.vector_store_idx %arg8[%add3A_536], %max3A_538 : memref<40960xf32, #tpu.memory_space<vmem>>[vector<16xi32>], vector<16xf32>,
          tpu.vector_store_idx %arg9[%add3A_536], %max3A_533 {add = true} : memref<40960xf32, #tpu.memory_space<vmem>>[vector<16xi32>], vector<16xf32>,
          %get3A_539 = arith.index_cast %scan3A_424 : i32 to index
          %get3A_540 = arith.constant 112 : index
          %get3A_541 = tpu.vector_load %arg17[%get3A_539, %get3A_540] {strides = array<i32>} : memref<64x128xf32, #tpu.memory_space<vmem>>, vector<16xf32>,
          %get3A_542 = arith.index_cast %scan3A_424 : i32 to index
          %get3A_543 = arith.constant 112 : index
          %get3A_544 = tpu.vector_load %arg18[%get3A_542, %get3A_543] {strides = array<i32>} : memref<64x128xf32, #tpu.memory_space<vmem>>, vector<16xf32>,
          %sub3A_545 = arith.subf %get3A_541, %get3A_544 : vector<16xf32>
          %max3A_546 = arith.constant 0.000000e+00 : f32
          %max3A_547 = vector.broadcast %max3A_546 : f32 to vector<16xf32>
          %max3A_548 = arith.maximumf %sub3A_545, %max3A_547 : vector<16xf32>
          %add3A_549 = arith.constant 112 : i32
          %add3A_550 = vector.broadcast %add3A_549 : i32 to vector<16xi32>
          %add3A_551 = arith.addi %add3A_433, %add3A_550 : vector<16xi32>
          %gather3A_552 = tpu.vector_load_idx %arg8[%add3A_551] : memref<40960xf32, #tpu.memory_space<vmem>>[vector<16xi32>], vector<16xf32>,
          %max3A_553 = arith.maximumf %gather3A_552, %max3A_548 : vector<16xf32>
          tpu.vector_store_idx %arg8[%add3A_551], %max3A_553 : memref<40960xf32, #tpu.memory_space<vmem>>[vector<16xi32>], vector<16xf32>,
          tpu.vector_store_idx %arg9[%add3A_551], %max3A_548 {add = true} : memref<40960xf32, #tpu.memory_space<vmem>>[vector<16xi32>], vector<16xf32>,
          %sub3A_554 = vector.broadcast %mul3A_2 : i32 to vector<16xi32>
          %sub3A_555 = arith.subi %gather3A_427, %sub3A_554 : vector<16xi32>
          %mul3A_556 = arith.constant 16 : i32
          %mul3A_557 = vector.broadcast %mul3A_556 : i32 to vector<16xi32>
          %mul3A_558 = arith.muli %sub3A_555, %mul3A_557 : vector<16xi32>
          %add3A_559 = arith.addi %mul3A_558, %iota3A : vector<16xi32>
          tpu.vector_store_idx %arg10[%add3A_559], %broadcast_in_dim3A_7 {add = true} : memref<5120xf32, #tpu.memory_space<vmem>>[vector<16xi32>], vector<16xf32>,
          %scan3A_560 = arith.constant 0 : i32
          scf.yield %scan3A_560 : i32
        }
        %scan3A_283 = arith.constant 64 : i32
        %add3A_284 = arith.constant 64 : i32
        %add3A_285 = arith.addi %while3A_257, %add3A_284 : i32
        scf.yield %add3A_285 : i32
      }
      scf.yield %add3A_240, %while3A_256 : vector<16xi32>, i32
    }
    %scan3A_37 = arith.constant 80 : i32
    %dma_wait3A = arith.constant 316000 : i32
    %dma_wait3A_38 = tpu.memref_slice %arg2[%dma_wait3A] : memref<320000xi32, #tpu.memory_space<hbm>> -> memref<2000xi32, #tpu.memory_space<hbm>>
    %dma_wait3A_39 = arith.constant 316000 : i32
    %dma_wait3A_40 = tpu.memref_slice %arg2[%dma_wait3A_39] : memref<320000xi32, #tpu.memory_space<hbm>> -> memref<2000xi32, #tpu.memory_space<hbm>>
    tpu.wait_dma2 semaphore(%arg19 : memref<!tpu.dma_semaphore, #tpu.memory_space<semaphore_mem>>) src(%dma_wait3A_40 : memref<2000xi32, #tpu.memory_space<hbm>>) dst(%arg11 : memref<2000xi32, #tpu.memory_space<vmem>>)
    %dma_wait3A_41 = arith.constant 316000 : i32
    %dma_wait3A_42 = tpu.memref_slice %arg3[%dma_wait3A_41] : memref<320000xi32, #tpu.memory_space<hbm>> -> memref<2000xi32, #tpu.memory_space<hbm>>
    %dma_wait3A_43 = arith.constant 316000 : i32
    %dma_wait3A_44 = tpu.memref_slice %arg3[%dma_wait3A_43] : memref<320000xi32, #tpu.memory_space<hbm>> -> memref<2000xi32, #tpu.memory_space<hbm>>
    tpu.wait_dma2 semaphore(%arg19 : memref<!tpu.dma_semaphore, #tpu.memory_space<semaphore_mem>>) src(%dma_wait3A_44 : memref<2000xi32, #tpu.memory_space<hbm>>) dst(%arg12 : memref<2000xi32, #tpu.memory_space<vmem>>)
    %reduce_max3A = arith.constant true
    %reduce_max3A_45 = vector.broadcast %reduce_max3A : i1 to vector<16xi1>
    %reduce_max3A_46 = arith.constant -2147483648 : i32
    %reduce_max3A_47 = vector.broadcast %reduce_max3A_46 : i32 to vector<16xi32>
    %reduce_max3A_48 = arith.xori %scan3A_36#0, %reduce_max3A_47 : vector<16xi32>
    %reduce_max3A_49 = tpu.scan <max>, %reduce_max3A_48 masked %reduce_max3A_45 : vector<16xi32>, vector<16xi1> -> vector<16xi32>
    %reduce_max3A_50 = arith.xori %reduce_max3A_49, %reduce_max3A_47 : vector<16xi32>
    %reduce_max3A_51 = vector.extract %reduce_max3A_50[15] : i32 from vector<16xi32>
    %while3A = scf.while (%while3A_92 = %scan3A_36#1) : (i32) -> i32 {
      %sub3A_93 = arith.subi %reduce_max3A_51, %while3A_92 : i32
      %gt3A = arith.constant 63 : i32
      %gt3A_94 = arith.cmpi sgt, %sub3A_93, %gt3A : i32
      scf.condition(%gt3A_94) %while3A_92 : i32
    } do {
    ^bb0(%while3A_92: i32):
      %and3A_93 = arith.constant 8191 : i32
      %and3A_94 = arith.andi %while3A_92, %and3A_93 : i32
      %multiple_of3A_95 = tpu.assume_multiple %and3A_94, 64 : i32
      %dma_start3A_96 = tpu.memref_slice %arg15[%multiple_of3A_95] : memref<8192xi32, #tpu.memory_space<vmem>> -> memref<64xi32, #tpu.memory_space<vmem>>
      %dma_start3A_97 = arith.constant 0 : i32
      %dma_start3A_98 = arith.constant 0 : i32
      %dma_start3A_99 = tpu.memref_slice %arg4[%dma_start3A_97, %dma_start3A_98] : memref<10240x128xf32, #tpu.memory_space<hbm>> -> memref<10240x128xf32, #tpu.memory_space<hbm>>
      tpu.enqueue_indirect_dma source(%dma_start3A_99 : memref<10240x128xf32, #tpu.memory_space<hbm>>) target(%arg17 : memref<64x128xf32, #tpu.memory_space<vmem>>) offsets(%dma_start3A_96 : memref<64xi32, #tpu.memory_space<vmem>>) semaphore(%arg21 : memref<!tpu.dma_semaphore, #tpu.memory_space<semaphore_mem>>)
      %dma_start3A_100 = tpu.memref_slice %arg16[%multiple_of3A_95] : memref<8192xi32, #tpu.memory_space<vmem>> -> memref<64xi32, #tpu.memory_space<vmem>>
      %dma_start3A_101 = arith.constant 0 : i32
      %dma_start3A_102 = arith.constant 0 : i32
      %dma_start3A_103 = tpu.memref_slice %arg5[%dma_start3A_101, %dma_start3A_102] : memref<10240x128xf32, #tpu.memory_space<hbm>> -> memref<10240x128xf32, #tpu.memory_space<hbm>>
      tpu.enqueue_indirect_dma source(%dma_start3A_103 : memref<10240x128xf32, #tpu.memory_space<hbm>>) target(%arg18 : memref<64x128xf32, #tpu.memory_space<vmem>>) offsets(%dma_start3A_100 : memref<64xi32, #tpu.memory_space<vmem>>) semaphore(%arg22 : memref<!tpu.dma_semaphore, #tpu.memory_space<semaphore_mem>>)
      %dma_wait3A_104 = tpu.memref_slice %arg15[%multiple_of3A_95] : memref<8192xi32, #tpu.memory_space<vmem>> -> memref<64xi32, #tpu.memory_space<vmem>>
      %dma_wait3A_105 = arith.constant 0 : i32
      %dma_wait3A_106 = arith.constant 0 : i32
      %dma_wait3A_107 = tpu.memref_slice %arg4[%dma_wait3A_105, %dma_wait3A_106] : memref<10240x128xf32, #tpu.memory_space<hbm>> -> memref<10240x128xf32, #tpu.memory_space<hbm>>
      tpu.wait_indirect_dma semaphore(%arg21 : memref<!tpu.dma_semaphore, #tpu.memory_space<semaphore_mem>>) src(%dma_wait3A_107 : memref<10240x128xf32, #tpu.memory_space<hbm>>) dst(%arg17 : memref<64x128xf32, #tpu.memory_space<vmem>>)
      %dma_wait3A_108 = tpu.memref_slice %arg16[%multiple_of3A_95] : memref<8192xi32, #tpu.memory_space<vmem>> -> memref<64xi32, #tpu.memory_space<vmem>>
      %dma_wait3A_109 = arith.constant 0 : i32
      %dma_wait3A_110 = arith.constant 0 : i32
      %dma_wait3A_111 = tpu.memref_slice %arg5[%dma_wait3A_109, %dma_wait3A_110] : memref<10240x128xf32, #tpu.memory_space<hbm>> -> memref<10240x128xf32, #tpu.memory_space<hbm>>
      tpu.wait_indirect_dma semaphore(%arg22 : memref<!tpu.dma_semaphore, #tpu.memory_space<semaphore_mem>>) src(%dma_wait3A_111 : memref<10240x128xf32, #tpu.memory_space<hbm>>) dst(%arg18 : memref<64x128xf32, #tpu.memory_space<vmem>>)
      %scan3A_112 = arith.constant 0 : i32
      %scan3A_113 = arith.constant 0 : i32
      %scan3A_114 = arith.constant 64 : i32
      %scan3A_115 = arith.addi %scan3A_113, %scan3A_114 : i32
      %scan3A_116 = arith.constant 2 : i32
      %scan3A_117 = scf.for %scan3A_121 = %scan3A_113 to %scan3A_115 step %scan3A_116 iter_args(%scan3A_122 = %scan3A_112) -> (i32)  : i32 {
        %add3A_123 = arith.addi %multiple_of3A_95, %scan3A_121 : i32
        %broadcast_in_dim3A_124 = vector.broadcast %add3A_123 : i32 to vector<16xi32>
        %gather3A = tpu.vector_load_idx %arg16[%broadcast_in_dim3A_124] : memref<8192xi32, #tpu.memory_space<vmem>>[vector<16xi32>], vector<16xi32>,
        %sub3A_125 = vector.broadcast %mul3A_2 : i32 to vector<16xi32>
        %sub3A_126 = arith.subi %gather3A, %sub3A_125 : vector<16xi32>
        %mul3A_127 = arith.constant 128 : i32
        %mul3A_128 = vector.broadcast %mul3A_127 : i32 to vector<16xi32>
        %mul3A_129 = arith.muli %sub3A_126, %mul3A_128 : vector<16xi32>
        %add3A_130 = arith.addi %mul3A_129, %iota3A : vector<16xi32>
        %get3A = arith.index_cast %scan3A_121 : i32 to index
        %get3A_131 = arith.constant 0 : index
        %get3A_132 = tpu.vector_load %arg17[%get3A, %get3A_131] {strides = array<i32>} : memref<64x128xf32, #tpu.memory_space<vmem>>, vector<16xf32>,
        %get3A_133 = arith.index_cast %scan3A_121 : i32 to index
        %get3A_134 = arith.constant 0 : index
        %get3A_135 = tpu.vector_load %arg18[%get3A_133, %get3A_134] {strides = array<i32>} : memref<64x128xf32, #tpu.memory_space<vmem>>, vector<16xf32>,
        %sub3A_136 = arith.subf %get3A_132, %get3A_135 : vector<16xf32>
        %max3A_137 = arith.constant 0.000000e+00 : f32
        %max3A_138 = vector.broadcast %max3A_137 : f32 to vector<16xf32>
        %max3A_139 = arith.maximumf %sub3A_136, %max3A_138 : vector<16xf32>
        %add3A_140 = arith.constant 0 : i32
        %add3A_141 = vector.broadcast %add3A_140 : i32 to vector<16xi32>
        %add3A_142 = arith.addi %add3A_130, %add3A_141 : vector<16xi32>
        %gather3A_143 = tpu.vector_load_idx %arg8[%add3A_142] : memref<40960xf32, #tpu.memory_space<vmem>>[vector<16xi32>], vector<16xf32>,
        %max3A_144 = arith.maximumf %gather3A_143, %max3A_139 : vector<16xf32>
        tpu.vector_store_idx %arg8[%add3A_142], %max3A_144 : memref<40960xf32, #tpu.memory_space<vmem>>[vector<16xi32>], vector<16xf32>,
        tpu.vector_store_idx %arg9[%add3A_142], %max3A_139 {add = true} : memref<40960xf32, #tpu.memory_space<vmem>>[vector<16xi32>], vector<16xf32>,
        %get3A_145 = arith.index_cast %scan3A_121 : i32 to index
        %get3A_146 = arith.constant 16 : index
        %get3A_147 = tpu.vector_load %arg17[%get3A_145, %get3A_146] {strides = array<i32>} : memref<64x128xf32, #tpu.memory_space<vmem>>, vector<16xf32>,
        %get3A_148 = arith.index_cast %scan3A_121 : i32 to index
        %get3A_149 = arith.constant 16 : index
        %get3A_150 = tpu.vector_load %arg18[%get3A_148, %get3A_149] {strides = array<i32>} : memref<64x128xf32, #tpu.memory_space<vmem>>, vector<16xf32>,
        %sub3A_151 = arith.subf %get3A_147, %get3A_150 : vector<16xf32>
        %max3A_152 = arith.constant 0.000000e+00 : f32
        %max3A_153 = vector.broadcast %max3A_152 : f32 to vector<16xf32>
        %max3A_154 = arith.maximumf %sub3A_151, %max3A_153 : vector<16xf32>
        %add3A_155 = arith.constant 16 : i32
        %add3A_156 = vector.broadcast %add3A_155 : i32 to vector<16xi32>
        %add3A_157 = arith.addi %add3A_130, %add3A_156 : vector<16xi32>
        %gather3A_158 = tpu.vector_load_idx %arg8[%add3A_157] : memref<40960xf32, #tpu.memory_space<vmem>>[vector<16xi32>], vector<16xf32>,
        %max3A_159 = arith.maximumf %gather3A_158, %max3A_154 : vector<16xf32>
        tpu.vector_store_idx %arg8[%add3A_157], %max3A_159 : memref<40960xf32, #tpu.memory_space<vmem>>[vector<16xi32>], vector<16xf32>,
        tpu.vector_store_idx %arg9[%add3A_157], %max3A_154 {add = true} : memref<40960xf32, #tpu.memory_space<vmem>>[vector<16xi32>], vector<16xf32>,
        %get3A_160 = arith.index_cast %scan3A_121 : i32 to index
        %get3A_161 = arith.constant 32 : index
        %get3A_162 = tpu.vector_load %arg17[%get3A_160, %get3A_161] {strides = array<i32>} : memref<64x128xf32, #tpu.memory_space<vmem>>, vector<16xf32>,
        %get3A_163 = arith.index_cast %scan3A_121 : i32 to index
        %get3A_164 = arith.constant 32 : index
        %get3A_165 = tpu.vector_load %arg18[%get3A_163, %get3A_164] {strides = array<i32>} : memref<64x128xf32, #tpu.memory_space<vmem>>, vector<16xf32>,
        %sub3A_166 = arith.subf %get3A_162, %get3A_165 : vector<16xf32>
        %max3A_167 = arith.constant 0.000000e+00 : f32
        %max3A_168 = vector.broadcast %max3A_167 : f32 to vector<16xf32>
        %max3A_169 = arith.maximumf %sub3A_166, %max3A_168 : vector<16xf32>
        %add3A_170 = arith.constant 32 : i32
        %add3A_171 = vector.broadcast %add3A_170 : i32 to vector<16xi32>
        %add3A_172 = arith.addi %add3A_130, %add3A_171 : vector<16xi32>
        %gather3A_173 = tpu.vector_load_idx %arg8[%add3A_172] : memref<40960xf32, #tpu.memory_space<vmem>>[vector<16xi32>], vector<16xf32>,
        %max3A_174 = arith.maximumf %gather3A_173, %max3A_169 : vector<16xf32>
        tpu.vector_store_idx %arg8[%add3A_172], %max3A_174 : memref<40960xf32, #tpu.memory_space<vmem>>[vector<16xi32>], vector<16xf32>,
        tpu.vector_store_idx %arg9[%add3A_172], %max3A_169 {add = true} : memref<40960xf32, #tpu.memory_space<vmem>>[vector<16xi32>], vector<16xf32>,
        %get3A_175 = arith.index_cast %scan3A_121 : i32 to index
        %get3A_176 = arith.constant 48 : index
        %get3A_177 = tpu.vector_load %arg17[%get3A_175, %get3A_176] {strides = array<i32>} : memref<64x128xf32, #tpu.memory_space<vmem>>, vector<16xf32>,
        %get3A_178 = arith.index_cast %scan3A_121 : i32 to index
        %get3A_179 = arith.constant 48 : index
        %get3A_180 = tpu.vector_load %arg18[%get3A_178, %get3A_179] {strides = array<i32>} : memref<64x128xf32, #tpu.memory_space<vmem>>, vector<16xf32>,
        %sub3A_181 = arith.subf %get3A_177, %get3A_180 : vector<16xf32>
        %max3A_182 = arith.constant 0.000000e+00 : f32
        %max3A_183 = vector.broadcast %max3A_182 : f32 to vector<16xf32>
        %max3A_184 = arith.maximumf %sub3A_181, %max3A_183 : vector<16xf32>
        %add3A_185 = arith.constant 48 : i32
        %add3A_186 = vector.broadcast %add3A_185 : i32 to vector<16xi32>
        %add3A_187 = arith.addi %add3A_130, %add3A_186 : vector<16xi32>
        %gather3A_188 = tpu.vector_load_idx %arg8[%add3A_187] : memref<40960xf32, #tpu.memory_space<vmem>>[vector<16xi32>], vector<16xf32>,
        %max3A_189 = arith.maximumf %gather3A_188, %max3A_184 : vector<16xf32>
        tpu.vector_store_idx %arg8[%add3A_187], %max3A_189 : memref<40960xf32, #tpu.memory_space<vmem>>[vector<16xi32>], vector<16xf32>,
        tpu.vector_store_idx %arg9[%add3A_187], %max3A_184 {add = true} : memref<40960xf32, #tpu.memory_space<vmem>>[vector<16xi32>], vector<16xf32>,
        %get3A_190 = arith.index_cast %scan3A_121 : i32 to index
        %get3A_191 = arith.constant 64 : index
        %get3A_192 = tpu.vector_load %arg17[%get3A_190, %get3A_191] {strides = array<i32>} : memref<64x128xf32, #tpu.memory_space<vmem>>, vector<16xf32>,
        %get3A_193 = arith.index_cast %scan3A_121 : i32 to index
        %get3A_194 = arith.constant 64 : index
        %get3A_195 = tpu.vector_load %arg18[%get3A_193, %get3A_194] {strides = array<i32>} : memref<64x128xf32, #tpu.memory_space<vmem>>, vector<16xf32>,
        %sub3A_196 = arith.subf %get3A_192, %get3A_195 : vector<16xf32>
        %max3A_197 = arith.constant 0.000000e+00 : f32
        %max3A_198 = vector.broadcast %max3A_197 : f32 to vector<16xf32>
        %max3A_199 = arith.maximumf %sub3A_196, %max3A_198 : vector<16xf32>
        %add3A_200 = arith.constant 64 : i32
        %add3A_201 = vector.broadcast %add3A_200 : i32 to vector<16xi32>
        %add3A_202 = arith.addi %add3A_130, %add3A_201 : vector<16xi32>
        %gather3A_203 = tpu.vector_load_idx %arg8[%add3A_202] : memref<40960xf32, #tpu.memory_space<vmem>>[vector<16xi32>], vector<16xf32>,
        %max3A_204 = arith.maximumf %gather3A_203, %max3A_199 : vector<16xf32>
        tpu.vector_store_idx %arg8[%add3A_202], %max3A_204 : memref<40960xf32, #tpu.memory_space<vmem>>[vector<16xi32>], vector<16xf32>,
        tpu.vector_store_idx %arg9[%add3A_202], %max3A_199 {add = true} : memref<40960xf32, #tpu.memory_space<vmem>>[vector<16xi32>], vector<16xf32>,
        %get3A_205 = arith.index_cast %scan3A_121 : i32 to index
        %get3A_206 = arith.constant 80 : index
        %get3A_207 = tpu.vector_load %arg17[%get3A_205, %get3A_206] {strides = array<i32>} : memref<64x128xf32, #tpu.memory_space<vmem>>, vector<16xf32>,
        %get3A_208 = arith.index_cast %scan3A_121 : i32 to index
        %get3A_209 = arith.constant 80 : index
        %get3A_210 = tpu.vector_load %arg18[%get3A_208, %get3A_209] {strides = array<i32>} : memref<64x128xf32, #tpu.memory_space<vmem>>, vector<16xf32>,
        %sub3A_211 = arith.subf %get3A_207, %get3A_210 : vector<16xf32>
        %max3A_212 = arith.constant 0.000000e+00 : f32
        %max3A_213 = vector.broadcast %max3A_212 : f32 to vector<16xf32>
        %max3A_214 = arith.maximumf %sub3A_211, %max3A_213 : vector<16xf32>
        %add3A_215 = arith.constant 80 : i32
        %add3A_216 = vector.broadcast %add3A_215 : i32 to vector<16xi32>
        %add3A_217 = arith.addi %add3A_130, %add3A_216 : vector<16xi32>
        %gather3A_218 = tpu.vector_load_idx %arg8[%add3A_217] : memref<40960xf32, #tpu.memory_space<vmem>>[vector<16xi32>], vector<16xf32>,
        %max3A_219 = arith.maximumf %gather3A_218, %max3A_214 : vector<16xf32>
        tpu.vector_store_idx %arg8[%add3A_217], %max3A_219 : memref<40960xf32, #tpu.memory_space<vmem>>[vector<16xi32>], vector<16xf32>,
        tpu.vector_store_idx %arg9[%add3A_217], %max3A_214 {add = true} : memref<40960xf32, #tpu.memory_space<vmem>>[vector<16xi32>], vector<16xf32>,
        %get3A_220 = arith.index_cast %scan3A_121 : i32 to index
        %get3A_221 = arith.constant 96 : index
        %get3A_222 = tpu.vector_load %arg17[%get3A_220, %get3A_221] {strides = array<i32>} : memref<64x128xf32, #tpu.memory_space<vmem>>, vector<16xf32>,
        %get3A_223 = arith.index_cast %scan3A_121 : i32 to index
        %get3A_224 = arith.constant 96 : index
        %get3A_225 = tpu.vector_load %arg18[%get3A_223, %get3A_224] {strides = array<i32>} : memref<64x128xf32, #tpu.memory_space<vmem>>, vector<16xf32>,
        %sub3A_226 = arith.subf %get3A_222, %get3A_225 : vector<16xf32>
        %max3A_227 = arith.constant 0.000000e+00 : f32
        %max3A_228 = vector.broadcast %max3A_227 : f32 to vector<16xf32>
        %max3A_229 = arith.maximumf %sub3A_226, %max3A_228 : vector<16xf32>
        %add3A_230 = arith.constant 96 : i32
        %add3A_231 = vector.broadcast %add3A_230 : i32 to vector<16xi32>
        %add3A_232 = arith.addi %add3A_130, %add3A_231 : vector<16xi32>
        %gather3A_233 = tpu.vector_load_idx %arg8[%add3A_232] : memref<40960xf32, #tpu.memory_space<vmem>>[vector<16xi32>], vector<16xf32>,
        %max3A_234 = arith.maximumf %gather3A_233, %max3A_229 : vector<16xf32>
        tpu.vector_store_idx %arg8[%add3A_232], %max3A_234 : memref<40960xf32, #tpu.memory_space<vmem>>[vector<16xi32>], vector<16xf32>,
        tpu.vector_store_idx %arg9[%add3A_232], %max3A_229 {add = true} : memref<40960xf32, #tpu.memory_space<vmem>>[vector<16xi32>], vector<16xf32>,
        %get3A_235 = arith.index_cast %scan3A_121 : i32 to index
        %get3A_236 = arith.constant 112 : index
        %get3A_237 = tpu.vector_load %arg17[%get3A_235, %get3A_236] {strides = array<i32>} : memref<64x128xf32, #tpu.memory_space<vmem>>, vector<16xf32>,
        %get3A_238 = arith.index_cast %scan3A_121 : i32 to index
        %get3A_239 = arith.constant 112 : index
        %get3A_240 = tpu.vector_load %arg18[%get3A_238, %get3A_239] {strides = array<i32>} : memref<64x128xf32, #tpu.memory_space<vmem>>, vector<16xf32>,
        %sub3A_241 = arith.subf %get3A_237, %get3A_240 : vector<16xf32>
        %max3A_242 = arith.constant 0.000000e+00 : f32
        %max3A_243 = vector.broadcast %max3A_242 : f32 to vector<16xf32>
        %max3A_244 = arith.maximumf %sub3A_241, %max3A_243 : vector<16xf32>
        %add3A_245 = arith.constant 112 : i32
        %add3A_246 = vector.broadcast %add3A_245 : i32 to vector<16xi32>
        %add3A_247 = arith.addi %add3A_130, %add3A_246 : vector<16xi32>
        %gather3A_248 = tpu.vector_load_idx %arg8[%add3A_247] : memref<40960xf32, #tpu.memory_space<vmem>>[vector<16xi32>], vector<16xf32>,
        %max3A_249 = arith.maximumf %gather3A_248, %max3A_244 : vector<16xf32>
        tpu.vector_store_idx %arg8[%add3A_247], %max3A_249 : memref<40960xf32, #tpu.memory_space<vmem>>[vector<16xi32>], vector<16xf32>,
        tpu.vector_store_idx %arg9[%add3A_247], %max3A_244 {add = true} : memref<40960xf32, #tpu.memory_space<vmem>>[vector<16xi32>], vector<16xf32>,
        %sub3A_250 = vector.broadcast %mul3A_2 : i32 to vector<16xi32>
        %sub3A_251 = arith.subi %gather3A, %sub3A_250 : vector<16xi32>
        %mul3A_252 = arith.constant 16 : i32
        %mul3A_253 = vector.broadcast %mul3A_252 : i32 to vector<16xi32>
        %mul3A_254 = arith.muli %sub3A_251, %mul3A_253 : vector<16xi32>
        %add3A_255 = arith.addi %mul3A_254, %iota3A : vector<16xi32>
        tpu.vector_store_idx %arg10[%add3A_255], %broadcast_in_dim3A_7 {add = true} : memref<5120xf32, #tpu.memory_space<vmem>>[vector<16xi32>], vector<16xf32>,
        %scan3A_256 = arith.constant 0 : i32
        %scan3A_257 = arith.constant 1 : i32
        %scan3A_258 = arith.addi %scan3A_121, %scan3A_257 : i32
        %add3A_259 = arith.addi %multiple_of3A_95, %scan3A_258 : i32
        %broadcast_in_dim3A_260 = vector.broadcast %add3A_259 : i32 to vector<16xi32>
        %gather3A_261 = tpu.vector_load_idx %arg16[%broadcast_in_dim3A_260] : memref<8192xi32, #tpu.memory_space<vmem>>[vector<16xi32>], vector<16xi32>,
        %sub3A_262 = vector.broadcast %mul3A_2 : i32 to vector<16xi32>
        %sub3A_263 = arith.subi %gather3A_261, %sub3A_262 : vector<16xi32>
        %mul3A_264 = arith.constant 128 : i32
        %mul3A_265 = vector.broadcast %mul3A_264 : i32 to vector<16xi32>
        %mul3A_266 = arith.muli %sub3A_263, %mul3A_265 : vector<16xi32>
        %add3A_267 = arith.addi %mul3A_266, %iota3A : vector<16xi32>
        %get3A_268 = arith.index_cast %scan3A_258 : i32 to index
        %get3A_269 = arith.constant 0 : index
        %get3A_270 = tpu.vector_load %arg17[%get3A_268, %get3A_269] {strides = array<i32>} : memref<64x128xf32, #tpu.memory_space<vmem>>, vector<16xf32>,
        %get3A_271 = arith.index_cast %scan3A_258 : i32 to index
        %get3A_272 = arith.constant 0 : index
        %get3A_273 = tpu.vector_load %arg18[%get3A_271, %get3A_272] {strides = array<i32>} : memref<64x128xf32, #tpu.memory_space<vmem>>, vector<16xf32>,
        %sub3A_274 = arith.subf %get3A_270, %get3A_273 : vector<16xf32>
        %max3A_275 = arith.constant 0.000000e+00 : f32
        %max3A_276 = vector.broadcast %max3A_275 : f32 to vector<16xf32>
        %max3A_277 = arith.maximumf %sub3A_274, %max3A_276 : vector<16xf32>
        %add3A_278 = arith.constant 0 : i32
        %add3A_279 = vector.broadcast %add3A_278 : i32 to vector<16xi32>
        %add3A_280 = arith.addi %add3A_267, %add3A_279 : vector<16xi32>
        %gather3A_281 = tpu.vector_load_idx %arg8[%add3A_280] : memref<40960xf32, #tpu.memory_space<vmem>>[vector<16xi32>], vector<16xf32>,
        %max3A_282 = arith.maximumf %gather3A_281, %max3A_277 : vector<16xf32>
        tpu.vector_store_idx %arg8[%add3A_280], %max3A_282 : memref<40960xf32, #tpu.memory_space<vmem>>[vector<16xi32>], vector<16xf32>,
        tpu.vector_store_idx %arg9[%add3A_280], %max3A_277 {add = true} : memref<40960xf32, #tpu.memory_space<vmem>>[vector<16xi32>], vector<16xf32>,
        %get3A_283 = arith.index_cast %scan3A_258 : i32 to index
        %get3A_284 = arith.constant 16 : index
        %get3A_285 = tpu.vector_load %arg17[%get3A_283, %get3A_284] {strides = array<i32>} : memref<64x128xf32, #tpu.memory_space<vmem>>, vector<16xf32>,
        %get3A_286 = arith.index_cast %scan3A_258 : i32 to index
        %get3A_287 = arith.constant 16 : index
        %get3A_288 = tpu.vector_load %arg18[%get3A_286, %get3A_287] {strides = array<i32>} : memref<64x128xf32, #tpu.memory_space<vmem>>, vector<16xf32>,
        %sub3A_289 = arith.subf %get3A_285, %get3A_288 : vector<16xf32>
        %max3A_290 = arith.constant 0.000000e+00 : f32
        %max3A_291 = vector.broadcast %max3A_290 : f32 to vector<16xf32>
        %max3A_292 = arith.maximumf %sub3A_289, %max3A_291 : vector<16xf32>
        %add3A_293 = arith.constant 16 : i32
        %add3A_294 = vector.broadcast %add3A_293 : i32 to vector<16xi32>
        %add3A_295 = arith.addi %add3A_267, %add3A_294 : vector<16xi32>
        %gather3A_296 = tpu.vector_load_idx %arg8[%add3A_295] : memref<40960xf32, #tpu.memory_space<vmem>>[vector<16xi32>], vector<16xf32>,
        %max3A_297 = arith.maximumf %gather3A_296, %max3A_292 : vector<16xf32>
        tpu.vector_store_idx %arg8[%add3A_295], %max3A_297 : memref<40960xf32, #tpu.memory_space<vmem>>[vector<16xi32>], vector<16xf32>,
        tpu.vector_store_idx %arg9[%add3A_295], %max3A_292 {add = true} : memref<40960xf32, #tpu.memory_space<vmem>>[vector<16xi32>], vector<16xf32>,
        %get3A_298 = arith.index_cast %scan3A_258 : i32 to index
        %get3A_299 = arith.constant 32 : index
        %get3A_300 = tpu.vector_load %arg17[%get3A_298, %get3A_299] {strides = array<i32>} : memref<64x128xf32, #tpu.memory_space<vmem>>, vector<16xf32>,
        %get3A_301 = arith.index_cast %scan3A_258 : i32 to index
        %get3A_302 = arith.constant 32 : index
        %get3A_303 = tpu.vector_load %arg18[%get3A_301, %get3A_302] {strides = array<i32>} : memref<64x128xf32, #tpu.memory_space<vmem>>, vector<16xf32>,
        %sub3A_304 = arith.subf %get3A_300, %get3A_303 : vector<16xf32>
        %max3A_305 = arith.constant 0.000000e+00 : f32
        %max3A_306 = vector.broadcast %max3A_305 : f32 to vector<16xf32>
        %max3A_307 = arith.maximumf %sub3A_304, %max3A_306 : vector<16xf32>
        %add3A_308 = arith.constant 32 : i32
        %add3A_309 = vector.broadcast %add3A_308 : i32 to vector<16xi32>
        %add3A_310 = arith.addi %add3A_267, %add3A_309 : vector<16xi32>
        %gather3A_311 = tpu.vector_load_idx %arg8[%add3A_310] : memref<40960xf32, #tpu.memory_space<vmem>>[vector<16xi32>], vector<16xf32>,
        %max3A_312 = arith.maximumf %gather3A_311, %max3A_307 : vector<16xf32>
        tpu.vector_store_idx %arg8[%add3A_310], %max3A_312 : memref<40960xf32, #tpu.memory_space<vmem>>[vector<16xi32>], vector<16xf32>,
        tpu.vector_store_idx %arg9[%add3A_310], %max3A_307 {add = true} : memref<40960xf32, #tpu.memory_space<vmem>>[vector<16xi32>], vector<16xf32>,
        %get3A_313 = arith.index_cast %scan3A_258 : i32 to index
        %get3A_314 = arith.constant 48 : index
        %get3A_315 = tpu.vector_load %arg17[%get3A_313, %get3A_314] {strides = array<i32>} : memref<64x128xf32, #tpu.memory_space<vmem>>, vector<16xf32>,
        %get3A_316 = arith.index_cast %scan3A_258 : i32 to index
        %get3A_317 = arith.constant 48 : index
        %get3A_318 = tpu.vector_load %arg18[%get3A_316, %get3A_317] {strides = array<i32>} : memref<64x128xf32, #tpu.memory_space<vmem>>, vector<16xf32>,
        %sub3A_319 = arith.subf %get3A_315, %get3A_318 : vector<16xf32>
        %max3A_320 = arith.constant 0.000000e+00 : f32
        %max3A_321 = vector.broadcast %max3A_320 : f32 to vector<16xf32>
        %max3A_322 = arith.maximumf %sub3A_319, %max3A_321 : vector<16xf32>
        %add3A_323 = arith.constant 48 : i32
        %add3A_324 = vector.broadcast %add3A_323 : i32 to vector<16xi32>
        %add3A_325 = arith.addi %add3A_267, %add3A_324 : vector<16xi32>
        %gather3A_326 = tpu.vector_load_idx %arg8[%add3A_325] : memref<40960xf32, #tpu.memory_space<vmem>>[vector<16xi32>], vector<16xf32>,
        %max3A_327 = arith.maximumf %gather3A_326, %max3A_322 : vector<16xf32>
        tpu.vector_store_idx %arg8[%add3A_325], %max3A_327 : memref<40960xf32, #tpu.memory_space<vmem>>[vector<16xi32>], vector<16xf32>,
        tpu.vector_store_idx %arg9[%add3A_325], %max3A_322 {add = true} : memref<40960xf32, #tpu.memory_space<vmem>>[vector<16xi32>], vector<16xf32>,
        %get3A_328 = arith.index_cast %scan3A_258 : i32 to index
        %get3A_329 = arith.constant 64 : index
        %get3A_330 = tpu.vector_load %arg17[%get3A_328, %get3A_329] {strides = array<i32>} : memref<64x128xf32, #tpu.memory_space<vmem>>, vector<16xf32>,
        %get3A_331 = arith.index_cast %scan3A_258 : i32 to index
        %get3A_332 = arith.constant 64 : index
        %get3A_333 = tpu.vector_load %arg18[%get3A_331, %get3A_332] {strides = array<i32>} : memref<64x128xf32, #tpu.memory_space<vmem>>, vector<16xf32>,
        %sub3A_334 = arith.subf %get3A_330, %get3A_333 : vector<16xf32>
        %max3A_335 = arith.constant 0.000000e+00 : f32
        %max3A_336 = vector.broadcast %max3A_335 : f32 to vector<16xf32>
        %max3A_337 = arith.maximumf %sub3A_334, %max3A_336 : vector<16xf32>
        %add3A_338 = arith.constant 64 : i32
        %add3A_339 = vector.broadcast %add3A_338 : i32 to vector<16xi32>
        %add3A_340 = arith.addi %add3A_267, %add3A_339 : vector<16xi32>
        %gather3A_341 = tpu.vector_load_idx %arg8[%add3A_340] : memref<40960xf32, #tpu.memory_space<vmem>>[vector<16xi32>], vector<16xf32>,
        %max3A_342 = arith.maximumf %gather3A_341, %max3A_337 : vector<16xf32>
        tpu.vector_store_idx %arg8[%add3A_340], %max3A_342 : memref<40960xf32, #tpu.memory_space<vmem>>[vector<16xi32>], vector<16xf32>,
        tpu.vector_store_idx %arg9[%add3A_340], %max3A_337 {add = true} : memref<40960xf32, #tpu.memory_space<vmem>>[vector<16xi32>], vector<16xf32>,
        %get3A_343 = arith.index_cast %scan3A_258 : i32 to index
        %get3A_344 = arith.constant 80 : index
        %get3A_345 = tpu.vector_load %arg17[%get3A_343, %get3A_344] {strides = array<i32>} : memref<64x128xf32, #tpu.memory_space<vmem>>, vector<16xf32>,
        %get3A_346 = arith.index_cast %scan3A_258 : i32 to index
        %get3A_347 = arith.constant 80 : index
        %get3A_348 = tpu.vector_load %arg18[%get3A_346, %get3A_347] {strides = array<i32>} : memref<64x128xf32, #tpu.memory_space<vmem>>, vector<16xf32>,
        %sub3A_349 = arith.subf %get3A_345, %get3A_348 : vector<16xf32>
        %max3A_350 = arith.constant 0.000000e+00 : f32
        %max3A_351 = vector.broadcast %max3A_350 : f32 to vector<16xf32>
        %max3A_352 = arith.maximumf %sub3A_349, %max3A_351 : vector<16xf32>
        %add3A_353 = arith.constant 80 : i32
        %add3A_354 = vector.broadcast %add3A_353 : i32 to vector<16xi32>
        %add3A_355 = arith.addi %add3A_267, %add3A_354 : vector<16xi32>
        %gather3A_356 = tpu.vector_load_idx %arg8[%add3A_355] : memref<40960xf32, #tpu.memory_space<vmem>>[vector<16xi32>], vector<16xf32>,
        %max3A_357 = arith.maximumf %gather3A_356, %max3A_352 : vector<16xf32>
        tpu.vector_store_idx %arg8[%add3A_355], %max3A_357 : memref<40960xf32, #tpu.memory_space<vmem>>[vector<16xi32>], vector<16xf32>,
        tpu.vector_store_idx %arg9[%add3A_355], %max3A_352 {add = true} : memref<40960xf32, #tpu.memory_space<vmem>>[vector<16xi32>], vector<16xf32>,
        %get3A_358 = arith.index_cast %scan3A_258 : i32 to index
        %get3A_359 = arith.constant 96 : index
        %get3A_360 = tpu.vector_load %arg17[%get3A_358, %get3A_359] {strides = array<i32>} : memref<64x128xf32, #tpu.memory_space<vmem>>, vector<16xf32>,
        %get3A_361 = arith.index_cast %scan3A_258 : i32 to index
        %get3A_362 = arith.constant 96 : index
        %get3A_363 = tpu.vector_load %arg18[%get3A_361, %get3A_362] {strides = array<i32>} : memref<64x128xf32, #tpu.memory_space<vmem>>, vector<16xf32>,
        %sub3A_364 = arith.subf %get3A_360, %get3A_363 : vector<16xf32>
        %max3A_365 = arith.constant 0.000000e+00 : f32
        %max3A_366 = vector.broadcast %max3A_365 : f32 to vector<16xf32>
        %max3A_367 = arith.maximumf %sub3A_364, %max3A_366 : vector<16xf32>
        %add3A_368 = arith.constant 96 : i32
        %add3A_369 = vector.broadcast %add3A_368 : i32 to vector<16xi32>
        %add3A_370 = arith.addi %add3A_267, %add3A_369 : vector<16xi32>
        %gather3A_371 = tpu.vector_load_idx %arg8[%add3A_370] : memref<40960xf32, #tpu.memory_space<vmem>>[vector<16xi32>], vector<16xf32>,
        %max3A_372 = arith.maximumf %gather3A_371, %max3A_367 : vector<16xf32>
        tpu.vector_store_idx %arg8[%add3A_370], %max3A_372 : memref<40960xf32, #tpu.memory_space<vmem>>[vector<16xi32>], vector<16xf32>,
        tpu.vector_store_idx %arg9[%add3A_370], %max3A_367 {add = true} : memref<40960xf32, #tpu.memory_space<vmem>>[vector<16xi32>], vector<16xf32>,
        %get3A_373 = arith.index_cast %scan3A_258 : i32 to index
        %get3A_374 = arith.constant 112 : index
        %get3A_375 = tpu.vector_load %arg17[%get3A_373, %get3A_374] {strides = array<i32>} : memref<64x128xf32, #tpu.memory_space<vmem>>, vector<16xf32>,
        %get3A_376 = arith.index_cast %scan3A_258 : i32 to index
        %get3A_377 = arith.constant 112 : index
        %get3A_378 = tpu.vector_load %arg18[%get3A_376, %get3A_377] {strides = array<i32>} : memref<64x128xf32, #tpu.memory_space<vmem>>, vector<16xf32>,
        %sub3A_379 = arith.subf %get3A_375, %get3A_378 : vector<16xf32>
        %max3A_380 = arith.constant 0.000000e+00 : f32
        %max3A_381 = vector.broadcast %max3A_380 : f32 to vector<16xf32>
        %max3A_382 = arith.maximumf %sub3A_379, %max3A_381 : vector<16xf32>
        %add3A_383 = arith.constant 112 : i32
        %add3A_384 = vector.broadcast %add3A_383 : i32 to vector<16xi32>
        %add3A_385 = arith.addi %add3A_267, %add3A_384 : vector<16xi32>
        %gather3A_386 = tpu.vector_load_idx %arg8[%add3A_385] : memref<40960xf32, #tpu.memory_space<vmem>>[vector<16xi32>], vector<16xf32>,
        %max3A_387 = arith.maximumf %gather3A_386, %max3A_382 : vector<16xf32>
        tpu.vector_store_idx %arg8[%add3A_385], %max3A_387 : memref<40960xf32, #tpu.memory_space<vmem>>[vector<16xi32>], vector<16xf32>,
        tpu.vector_store_idx %arg9[%add3A_385], %max3A_382 {add = true} : memref<40960xf32, #tpu.memory_space<vmem>>[vector<16xi32>], vector<16xf32>,
        %sub3A_388 = vector.broadcast %mul3A_2 : i32 to vector<16xi32>
        %sub3A_389 = arith.subi %gather3A_261, %sub3A_388 : vector<16xi32>
        %mul3A_390 = arith.constant 16 : i32
        %mul3A_391 = vector.broadcast %mul3A_390 : i32 to vector<16xi32>
        %mul3A_392 = arith.muli %sub3A_389, %mul3A_391 : vector<16xi32>
        %add3A_393 = arith.addi %mul3A_392, %iota3A : vector<16xi32>
        tpu.vector_store_idx %arg10[%add3A_393], %broadcast_in_dim3A_7 {add = true} : memref<5120xf32, #tpu.memory_space<vmem>>[vector<16xi32>], vector<16xf32>,
        %scan3A_394 = arith.constant 0 : i32
        scf.yield %scan3A_394 : i32
      }
      %scan3A_118 = arith.constant 64 : i32
      %add3A_119 = arith.constant 64 : i32
      %add3A_120 = arith.addi %while3A_92, %add3A_119 : i32
      scf.yield %add3A_120 : i32
    }
    %sub3A = arith.subi %reduce_max3A_51, %while3A : i32
    %and3A = arith.constant 8191 : i32
    %and3A_52 = arith.andi %while3A, %and3A : i32
    %multiple_of3A = tpu.assume_multiple %and3A_52, 64 : i32
    %dma_start3A_53 = tpu.memref_slice %arg15[%multiple_of3A] : memref<8192xi32, #tpu.memory_space<vmem>> -> memref<64xi32, #tpu.memory_space<vmem>>
    %dma_start3A_54 = arith.constant 0 : i32
    %dma_start3A_55 = arith.constant 0 : i32
    %dma_start3A_56 = tpu.memref_slice %arg4[%dma_start3A_54, %dma_start3A_55] : memref<10240x128xf32, #tpu.memory_space<hbm>> -> memref<10240x128xf32, #tpu.memory_space<hbm>>
    tpu.enqueue_indirect_dma source(%dma_start3A_56 : memref<10240x128xf32, #tpu.memory_space<hbm>>) target(%arg17 : memref<64x128xf32, #tpu.memory_space<vmem>>) offsets(%dma_start3A_53 : memref<64xi32, #tpu.memory_space<vmem>>) semaphore(%arg21 : memref<!tpu.dma_semaphore, #tpu.memory_space<semaphore_mem>>)
    %dma_start3A_57 = tpu.memref_slice %arg16[%multiple_of3A] : memref<8192xi32, #tpu.memory_space<vmem>> -> memref<64xi32, #tpu.memory_space<vmem>>
    %dma_start3A_58 = arith.constant 0 : i32
    %dma_start3A_59 = arith.constant 0 : i32
    %dma_start3A_60 = tpu.memref_slice %arg5[%dma_start3A_58, %dma_start3A_59] : memref<10240x128xf32, #tpu.memory_space<hbm>> -> memref<10240x128xf32, #tpu.memory_space<hbm>>
    tpu.enqueue_indirect_dma source(%dma_start3A_60 : memref<10240x128xf32, #tpu.memory_space<hbm>>) target(%arg18 : memref<64x128xf32, #tpu.memory_space<vmem>>) offsets(%dma_start3A_57 : memref<64xi32, #tpu.memory_space<vmem>>) semaphore(%arg22 : memref<!tpu.dma_semaphore, #tpu.memory_space<semaphore_mem>>)
    %min3A = arith.constant 64 : i32
    %min3A_61 = arith.minsi %min3A, %sub3A : i32
    %max3A = arith.constant 0 : i32
    %max3A_62 = arith.maxsi %max3A, %min3A_61 : i32
    %dma_wait3A_63 = tpu.memref_slice %arg15[%multiple_of3A] : memref<8192xi32, #tpu.memory_space<vmem>> -> memref<64xi32, #tpu.memory_space<vmem>>
    %dma_wait3A_64 = arith.constant 0 : i32
    %dma_wait3A_65 = arith.constant 0 : i32
    %dma_wait3A_66 = tpu.memref_slice %arg4[%dma_wait3A_64, %dma_wait3A_65] : memref<10240x128xf32, #tpu.memory_space<hbm>> -> memref<10240x128xf32, #tpu.memory_space<hbm>>
    tpu.wait_indirect_dma semaphore(%arg21 : memref<!tpu.dma_semaphore, #tpu.memory_space<semaphore_mem>>) src(%dma_wait3A_66 : memref<10240x128xf32, #tpu.memory_space<hbm>>) dst(%arg17 : memref<64x128xf32, #tpu.memory_space<vmem>>)
    %dma_wait3A_67 = tpu.memref_slice %arg16[%multiple_of3A] : memref<8192xi32, #tpu.memory_space<vmem>> -> memref<64xi32, #tpu.memory_space<vmem>>
    %dma_wait3A_68 = arith.constant 0 : i32
    %dma_wait3A_69 = arith.constant 0 : i32
    %dma_wait3A_70 = tpu.memref_slice %arg5[%dma_wait3A_68, %dma_wait3A_69] : memref<10240x128xf32, #tpu.memory_space<hbm>> -> memref<10240x128xf32, #tpu.memory_space<hbm>>
    tpu.wait_indirect_dma semaphore(%arg22 : memref<!tpu.dma_semaphore, #tpu.memory_space<semaphore_mem>>) src(%dma_wait3A_70 : memref<10240x128xf32, #tpu.memory_space<hbm>>) dst(%arg18 : memref<64x128xf32, #tpu.memory_space<vmem>>)
    %while3A_71 = arith.constant 0 : i32
    %while3A_72 = arith.constant 0 : i32
    %while3A_73 = arith.subi %max3A_62, %while3A_71 : i32
    %while3A_74 = arith.addi %while3A_71, %while3A_73 : i32
    %while3A_75 = arith.constant 1 : i32
    %while3A_76 = arith.divsi %while3A_73, %while3A_75 : i32
    %while3A_77 = arith.muli %while3A_76, %while3A_75 : i32
    %while3A_78 = arith.addi %while3A_71, %while3A_77 : i32
    %while3A_79 = arith.constant 1 : i32
    %while3A_80 = scf.for %while3A_92 = %while3A_71 to %while3A_78 step %while3A_79 iter_args(%while3A_93 = %while3A_72) -> (i32)  : i32 {
      %add3A_94 = arith.addi %multiple_of3A, %while3A_92 : i32
      %broadcast_in_dim3A_95 = vector.broadcast %add3A_94 : i32 to vector<16xi32>
      %gather3A = tpu.vector_load_idx %arg16[%broadcast_in_dim3A_95] : memref<8192xi32, #tpu.memory_space<vmem>>[vector<16xi32>], vector<16xi32>,
      %sub3A_96 = vector.broadcast %mul3A_2 : i32 to vector<16xi32>
      %sub3A_97 = arith.subi %gather3A, %sub3A_96 : vector<16xi32>
      %mul3A_98 = arith.constant 128 : i32
      %mul3A_99 = vector.broadcast %mul3A_98 : i32 to vector<16xi32>
      %mul3A_100 = arith.muli %sub3A_97, %mul3A_99 : vector<16xi32>
      %add3A_101 = arith.addi %mul3A_100, %iota3A : vector<16xi32>
      %get3A = arith.index_cast %while3A_92 : i32 to index
      %get3A_102 = arith.constant 0 : index
      %get3A_103 = tpu.vector_load %arg17[%get3A, %get3A_102] {strides = array<i32>} : memref<64x128xf32, #tpu.memory_space<vmem>>, vector<16xf32>,
      %get3A_104 = arith.index_cast %while3A_92 : i32 to index
      %get3A_105 = arith.constant 0 : index
      %get3A_106 = tpu.vector_load %arg18[%get3A_104, %get3A_105] {strides = array<i32>} : memref<64x128xf32, #tpu.memory_space<vmem>>, vector<16xf32>,
      %sub3A_107 = arith.subf %get3A_103, %get3A_106 : vector<16xf32>
      %max3A_108 = arith.constant 0.000000e+00 : f32
      %max3A_109 = vector.broadcast %max3A_108 : f32 to vector<16xf32>
      %max3A_110 = arith.maximumf %sub3A_107, %max3A_109 : vector<16xf32>
      %add3A_111 = arith.constant 0 : i32
      %add3A_112 = vector.broadcast %add3A_111 : i32 to vector<16xi32>
      %add3A_113 = arith.addi %add3A_101, %add3A_112 : vector<16xi32>
      %gather3A_114 = tpu.vector_load_idx %arg8[%add3A_113] : memref<40960xf32, #tpu.memory_space<vmem>>[vector<16xi32>], vector<16xf32>,
      %max3A_115 = arith.maximumf %gather3A_114, %max3A_110 : vector<16xf32>
      tpu.vector_store_idx %arg8[%add3A_113], %max3A_115 : memref<40960xf32, #tpu.memory_space<vmem>>[vector<16xi32>], vector<16xf32>,
      tpu.vector_store_idx %arg9[%add3A_113], %max3A_110 {add = true} : memref<40960xf32, #tpu.memory_space<vmem>>[vector<16xi32>], vector<16xf32>,
      %get3A_116 = arith.index_cast %while3A_92 : i32 to index
      %get3A_117 = arith.constant 16 : index
      %get3A_118 = tpu.vector_load %arg17[%get3A_116, %get3A_117] {strides = array<i32>} : memref<64x128xf32, #tpu.memory_space<vmem>>, vector<16xf32>,
      %get3A_119 = arith.index_cast %while3A_92 : i32 to index
      %get3A_120 = arith.constant 16 : index
      %get3A_121 = tpu.vector_load %arg18[%get3A_119, %get3A_120] {strides = array<i32>} : memref<64x128xf32, #tpu.memory_space<vmem>>, vector<16xf32>,
      %sub3A_122 = arith.subf %get3A_118, %get3A_121 : vector<16xf32>
      %max3A_123 = arith.constant 0.000000e+00 : f32
      %max3A_124 = vector.broadcast %max3A_123 : f32 to vector<16xf32>
      %max3A_125 = arith.maximumf %sub3A_122, %max3A_124 : vector<16xf32>
      %add3A_126 = arith.constant 16 : i32
      %add3A_127 = vector.broadcast %add3A_126 : i32 to vector<16xi32>
      %add3A_128 = arith.addi %add3A_101, %add3A_127 : vector<16xi32>
      %gather3A_129 = tpu.vector_load_idx %arg8[%add3A_128] : memref<40960xf32, #tpu.memory_space<vmem>>[vector<16xi32>], vector<16xf32>,
      %max3A_130 = arith.maximumf %gather3A_129, %max3A_125 : vector<16xf32>
      tpu.vector_store_idx %arg8[%add3A_128], %max3A_130 : memref<40960xf32, #tpu.memory_space<vmem>>[vector<16xi32>], vector<16xf32>,
      tpu.vector_store_idx %arg9[%add3A_128], %max3A_125 {add = true} : memref<40960xf32, #tpu.memory_space<vmem>>[vector<16xi32>], vector<16xf32>,
      %get3A_131 = arith.index_cast %while3A_92 : i32 to index
      %get3A_132 = arith.constant 32 : index
      %get3A_133 = tpu.vector_load %arg17[%get3A_131, %get3A_132] {strides = array<i32>} : memref<64x128xf32, #tpu.memory_space<vmem>>, vector<16xf32>,
      %get3A_134 = arith.index_cast %while3A_92 : i32 to index
      %get3A_135 = arith.constant 32 : index
      %get3A_136 = tpu.vector_load %arg18[%get3A_134, %get3A_135] {strides = array<i32>} : memref<64x128xf32, #tpu.memory_space<vmem>>, vector<16xf32>,
      %sub3A_137 = arith.subf %get3A_133, %get3A_136 : vector<16xf32>
      %max3A_138 = arith.constant 0.000000e+00 : f32
      %max3A_139 = vector.broadcast %max3A_138 : f32 to vector<16xf32>
      %max3A_140 = arith.maximumf %sub3A_137, %max3A_139 : vector<16xf32>
      %add3A_141 = arith.constant 32 : i32
      %add3A_142 = vector.broadcast %add3A_141 : i32 to vector<16xi32>
      %add3A_143 = arith.addi %add3A_101, %add3A_142 : vector<16xi32>
      %gather3A_144 = tpu.vector_load_idx %arg8[%add3A_143] : memref<40960xf32, #tpu.memory_space<vmem>>[vector<16xi32>], vector<16xf32>,
      %max3A_145 = arith.maximumf %gather3A_144, %max3A_140 : vector<16xf32>
      tpu.vector_store_idx %arg8[%add3A_143], %max3A_145 : memref<40960xf32, #tpu.memory_space<vmem>>[vector<16xi32>], vector<16xf32>,
      tpu.vector_store_idx %arg9[%add3A_143], %max3A_140 {add = true} : memref<40960xf32, #tpu.memory_space<vmem>>[vector<16xi32>], vector<16xf32>,
      %get3A_146 = arith.index_cast %while3A_92 : i32 to index
      %get3A_147 = arith.constant 48 : index
      %get3A_148 = tpu.vector_load %arg17[%get3A_146, %get3A_147] {strides = array<i32>} : memref<64x128xf32, #tpu.memory_space<vmem>>, vector<16xf32>,
      %get3A_149 = arith.index_cast %while3A_92 : i32 to index
      %get3A_150 = arith.constant 48 : index
      %get3A_151 = tpu.vector_load %arg18[%get3A_149, %get3A_150] {strides = array<i32>} : memref<64x128xf32, #tpu.memory_space<vmem>>, vector<16xf32>,
      %sub3A_152 = arith.subf %get3A_148, %get3A_151 : vector<16xf32>
      %max3A_153 = arith.constant 0.000000e+00 : f32
      %max3A_154 = vector.broadcast %max3A_153 : f32 to vector<16xf32>
      %max3A_155 = arith.maximumf %sub3A_152, %max3A_154 : vector<16xf32>
      %add3A_156 = arith.constant 48 : i32
      %add3A_157 = vector.broadcast %add3A_156 : i32 to vector<16xi32>
      %add3A_158 = arith.addi %add3A_101, %add3A_157 : vector<16xi32>
      %gather3A_159 = tpu.vector_load_idx %arg8[%add3A_158] : memref<40960xf32, #tpu.memory_space<vmem>>[vector<16xi32>], vector<16xf32>,
      %max3A_160 = arith.maximumf %gather3A_159, %max3A_155 : vector<16xf32>
      tpu.vector_store_idx %arg8[%add3A_158], %max3A_160 : memref<40960xf32, #tpu.memory_space<vmem>>[vector<16xi32>], vector<16xf32>,
      tpu.vector_store_idx %arg9[%add3A_158], %max3A_155 {add = true} : memref<40960xf32, #tpu.memory_space<vmem>>[vector<16xi32>], vector<16xf32>,
      %get3A_161 = arith.index_cast %while3A_92 : i32 to index
      %get3A_162 = arith.constant 64 : index
      %get3A_163 = tpu.vector_load %arg17[%get3A_161, %get3A_162] {strides = array<i32>} : memref<64x128xf32, #tpu.memory_space<vmem>>, vector<16xf32>,
      %get3A_164 = arith.index_cast %while3A_92 : i32 to index
      %get3A_165 = arith.constant 64 : index
      %get3A_166 = tpu.vector_load %arg18[%get3A_164, %get3A_165] {strides = array<i32>} : memref<64x128xf32, #tpu.memory_space<vmem>>, vector<16xf32>,
      %sub3A_167 = arith.subf %get3A_163, %get3A_166 : vector<16xf32>
      %max3A_168 = arith.constant 0.000000e+00 : f32
      %max3A_169 = vector.broadcast %max3A_168 : f32 to vector<16xf32>
      %max3A_170 = arith.maximumf %sub3A_167, %max3A_169 : vector<16xf32>
      %add3A_171 = arith.constant 64 : i32
      %add3A_172 = vector.broadcast %add3A_171 : i32 to vector<16xi32>
      %add3A_173 = arith.addi %add3A_101, %add3A_172 : vector<16xi32>
      %gather3A_174 = tpu.vector_load_idx %arg8[%add3A_173] : memref<40960xf32, #tpu.memory_space<vmem>>[vector<16xi32>], vector<16xf32>,
      %max3A_175 = arith.maximumf %gather3A_174, %max3A_170 : vector<16xf32>
      tpu.vector_store_idx %arg8[%add3A_173], %max3A_175 : memref<40960xf32, #tpu.memory_space<vmem>>[vector<16xi32>], vector<16xf32>,
      tpu.vector_store_idx %arg9[%add3A_173], %max3A_170 {add = true} : memref<40960xf32, #tpu.memory_space<vmem>>[vector<16xi32>], vector<16xf32>,
      %get3A_176 = arith.index_cast %while3A_92 : i32 to index
      %get3A_177 = arith.constant 80 : index
      %get3A_178 = tpu.vector_load %arg17[%get3A_176, %get3A_177] {strides = array<i32>} : memref<64x128xf32, #tpu.memory_space<vmem>>, vector<16xf32>,
      %get3A_179 = arith.index_cast %while3A_92 : i32 to index
      %get3A_180 = arith.constant 80 : index
      %get3A_181 = tpu.vector_load %arg18[%get3A_179, %get3A_180] {strides = array<i32>} : memref<64x128xf32, #tpu.memory_space<vmem>>, vector<16xf32>,
      %sub3A_182 = arith.subf %get3A_178, %get3A_181 : vector<16xf32>
      %max3A_183 = arith.constant 0.000000e+00 : f32
      %max3A_184 = vector.broadcast %max3A_183 : f32 to vector<16xf32>
      %max3A_185 = arith.maximumf %sub3A_182, %max3A_184 : vector<16xf32>
      %add3A_186 = arith.constant 80 : i32
      %add3A_187 = vector.broadcast %add3A_186 : i32 to vector<16xi32>
      %add3A_188 = arith.addi %add3A_101, %add3A_187 : vector<16xi32>
      %gather3A_189 = tpu.vector_load_idx %arg8[%add3A_188] : memref<40960xf32, #tpu.memory_space<vmem>>[vector<16xi32>], vector<16xf32>,
      %max3A_190 = arith.maximumf %gather3A_189, %max3A_185 : vector<16xf32>
      tpu.vector_store_idx %arg8[%add3A_188], %max3A_190 : memref<40960xf32, #tpu.memory_space<vmem>>[vector<16xi32>], vector<16xf32>,
      tpu.vector_store_idx %arg9[%add3A_188], %max3A_185 {add = true} : memref<40960xf32, #tpu.memory_space<vmem>>[vector<16xi32>], vector<16xf32>,
      %get3A_191 = arith.index_cast %while3A_92 : i32 to index
      %get3A_192 = arith.constant 96 : index
      %get3A_193 = tpu.vector_load %arg17[%get3A_191, %get3A_192] {strides = array<i32>} : memref<64x128xf32, #tpu.memory_space<vmem>>, vector<16xf32>,
      %get3A_194 = arith.index_cast %while3A_92 : i32 to index
      %get3A_195 = arith.constant 96 : index
      %get3A_196 = tpu.vector_load %arg18[%get3A_194, %get3A_195] {strides = array<i32>} : memref<64x128xf32, #tpu.memory_space<vmem>>, vector<16xf32>,
      %sub3A_197 = arith.subf %get3A_193, %get3A_196 : vector<16xf32>
      %max3A_198 = arith.constant 0.000000e+00 : f32
      %max3A_199 = vector.broadcast %max3A_198 : f32 to vector<16xf32>
      %max3A_200 = arith.maximumf %sub3A_197, %max3A_199 : vector<16xf32>
      %add3A_201 = arith.constant 96 : i32
      %add3A_202 = vector.broadcast %add3A_201 : i32 to vector<16xi32>
      %add3A_203 = arith.addi %add3A_101, %add3A_202 : vector<16xi32>
      %gather3A_204 = tpu.vector_load_idx %arg8[%add3A_203] : memref<40960xf32, #tpu.memory_space<vmem>>[vector<16xi32>], vector<16xf32>,
      %max3A_205 = arith.maximumf %gather3A_204, %max3A_200 : vector<16xf32>
      tpu.vector_store_idx %arg8[%add3A_203], %max3A_205 : memref<40960xf32, #tpu.memory_space<vmem>>[vector<16xi32>], vector<16xf32>,
      tpu.vector_store_idx %arg9[%add3A_203], %max3A_200 {add = true} : memref<40960xf32, #tpu.memory_space<vmem>>[vector<16xi32>], vector<16xf32>,
      %get3A_206 = arith.index_cast %while3A_92 : i32 to index
      %get3A_207 = arith.constant 112 : index
      %get3A_208 = tpu.vector_load %arg17[%get3A_206, %get3A_207] {strides = array<i32>} : memref<64x128xf32, #tpu.memory_space<vmem>>, vector<16xf32>,
      %get3A_209 = arith.index_cast %while3A_92 : i32 to index
      %get3A_210 = arith.constant 112 : index
      %get3A_211 = tpu.vector_load %arg18[%get3A_209, %get3A_210] {strides = array<i32>} : memref<64x128xf32, #tpu.memory_space<vmem>>, vector<16xf32>,
      %sub3A_212 = arith.subf %get3A_208, %get3A_211 : vector<16xf32>
      %max3A_213 = arith.constant 0.000000e+00 : f32
      %max3A_214 = vector.broadcast %max3A_213 : f32 to vector<16xf32>
      %max3A_215 = arith.maximumf %sub3A_212, %max3A_214 : vector<16xf32>
      %add3A_216 = arith.constant 112 : i32
      %add3A_217 = vector.broadcast %add3A_216 : i32 to vector<16xi32>
      %add3A_218 = arith.addi %add3A_101, %add3A_217 : vector<16xi32>
      %gather3A_219 = tpu.vector_load_idx %arg8[%add3A_218] : memref<40960xf32, #tpu.memory_space<vmem>>[vector<16xi32>], vector<16xf32>,
      %max3A_220 = arith.maximumf %gather3A_219, %max3A_215 : vector<16xf32>
      tpu.vector_store_idx %arg8[%add3A_218], %max3A_220 : memref<40960xf32, #tpu.memory_space<vmem>>[vector<16xi32>], vector<16xf32>,
      tpu.vector_store_idx %arg9[%add3A_218], %max3A_215 {add = true} : memref<40960xf32, #tpu.memory_space<vmem>>[vector<16xi32>], vector<16xf32>,
      %sub3A_221 = vector.broadcast %mul3A_2 : i32 to vector<16xi32>
      %sub3A_222 = arith.subi %gather3A, %sub3A_221 : vector<16xi32>
      %mul3A_223 = arith.constant 16 : i32
      %mul3A_224 = vector.broadcast %mul3A_223 : i32 to vector<16xi32>
      %mul3A_225 = arith.muli %sub3A_222, %mul3A_224 : vector<16xi32>
      %add3A_226 = arith.addi %mul3A_225, %iota3A : vector<16xi32>
      tpu.vector_store_idx %arg10[%add3A_226], %broadcast_in_dim3A_7 {add = true} : memref<5120xf32, #tpu.memory_space<vmem>>[vector<16xi32>], vector<16xf32>,
      %while3A_227 = arith.constant 0 : i32
      scf.yield %while3A_227 : i32
    }
    %while3A_81 = arith.constant 1 : i32
    %while3A_82 = scf.for %while3A_92 = %while3A_78 to %while3A_74 step %while3A_81 iter_args(%while3A_93 = %while3A_80) -> (i32)  : i32 {
      %add3A_94 = arith.addi %multiple_of3A, %while3A_92 : i32
      %broadcast_in_dim3A_95 = vector.broadcast %add3A_94 : i32 to vector<16xi32>
      %gather3A = tpu.vector_load_idx %arg16[%broadcast_in_dim3A_95] : memref<8192xi32, #tpu.memory_space<vmem>>[vector<16xi32>], vector<16xi32>,
      %sub3A_96 = vector.broadcast %mul3A_2 : i32 to vector<16xi32>
      %sub3A_97 = arith.subi %gather3A, %sub3A_96 : vector<16xi32>
      %mul3A_98 = arith.constant 128 : i32
      %mul3A_99 = vector.broadcast %mul3A_98 : i32 to vector<16xi32>
      %mul3A_100 = arith.muli %sub3A_97, %mul3A_99 : vector<16xi32>
      %add3A_101 = arith.addi %mul3A_100, %iota3A : vector<16xi32>
      %get3A = arith.index_cast %while3A_92 : i32 to index
      %get3A_102 = arith.constant 0 : index
      %get3A_103 = tpu.vector_load %arg17[%get3A, %get3A_102] {strides = array<i32>} : memref<64x128xf32, #tpu.memory_space<vmem>>, vector<16xf32>,
      %get3A_104 = arith.index_cast %while3A_92 : i32 to index
      %get3A_105 = arith.constant 0 : index
      %get3A_106 = tpu.vector_load %arg18[%get3A_104, %get3A_105] {strides = array<i32>} : memref<64x128xf32, #tpu.memory_space<vmem>>, vector<16xf32>,
      %sub3A_107 = arith.subf %get3A_103, %get3A_106 : vector<16xf32>
      %max3A_108 = arith.constant 0.000000e+00 : f32
      %max3A_109 = vector.broadcast %max3A_108 : f32 to vector<16xf32>
      %max3A_110 = arith.maximumf %sub3A_107, %max3A_109 : vector<16xf32>
      %add3A_111 = arith.constant 0 : i32
      %add3A_112 = vector.broadcast %add3A_111 : i32 to vector<16xi32>
      %add3A_113 = arith.addi %add3A_101, %add3A_112 : vector<16xi32>
      %gather3A_114 = tpu.vector_load_idx %arg8[%add3A_113] : memref<40960xf32, #tpu.memory_space<vmem>>[vector<16xi32>], vector<16xf32>,
      %max3A_115 = arith.maximumf %gather3A_114, %max3A_110 : vector<16xf32>
      tpu.vector_store_idx %arg8[%add3A_113], %max3A_115 : memref<40960xf32, #tpu.memory_space<vmem>>[vector<16xi32>], vector<16xf32>,
      tpu.vector_store_idx %arg9[%add3A_113], %max3A_110 {add = true} : memref<40960xf32, #tpu.memory_space<vmem>>[vector<16xi32>], vector<16xf32>,
      %get3A_116 = arith.index_cast %while3A_92 : i32 to index
      %get3A_117 = arith.constant 16 : index
      %get3A_118 = tpu.vector_load %arg17[%get3A_116, %get3A_117] {strides = array<i32>} : memref<64x128xf32, #tpu.memory_space<vmem>>, vector<16xf32>,
      %get3A_119 = arith.index_cast %while3A_92 : i32 to index
      %get3A_120 = arith.constant 16 : index
      %get3A_121 = tpu.vector_load %arg18[%get3A_119, %get3A_120] {strides = array<i32>} : memref<64x128xf32, #tpu.memory_space<vmem>>, vector<16xf32>,
      %sub3A_122 = arith.subf %get3A_118, %get3A_121 : vector<16xf32>
      %max3A_123 = arith.constant 0.000000e+00 : f32
      %max3A_124 = vector.broadcast %max3A_123 : f32 to vector<16xf32>
      %max3A_125 = arith.maximumf %sub3A_122, %max3A_124 : vector<16xf32>
      %add3A_126 = arith.constant 16 : i32
      %add3A_127 = vector.broadcast %add3A_126 : i32 to vector<16xi32>
      %add3A_128 = arith.addi %add3A_101, %add3A_127 : vector<16xi32>
      %gather3A_129 = tpu.vector_load_idx %arg8[%add3A_128] : memref<40960xf32, #tpu.memory_space<vmem>>[vector<16xi32>], vector<16xf32>,
      %max3A_130 = arith.maximumf %gather3A_129, %max3A_125 : vector<16xf32>
      tpu.vector_store_idx %arg8[%add3A_128], %max3A_130 : memref<40960xf32, #tpu.memory_space<vmem>>[vector<16xi32>], vector<16xf32>,
      tpu.vector_store_idx %arg9[%add3A_128], %max3A_125 {add = true} : memref<40960xf32, #tpu.memory_space<vmem>>[vector<16xi32>], vector<16xf32>,
      %get3A_131 = arith.index_cast %while3A_92 : i32 to index
      %get3A_132 = arith.constant 32 : index
      %get3A_133 = tpu.vector_load %arg17[%get3A_131, %get3A_132] {strides = array<i32>} : memref<64x128xf32, #tpu.memory_space<vmem>>, vector<16xf32>,
      %get3A_134 = arith.index_cast %while3A_92 : i32 to index
      %get3A_135 = arith.constant 32 : index
      %get3A_136 = tpu.vector_load %arg18[%get3A_134, %get3A_135] {strides = array<i32>} : memref<64x128xf32, #tpu.memory_space<vmem>>, vector<16xf32>,
      %sub3A_137 = arith.subf %get3A_133, %get3A_136 : vector<16xf32>
      %max3A_138 = arith.constant 0.000000e+00 : f32
      %max3A_139 = vector.broadcast %max3A_138 : f32 to vector<16xf32>
      %max3A_140 = arith.maximumf %sub3A_137, %max3A_139 : vector<16xf32>
      %add3A_141 = arith.constant 32 : i32
      %add3A_142 = vector.broadcast %add3A_141 : i32 to vector<16xi32>
      %add3A_143 = arith.addi %add3A_101, %add3A_142 : vector<16xi32>
      %gather3A_144 = tpu.vector_load_idx %arg8[%add3A_143] : memref<40960xf32, #tpu.memory_space<vmem>>[vector<16xi32>], vector<16xf32>,
      %max3A_145 = arith.maximumf %gather3A_144, %max3A_140 : vector<16xf32>
      tpu.vector_store_idx %arg8[%add3A_143], %max3A_145 : memref<40960xf32, #tpu.memory_space<vmem>>[vector<16xi32>], vector<16xf32>,
      tpu.vector_store_idx %arg9[%add3A_143], %max3A_140 {add = true} : memref<40960xf32, #tpu.memory_space<vmem>>[vector<16xi32>], vector<16xf32>,
      %get3A_146 = arith.index_cast %while3A_92 : i32 to index
      %get3A_147 = arith.constant 48 : index
      %get3A_148 = tpu.vector_load %arg17[%get3A_146, %get3A_147] {strides = array<i32>} : memref<64x128xf32, #tpu.memory_space<vmem>>, vector<16xf32>,
      %get3A_149 = arith.index_cast %while3A_92 : i32 to index
      %get3A_150 = arith.constant 48 : index
      %get3A_151 = tpu.vector_load %arg18[%get3A_149, %get3A_150] {strides = array<i32>} : memref<64x128xf32, #tpu.memory_space<vmem>>, vector<16xf32>,
      %sub3A_152 = arith.subf %get3A_148, %get3A_151 : vector<16xf32>
      %max3A_153 = arith.constant 0.000000e+00 : f32
      %max3A_154 = vector.broadcast %max3A_153 : f32 to vector<16xf32>
      %max3A_155 = arith.maximumf %sub3A_152, %max3A_154 : vector<16xf32>
      %add3A_156 = arith.constant 48 : i32
      %add3A_157 = vector.broadcast %add3A_156 : i32 to vector<16xi32>
      %add3A_158 = arith.addi %add3A_101, %add3A_157 : vector<16xi32>
      %gather3A_159 = tpu.vector_load_idx %arg8[%add3A_158] : memref<40960xf32, #tpu.memory_space<vmem>>[vector<16xi32>], vector<16xf32>,
      %max3A_160 = arith.maximumf %gather3A_159, %max3A_155 : vector<16xf32>
      tpu.vector_store_idx %arg8[%add3A_158], %max3A_160 : memref<40960xf32, #tpu.memory_space<vmem>>[vector<16xi32>], vector<16xf32>,
      tpu.vector_store_idx %arg9[%add3A_158], %max3A_155 {add = true} : memref<40960xf32, #tpu.memory_space<vmem>>[vector<16xi32>], vector<16xf32>,
      %get3A_161 = arith.index_cast %while3A_92 : i32 to index
      %get3A_162 = arith.constant 64 : index
      %get3A_163 = tpu.vector_load %arg17[%get3A_161, %get3A_162] {strides = array<i32>} : memref<64x128xf32, #tpu.memory_space<vmem>>, vector<16xf32>,
      %get3A_164 = arith.index_cast %while3A_92 : i32 to index
      %get3A_165 = arith.constant 64 : index
      %get3A_166 = tpu.vector_load %arg18[%get3A_164, %get3A_165] {strides = array<i32>} : memref<64x128xf32, #tpu.memory_space<vmem>>, vector<16xf32>,
      %sub3A_167 = arith.subf %get3A_163, %get3A_166 : vector<16xf32>
      %max3A_168 = arith.constant 0.000000e+00 : f32
      %max3A_169 = vector.broadcast %max3A_168 : f32 to vector<16xf32>
      %max3A_170 = arith.maximumf %sub3A_167, %max3A_169 : vector<16xf32>
      %add3A_171 = arith.constant 64 : i32
      %add3A_172 = vector.broadcast %add3A_171 : i32 to vector<16xi32>
      %add3A_173 = arith.addi %add3A_101, %add3A_172 : vector<16xi32>
      %gather3A_174 = tpu.vector_load_idx %arg8[%add3A_173] : memref<40960xf32, #tpu.memory_space<vmem>>[vector<16xi32>], vector<16xf32>,
      %max3A_175 = arith.maximumf %gather3A_174, %max3A_170 : vector<16xf32>
      tpu.vector_store_idx %arg8[%add3A_173], %max3A_175 : memref<40960xf32, #tpu.memory_space<vmem>>[vector<16xi32>], vector<16xf32>,
      tpu.vector_store_idx %arg9[%add3A_173], %max3A_170 {add = true} : memref<40960xf32, #tpu.memory_space<vmem>>[vector<16xi32>], vector<16xf32>,
      %get3A_176 = arith.index_cast %while3A_92 : i32 to index
      %get3A_177 = arith.constant 80 : index
      %get3A_178 = tpu.vector_load %arg17[%get3A_176, %get3A_177] {strides = array<i32>} : memref<64x128xf32, #tpu.memory_space<vmem>>, vector<16xf32>,
      %get3A_179 = arith.index_cast %while3A_92 : i32 to index
      %get3A_180 = arith.constant 80 : index
      %get3A_181 = tpu.vector_load %arg18[%get3A_179, %get3A_180] {strides = array<i32>} : memref<64x128xf32, #tpu.memory_space<vmem>>, vector<16xf32>,
      %sub3A_182 = arith.subf %get3A_178, %get3A_181 : vector<16xf32>
      %max3A_183 = arith.constant 0.000000e+00 : f32
      %max3A_184 = vector.broadcast %max3A_183 : f32 to vector<16xf32>
      %max3A_185 = arith.maximumf %sub3A_182, %max3A_184 : vector<16xf32>
      %add3A_186 = arith.constant 80 : i32
      %add3A_187 = vector.broadcast %add3A_186 : i32 to vector<16xi32>
      %add3A_188 = arith.addi %add3A_101, %add3A_187 : vector<16xi32>
      %gather3A_189 = tpu.vector_load_idx %arg8[%add3A_188] : memref<40960xf32, #tpu.memory_space<vmem>>[vector<16xi32>], vector<16xf32>,
      %max3A_190 = arith.maximumf %gather3A_189, %max3A_185 : vector<16xf32>
      tpu.vector_store_idx %arg8[%add3A_188], %max3A_190 : memref<40960xf32, #tpu.memory_space<vmem>>[vector<16xi32>], vector<16xf32>,
      tpu.vector_store_idx %arg9[%add3A_188], %max3A_185 {add = true} : memref<40960xf32, #tpu.memory_space<vmem>>[vector<16xi32>], vector<16xf32>,
      %get3A_191 = arith.index_cast %while3A_92 : i32 to index
      %get3A_192 = arith.constant 96 : index
      %get3A_193 = tpu.vector_load %arg17[%get3A_191, %get3A_192] {strides = array<i32>} : memref<64x128xf32, #tpu.memory_space<vmem>>, vector<16xf32>,
      %get3A_194 = arith.index_cast %while3A_92 : i32 to index
      %get3A_195 = arith.constant 96 : index
      %get3A_196 = tpu.vector_load %arg18[%get3A_194, %get3A_195] {strides = array<i32>} : memref<64x128xf32, #tpu.memory_space<vmem>>, vector<16xf32>,
      %sub3A_197 = arith.subf %get3A_193, %get3A_196 : vector<16xf32>
      %max3A_198 = arith.constant 0.000000e+00 : f32
      %max3A_199 = vector.broadcast %max3A_198 : f32 to vector<16xf32>
      %max3A_200 = arith.maximumf %sub3A_197, %max3A_199 : vector<16xf32>
      %add3A_201 = arith.constant 96 : i32
      %add3A_202 = vector.broadcast %add3A_201 : i32 to vector<16xi32>
      %add3A_203 = arith.addi %add3A_101, %add3A_202 : vector<16xi32>
      %gather3A_204 = tpu.vector_load_idx %arg8[%add3A_203] : memref<40960xf32, #tpu.memory_space<vmem>>[vector<16xi32>], vector<16xf32>,
      %max3A_205 = arith.maximumf %gather3A_204, %max3A_200 : vector<16xf32>
      tpu.vector_store_idx %arg8[%add3A_203], %max3A_205 : memref<40960xf32, #tpu.memory_space<vmem>>[vector<16xi32>], vector<16xf32>,
      tpu.vector_store_idx %arg9[%add3A_203], %max3A_200 {add = true} : memref<40960xf32, #tpu.memory_space<vmem>>[vector<16xi32>], vector<16xf32>,
      %get3A_206 = arith.index_cast %while3A_92 : i32 to index
      %get3A_207 = arith.constant 112 : index
      %get3A_208 = tpu.vector_load %arg17[%get3A_206, %get3A_207] {strides = array<i32>} : memref<64x128xf32, #tpu.memory_space<vmem>>, vector<16xf32>,
      %get3A_209 = arith.index_cast %while3A_92 : i32 to index
      %get3A_210 = arith.constant 112 : index
      %get3A_211 = tpu.vector_load %arg18[%get3A_209, %get3A_210] {strides = array<i32>} : memref<64x128xf32, #tpu.memory_space<vmem>>, vector<16xf32>,
      %sub3A_212 = arith.subf %get3A_208, %get3A_211 : vector<16xf32>
      %max3A_213 = arith.constant 0.000000e+00 : f32
      %max3A_214 = vector.broadcast %max3A_213 : f32 to vector<16xf32>
      %max3A_215 = arith.maximumf %sub3A_212, %max3A_214 : vector<16xf32>
      %add3A_216 = arith.constant 112 : i32
      %add3A_217 = vector.broadcast %add3A_216 : i32 to vector<16xi32>
      %add3A_218 = arith.addi %add3A_101, %add3A_217 : vector<16xi32>
      %gather3A_219 = tpu.vector_load_idx %arg8[%add3A_218] : memref<40960xf32, #tpu.memory_space<vmem>>[vector<16xi32>], vector<16xf32>,
      %max3A_220 = arith.maximumf %gather3A_219, %max3A_215 : vector<16xf32>
      tpu.vector_store_idx %arg8[%add3A_218], %max3A_220 : memref<40960xf32, #tpu.memory_space<vmem>>[vector<16xi32>], vector<16xf32>,
      tpu.vector_store_idx %arg9[%add3A_218], %max3A_215 {add = true} : memref<40960xf32, #tpu.memory_space<vmem>>[vector<16xi32>], vector<16xf32>,
      %sub3A_221 = vector.broadcast %mul3A_2 : i32 to vector<16xi32>
      %sub3A_222 = arith.subi %gather3A, %sub3A_221 : vector<16xi32>
      %mul3A_223 = arith.constant 16 : i32
      %mul3A_224 = vector.broadcast %mul3A_223 : i32 to vector<16xi32>
      %mul3A_225 = arith.muli %sub3A_222, %mul3A_224 : vector<16xi32>
      %add3A_226 = arith.addi %mul3A_225, %iota3A : vector<16xi32>
      tpu.vector_store_idx %arg10[%add3A_226], %broadcast_in_dim3A_7 {add = true} : memref<5120xf32, #tpu.memory_space<vmem>>[vector<16xi32>], vector<16xf32>,
      %while3A_227 = arith.constant 0 : i32
      scf.yield %while3A_227 : i32
    }
    %scan3A_83 = arith.constant 0 : i32
    %scan3A_84 = arith.constant 320 : i32
    %scan3A_85 = arith.addi %scan3A_83, %scan3A_84 : i32
    %scan3A_86 = arith.constant 1 : i32
    scf.for %scan3A_92 = %scan3A_83 to %scan3A_85 step %scan3A_86  : i32 {
      %mul3A_93 = arith.constant 1 : i32
      %mul3A_94 = arith.muli %scan3A_92, %mul3A_93 : i32
      %add3A_95 = arith.constant 0 : i32
      %add3A_96 = arith.addi %add3A_95, %mul3A_94 : i32
      %mul3A_97 = arith.constant 16 : i32
      %mul3A_98 = arith.muli %add3A_96, %mul3A_97 : i32
      %get3A = arith.index_cast %mul3A_98 : i32 to index
      %get3A_99 = tpu.vector_load %arg10[%get3A] {strides = array<i32>} : memref<5120xf32, #tpu.memory_space<vmem>>, vector<16xf32>,
      %max3A_100 = arith.constant 1.000000e+00 : f32
      %max3A_101 = vector.broadcast %max3A_100 : f32 to vector<16xf32>
      %max3A_102 = arith.maximumf %get3A_99, %max3A_101 : vector<16xf32>
      %mul3A_103 = arith.constant 128 : i32
      %mul3A_104 = arith.muli %add3A_96, %mul3A_103 : i32
      %add3A_105 = arith.constant 0 : i32
      %add3A_106 = arith.addi %mul3A_104, %add3A_105 : i32
      %get3A_107 = arith.index_cast %add3A_106 : i32 to index
      %get3A_108 = tpu.vector_load %arg9[%get3A_107] {strides = array<i32>} : memref<40960xf32, #tpu.memory_space<vmem>>, vector<16xf32>,
      %div3A = arith.divf %get3A_108, %max3A_102 : vector<16xf32>
      %swap3A = arith.index_cast %add3A_106 : i32 to index
      %swap3A_109 = tpu.vector_load %arg9[%swap3A] {strides = array<i32>} : memref<40960xf32, #tpu.memory_space<vmem>>, vector<16xf32>,
      tpu.vector_store %arg9[%swap3A], %div3A {strides = array<i32>} : memref<40960xf32, #tpu.memory_space<vmem>>, vector<16xf32>,
      %mul3A_110 = arith.constant 128 : i32
      %mul3A_111 = arith.muli %add3A_96, %mul3A_110 : i32
      %add3A_112 = arith.constant 16 : i32
      %add3A_113 = arith.addi %mul3A_111, %add3A_112 : i32
      %get3A_114 = arith.index_cast %add3A_113 : i32 to index
      %get3A_115 = tpu.vector_load %arg9[%get3A_114] {strides = array<i32>} : memref<40960xf32, #tpu.memory_space<vmem>>, vector<16xf32>,
      %div3A_116 = arith.divf %get3A_115, %max3A_102 : vector<16xf32>
      %swap3A_117 = arith.index_cast %add3A_113 : i32 to index
      %swap3A_118 = tpu.vector_load %arg9[%swap3A_117] {strides = array<i32>} : memref<40960xf32, #tpu.memory_space<vmem>>, vector<16xf32>,
      tpu.vector_store %arg9[%swap3A_117], %div3A_116 {strides = array<i32>} : memref<40960xf32, #tpu.memory_space<vmem>>, vector<16xf32>,
      %mul3A_119 = arith.constant 128 : i32
      %mul3A_120 = arith.muli %add3A_96, %mul3A_119 : i32
      %add3A_121 = arith.constant 32 : i32
      %add3A_122 = arith.addi %mul3A_120, %add3A_121 : i32
      %get3A_123 = arith.index_cast %add3A_122 : i32 to index
      %get3A_124 = tpu.vector_load %arg9[%get3A_123] {strides = array<i32>} : memref<40960xf32, #tpu.memory_space<vmem>>, vector<16xf32>,
      %div3A_125 = arith.divf %get3A_124, %max3A_102 : vector<16xf32>
      %swap3A_126 = arith.index_cast %add3A_122 : i32 to index
      %swap3A_127 = tpu.vector_load %arg9[%swap3A_126] {strides = array<i32>} : memref<40960xf32, #tpu.memory_space<vmem>>, vector<16xf32>,
      tpu.vector_store %arg9[%swap3A_126], %div3A_125 {strides = array<i32>} : memref<40960xf32, #tpu.memory_space<vmem>>, vector<16xf32>,
      %mul3A_128 = arith.constant 128 : i32
      %mul3A_129 = arith.muli %add3A_96, %mul3A_128 : i32
      %add3A_130 = arith.constant 48 : i32
      %add3A_131 = arith.addi %mul3A_129, %add3A_130 : i32
      %get3A_132 = arith.index_cast %add3A_131 : i32 to index
      %get3A_133 = tpu.vector_load %arg9[%get3A_132] {strides = array<i32>} : memref<40960xf32, #tpu.memory_space<vmem>>, vector<16xf32>,
      %div3A_134 = arith.divf %get3A_133, %max3A_102 : vector<16xf32>
      %swap3A_135 = arith.index_cast %add3A_131 : i32 to index
      %swap3A_136 = tpu.vector_load %arg9[%swap3A_135] {strides = array<i32>} : memref<40960xf32, #tpu.memory_space<vmem>>, vector<16xf32>,
      tpu.vector_store %arg9[%swap3A_135], %div3A_134 {strides = array<i32>} : memref<40960xf32, #tpu.memory_space<vmem>>, vector<16xf32>,
      %mul3A_137 = arith.constant 128 : i32
      %mul3A_138 = arith.muli %add3A_96, %mul3A_137 : i32
      %add3A_139 = arith.constant 64 : i32
      %add3A_140 = arith.addi %mul3A_138, %add3A_139 : i32
      %get3A_141 = arith.index_cast %add3A_140 : i32 to index
      %get3A_142 = tpu.vector_load %arg9[%get3A_141] {strides = array<i32>} : memref<40960xf32, #tpu.memory_space<vmem>>, vector<16xf32>,
      %div3A_143 = arith.divf %get3A_142, %max3A_102 : vector<16xf32>
      %swap3A_144 = arith.index_cast %add3A_140 : i32 to index
      %swap3A_145 = tpu.vector_load %arg9[%swap3A_144] {strides = array<i32>} : memref<40960xf32, #tpu.memory_space<vmem>>, vector<16xf32>,
      tpu.vector_store %arg9[%swap3A_144], %div3A_143 {strides = array<i32>} : memref<40960xf32, #tpu.memory_space<vmem>>, vector<16xf32>,
      %mul3A_146 = arith.constant 128 : i32
      %mul3A_147 = arith.muli %add3A_96, %mul3A_146 : i32
      %add3A_148 = arith.constant 80 : i32
      %add3A_149 = arith.addi %mul3A_147, %add3A_148 : i32
      %get3A_150 = arith.index_cast %add3A_149 : i32 to index
      %get3A_151 = tpu.vector_load %arg9[%get3A_150] {strides = array<i32>} : memref<40960xf32, #tpu.memory_space<vmem>>, vector<16xf32>,
      %div3A_152 = arith.divf %get3A_151, %max3A_102 : vector<16xf32>
      %swap3A_153 = arith.index_cast %add3A_149 : i32 to index
      %swap3A_154 = tpu.vector_load %arg9[%swap3A_153] {strides = array<i32>} : memref<40960xf32, #tpu.memory_space<vmem>>, vector<16xf32>,
      tpu.vector_store %arg9[%swap3A_153], %div3A_152 {strides = array<i32>} : memref<40960xf32, #tpu.memory_space<vmem>>, vector<16xf32>,
      %mul3A_155 = arith.constant 128 : i32
      %mul3A_156 = arith.muli %add3A_96, %mul3A_155 : i32
      %add3A_157 = arith.constant 96 : i32
      %add3A_158 = arith.addi %mul3A_156, %add3A_157 : i32
      %get3A_159 = arith.index_cast %add3A_158 : i32 to index
      %get3A_160 = tpu.vector_load %arg9[%get3A_159] {strides = array<i32>} : memref<40960xf32, #tpu.memory_space<vmem>>, vector<16xf32>,
      %div3A_161 = arith.divf %get3A_160, %max3A_102 : vector<16xf32>
      %swap3A_162 = arith.index_cast %add3A_158 : i32 to index
      %swap3A_163 = tpu.vector_load %arg9[%swap3A_162] {strides = array<i32>} : memref<40960xf32, #tpu.memory_space<vmem>>, vector<16xf32>,
      tpu.vector_store %arg9[%swap3A_162], %div3A_161 {strides = array<i32>} : memref<40960xf32, #tpu.memory_space<vmem>>, vector<16xf32>,
      %mul3A_164 = arith.constant 128 : i32
      %mul3A_165 = arith.muli %add3A_96, %mul3A_164 : i32
      %add3A_166 = arith.constant 112 : i32
      %add3A_167 = arith.addi %mul3A_165, %add3A_166 : i32
      %get3A_168 = arith.index_cast %add3A_167 : i32 to index
      %get3A_169 = tpu.vector_load %arg9[%get3A_168] {strides = array<i32>} : memref<40960xf32, #tpu.memory_space<vmem>>, vector<16xf32>,
      %div3A_170 = arith.divf %get3A_169, %max3A_102 : vector<16xf32>
      %swap3A_171 = arith.index_cast %add3A_167 : i32 to index
      %swap3A_172 = tpu.vector_load %arg9[%swap3A_171] {strides = array<i32>} : memref<40960xf32, #tpu.memory_space<vmem>>, vector<16xf32>,
      tpu.vector_store %arg9[%swap3A_171], %div3A_170 {strides = array<i32>} : memref<40960xf32, #tpu.memory_space<vmem>>, vector<16xf32>,
    }
    %scan3A_87 = arith.constant 320 : i32
    %mul3A_88 = arith.constant 128 : i32
    %mul3A_89 = arith.muli %mul3A_2, %mul3A_88 : i32
    "tpu.region"() ({
      %run_scoped3A = tpu.sem_alloc : memref<!tpu.dma_semaphore, #tpu.memory_space<semaphore_mem>>
      %dma_start3A_92 = tpu.memref_slice %arg6[%mul3A_89] : memref<1310720xf32, #tpu.memory_space<hbm>> -> memref<40960xf32, #tpu.memory_space<hbm>>
      %dma_start3A_93 = tpu.memref_slice %arg6[%mul3A_89] : memref<1310720xf32, #tpu.memory_space<hbm>> -> memref<40960xf32, #tpu.memory_space<hbm>>
      tpu.enqueue_dma source(%arg8 : memref<40960xf32, #tpu.memory_space<vmem>>) target(%dma_start3A_93 : memref<40960xf32, #tpu.memory_space<hbm>>) target_semaphore(%run_scoped3A : memref<!tpu.dma_semaphore, #tpu.memory_space<semaphore_mem>>)
      %dma_wait3A_94 = tpu.memref_slice %arg6[%mul3A_89] : memref<1310720xf32, #tpu.memory_space<hbm>> -> memref<40960xf32, #tpu.memory_space<hbm>>
      %dma_wait3A_95 = tpu.memref_slice %arg6[%mul3A_89] : memref<1310720xf32, #tpu.memory_space<hbm>> -> memref<40960xf32, #tpu.memory_space<hbm>>
      tpu.wait_dma2 semaphore(%run_scoped3A : memref<!tpu.dma_semaphore, #tpu.memory_space<semaphore_mem>>) src(%arg8 : memref<40960xf32, #tpu.memory_space<vmem>>) dst(%dma_wait3A_95 : memref<40960xf32, #tpu.memory_space<hbm>>)
      tpu.yield
    }) : () -> ()
    %mul3A_90 = arith.constant 128 : i32
    %mul3A_91 = arith.muli %mul3A_2, %mul3A_90 : i32
    "tpu.region"() ({
      %run_scoped3A = tpu.sem_alloc : memref<!tpu.dma_semaphore, #tpu.memory_space<semaphore_mem>>
      %dma_start3A_92 = tpu.memref_slice %arg7[%mul3A_91] : memref<1310720xf32, #tpu.memory_space<hbm>> -> memref<40960xf32, #tpu.memory_space<hbm>>
      %dma_start3A_93 = tpu.memref_slice %arg7[%mul3A_91] : memref<1310720xf32, #tpu.memory_space<hbm>> -> memref<40960xf32, #tpu.memory_space<hbm>>
      tpu.enqueue_dma source(%arg9 : memref<40960xf32, #tpu.memory_space<vmem>>) target(%dma_start3A_93 : memref<40960xf32, #tpu.memory_space<hbm>>) target_semaphore(%run_scoped3A : memref<!tpu.dma_semaphore, #tpu.memory_space<semaphore_mem>>)
      %dma_wait3A_94 = tpu.memref_slice %arg7[%mul3A_91] : memref<1310720xf32, #tpu.memory_space<hbm>> -> memref<40960xf32, #tpu.memory_space<hbm>>
      %dma_wait3A_95 = tpu.memref_slice %arg7[%mul3A_91] : memref<1310720xf32, #tpu.memory_space<hbm>> -> memref<40960xf32, #tpu.memory_space<hbm>>
      tpu.wait_dma2 semaphore(%run_scoped3A : memref<!tpu.dma_semaphore, #tpu.memory_space<semaphore_mem>>) src(%arg9 : memref<40960xf32, #tpu.memory_space<vmem>>) dst(%dma_wait3A_95 : memref<40960xf32, #tpu.memory_space<hbm>>)
      tpu.yield
    }) : () -> ()
    return
  }
}

module attributes {stable_mosaic.version = 14 : i64} {
  func.func @body(%arg0: i32, %arg1: memref<1024x128xf32, #tpu.memory_space<vmem>>, %arg2: memref<1024x128xf32, #tpu.memory_space<vmem>>, %arg3: memref<128x128xf32, #tpu.memory_space<vmem>>, %arg4: memref<1x128xf32, #tpu.memory_space<vmem>>, %arg5: memref<1024x128xf32, #tpu.memory_space<vmem>>, %arg6: memref<1024x128xf32, #tpu.memory_space<vmem>>) attributes {dimension_semantics = [#tpu.dimension_semantics<arbitrary>], iteration_bounds = array<i64: 10>, scalar_prefetch = 0 : i64, scratch_operands = 0 : i64, tpu.core_type = #tpu.core_type<tc>, window_params = [{transform_indices = @transform_0, window_bounds = array<i64: 1024, 128>}, {transform_indices = @transform_1, window_bounds = array<i64: 1024, 128>}, {pipeline_mode = #tpu.pipeline_mode<synchronous>, transform_indices = @transform_2, window_bounds = array<i64: 128, 128>}, {pipeline_mode = #tpu.pipeline_mode<synchronous>, transform_indices = @transform_3, window_bounds = array<i64: 1, 128>}, {transform_indices = @transform_4, window_bounds = array<i64: 1024, 128>}, {transform_indices = @transform_5, window_bounds = array<i64: 1024, 128>}]} {
    %get3A = arith.constant 0 : index
    %get3A_0 = arith.constant 0 : index
    %get3A_1 = vector.load %arg3[%get3A, %get3A_0] : memref<128x128xf32, #tpu.memory_space<vmem>>, vector<128x128xf32>
    %get3A_2 = arith.constant 0 : index
    %get3A_3 = arith.constant 0 : index
    %get3A_4 = vector.load %arg1[%get3A_2, %get3A_3] : memref<1024x128xf32, #tpu.memory_space<vmem>>, vector<1024x128xf32>
    %dot_general3A = arith.constant dense<0.000000e+00> : vector<1024x128xf32>
    %dot_general3A_5 = tpu.matmul %get3A_4, %get3A_1, %dot_general3A {dimension_numbers = #tpu.dot_dimension_numbers<[1], [1], [0], [0], [0, 0, 1, 0], [], []>, transpose_lhs_hint = false} : vector<1024x128xf32>, vector<128x128xf32>, vector<1024x128xf32> -> vector<1024x128xf32>
    %swap3A = arith.constant 0 : index
    %swap3A_6 = arith.constant 0 : index
    %swap3A_7 = vector.load %arg5[%swap3A, %swap3A_6] : memref<1024x128xf32, #tpu.memory_space<vmem>>, vector<1024x128xf32>
    tpu.vector_store %arg5[%swap3A, %swap3A_6], %dot_general3A_5 {strides = array<i32>} : memref<1024x128xf32, #tpu.memory_space<vmem>>, vector<1024x128xf32>,
    %get3A_8 = arith.constant 0 : index
    %get3A_9 = arith.constant 0 : index
    %get3A_10 = vector.load %arg2[%get3A_8, %get3A_9] : memref<1024x128xf32, #tpu.memory_space<vmem>>, vector<1024x128xf32>
    %dot_general3A_11 = arith.constant dense<0.000000e+00> : vector<1024x128xf32>
    %dot_general3A_12 = tpu.matmul %get3A_10, %get3A_1, %dot_general3A_11 {dimension_numbers = #tpu.dot_dimension_numbers<[1], [1], [0], [0], [0, 0, 1, 0], [], []>, transpose_lhs_hint = false} : vector<1024x128xf32>, vector<128x128xf32>, vector<1024x128xf32> -> vector<1024x128xf32>
    %get3A_13 = arith.constant 0 : index
    %get3A_14 = arith.constant 0 : index
    %get3A_15 = vector.load %arg4[%get3A_13, %get3A_14] : memref<1x128xf32, #tpu.memory_space<vmem>>, vector<1x128xf32>
    %sub3A = vector.broadcast %get3A_15 : vector<1x128xf32> to vector<1024x128xf32>
    %sub3A_16 = arith.subf %dot_general3A_12, %sub3A : vector<1024x128xf32>
    %swap3A_17 = arith.constant 0 : index
    %swap3A_18 = arith.constant 0 : index
    %swap3A_19 = vector.load %arg6[%swap3A_17, %swap3A_18] : memref<1024x128xf32, #tpu.memory_space<vmem>>, vector<1024x128xf32>
    tpu.vector_store %arg6[%swap3A_17, %swap3A_18], %sub3A_16 {strides = array<i32>} : memref<1024x128xf32, #tpu.memory_space<vmem>>, vector<1024x128xf32>,
    return
  }
  func.func @transform_0(%arg0: i32) -> (i32, i32) {
    %c0_i32 = arith.constant 0 : i32
    %c0_i32_0 = arith.constant 0 : i32
    return %arg0, %c0_i32 : i32, i32
  }
  func.func @transform_1(%arg0: i32) -> (i32, i32) {
    %c0_i32 = arith.constant 0 : i32
    %c0_i32_0 = arith.constant 0 : i32
    return %arg0, %c0_i32 : i32, i32
  }
  func.func @transform_2(%arg0: i32) -> (i32, i32) {
    %c0_i32 = arith.constant 0 : i32
    %c0_i32_0 = arith.constant 0 : i32
    %c0_i32_1 = arith.constant 0 : i32
    return %c0_i32, %c0_i32_0 : i32, i32
  }
  func.func @transform_3(%arg0: i32) -> (i32, i32) {
    %c0_i32 = arith.constant 0 : i32
    %c0_i32_0 = arith.constant 0 : i32
    %c0_i32_1 = arith.constant 0 : i32
    return %c0_i32, %c0_i32_0 : i32, i32
  }
  func.func @transform_4(%arg0: i32) -> (i32, i32) {
    %c0_i32 = arith.constant 0 : i32
    %c0_i32_0 = arith.constant 0 : i32
    return %arg0, %c0_i32 : i32, i32
  }
  func.func @transform_5(%arg0: i32) -> (i32, i32) {
    %c0_i32 = arith.constant 0 : i32
    %c0_i32_0 = arith.constant 0 : i32
    return %arg0, %c0_i32 : i32, i32
  }
}

</mosaic_0001>

<sc_bundles>
// kernel: kernel.4.cloned.1.call-start
scs
__scs_entry_jumppad:
0x0: {  	(pc) =	sbr.rel $0x88, $3  }
0x1: {  	(tag) =	ssettag $0x0;
	lr =	simm.s32 $0x1  }
0x2: {  	[smem:$0x3F9C] =	sst lr;
	_ =	strace $0xD0000000  }
0x3: {  	_ = 	snop  }
0x4: {  	_ = 	snop  }
0x5: {  	_ = 	snop  }
0x6: {  	_ = 	snop  }
0x7: {  	_ = 	snop  }
__scs_overlays_trampoline_lowered:
0x8: {  	[smem:$0x3FAB] =	sst s0  }
0x9: {  	[smem:$0x3FAC] =	sst s1  }
0xa: {  	[smem:$0x3FAD] =	sst s2  }
0xb: {  	[smem:$0x3FAE] =	sst s3  }
0xc: {  	[smem:$0x3FAF] =	sst s4  }
0xd: {  	[smem:$0x3FB0] =	sst s5  }
0xe: {  	[smem:$0x3FB1] =	sst s6  }
0xf: {  	[smem:$0x3FB2] =	sst s7  }
0x10: {  	[smem:$0x3FB3] =	sst s8  }
0x11: {  	[smem:$0x3FB4] =	sst s9;
	s0 =	simm.s32 @!p0 $0x0  }
0x12: {  	s1 =	sld [smem:$0x3F9A];
	s0 =	simm.s32 @p0 $0x1  }
0x13: {  	[smem:$0x3FB5] =	sst s0;
	s0 =	simm.s32 @!p1 $0x0  }
0x14: {  	s2 =	sld [smem:$0x3F99];
	s0 =	simm.s32 @p1 $0x1  }
0x15: {  	[smem:$0x3FB6] =	sst s0;
	s0 =	simm.s32 @!p2 $0x0  }
0x16: {  	s3 =	sld [smem:$0x3FDB];
	s0 =	simm.s32 @p2 $0x1  }
0x17: {  	s4 =	simm.s32 $0x1BF5;
	[smem:$0x3FB8] =	sst s0  }
0x18: {  	s0 =	sld [smem:$0x3F9B];
	_ =	swait.ge [sflag:s4], $0x0  }
0x19: {  	s7 =	sld [smem:$0x3F9C]  }
0x1a: {  	s8 =	sadd.s32 $0xFFFFE003, lr  }
0x1b: {  	s9 =	sadd.s32 $0xFFFFFEF7, lr;
	s5 =	simm.s32 $0xFFFFFFFF;
	p2 =	slt.u32 s8, $0xFFFFF086  }
0x1c: {  	p1 =	slt.u32 s9, $0xF7A;
	s5 =	simm.s32 @!p2 $0x0  }
0x1d: {  	s5 =	simm.s32 @p1 $0x1;
	p0 =	seq.s32 s7, s2  }
0x1e: {  	s7 =	smul.u32 @!p0 $0xF7A, s2;
	p2 =	seq.s32 @!p0 s5, $0x0  }
0x1f: {  	s9 =	smul.u32 $0xF7A, s1;
	s8 =	simm.s32 @!p0 $0x1BF5;
	p2 =	por !p2, p0  }
0x20: {  	[sflag:s8] =	ssyncset.s32 @!p0 $0xFFFFF086;
	s6 =	sadd.s32 @!p0 s3, s7;
	s7 =	simm.s32 @!p0 $0x108  }
0x21: {  	s3 =	sadd.s32 s3, s9;
	s6 =	sadd.s32 @!p0 $0x88, s6;
	s7 =	simm.s32 @p2 $0x1082  }
0x22: {  	[simem:s7], [sflag:s8] =	dma.local @!p0 [hbm:s6], $0xF7A  }
0x23: {  	s9 =	sor.u32 $0xD0000000, s2;
	s6 =	simm.s32 $0x108;
	_ =	swait.ge @!p0 [sflag:s8], $0x0  }
0x24: {  	s3 =	sadd.s32 $0x88, s3;
	s6 =	simm.s32 @!p1 $0x1082;
	[sflag:s4] =	ssyncset.s32 $0xFFFFF086  }
0x25: {  	[simem:s6], [sflag:s4] =	dma.local [hbm:s3], $0xF7A  }
0x26: {  	[smem:$0x3F9C] =	sst s1;
	(tag) =	ssettag s2;
	_ =	strace s9  }
0x27: {  	s1 =	sld [smem:$0x3FAC]  }
0x28: {  	s2 =	sld [smem:$0x3FAD]  }
0x29: {  	s4 =	sld [smem:$0x3FAF]  }
0x2a: {  	p0 =	seq.s32 s5, $0x0;
	s5 =	sld [smem:$0x3FB0]  }
0x2b: {  	s6 =	sld [smem:$0x3FB1]  }
0x2c: {  	s7 =	sld [smem:$0x3FB2]  }
0x2d: {  	s3 =	simm.s32 $0x108;
	s8 =	sld [smem:$0x3FB3]  }
0x2e: {  	s3 =	simm.s32 @!p0 $0x1082;
	s9 =	sld [smem:$0x3FB4]  }
0x2f: {  	lr =	sadd.s32 s0, s3;
	s0 =	sld [smem:$0x3FAB]  }
0x30: {  	s3 =	sld [smem:$0x3FAE]  }
0x31: {  	[smem:$0x3FB7] =	sst s10  }
0x32: {  	s10 =	sld [smem:$0x3FB5];
	_ =	sdelay $0x3  }
0x33: {  	p0 =	seq.s32 s10, $0x1;
	s10 =	sld [smem:$0x3FB7];
	_ =	sdelay $0x3  }
0x34: {  	[smem:$0x3FB7] =	sst s10  }
0x35: {  	s10 =	sld [smem:$0x3FB6];
	_ =	sdelay $0x3  }
0x36: {  	p1 =	seq.s32 s10, $0x1;
	s10 =	sld [smem:$0x3FB7];
	_ =	sdelay $0x3  }
0x37: {  	[smem:$0x3FB7] =	sst s10  }
0x38: {  	s10 =	sld [smem:$0x3FB8]  }
0x39: {  	_ = 	snop;
	(pc) =	sbr.ind lr, $3  }
0x3a: {  	_ = 	snop  }
0x3b: {  	_ = 	snop  }
0x3c: {  	p2 =	seq.s32 s10, $0x1;
	s10 =	sld [smem:$0x3FB7]  }
0x3d: {  	_ =	shalt  }
0x3e: {  	_ =	shalt  }
0x3f: {  	_ =	shalt  }
0x40: {  	_ =	shalt  }
0x41: {  	_ =	shalt  }
0x42: {  	_ =	shalt  }
0x43: {  	_ =	shalt  }
0x44: {  	_ =	shalt  }
0x45: {  	_ =	shalt  }
0x46: {  	_ =	shalt  }
0x47: {  	_ =	shalt  }
0x48: {  	_ =	shalt  }
0x49: {  	_ =	shalt  }
0x4a: {  	_ =	shalt  }
0x4b: {  	_ =	shalt  }
0x4c: {  	_ =	shalt  }
0x4d: {  	_ =	shalt  }
0x4e: {  	_ =	shalt  }
0x4f: {  	_ =	shalt  }
0x50: {  	_ =	shalt  }
0x51: {  	_ =	shalt  }
0x52: {  	_ =	shalt  }
0x53: {  	_ =	shalt  }
0x54: {  	_ =	shalt  }
0x55: {  	_ =	shalt  }
0x56: {  	_ =	shalt  }
0x57: {  	_ =	shalt  }
0x58: {  	_ =	shalt  }
0x59: {  	_ =	shalt  }
0x5a: {  	_ =	shalt  }
0x5b: {  	_ =	shalt  }
0x5c: {  	_ =	shalt  }
0x5d: {  	_ =	shalt  }
0x5e: {  	_ =	shalt  }
0x5f: {  	_ =	shalt  }
0x60: {  	_ =	shalt  }
0x61: {  	_ =	shalt  }
0x62: {  	_ =	shalt  }
0x63: {  	_ =	shalt  }
0x64: {  	_ =	shalt  }
0x65: {  	_ =	shalt  }
0x66: {  	_ =	shalt  }
0x67: {  	_ =	shalt  }
0x68: {  	_ =	shalt  }
0x69: {  	_ =	shalt  }
0x6a: {  	_ =	shalt  }
0x6b: {  	_ =	shalt  }
0x6c: {  	_ =	shalt  }
0x6d: {  	_ =	shalt  }
0x6e: {  	_ =	shalt  }
0x6f: {  	_ =	shalt  }
0x70: {  	_ =	shalt  }
0x71: {  	_ =	shalt  }
0x72: {  	_ =	shalt  }
0x73: {  	_ =	shalt  }
0x74: {  	_ =	shalt  }
0x75: {  	_ =	shalt  }
0x76: {  	_ =	shalt  }
0x77: {  	_ =	shalt  }
0x78: {  	_ =	shalt  }
0x79: {  	_ =	shalt  }
0x7a: {  	_ =	shalt  }
0x7b: {  	_ =	shalt  }
0x7c: {  	_ =	shalt  }
0x7d: {  	_ =	shalt  }
0x7e: {  	_ =	shalt  }
0x7f: {  	_ =	shalt  }
0x80: {  	_ =	shalt  }
0x81: {  	_ =	shalt  }
0x82: {  	_ =	shalt  }
0x83: {  	_ =	shalt  }
0x84: {  	_ =	shalt  }
0x85: {  	_ =	shalt  }
0x86: {  	_ =	shalt  }
0x87: {  	_ =	shalt  }
.Lfunc_end0:
.L_simem_size_0:
called_computation_lowered:
.L_overlay_start_0:
0x88: {  	s2 =	sld [smem:$0x3FD9]  }
0x89: {  	s3 =	sld [smem:$0x3FFE];
	_ =	sdelay $0x1  }
0x8a: {  	s1 =	srdreg.scid  }
0x8b: {  	s0 =	sand.u32 $0x1, s1  }
0x8c: {  	s17 =	sshll.u32 s0, $0xA;
	s2 =	sadd.s32 s3, s2  }
0x8d: {  	s2 =	sadd.s32 s2, s17  }
0x8e: {  	[smem:$0x3FC3] =	sst s2  }
0x8f: {  	_ = 	snop  }
0x90: {  	s2 =	sld [smem:$0x3FD0];
	(tm) =	ssettm $0x1  }
0x91: {  	s18 =	sld [smem:$0x3FFB];
	_ =	sdelay $0x3  }
0x92: {  	_ =	strace s18  }
0x93: {  	s3 =	sld [smem:$0x3FFC];
	_ =	sdelay $0x3  }
0x94: {  	_ =	strace s3  }
0x95: {  	s3 =	sld [smem:$0x3FFD];
	_ =	sdelay $0x3  }
0x96: {  	_ =	strace s3  }
0x97: {  	_ =	strace $0x8FFFFFFF  }
0x98: {  	s19 =	sld [smem:$0x3FDB];
	_ =	sdelay $0x1  }
0x99: {  	s4 =	simm.s32 $_scs_section_size  }
0x9a: {  	s5 =	simm.s32 $_size__tile_overlayer_lowered;
	s6 =	simm.s32 $_tile_overlayer_lowered  }
0x9b: {  	s22 =	simm.s32 $0x1BFF;
	s21 =	sshll.u32 s6, $0x1;
	s3 =	sadd.s32 s4, s19  }
0x9c: {  	s7 =	simm.s32 $0x0;
	s20 =	sshll.u32 s5, $0x1;
	s5 =	sadd.s32 s21, s3  }
0x9d: {  	[timem:s7], [sflag:s22] =	dma.local [hbm:s5], s20  }
0x9e: {  	_ =	swait.ge [sflag:s22], s20  }
0x9f: {  	s4 =	ssub.s32 $0x0, s20;
	[sflag:s22] =	ssyncset.done $0x0  }
0xa0: {  	[sflag:s22] =	ssyncadd.s32 s4;
	_ =	sdelay $0x1  }
0xa1: {  	s23 =	simm.s32 $0x1B8B  }
0xa2: {  	_ =	swait.ge [sflag:s23], $0x1  }
0xa3: {  	[sflag:s23] =	ssyncset.done $0x0  }
0xa4: {  	s25 =	simm.s32 $0x1B8E;
	s24 =	sld [smem:$0x3FFE];
	[sflag:s23] =	ssyncadd.s32 $0xFFFFFFFF  }
0xa5: {  	s26 =	simm.s32 $execute0_lowered;
	[smem:$0x3FD2] =	sst s25  }
0xa6: {  	s5 =	sshll.u32 s26, $0x1;
	_ =	strace $0x80000046;
	[dreg:$0x1] =	wrdreg $0xFFFFFFFF  }
0xa7: {  	s28 =	simm.s32 $_size_execute0_lowered;
	s3 =	sadd.s32 s3, s5;
	[dreg:$0x0] =	wrdreg $0x0  }
0xa8: {  	s5 =	sshll.u32 s28, $0x1;
	[dreg:$0x2] =	wrdreg s3  }
0xa9: {  	[dreg:$0x3] =	wrdreg s5  }
0xaa: {  	[dreg:$0x4] =	wrdreg $0xC0  }
0xab: {  	_ =	task [dreg:s7], $0x5FFFF  }
0xac: {  	[dreg:$0x1] =	wrdreg $0xFFFFFFFF  }
0xad: {  	[dreg:$0x0] =	wrdreg $0x60  }
0xae: {  	[dreg:$0x2] =	wrdreg s24  }
0xaf: {  	[dreg:$0x3] =	wrdreg s2  }
0xb0: {  	[dreg:$0x4] =	wrdreg $0x9  }
0xb1: {  	_ =	task.clear_ibuf [dreg:s7], $0x5FFFF;
	_ =	strace $0x90000046  }
0xb2: {  	s29 =	simm.s32 $0x9;
	_ =	strace $0x80000048  }
0xb3: {  	_ =	swait.ge [sflag:s29], $0x1  }
0xb4: {  	[sflag:s29] =	ssyncadd.s32 $0xFFFFFFFF  }
0xb5: {  	_ =	strace $0x90000048  }
0xb6: {  	_ =	sfence  }
0xb7: {  	s30 =	sld [smem:$0x0];
	_ =	sdelay $0x2  }
0xb8: {  	s31 =	sshll.u32 s1, $0xD;
	s1 =	sshrl.u32 s1, $0x2  }
0xb9: {  	s3 =	sand.u32 $0x4000, s31;
	s1 =	sadd.s32 s1, s30  }
0xba: {  	s0 =	sor.u32 s3, s0;
	s1 =	sshll.u32 s1, $0x11  }
0xbb: {  	s0 =	sor.u32 s1, s0  }
0xbc: {  	s0 =	sadd.s32 $0x8F2B, s0  }
0xbd: {  	[sflag:s0] =	ssyncadd.remote.s32 $0x1  }
0xbe: {  	_ =	sfence.sel $0xFFFF  }
0xbf: {  	[dreg:$0x0] =	wrdreg $0xFFFFFFFF;
	(pc) =	sbr.abs _section_cstart, $3  }
0xc0: {  	[dreg:$0x1] =	wrdreg $0xFFFFFFFF  }
0xc1: {  	_ =	task.clear_ibuf [dreg:s7], $0x2FFFF;
	_ =	strace $0x9FFFFFFF  }
0xc2: {  	(tm) =	ssettm $0x7FFFFFFF  }
0xc3: {  	_ =	shalt  }
tec
execute0_lowered:
.L_overlay_start_1:
0x0: {  	(tag) =	ssettag $0x1  }
0x1: {  	s0 =	rddreg [dreg:$0x0]  }
0x2: {  	s2 =	rddreg [dreg:$0x1];
	s1 =	srdreg.scid  }
0x3: {  	s4 =	stileid.u32;
	s3 =	simm.s32 $0x0;
	s10 =	simm.s32 $0x15400  }
0x4: {  	s11 =	simm.s32 $0x15C00;
	s12 =	simm.s32 $0x1;
	s15 =	simm.s32 $0x17400  }
0x5: {  	s16 =	simm.s32 $0x19400;
	s17 =	simm.s32 $0x3;
	s18 =	simm.s32 $0x4  }
0x6: {  	s19 =	simm.s32 $0xA000;
	s20 =	simm.s32 $0x14000;
	s21 =	simm.s32 $0x40  }
0x7: {  	s22 =	simm.s32 $0x1B400;
	s1 =	sand.u32 $0x1, s1;
	s4 =	sshll.u32 s4, $0x1  }
0x8: {  	[smem:$0x7FF] =	sst s3;
	s7 =	sor.u32 s1, s4;
	s1 =	ssub.s32 $0x2, s1  }
0x9: {  	s5 =	sadd.s32 $0x1600, s0;
	s8 =	smul.u32 $0x1400, s7;
	s9 =	sshrl.u32 s1, $0x1  }
0xa: {  	s6 =	sadd.s32 $0x15200, s0;
	_ =	strace $0x80000047;
	s1 =	ssub.s32 s1, s9  }
0xb: {  	v1 =	vimm.f32 $0.0e+00;
	v2 =	vlaneseq.u32;
	v3 =	vimm.s32 $0x0;
	s4 =	sadd.s32 $0xB400, s0;
	s0 =	sadd.s32 s8, s0;
	s31 =	smax.u32 s1, $0x1  }
0xc: {  	v11 =	vimm.f32 $1.000000000e+00;
	v4 =	vor.u32 $0x10, v2;
	v5 =	vor.u32 $0x20, v2;
	s7 =	smul.u32 $0x140, s7;
	s8 =	sadd.s32 $0x3D200, s0;
	[dreg:$0x5] =	wrdreg s31  }
0xd: {  	s23 =	simm.s32 $0x1D400;
	v6 =	vor.u32 $0x30, v2;
	v7 =	vor.u32 $0x40, v2;
	v8 =	vor.u32 $0x50, v2;
	s0 =	sadd.s32 $0x65200, s0;
	[dreg:$0x3] =	wrdreg s8  }
0xe: {  	s24 =	simm.s32 $0x2;
	v9 =	vor.u32 $0x60, v2;
	v10 =	vor.u32 $0x70, v2;
	v0 =	vmov s7;
	s7 =	simm.s32 $0x0;
	[dreg:$0x4] =	wrdreg s0  }
.LBB2_1:
0xf: {  	[dreg:$0x6] =	wrdreg s7;
	s0 =	simm.s32 $0x40;
	s1 =	simm.s32 $0x0  }
.LBB2_2:
0x10: {  	p0 =	sne.s32 s0, $0x27FC0;
	[tilespmem:s1+$0x0] =	vst v1;
	s7 =	smov.u32 s0;
	s0 =	sadd.s32 $0x40, s0  }
.Ltmp0:
0x11: {  	[tilespmem:s1+$0xA000] =	vst v1;
	(pc) =	sbr.rel @p0 .LBB2_2-.Ltmp0, $2  }
0x12: {  	_ =	sdelay $0x2  }
0x13: {  	s1 =	sshra.s32 s7, $0x2  }
0x14: {  	[tilespmem:s1+$0x0] =	vst v1  }
0x15: {  	[tilespmem:s1+$0xA000] =	vst v1;
	s0 =	simm.s32 $0x40;
	s1 =	simm.s32 $0x0  }
.LBB2_4:
0x16: {  	p0 =	sne.s32 s0, $0x4FC0;
	[tilespmem:s1+$0x14000] =	vst v1;
	s1 =	smov.u32 s0;
	s0 =	sadd.s32 $0x40, s0  }
.Ltmp1:
0x17: {  	(pc) =	sbr.rel @p0 .LBB2_4-.Ltmp1, $2  }
0x18: {  	_ =	sdelay $0x2  }
0x19: {  	s1 =	sshra.s32 s1, $0x2  }
0x1a: {  	[tilespmem:s1+$0x14000] =	vst v1;
	s0 =	simm.s32 $0x40;
	s1 =	simm.s32 $0x0  }
.LBB2_6:
0x1b: {  	p0 =	sne.s32 s0, $0x7FC0;
	[tilespmem:s1+$0x17400] =	vst v3;
	s7 =	smov.u32 s0;
	s0 =	sadd.s32 $0x40, s0  }
.Ltmp2:
0x1c: {  	[tilespmem:s1+$0x19400] =	vst v3;
	(pc) =	sbr.rel @p0 .LBB2_6-.Ltmp2, $2  }
0x1d: {  	_ =	sdelay $0x2  }
0x1e: {  	s1 =	sshra.s32 s7, $0x2  }
.Ltmp3:
0x1f: {  	[tilespmem:s1+$0x17400] =	vst v3;
	(pc) =	sbr.rel .LBB2_8-.Ltmp3, $4  }
0x20: {  	[tilespmem:s1+$0x19400] =	vst v3;
	s28 =	simm.s32 $0x0  }
0x21: {  	[tilespmem:s10], [sflag:$0x1] =	stream.linear.gather [hbm4b:s4+s28], $0x7D0, $0x38;
	[tilespmem:$0x1F400] =	vst v63  }
0x22: {  	s29 =	simm.s32 $0x0  }
0x23: {  	v12 =	vimm.s32 $0x0;
	[tilespmem:s11], [sflag:$0x1] =	stream.linear.gather [hbm4b:s5+s28], $0x7D0, $0x38;
	[tilespmem:$0x1F400] =	vst v63  }
.LBB2_28:
0x24: {  	s29 =	sadd.s32 $0x1, s29  }
0x25: {  	p0 =	sne.s32 s29, $0x50  }
.Ltmp4:
0x26: {  	_ = 	snop;
	(pc) =	sbr.rel @!p0 .LBB2_29-.Ltmp4, $1  }
0x27: {  	_ =	sdelay $0x3  }
.LBB2_8:
0x28: {  	_ =	swait.ge [sflag:s12], $0x7D0  }
0x29: {  	[sflag:s12] =	ssyncset.done $0x0  }
0x2a: {  	[sflag:s12] =	ssyncadd.s32 $0xFFFFF830  }
0x2b: {  	v13 =	vxor.u32 $0x80000000, v12;
	_ =	swait.ge [sflag:s12], $0x7D0  }
0x2c: {  	(xrf0) =	vmax.scan.msk.u32 $0xffff, v13;
	_ =	sdelay $0x5  }
0x2d: {  	v13, _, _ =	vpop (xrf0)  }
0x2e: {  	(v2sf) =	vpush v13, $0xF;
	_ =	sdelay $0x6  }
0x2f: {  	s0 =	smul.u32 $0xFA0, s29;
	_ =	sdelay $0x1  }
0x30: {  	s0 =	sshrl.u32 s0, $0x3  }
0x31: {  	s0 =	sadd.s32 $0xFA, s0;
	[sflag:s12] =	ssyncset.done $0x0  }
0x32: {  	s7 =	simm.s32 $0x16400;
	s1 =	sadd.s32 s4, s0;
	[sflag:s12] =	ssyncadd.s32 $0xFFFFF830  }
0x33: {  	[tilespmem:s7], [sflag:$0x2] =	stream.linear.gather [hbm4b:s1+s3], $0x7D0, $0x38;
	[tilespmem:$0x1F400] =	vst v63  }
0x34: {  	s25 =	simm.s32 $0x16C00;
	s0 =	sadd.s32 s5, s0  }
0x35: {  	[tilespmem:s25], [sflag:$0x2] =	stream.linear.gather [hbm4b:s0+s3], $0x7D0, $0x38;
	[tilespmem:$0x1F400] =	vst v63  }
0x36: {  	s26 =	spop (v2sf)  }
0x37: {  	s0 =	sxor.u32 $0x80000000, s26  }
0x38: {  	s31 =	ssub.s32 s0, s28  }
0x39: {  	s0 =	sand.u32 $0x1FC0, s28;
	p0 =	slt.s32 s31, $0x40  }
0x3a: {  	s1 =	sadd.s32 @!p0 $0x17400, s0;
	s7 =	simm.s32 @!p0 $0x40;
	s8 =	simm.s32 @!p0 $0x1B400  }
0x3b: {  	[tilespmem:s8], [sflag:$0x3] =	stream.indirect.gather @!p0 [hbm4b:s2+s7], $0x80, s1, s7, $0xb8;
	[tilespmem:$0x1F400] =	vst v63  }
0x3c: {  	s30 =	sshll.u32 s29, $0x1;
	s1 =	sadd.s32 @!p0 $0x19400, s0;
	s8 =	simm.s32 @!p0 $0x1D400  }
0x3d: {  	[tilespmem:s8], [sflag:$0x4] =	stream.indirect.gather @!p0 [hbm4b:s6+s7], $0x80, s1, s7, $0xb8;
	[tilespmem:$0x1F400] =	vst v63  }
0x3e: {  	s1 =	simm.s32 $0xFFFFFFFC;
	s7 =	simm.s32 $0x15420;
	s8 =	simm.s32 $0x15C20  }
.LBB2_9:
0x3f: {  	v13 =	vld [tilespmem:s8+$0xFFFFFFE0];
	_ =	sdelay $0x4  }
0x40: {  	v14 =	vsub.s32 v13, v0  }
0x41: {  	vm0 =	vlt.u32 v14, $0x140  }
0x42: {  	v14 =	vsel vm0, $0x1, v3  }
0x43: {  	(xrf0) =	vadd.scan.msk.s32 $0xffff, v14;
	_ =	sdelay $0x4  }
0x44: {  	v14 =	vsel vm0, $0xFFFFFFFF, v3  }
0x45: {  	v14 =	vadd.s32 v14, v12;
	v15, _, _ =	vpop (xrf0)  }
0x46: {  	v14 =	vadd.s32 v15, v14  }
0x47: {  	v15 =	vld [tilespmem:s7+$0xFFFFFFE0];
	v14 =	vand.u32 $0x1FFF, v14;
	_ =	sdelay $0x4  }
0x48: {  	[tilespmem:v14+s15+$0x0] =	vst.idx.msk vm0, v15  }
0x49: {  	[tilespmem:v14+s16+$0x0] =	vst.idx.msk vm0, v13  }
0x4a: {  	v13 =	vld [tilespmem:s8+$0xFFFFFFF0];
	_ =	sdelay $0x4  }
0x4b: {  	v14 =	vsub.s32 v13, v0  }
0x4c: {  	vm1 =	vlt.u32 v14, $0x140  }
0x4d: {  	v14 =	vsel vm1, $0x1, v3  }
0x4e: {  	(xrf0) =	vadd.scan.msk.s32 $0xffff, v14;
	_ =	sdelay $0x2  }
0x4f: {  	v14 =	vmpcnt.ones.xlane vm0;
	_ =	sdelay $0x1  }
0x50: {  	v12 =	vadd.s32 v12, v14;
	v14 =	vsel vm1, $0xFFFFFFFF, v3  }
0x51: {  	v14 =	vadd.s32 v14, v12;
	v15, _, _ =	vpop (xrf0)  }
0x52: {  	v14 =	vadd.s32 v15, v14  }
0x53: {  	v15 =	vld [tilespmem:s7+$0xFFFFFFF0];
	v14 =	vand.u32 $0x1FFF, v14;
	_ =	sdelay $0x4  }
0x54: {  	[tilespmem:v14+s15+$0x0] =	vst.idx.msk vm1, v15  }
0x55: {  	[tilespmem:v14+s16+$0x0] =	vst.idx.msk vm1, v13  }
0x56: {  	v13 =	vld [tilespmem:s8+$0x0];
	_ =	sdelay $0x4  }
0x57: {  	v14 =	vsub.s32 v13, v0  }
0x58: {  	vm14 =	vlt.u32 v14, $0x140  }
0x59: {  	v14 =	vsel vm14, $0x1, v3  }
0x5a: {  	(xrf0) =	vadd.scan.msk.s32 $0xffff, v14;
	_ =	sdelay $0x2  }
0x5b: {  	v14 =	vmpcnt.ones.xlane vm1;
	_ =	sdelay $0x1  }
0x5c: {  	v12 =	vadd.s32 v12, v14;
	v14 =	vsel vm14, $0xFFFFFFFF, v3  }
0x5d: {  	v14 =	vadd.s32 v14, v12;
	v15, _, _ =	vpop (xrf0)  }
0x5e: {  	v14 =	vadd.s32 v15, v14  }
0x5f: {  	v15 =	vld [tilespmem:s7+$0x0];
	v14 =	vand.u32 $0x1FFF, v14;
	_ =	sdelay $0x4  }
0x60: {  	[tilespmem:v14+s15+$0x0] =	vst.idx.msk vm14, v15  }
0x61: {  	[tilespmem:v14+s16+$0x0] =	vst.idx.msk vm14, v13  }
0x62: {  	v13 =	vld [tilespmem:s8+$0x10];
	_ =	sdelay $0x4  }
0x63: {  	v14 =	vsub.s32 v13, v0  }
0x64: {  	vm15 =	vlt.u32 v14, $0x140  }
0x65: {  	v14 =	vsel vm15, $0x1, v3  }
0x66: {  	(xrf0) =	vadd.scan.msk.s32 $0xffff, v14;
	_ =	sdelay $0x2  }
0x67: {  	v14 =	vmpcnt.ones.xlane vm14;
	_ =	sdelay $0x1  }
0x68: {  	v12 =	vadd.s32 v12, v14;
	v14 =	vsel vm15, $0xFFFFFFFF, v3  }
0x69: {  	v14 =	vadd.s32 v14, v12;
	v15, _, _ =	vpop (xrf0)  }
0x6a: {  	v14 =	vadd.s32 v15, v14  }
0x6b: {  	s1 =	sadd.s32 $0x4, s1;
	v15 =	vld [tilespmem:s7+$0x10];
	v14 =	vand.u32 $0x1FFF, v14  }
0x6c: {  	p1 =	slt.u32 s1, $0x78  }
.Ltmp5:
0x6d: {  	_ = 	snop;
	(pc) =	sbr.rel @p1 .LBB2_9-.Ltmp5, $4  }
0x6e: {  	_ = 	snop  }
0x6f: {  	v16 =	vmpcnt.ones.xlane vm15  }
0x70: {  	[tilespmem:v14+s15+$0x0] =	vst.idx.msk vm15, v15  }
0x71: {  	s8 =	sadd.s32 $0x40, s8;
	v12 =	vadd.s32 v12, v16;
	s7 =	sadd.s32 $0x40, s7;
	[tilespmem:v14+s16+$0x0] =	vst.idx.msk vm15, v13  }
0x72: {  	v13 =	vld [tilespmem:$0x163C0];
	_ =	sdelay $0x4  }
0x73: {  	v14 =	vsub.s32 v13, v0  }
0x74: {  	vm0 =	vlt.u32 v14, $0x140  }
0x75: {  	v14 =	vsel vm0, $0x1, v3  }
0x76: {  	(xrf0) =	vadd.scan.msk.s32 $0xffff, v14;
	_ =	sdelay $0x4  }
0x77: {  	v14 =	vsel vm0, $0xFFFFFFFF, v3  }
0x78: {  	v14 =	vadd.s32 v14, v12;
	v15, _, _ =	vpop (xrf0)  }
0x79: {  	v14 =	vadd.s32 v15, v14  }
0x7a: {  	v15 =	vld [tilespmem:$0x15BC0];
	v14 =	vand.u32 $0x1FFF, v14;
	_ =	sdelay $0x1  }
.Ltmp6:
0x7b: {  	_ = 	snop;
	(pc) =	sbr.rel @p0 .LBB2_14-.Ltmp6, $3  }
0x7c: {  	_ =	sdelay $0x1  }
0x7d: {  	[tilespmem:v14+s15+$0x0] =	vst.idx.msk vm0, v15  }
0x7e: {  	[tilespmem:v14+s16+$0x0] =	vst.idx.msk vm0, v13  }
0x7f: {  	s8 =	sadd.s32 $0xFFFFFFFE, s0  }
0x80: {  	s1 =	sadd.s32 $0x2, s8  }
0x81: {  	v13 =	vmov s1  }
0x82: {  	v13 =	vand.u32 $0xFFFFFFFE, v13  }
0x83: {  	_ =	swait.ge [sflag:s17], $0x2000;
	v13 =	vbroadcast v13, $0x0  }
0x84: {  	[sflag:s17] =	ssyncset.done $0x0  }
0x85: {  	[sflag:s17] =	ssyncadd.s32 $0xFFFFE000  }
0x86: {  	_ =	swait.ge [sflag:s18], $0x2000  }
0x87: {  	[sflag:s18] =	ssyncset.done $0x0  }
0x88: {  	[sflag:s18] =	ssyncadd.s32 $0xFFFFE000  }
0x89: {  	v13 =	vld.idx.msk [tilespmem:v13+s16+$0x0], $0xffff;
	_ =	sdelay $0x4  }
0x8a: {  	v13 =	vsub.s32 v13, v0  }
0x8b: {  	v14 =	vshll.u32 v13, $0x7  }
0x8c: {  	s1 =	simm.s32 $0x1D480;
	v15 =	vor.u32 v2, v14  }
0x8d: {  	s7 =	simm.s32 $0x1B480;
	v16 =	vld [tilespmem:s1+$0xFFFFFF80]  }
0x8e: {  	v17 =	vld [tilespmem:s7+$0xFFFFFF80];
	_ =	sdelay $0x2  }
0x8f: {  	v18 =	vld.idx.msk [tilespmem:v15+s3+$0x0], $0xffff;
	_ =	sdelay $0x1  }
0x90: {  	v16 =	vsub.f32 v17, v16;
	_ =	sdelay $0x1  }
0x91: {  	v16 =	vmax.f32 v16, $0.0e+00  }
0x92: {  	v17 =	vmax.f32 v18, v16  }
0x93: {  	[tilespmem:v15+s3+$0x0] =	vst.idx.msk $0xffff, v17  }
0x94: {  	v17 =	vor.u32 v4, v14;
	[tilespmem:v15+s19+$0x0] =	vst.idx.add.f32.msk $0xffff, v16  }
0x95: {  	v15 =	vld [tilespmem:s7+$0xFFFFFF90]  }
0x96: {  	v16 =	vld [tilespmem:s1+$0xFFFFFF90];
	_ =	sdelay $0x2  }
0x97: {  	v18 =	vld.idx.msk [tilespmem:v17+s3+$0x0], $0xffff;
	_ =	sdelay $0x1  }
0x98: {  	v15 =	vsub.f32 v15, v16;
	_ =	sdelay $0x1  }
0x99: {  	v15 =	vmax.f32 v15, $0.0e+00  }
0x9a: {  	v16 =	vmax.f32 v18, v15  }
0x9b: {  	[tilespmem:v17+s3+$0x0] =	vst.idx.msk $0xffff, v16  }
0x9c: {  	v16 =	vor.u32 v5, v14;
	[tilespmem:v17+s19+$0x0] =	vst.idx.add.f32.msk $0xffff, v15  }
0x9d: {  	v15 =	vld [tilespmem:s7+$0xFFFFFFA0]  }
0x9e: {  	v17 =	vld [tilespmem:s1+$0xFFFFFFA0];
	_ =	sdelay $0x2  }
0x9f: {  	v18 =	vld.idx.msk [tilespmem:v16+s3+$0x0], $0xffff;
	_ =	sdelay $0x1  }
0xa0: {  	v15 =	vsub.f32 v15, v17;
	_ =	sdelay $0x1  }
0xa1: {  	v15 =	vmax.f32 v15, $0.0e+00  }
0xa2: {  	v17 =	vmax.f32 v18, v15  }
0xa3: {  	[tilespmem:v16+s3+$0x0] =	vst.idx.msk $0xffff, v17  }
0xa4: {  	v17 =	vor.u32 v6, v14;
	[tilespmem:v16+s19+$0x0] =	vst.idx.add.f32.msk $0xffff, v15  }
0xa5: {  	v15 =	vld [tilespmem:s7+$0xFFFFFFB0]  }
0xa6: {  	v16 =	vld [tilespmem:s1+$0xFFFFFFB0];
	_ =	sdelay $0x2  }
0xa7: {  	v18 =	vld.idx.msk [tilespmem:v17+s3+$0x0], $0xffff;
	_ =	sdelay $0x1  }
0xa8: {  	v15 =	vsub.f32 v15, v16;
	_ =	sdelay $0x1  }
0xa9: {  	v15 =	vmax.f32 v15, $0.0e+00  }
0xaa: {  	v16 =	vmax.f32 v18, v15  }
0xab: {  	[tilespmem:v17+s3+$0x0] =	vst.idx.msk $0xffff, v16  }
0xac: {  	v16 =	vor.u32 v7, v14;
	[tilespmem:v17+s19+$0x0] =	vst.idx.add.f32.msk $0xffff, v15  }
0xad: {  	v15 =	vld [tilespmem:s7+$0xFFFFFFC0]  }
0xae: {  	v17 =	vld [tilespmem:s1+$0xFFFFFFC0];
	_ =	sdelay $0x2  }
0xaf: {  	v18 =	vld.idx.msk [tilespmem:v16+s3+$0x0], $0xffff;
	_ =	sdelay $0x1  }
0xb0: {  	v15 =	vsub.f32 v15, v17;
	_ =	sdelay $0x1  }
0xb1: {  	v15 =	vmax.f32 v15, $0.0e+00  }
0xb2: {  	v17 =	vmax.f32 v18, v15  }
0xb3: {  	[tilespmem:v16+s3+$0x0] =	vst.idx.msk $0xffff, v17  }
0xb4: {  	v17 =	vor.u32 v8, v14;
	[tilespmem:v16+s19+$0x0] =	vst.idx.add.f32.msk $0xffff, v15  }
0xb5: {  	v15 =	vld [tilespmem:s7+$0xFFFFFFD0]  }
0xb6: {  	v16 =	vld [tilespmem:s1+$0xFFFFFFD0];
	_ =	sdelay $0x2  }
0xb7: {  	v18 =	vld.idx.msk [tilespmem:v17+s3+$0x0], $0xffff;
	_ =	sdelay $0x1  }
0xb8: {  	v15 =	vsub.f32 v15, v16;
	_ =	sdelay $0x1  }
0xb9: {  	v15 =	vmax.f32 v15, $0.0e+00  }
0xba: {  	v16 =	vmax.f32 v18, v15  }
0xbb: {  	[tilespmem:v17+s3+$0x0] =	vst.idx.msk $0xffff, v16  }
0xbc: {  	v16 =	vor.u32 v9, v14;
	[tilespmem:v17+s19+$0x0] =	vst.idx.add.f32.msk $0xffff, v15  }
0xbd: {  	v15 =	vld [tilespmem:s7+$0xFFFFFFE0]  }
0xbe: {  	v17 =	vld [tilespmem:s1+$0xFFFFFFE0];
	_ =	sdelay $0x2  }
0xbf: {  	v18 =	vld.idx.msk [tilespmem:v16+s3+$0x0], $0xffff;
	_ =	sdelay $0x1  }
0xc0: {  	v15 =	vsub.f32 v15, v17;
	_ =	sdelay $0x1  }
0xc1: {  	v15 =	vmax.f32 v15, $0.0e+00  }
0xc2: {  	v17 =	vmax.f32 v18, v15  }
0xc3: {  	[tilespmem:v16+s3+$0x0] =	vst.idx.msk $0xffff, v17  }
0xc4: {  	v14 =	vor.u32 v10, v14;
	[tilespmem:v16+s19+$0x0] =	vst.idx.add.f32.msk $0xffff, v15  }
0xc5: {  	v15 =	vld [tilespmem:s7+$0xFFFFFFF0]  }
0xc6: {  	v16 =	vld [tilespmem:s1+$0xFFFFFFF0];
	_ =	sdelay $0x2  }
0xc7: {  	v17 =	vld.idx.msk [tilespmem:v14+s3+$0x0], $0xffff;
	_ =	sdelay $0x1  }
0xc8: {  	v13 =	vshll.u32 v13, $0x4;
	v15 =	vsub.f32 v15, v16  }
0xc9: {  	s8 =	sadd.s32 $0x3, s8;
	v13 =	vor.u32 v2, v13  }
0xca: {  	v16 =	vmov s8;
	v15 =	vmax.f32 v15, $0.0e+00  }
0xcb: {  	v17 =	vmax.f32 v17, v15  }
0xcc: {  	[tilespmem:v14+s3+$0x0] =	vst.idx.msk $0xffff, v17  }
0xcd: {  	[tilespmem:v14+s19+$0x0] =	vst.idx.add.f32.msk $0xffff, v15  }
0xce: {  	[tilespmem:v13+s20+$0x0] =	vst.idx.add.f32.msk $0xffff, v11  }
0xcf: {  	v13 =	vld.idx.msk [tilespmem:v16+s16+$0x0], $0xffff;
	_ =	sdelay $0x4  }
0xd0: {  	v14 =	vsub.s32 v13, v0  }
0xd1: {  	v13 =	vshll.u32 v14, $0x7  }
0xd2: {  	v15 =	vor.u32 v2, v13  }
0xd3: {  	v16 =	vld [tilespmem:s1+$0x0]  }
0xd4: {  	v17 =	vld [tilespmem:s7+$0x0];
	_ =	sdelay $0x2  }
0xd5: {  	v18 =	vld.idx.msk [tilespmem:v15+s3+$0x0], $0xffff;
	_ =	sdelay $0x1  }
0xd6: {  	v16 =	vsub.f32 v17, v16;
	_ =	sdelay $0x1  }
0xd7: {  	v16 =	vmax.f32 v16, $0.0e+00  }
0xd8: {  	v17 =	vmax.f32 v18, v16  }
0xd9: {  	[tilespmem:v15+s3+$0x0] =	vst.idx.msk $0xffff, v17  }
0xda: {  	v17 =	vor.u32 v4, v13;
	[tilespmem:v15+s19+$0x0] =	vst.idx.add.f32.msk $0xffff, v16  }
0xdb: {  	v15 =	vld [tilespmem:s7+$0x10]  }
0xdc: {  	v16 =	vld [tilespmem:s1+$0x10];
	_ =	sdelay $0x2  }
0xdd: {  	v18 =	vld.idx.msk [tilespmem:v17+s3+$0x0], $0xffff;
	_ =	sdelay $0x1  }
0xde: {  	v15 =	vsub.f32 v15, v16;
	_ =	sdelay $0x1  }
0xdf: {  	v15 =	vmax.f32 v15, $0.0e+00  }
0xe0: {  	v16 =	vmax.f32 v18, v15  }
0xe1: {  	[tilespmem:v17+s3+$0x0] =	vst.idx.msk $0xffff, v16  }
0xe2: {  	v16 =	vor.u32 v5, v13;
	[tilespmem:v17+s19+$0x0] =	vst.idx.add.f32.msk $0xffff, v15  }
0xe3: {  	v15 =	vld [tilespmem:s7+$0x20]  }
0xe4: {  	v17 =	vld [tilespmem:s1+$0x20];
	_ =	sdelay $0x2  }
0xe5: {  	v18 =	vld.idx.msk [tilespmem:v16+s3+$0x0], $0xffff;
	_ =	sdelay $0x1  }
0xe6: {  	v15 =	vsub.f32 v15, v17;
	_ =	sdelay $0x1  }
0xe7: {  	v15 =	vmax.f32 v15, $0.0e+00  }
0xe8: {  	v17 =	vmax.f32 v18, v15  }
0xe9: {  	[tilespmem:v16+s3+$0x0] =	vst.idx.msk $0xffff, v17  }
0xea: {  	v17 =	vor.u32 v6, v13;
	[tilespmem:v16+s19+$0x0] =	vst.idx.add.f32.msk $0xffff, v15  }
0xeb: {  	v15 =	vld [tilespmem:s7+$0x30]  }
0xec: {  	v16 =	vld [tilespmem:s1+$0x30];
	_ =	sdelay $0x2  }
0xed: {  	v18 =	vld.idx.msk [tilespmem:v17+s3+$0x0], $0xffff;
	_ =	sdelay $0x1  }
0xee: {  	v15 =	vsub.f32 v15, v16;
	_ =	sdelay $0x1  }
0xef: {  	v15 =	vmax.f32 v15, $0.0e+00  }
0xf0: {  	v16 =	vmax.f32 v18, v15  }
0xf1: {  	[tilespmem:v17+s3+$0x0] =	vst.idx.msk $0xffff, v16  }
0xf2: {  	v16 =	vor.u32 v7, v13;
	[tilespmem:v17+s19+$0x0] =	vst.idx.add.f32.msk $0xffff, v15  }
0xf3: {  	v15 =	vld [tilespmem:s7+$0x40]  }
0xf4: {  	v17 =	vld [tilespmem:s1+$0x40];
	_ =	sdelay $0x2  }
0xf5: {  	v18 =	vld.idx.msk [tilespmem:v16+s3+$0x0], $0xffff;
	_ =	sdelay $0x1  }
0xf6: {  	v15 =	vsub.f32 v15, v17;
	_ =	sdelay $0x1  }
0xf7: {  	v15 =	vmax.f32 v15, $0.0e+00  }
0xf8: {  	v17 =	vmax.f32 v18, v15  }
0xf9: {  	[tilespmem:v16+s3+$0x0] =	vst.idx.msk $0xffff, v17  }
0xfa: {  	v17 =	vor.u32 v8, v13;
	[tilespmem:v16+s19+$0x0] =	vst.idx.add.f32.msk $0xffff, v15  }
0xfb: {  	v15 =	vld [tilespmem:s7+$0x50]  }
0xfc: {  	v16 =	vld [tilespmem:s1+$0x50];
	_ =	sdelay $0x2  }
0xfd: {  	v18 =	vld.idx.msk [tilespmem:v17+s3+$0x0], $0xffff;
	_ =	sdelay $0x1  }
0xfe: {  	v15 =	vsub.f32 v15, v16;
	_ =	sdelay $0x1  }
0xff: {  	v15 =	vmax.f32 v15, $0.0e+00  }
0x100: {  	v16 =	vmax.f32 v18, v15  }
0x101: {  	[tilespmem:v17+s3+$0x0] =	vst.idx.msk $0xffff, v16  }
0x102: {  	[tilespmem:v17+s19+$0x0] =	vst.idx.add.f32.msk $0xffff, v15  }
0x103: {  	v15 =	vor.u32 v9, v13;
	v17 =	vld [tilespmem:s7+$0x60]  }
0x104: {  	v18 =	vld [tilespmem:s1+$0x60];
	_ =	sdelay $0x3  }
0x105: {  	v16 =	vld.idx.msk [tilespmem:v15+s3+$0x0], $0xffff  }
0x106: {  	s25 =	simm.s32 $0x0;
	s9 =	simm.s32 $0x1D480;
	s8 =	simm.s32 $0x1B480;
	v14 =	vshll.u32 v14, $0x4;
	v17 =	vsub.f32 v17, v18  }
.LBB2_12:
0x107: {  	s1 =	sadd.s32 $0x100, s1  }
0x108: {  	s7 =	sadd.s32 $0x100, s7;
	s26 =	smov.u32 s25;
	s25 =	sadd.s32 $0x2, s25  }
0x109: {  	p0 =	slt.u32 s25, $0x3E;
	v17 =	vmax.f32 v17, $0.0e+00  }
0x10a: {  	v13 =	vor.u32 v10, v13;
	v16 =	vmax.f32 v16, v17  }
0x10b: {  	[tilespmem:v15+s3+$0x0] =	vst.idx.msk $0xffff, v16  }
0x10c: {  	[tilespmem:v15+s19+$0x0] =	vst.idx.add.f32.msk $0xffff, v17  }
0x10d: {  	s26 =	sadd.s32 s26, s0;
	v15 =	vld [tilespmem:s8+$0x70];
	s8 =	smov.u32 s7  }
0x10e: {  	s13 =	sadd.s32 $0x2, s26;
	s26 =	sadd.s32 $0x3, s26;
	v16 =	vld [tilespmem:s9+$0x70];
	s9 =	smov.u32 s1  }
0x10f: {  	v17 =	vmov s13;
	v18 =	vld.idx.msk [tilespmem:v13+s3+$0x0], $0xffff  }
0x110: {  	v17 =	vand.u32 $0xFFFFFFFE, v17  }
0x111: {  	v14 =	vor.u32 v2, v14;
	v17 =	vbroadcast v17, $0x0;
	_ =	sdelay $0x1  }
0x112: {  	v15 =	vsub.f32 v15, v16;
	_ =	sdelay $0x1  }
0x113: {  	v15 =	vmax.f32 v15, $0.0e+00  }
0x114: {  	v16 =	vmax.f32 v18, v15  }
0x115: {  	[tilespmem:v13+s3+$0x0] =	vst.idx.msk $0xffff, v16  }
0x116: {  	[tilespmem:v13+s19+$0x0] =	vst.idx.add.f32.msk $0xffff, v15  }
0x117: {  	[tilespmem:v14+s20+$0x0] =	vst.idx.add.f32.msk $0xffff, v11  }
0x118: {  	v13 =	vld.idx.msk [tilespmem:v17+s16+$0x0], $0xffff;
	_ =	sdelay $0x5  }
0x119: {  	v13 =	vsub.s32 v13, v0  }
0x11a: {  	v14 =	vshll.u32 v13, $0x7;
	v13 =	vshll.u32 v13, $0x4;
	v15 =	vld [tilespmem:s1+$0xFFFFFF80]  }
0x11b: {  	v17 =	vor.u32 v2, v14;
	v16 =	vld [tilespmem:s7+$0xFFFFFF80];
	_ =	sdelay $0x4  }
0x11c: {  	v15 =	vsub.f32 v16, v15;
	v16 =	vld.idx.msk [tilespmem:v17+s3+$0x0], $0xffff;
	_ =	sdelay $0x1  }
0x11d: {  	v15 =	vmax.f32 v15, $0.0e+00;
	_ =	sdelay $0x1  }
0x11e: {  	v18 =	vor.u32 v4, v14;
	_ =	sdelay $0x1  }
0x11f: {  	v16 =	vmax.f32 v16, v15  }
0x120: {  	[tilespmem:v17+s3+$0x0] =	vst.idx.msk $0xffff, v16  }
0x121: {  	[tilespmem:v17+s19+$0x0] =	vst.idx.add.f32.msk $0xffff, v15  }
0x122: {  	v15 =	vld [tilespmem:s7+$0xFFFFFF90]  }
0x123: {  	v16 =	vld [tilespmem:s1+$0xFFFFFF90]  }
0x124: {  	v17 =	vld.idx.msk [tilespmem:v18+s3+$0x0], $0xffff;
	_ =	sdelay $0x3  }
0x125: {  	v15 =	vsub.f32 v15, v16;
	_ =	sdelay $0x1  }
0x126: {  	v15 =	vmax.f32 v15, $0.0e+00  }
0x127: {  	v16 =	vmax.f32 v17, v15  }
0x128: {  	[tilespmem:v18+s3+$0x0] =	vst.idx.msk $0xffff, v16;
	v16 =	vor.u32 v5, v14  }
0x129: {  	[tilespmem:v18+s19+$0x0] =	vst.idx.add.f32.msk $0xffff, v15  }
0x12a: {  	v15 =	vld [tilespmem:s7+$0xFFFFFFA0]  }
0x12b: {  	v17 =	vld [tilespmem:s1+$0xFFFFFFA0];
	_ =	sdelay $0x1  }
0x12c: {  	v18 =	vld.idx.msk [tilespmem:v16+s3+$0x0], $0xffff;
	_ =	sdelay $0x2  }
0x12d: {  	v15 =	vsub.f32 v15, v17;
	_ =	sdelay $0x1  }
0x12e: {  	v15 =	vmax.f32 v15, $0.0e+00  }
0x12f: {  	v17 =	vmax.f32 v18, v15  }
0x130: {  	[tilespmem:v16+s3+$0x0] =	vst.idx.msk $0xffff, v17;
	v17 =	vor.u32 v6, v14  }
0x131: {  	[tilespmem:v16+s19+$0x0] =	vst.idx.add.f32.msk $0xffff, v15  }
0x132: {  	v15 =	vld [tilespmem:s7+$0xFFFFFFB0]  }
0x133: {  	v16 =	vld [tilespmem:s1+$0xFFFFFFB0];
	_ =	sdelay $0x1  }
0x134: {  	v18 =	vld.idx.msk [tilespmem:v17+s3+$0x0], $0xffff;
	_ =	sdelay $0x2  }
0x135: {  	v15 =	vsub.f32 v15, v16;
	_ =	sdelay $0x1  }
0x136: {  	v15 =	vmax.f32 v15, $0.0e+00  }
0x137: {  	v16 =	vmax.f32 v18, v15  }
0x138: {  	[tilespmem:v17+s3+$0x0] =	vst.idx.msk $0xffff, v16;
	v16 =	vor.u32 v7, v14  }
0x139: {  	[tilespmem:v17+s19+$0x0] =	vst.idx.add.f32.msk $0xffff, v15  }
0x13a: {  	v15 =	vld [tilespmem:s7+$0xFFFFFFC0]  }
0x13b: {  	v17 =	vld [tilespmem:s1+$0xFFFFFFC0];
	_ =	sdelay $0x1  }
0x13c: {  	v18 =	vld.idx.msk [tilespmem:v16+s3+$0x0], $0xffff;
	_ =	sdelay $0x2  }
0x13d: {  	v15 =	vsub.f32 v15, v17;
	_ =	sdelay $0x1  }
0x13e: {  	v15 =	vmax.f32 v15, $0.0e+00  }
0x13f: {  	v17 =	vmax.f32 v18, v15  }
0x140: {  	[tilespmem:v16+s3+$0x0] =	vst.idx.msk $0xffff, v17;
	v17 =	vor.u32 v8, v14  }
0x141: {  	[tilespmem:v16+s19+$0x0] =	vst.idx.add.f32.msk $0xffff, v15  }
0x142: {  	v15 =	vld [tilespmem:s7+$0xFFFFFFD0]  }
0x143: {  	v16 =	vld [tilespmem:s1+$0xFFFFFFD0];
	_ =	sdelay $0x1  }
0x144: {  	v18 =	vld.idx.msk [tilespmem:v17+s3+$0x0], $0xffff;
	_ =	sdelay $0x2  }
0x145: {  	v15 =	vsub.f32 v15, v16;
	_ =	sdelay $0x1  }
0x146: {  	v15 =	vmax.f32 v15, $0.0e+00  }
0x147: {  	v16 =	vmax.f32 v18, v15  }
0x148: {  	[tilespmem:v17+s3+$0x0] =	vst.idx.msk $0xffff, v16;
	v16 =	vor.u32 v9, v14  }
0x149: {  	[tilespmem:v17+s19+$0x0] =	vst.idx.add.f32.msk $0xffff, v15  }
0x14a: {  	v15 =	vld [tilespmem:s7+$0xFFFFFFE0]  }
0x14b: {  	v17 =	vld [tilespmem:s1+$0xFFFFFFE0];
	_ =	sdelay $0x1  }
0x14c: {  	v18 =	vld.idx.msk [tilespmem:v16+s3+$0x0], $0xffff;
	_ =	sdelay $0x2  }
0x14d: {  	v15 =	vsub.f32 v15, v17;
	_ =	sdelay $0x1  }
0x14e: {  	v15 =	vmax.f32 v15, $0.0e+00  }
0x14f: {  	v14 =	vor.u32 v10, v14;
	v17 =	vmax.f32 v18, v15  }
0x150: {  	[tilespmem:v16+s3+$0x0] =	vst.idx.msk $0xffff, v17  }
0x151: {  	[tilespmem:v16+s19+$0x0] =	vst.idx.add.f32.msk $0xffff, v15  }
0x152: {  	v15 =	vld [tilespmem:s7+$0xFFFFFFF0]  }
0x153: {  	v16 =	vld [tilespmem:s1+$0xFFFFFFF0]  }
0x154: {  	v17 =	vld.idx.msk [tilespmem:v14+s3+$0x0], $0xffff;
	_ =	sdelay $0x3  }
0x155: {  	v15 =	vsub.f32 v15, v16  }
0x156: {  	v13 =	vor.u32 v2, v13  }
0x157: {  	v16 =	vmov s26;
	v15 =	vmax.f32 v15, $0.0e+00  }
0x158: {  	v17 =	vmax.f32 v17, v15  }
0x159: {  	[tilespmem:v14+s3+$0x0] =	vst.idx.msk $0xffff, v17  }
0x15a: {  	[tilespmem:v14+s19+$0x0] =	vst.idx.add.f32.msk $0xffff, v15  }
0x15b: {  	[tilespmem:v13+s20+$0x0] =	vst.idx.add.f32.msk $0xffff, v11  }
0x15c: {  	v13 =	vld.idx.msk [tilespmem:v16+s16+$0x0], $0xffff;
	_ =	sdelay $0x5  }
0x15d: {  	v14 =	vsub.s32 v13, v0  }
0x15e: {  	v13 =	vshll.u32 v14, $0x7;
	v14 =	vshll.u32 v14, $0x4  }
0x15f: {  	v15 =	vor.u32 v2, v13;
	_ =	sdelay $0x1  }
0x160: {  	v16 =	vld [tilespmem:s1+$0x0]  }
0x161: {  	v17 =	vld [tilespmem:s7+$0x0];
	_ =	sdelay $0x1  }
0x162: {  	v18 =	vld.idx.msk [tilespmem:v15+s3+$0x0], $0xffff;
	_ =	sdelay $0x2  }
0x163: {  	v16 =	vsub.f32 v17, v16;
	_ =	sdelay $0x1  }
0x164: {  	v16 =	vmax.f32 v16, $0.0e+00  }
0x165: {  	v17 =	vmax.f32 v18, v16;
	v18 =	vor.u32 v4, v13  }
0x166: {  	[tilespmem:v15+s3+$0x0] =	vst.idx.msk $0xffff, v17  }
0x167: {  	[tilespmem:v15+s19+$0x0] =	vst.idx.add.f32.msk $0xffff, v16  }
0x168: {  	v15 =	vld [tilespmem:s7+$0x10]  }
0x169: {  	v16 =	vld [tilespmem:s1+$0x10]  }
0x16a: {  	v17 =	vld.idx.msk [tilespmem:v18+s3+$0x0], $0xffff;
	_ =	sdelay $0x3  }
0x16b: {  	v15 =	vsub.f32 v15, v16;
	_ =	sdelay $0x1  }
0x16c: {  	v15 =	vmax.f32 v15, $0.0e+00  }
0x16d: {  	v16 =	vmax.f32 v17, v15;
	v17 =	vor.u32 v5, v13  }
0x16e: {  	[tilespmem:v18+s3+$0x0] =	vst.idx.msk $0xffff, v16  }
0x16f: {  	[tilespmem:v18+s19+$0x0] =	vst.idx.add.f32.msk $0xffff, v15  }
0x170: {  	v15 =	vld [tilespmem:s7+$0x20]  }
0x171: {  	v16 =	vld [tilespmem:s1+$0x20]  }
0x172: {  	v18 =	vld.idx.msk [tilespmem:v17+s3+$0x0], $0xffff;
	_ =	sdelay $0x3  }
0x173: {  	v15 =	vsub.f32 v15, v16;
	_ =	sdelay $0x1  }
0x174: {  	v15 =	vmax.f32 v15, $0.0e+00  }
0x175: {  	v16 =	vmax.f32 v18, v15;
	v18 =	vor.u32 v6, v13  }
0x176: {  	[tilespmem:v17+s3+$0x0] =	vst.idx.msk $0xffff, v16  }
0x177: {  	[tilespmem:v17+s19+$0x0] =	vst.idx.add.f32.msk $0xffff, v15  }
0x178: {  	v15 =	vld [tilespmem:s7+$0x30]  }
0x179: {  	v16 =	vld [tilespmem:s1+$0x30]  }
0x17a: {  	v17 =	vld.idx.msk [tilespmem:v18+s3+$0x0], $0xffff;
	_ =	sdelay $0x3  }
0x17b: {  	v15 =	vsub.f32 v15, v16;
	_ =	sdelay $0x1  }
0x17c: {  	v15 =	vmax.f32 v15, $0.0e+00  }
0x17d: {  	v16 =	vmax.f32 v17, v15;
	v17 =	vor.u32 v7, v13  }
0x17e: {  	[tilespmem:v18+s3+$0x0] =	vst.idx.msk $0xffff, v16  }
0x17f: {  	[tilespmem:v18+s19+$0x0] =	vst.idx.add.f32.msk $0xffff, v15  }
0x180: {  	v15 =	vld [tilespmem:s7+$0x40]  }
0x181: {  	v16 =	vld [tilespmem:s1+$0x40]  }
0x182: {  	v18 =	vld.idx.msk [tilespmem:v17+s3+$0x0], $0xffff;
	_ =	sdelay $0x3  }
0x183: {  	v15 =	vsub.f32 v15, v16;
	_ =	sdelay $0x1  }
0x184: {  	v15 =	vmax.f32 v15, $0.0e+00  }
0x185: {  	v16 =	vmax.f32 v18, v15;
	v18 =	vor.u32 v8, v13  }
0x186: {  	[tilespmem:v17+s3+$0x0] =	vst.idx.msk $0xffff, v16  }
0x187: {  	[tilespmem:v17+s19+$0x0] =	vst.idx.add.f32.msk $0xffff, v15  }
0x188: {  	v15 =	vld [tilespmem:s7+$0x50]  }
0x189: {  	v16 =	vld [tilespmem:s1+$0x50]  }
0x18a: {  	v17 =	vld.idx.msk [tilespmem:v18+s3+$0x0], $0xffff;
	_ =	sdelay $0x3  }
0x18b: {  	v15 =	vsub.f32 v15, v16;
	_ =	sdelay $0x1  }
0x18c: {  	v16 =	vmax.f32 v15, $0.0e+00  }
0x18d: {  	v15 =	vor.u32 v9, v13;
	v17 =	vmax.f32 v17, v16  }
0x18e: {  	[tilespmem:v18+s3+$0x0] =	vst.idx.msk $0xffff, v17  }
0x18f: {  	[tilespmem:v18+s19+$0x0] =	vst.idx.add.f32.msk $0xffff, v16  }
0x190: {  	v17 =	vld [tilespmem:s7+$0x60]  }
0x191: {  	v18 =	vld [tilespmem:s1+$0x60]  }
.Ltmp7:
0x192: {  	v16 =	vld.idx.msk [tilespmem:v15+s3+$0x0], $0xffff;
	(pc) =	sbr.rel @p0 .LBB2_12-.Ltmp7, $2  }
0x193: {  	_ =	sdelay $0x2  }
0x194: {  	v17 =	vsub.f32 v17, v18  }
0x195: {  	_ =	sdelay $0x1  }
0x196: {  	v17 =	vmax.f32 v17, $0.0e+00  }
0x197: {  	v16 =	vmax.f32 v16, v17  }
0x198: {  	[tilespmem:v15+s3+$0x0] =	vst.idx.msk $0xffff, v16  }
0x199: {  	v13 =	vor.u32 v10, v13;
	[tilespmem:v15+s19+$0x0] =	vst.idx.add.f32.msk $0xffff, v17  }
0x19a: {  	v15 =	vld [tilespmem:s8+$0x70]  }
0x19b: {  	v16 =	vld [tilespmem:s9+$0x70];
	_ =	sdelay $0x2  }
0x19c: {  	v17 =	vld.idx.msk [tilespmem:v13+s3+$0x0], $0xffff;
	_ =	sdelay $0x1  }
0x19d: {  	v15 =	vsub.f32 v15, v16  }
0x19e: {  	v14 =	vor.u32 v2, v14  }
0x19f: {  	v15 =	vmax.f32 v15, $0.0e+00  }
0x1a0: {  	v63 =	vmax.f32 v17, v15  }
0x1a1: {  	[tilespmem:v13+s3+$0x0] =	vst.idx.msk $0xffff, v63  }
0x1a2: {  	[tilespmem:v13+s19+$0x0] =	vst.idx.add.f32.msk $0xffff, v15  }
0x1a3: {  	[tilespmem:v14+s20+$0x0] =	vst.idx.add.f32.msk $0xffff, v11  }
.LBB2_14:
0x1a4: {  	v13 =	vmpcnt.ones.xlane vm0;
	_ =	sdelay $0x1  }
0x1a5: {  	v12 =	vadd.s32 v12, v13  }
0x1a6: {  	v13 =	vxor.u32 $0x80000000, v12  }
0x1a7: {  	(xrf0) =	vmax.scan.msk.u32 $0xffff, v13;
	_ =	sdelay $0x5  }
0x1a8: {  	v13, _, _ =	vpop (xrf0)  }
0x1a9: {  	(v2sf) =	vpush v13, $0xF;
	_ =	sdelay $0xe  }
0x1aa: {  	p0 =	sgt.s32 s31, $0x3F;
	s0 =	sadd.s32 $0x40, s28;
	s1 =	spop (v2sf)  }
0x1ab: {  	s28 =	smov.u32 @p0 s0;
	s0 =	sxor.u32 $0x80000000, s1  }
0x1ac: {  	s31 =	ssub.s32 s0, s28  }
0x1ad: {  	p0 =	slt.s32 s31, $0x1831  }
.Ltmp8:
0x1ae: {  	_ = 	snop;
	(pc) =	sbr.rel @p0 .LBB2_18-.Ltmp8, $1  }
0x1af: {  	_ =	sdelay $0x3  }
.LBB2_15:
0x1b0: {  	s31 =	sand.u32 $0x1FC0, s28  }
0x1b1: {  	s1 =	sadd.s32 $0x17400, s31;
	s8 =	sadd.s32 $0xFFFFFFFE, s31  }
0x1b2: {  	[tilespmem:s22], [sflag:$0x3] =	stream.indirect.gather [hbm4b:s2+s21], $0x80, s1, s21, $0xb8;
	[tilespmem:$0x1F400] =	vst v63  }
0x1b3: {  	s26 =	sadd.s32 $0x2, s8  }
0x1b4: {  	s7 =	sadd.s32 $0x19400, s31;
	v13 =	vmov s26  }
0x1b5: {  	[tilespmem:s23], [sflag:$0x4] =	stream.indirect.gather [hbm4b:s6+s21], $0x80, s7, s21, $0xb8;
	v13 =	vand.u32 $0xFFFFFFFE, v13;
	[tilespmem:$0x1F400] =	vst v63  }
0x1b6: {  	_ =	swait.ge [sflag:s17], $0x2000;
	v13 =	vbroadcast v13, $0x0  }
0x1b7: {  	[sflag:s17] =	ssyncset.done $0x0  }
0x1b8: {  	[sflag:s17] =	ssyncadd.s32 $0xFFFFE000  }
0x1b9: {  	_ =	swait.ge [sflag:s18], $0x2000  }
0x1ba: {  	[sflag:s18] =	ssyncset.done $0x0  }
0x1bb: {  	[sflag:s18] =	ssyncadd.s32 $0xFFFFE000  }
0x1bc: {  	v13 =	vld.idx.msk [tilespmem:v13+s16+$0x0], $0xffff;
	_ =	sdelay $0x4  }
0x1bd: {  	v13 =	vsub.s32 v13, v0  }
0x1be: {  	v14 =	vshll.u32 v13, $0x7  }
0x1bf: {  	s1 =	simm.s32 $0x1D480;
	v15 =	vor.u32 v2, v14  }
0x1c0: {  	s7 =	simm.s32 $0x1B480;
	v16 =	vld [tilespmem:s1+$0xFFFFFF80]  }
0x1c1: {  	v17 =	vld [tilespmem:s7+$0xFFFFFF80];
	_ =	sdelay $0x2  }
0x1c2: {  	v18 =	vld.idx.msk [tilespmem:v15+s3+$0x0], $0xffff;
	_ =	sdelay $0x1  }
0x1c3: {  	v16 =	vsub.f32 v17, v16;
	_ =	sdelay $0x1  }
0x1c4: {  	v16 =	vmax.f32 v16, $0.0e+00  }
0x1c5: {  	v17 =	vmax.f32 v18, v16  }
0x1c6: {  	[tilespmem:v15+s3+$0x0] =	vst.idx.msk $0xffff, v17  }
0x1c7: {  	v17 =	vor.u32 v4, v14;
	[tilespmem:v15+s19+$0x0] =	vst.idx.add.f32.msk $0xffff, v16  }
0x1c8: {  	v15 =	vld [tilespmem:s7+$0xFFFFFF90]  }
0x1c9: {  	v16 =	vld [tilespmem:s1+$0xFFFFFF90];
	_ =	sdelay $0x2  }
0x1ca: {  	v18 =	vld.idx.msk [tilespmem:v17+s3+$0x0], $0xffff;
	_ =	sdelay $0x1  }
0x1cb: {  	v15 =	vsub.f32 v15, v16;
	_ =	sdelay $0x1  }
0x1cc: {  	v15 =	vmax.f32 v15, $0.0e+00  }
0x1cd: {  	v16 =	vmax.f32 v18, v15  }
0x1ce: {  	[tilespmem:v17+s3+$0x0] =	vst.idx.msk $0xffff, v16  }
0x1cf: {  	v16 =	vor.u32 v5, v14;
	[tilespmem:v17+s19+$0x0] =	vst.idx.add.f32.msk $0xffff, v15  }
0x1d0: {  	v15 =	vld [tilespmem:s7+$0xFFFFFFA0]  }
0x1d1: {  	v17 =	vld [tilespmem:s1+$0xFFFFFFA0];
	_ =	sdelay $0x2  }
0x1d2: {  	v18 =	vld.idx.msk [tilespmem:v16+s3+$0x0], $0xffff;
	_ =	sdelay $0x1  }
0x1d3: {  	v15 =	vsub.f32 v15, v17;
	_ =	sdelay $0x1  }
0x1d4: {  	v15 =	vmax.f32 v15, $0.0e+00  }
0x1d5: {  	v17 =	vmax.f32 v18, v15  }
0x1d6: {  	[tilespmem:v16+s3+$0x0] =	vst.idx.msk $0xffff, v17  }
0x1d7: {  	v17 =	vor.u32 v6, v14;
	[tilespmem:v16+s19+$0x0] =	vst.idx.add.f32.msk $0xffff, v15  }
0x1d8: {  	v15 =	vld [tilespmem:s7+$0xFFFFFFB0]  }
0x1d9: {  	v16 =	vld [tilespmem:s1+$0xFFFFFFB0];
	_ =	sdelay $0x2  }
0x1da: {  	v18 =	vld.idx.msk [tilespmem:v17+s3+$0x0], $0xffff;
	_ =	sdelay $0x1  }
0x1db: {  	v15 =	vsub.f32 v15, v16;
	_ =	sdelay $0x1  }
0x1dc: {  	v15 =	vmax.f32 v15, $0.0e+00  }
0x1dd: {  	v16 =	vmax.f32 v18, v15  }
0x1de: {  	[tilespmem:v17+s3+$0x0] =	vst.idx.msk $0xffff, v16  }
0x1df: {  	v16 =	vor.u32 v7, v14;
	[tilespmem:v17+s19+$0x0] =	vst.idx.add.f32.msk $0xffff, v15  }
0x1e0: {  	v15 =	vld [tilespmem:s7+$0xFFFFFFC0]  }
0x1e1: {  	v17 =	vld [tilespmem:s1+$0xFFFFFFC0];
	_ =	sdelay $0x2  }
0x1e2: {  	v18 =	vld.idx.msk [tilespmem:v16+s3+$0x0], $0xffff;
	_ =	sdelay $0x1  }
0x1e3: {  	v15 =	vsub.f32 v15, v17;
	_ =	sdelay $0x1  }
0x1e4: {  	v15 =	vmax.f32 v15, $0.0e+00  }
0x1e5: {  	v17 =	vmax.f32 v18, v15  }
0x1e6: {  	[tilespmem:v16+s3+$0x0] =	vst.idx.msk $0xffff, v17  }
0x1e7: {  	v17 =	vor.u32 v8, v14;
	[tilespmem:v16+s19+$0x0] =	vst.idx.add.f32.msk $0xffff, v15  }
0x1e8: {  	v15 =	vld [tilespmem:s7+$0xFFFFFFD0]  }
0x1e9: {  	v16 =	vld [tilespmem:s1+$0xFFFFFFD0];
	_ =	sdelay $0x2  }
0x1ea: {  	v18 =	vld.idx.msk [tilespmem:v17+s3+$0x0], $0xffff;
	_ =	sdelay $0x1  }
0x1eb: {  	v15 =	vsub.f32 v15, v16;
	_ =	sdelay $0x1  }
0x1ec: {  	v15 =	vmax.f32 v15, $0.0e+00  }
0x1ed: {  	v16 =	vmax.f32 v18, v15  }
0x1ee: {  	[tilespmem:v17+s3+$0x0] =	vst.idx.msk $0xffff, v16  }
0x1ef: {  	v16 =	vor.u32 v9, v14;
	[tilespmem:v17+s19+$0x0] =	vst.idx.add.f32.msk $0xffff, v15  }
0x1f0: {  	v15 =	vld [tilespmem:s7+$0xFFFFFFE0]  }
0x1f1: {  	v17 =	vld [tilespmem:s1+$0xFFFFFFE0];
	_ =	sdelay $0x2  }
0x1f2: {  	v18 =	vld.idx.msk [tilespmem:v16+s3+$0x0], $0xffff;
	_ =	sdelay $0x1  }
0x1f3: {  	v15 =	vsub.f32 v15, v17;
	_ =	sdelay $0x1  }
0x1f4: {  	v15 =	vmax.f32 v15, $0.0e+00  }
0x1f5: {  	v17 =	vmax.f32 v18, v15  }
0x1f6: {  	[tilespmem:v16+s3+$0x0] =	vst.idx.msk $0xffff, v17  }
0x1f7: {  	v14 =	vor.u32 v10, v14;
	[tilespmem:v16+s19+$0x0] =	vst.idx.add.f32.msk $0xffff, v15  }
0x1f8: {  	v15 =	vld [tilespmem:s7+$0xFFFFFFF0]  }
0x1f9: {  	v16 =	vld [tilespmem:s1+$0xFFFFFFF0];
	_ =	sdelay $0x2  }
0x1fa: {  	v17 =	vld.idx.msk [tilespmem:v14+s3+$0x0], $0xffff;
	_ =	sdelay $0x1  }
0x1fb: {  	v13 =	vshll.u32 v13, $0x4;
	v15 =	vsub.f32 v15, v16  }
0x1fc: {  	s8 =	sadd.s32 $0x3, s8;
	v13 =	vor.u32 v2, v13  }
0x1fd: {  	v16 =	vmov s8;
	v15 =	vmax.f32 v15, $0.0e+00  }
0x1fe: {  	v17 =	vmax.f32 v17, v15  }
0x1ff: {  	[tilespmem:v14+s3+$0x0] =	vst.idx.msk $0xffff, v17  }
0x200: {  	[tilespmem:v14+s19+$0x0] =	vst.idx.add.f32.msk $0xffff, v15  }
0x201: {  	[tilespmem:v13+s20+$0x0] =	vst.idx.add.f32.msk $0xffff, v11  }
0x202: {  	v13 =	vld.idx.msk [tilespmem:v16+s16+$0x0], $0xffff;
	_ =	sdelay $0x4  }
0x203: {  	v14 =	vsub.s32 v13, v0  }
0x204: {  	v13 =	vshll.u32 v14, $0x7  }
0x205: {  	v15 =	vor.u32 v2, v13  }
0x206: {  	v16 =	vld [tilespmem:s1+$0x0]  }
0x207: {  	v17 =	vld [tilespmem:s7+$0x0];
	_ =	sdelay $0x2  }
0x208: {  	v18 =	vld.idx.msk [tilespmem:v15+s3+$0x0], $0xffff;
	_ =	sdelay $0x1  }
0x209: {  	v16 =	vsub.f32 v17, v16;
	_ =	sdelay $0x1  }
0x20a: {  	v16 =	vmax.f32 v16, $0.0e+00  }
0x20b: {  	v17 =	vmax.f32 v18, v16  }
0x20c: {  	[tilespmem:v15+s3+$0x0] =	vst.idx.msk $0xffff, v17  }
0x20d: {  	v17 =	vor.u32 v4, v13;
	[tilespmem:v15+s19+$0x0] =	vst.idx.add.f32.msk $0xffff, v16  }
0x20e: {  	v15 =	vld [tilespmem:s7+$0x10]  }
0x20f: {  	v16 =	vld [tilespmem:s1+$0x10];
	_ =	sdelay $0x2  }
0x210: {  	v18 =	vld.idx.msk [tilespmem:v17+s3+$0x0], $0xffff;
	_ =	sdelay $0x1  }
0x211: {  	v15 =	vsub.f32 v15, v16;
	_ =	sdelay $0x1  }
0x212: {  	v15 =	vmax.f32 v15, $0.0e+00  }
0x213: {  	v16 =	vmax.f32 v18, v15  }
0x214: {  	[tilespmem:v17+s3+$0x0] =	vst.idx.msk $0xffff, v16  }
0x215: {  	v16 =	vor.u32 v5, v13;
	[tilespmem:v17+s19+$0x0] =	vst.idx.add.f32.msk $0xffff, v15  }
0x216: {  	v15 =	vld [tilespmem:s7+$0x20]  }
0x217: {  	v17 =	vld [tilespmem:s1+$0x20];
	_ =	sdelay $0x2  }
0x218: {  	v18 =	vld.idx.msk [tilespmem:v16+s3+$0x0], $0xffff;
	_ =	sdelay $0x1  }
0x219: {  	v15 =	vsub.f32 v15, v17;
	_ =	sdelay $0x1  }
0x21a: {  	v15 =	vmax.f32 v15, $0.0e+00  }
0x21b: {  	v17 =	vmax.f32 v18, v15  }
0x21c: {  	[tilespmem:v16+s3+$0x0] =	vst.idx.msk $0xffff, v17  }
0x21d: {  	v17 =	vor.u32 v6, v13;
	[tilespmem:v16+s19+$0x0] =	vst.idx.add.f32.msk $0xffff, v15  }
0x21e: {  	v15 =	vld [tilespmem:s7+$0x30]  }
0x21f: {  	v16 =	vld [tilespmem:s1+$0x30];
	_ =	sdelay $0x2  }
0x220: {  	v18 =	vld.idx.msk [tilespmem:v17+s3+$0x0], $0xffff;
	_ =	sdelay $0x1  }
0x221: {  	v15 =	vsub.f32 v15, v16;
	_ =	sdelay $0x1  }
0x222: {  	v15 =	vmax.f32 v15, $0.0e+00  }
0x223: {  	v16 =	vmax.f32 v18, v15  }
0x224: {  	[tilespmem:v17+s3+$0x0] =	vst.idx.msk $0xffff, v16  }
0x225: {  	v16 =	vor.u32 v7, v13;
	[tilespmem:v17+s19+$0x0] =	vst.idx.add.f32.msk $0xffff, v15  }
0x226: {  	v15 =	vld [tilespmem:s7+$0x40]  }
0x227: {  	v17 =	vld [tilespmem:s1+$0x40];
	_ =	sdelay $0x2  }
0x228: {  	v18 =	vld.idx.msk [tilespmem:v16+s3+$0x0], $0xffff;
	_ =	sdelay $0x1  }
0x229: {  	v15 =	vsub.f32 v15, v17;
	_ =	sdelay $0x1  }
0x22a: {  	v15 =	vmax.f32 v15, $0.0e+00  }
0x22b: {  	v17 =	vmax.f32 v18, v15  }
0x22c: {  	[tilespmem:v16+s3+$0x0] =	vst.idx.msk $0xffff, v17  }
0x22d: {  	v17 =	vor.u32 v8, v13;
	[tilespmem:v16+s19+$0x0] =	vst.idx.add.f32.msk $0xffff, v15  }
0x22e: {  	v15 =	vld [tilespmem:s7+$0x50]  }
0x22f: {  	v16 =	vld [tilespmem:s1+$0x50];
	_ =	sdelay $0x2  }
0x230: {  	v18 =	vld.idx.msk [tilespmem:v17+s3+$0x0], $0xffff;
	_ =	sdelay $0x1  }
0x231: {  	v15 =	vsub.f32 v15, v16;
	_ =	sdelay $0x1  }
0x232: {  	v15 =	vmax.f32 v15, $0.0e+00  }
0x233: {  	v16 =	vmax.f32 v18, v15  }
0x234: {  	[tilespmem:v17+s3+$0x0] =	vst.idx.msk $0xffff, v16  }
0x235: {  	[tilespmem:v17+s19+$0x0] =	vst.idx.add.f32.msk $0xffff, v15  }
0x236: {  	v15 =	vor.u32 v9, v13;
	v17 =	vld [tilespmem:s7+$0x60]  }
0x237: {  	v18 =	vld [tilespmem:s1+$0x60];
	_ =	sdelay $0x3  }
0x238: {  	v16 =	vld.idx.msk [tilespmem:v15+s3+$0x0], $0xffff  }
0x239: {  	s25 =	simm.s32 $0x0;
	s9 =	simm.s32 $0x1D480;
	s8 =	simm.s32 $0x1B480;
	v14 =	vshll.u32 v14, $0x4;
	v17 =	vsub.f32 v17, v18  }
.LBB2_16:
0x23a: {  	s1 =	sadd.s32 $0x100, s1  }
0x23b: {  	s7 =	sadd.s32 $0x100, s7;
	s13 =	smov.u32 s25;
	s25 =	sadd.s32 $0x2, s25  }
0x23c: {  	p0 =	slt.u32 s25, $0x3E;
	v17 =	vmax.f32 v17, $0.0e+00  }
0x23d: {  	v13 =	vor.u32 v10, v13;
	v16 =	vmax.f32 v16, v17  }
0x23e: {  	[tilespmem:v15+s3+$0x0] =	vst.idx.msk $0xffff, v16  }
0x23f: {  	[tilespmem:v15+s19+$0x0] =	vst.idx.add.f32.msk $0xffff, v17  }
0x240: {  	s13 =	sadd.s32 s13, s31;
	v15 =	vld [tilespmem:s8+$0x70];
	s8 =	smov.u32 s7  }
0x241: {  	s14 =	sadd.s32 $0x2, s13;
	s26 =	sadd.s32 $0x3, s13;
	v16 =	vld [tilespmem:s9+$0x70];
	s9 =	smov.u32 s1  }
0x242: {  	v17 =	vmov s14;
	v18 =	vld.idx.msk [tilespmem:v13+s3+$0x0], $0xffff  }
0x243: {  	v17 =	vand.u32 $0xFFFFFFFE, v17  }
0x244: {  	v14 =	vor.u32 v2, v14;
	v17 =	vbroadcast v17, $0x0;
	_ =	sdelay $0x1  }
0x245: {  	v15 =	vsub.f32 v15, v16;
	_ =	sdelay $0x1  }
0x246: {  	v15 =	vmax.f32 v15, $0.0e+00  }
0x247: {  	v16 =	vmax.f32 v18, v15  }
0x248: {  	[tilespmem:v13+s3+$0x0] =	vst.idx.msk $0xffff, v16  }
0x249: {  	[tilespmem:v13+s19+$0x0] =	vst.idx.add.f32.msk $0xffff, v15  }
0x24a: {  	[tilespmem:v14+s20+$0x0] =	vst.idx.add.f32.msk $0xffff, v11  }
0x24b: {  	v13 =	vld.idx.msk [tilespmem:v17+s16+$0x0], $0xffff;
	_ =	sdelay $0x5  }
0x24c: {  	v13 =	vsub.s32 v13, v0  }
0x24d: {  	v14 =	vshll.u32 v13, $0x7;
	v13 =	vshll.u32 v13, $0x4;
	v15 =	vld [tilespmem:s1+$0xFFFFFF80]  }
0x24e: {  	v17 =	vor.u32 v2, v14;
	v16 =	vld [tilespmem:s7+$0xFFFFFF80];
	_ =	sdelay $0x4  }
0x24f: {  	v15 =	vsub.f32 v16, v15;
	v16 =	vld.idx.msk [tilespmem:v17+s3+$0x0], $0xffff;
	_ =	sdelay $0x1  }
0x250: {  	v15 =	vmax.f32 v15, $0.0e+00;
	_ =	sdelay $0x1  }
0x251: {  	v18 =	vor.u32 v4, v14;
	_ =	sdelay $0x1  }
0x252: {  	v16 =	vmax.f32 v16, v15  }
0x253: {  	[tilespmem:v17+s3+$0x0] =	vst.idx.msk $0xffff, v16  }
0x254: {  	[tilespmem:v17+s19+$0x0] =	vst.idx.add.f32.msk $0xffff, v15  }
0x255: {  	v15 =	vld [tilespmem:s7+$0xFFFFFF90]  }
0x256: {  	v16 =	vld [tilespmem:s1+$0xFFFFFF90]  }
0x257: {  	v17 =	vld.idx.msk [tilespmem:v18+s3+$0x0], $0xffff;
	_ =	sdelay $0x3  }
0x258: {  	v15 =	vsub.f32 v15, v16;
	_ =	sdelay $0x1  }
0x259: {  	v15 =	vmax.f32 v15, $0.0e+00  }
0x25a: {  	v16 =	vmax.f32 v17, v15  }
0x25b: {  	[tilespmem:v18+s3+$0x0] =	vst.idx.msk $0xffff, v16;
	v16 =	vor.u32 v5, v14  }
0x25c: {  	[tilespmem:v18+s19+$0x0] =	vst.idx.add.f32.msk $0xffff, v15  }
0x25d: {  	v15 =	vld [tilespmem:s7+$0xFFFFFFA0]  }
0x25e: {  	v17 =	vld [tilespmem:s1+$0xFFFFFFA0];
	_ =	sdelay $0x1  }
0x25f: {  	v18 =	vld.idx.msk [tilespmem:v16+s3+$0x0], $0xffff;
	_ =	sdelay $0x2  }
0x260: {  	v15 =	vsub.f32 v15, v17;
	_ =	sdelay $0x1  }
0x261: {  	v15 =	vmax.f32 v15, $0.0e+00  }
0x262: {  	v17 =	vmax.f32 v18, v15  }
0x263: {  	[tilespmem:v16+s3+$0x0] =	vst.idx.msk $0xffff, v17;
	v17 =	vor.u32 v6, v14  }
0x264: {  	[tilespmem:v16+s19+$0x0] =	vst.idx.add.f32.msk $0xffff, v15  }
0x265: {  	v15 =	vld [tilespmem:s7+$0xFFFFFFB0]  }
0x266: {  	v16 =	vld [tilespmem:s1+$0xFFFFFFB0];
	_ =	sdelay $0x1  }
0x267: {  	v18 =	vld.idx.msk [tilespmem:v17+s3+$0x0], $0xffff;
	_ =	sdelay $0x2  }
0x268: {  	v15 =	vsub.f32 v15, v16;
	_ =	sdelay $0x1  }
0x269: {  	v15 =	vmax.f32 v15, $0.0e+00  }
0x26a: {  	v16 =	vmax.f32 v18, v15  }
0x26b: {  	[tilespmem:v17+s3+$0x0] =	vst.idx.msk $0xffff, v16;
	v16 =	vor.u32 v7, v14  }
0x26c: {  	[tilespmem:v17+s19+$0x0] =	vst.idx.add.f32.msk $0xffff, v15  }
0x26d: {  	v15 =	vld [tilespmem:s7+$0xFFFFFFC0]  }
0x26e: {  	v17 =	vld [tilespmem:s1+$0xFFFFFFC0];
	_ =	sdelay $0x1  }
0x26f: {  	v18 =	vld.idx.msk [tilespmem:v16+s3+$0x0], $0xffff;
	_ =	sdelay $0x2  }
0x270: {  	v15 =	vsub.f32 v15, v17;
	_ =	sdelay $0x1  }
0x271: {  	v15 =	vmax.f32 v15, $0.0e+00  }
0x272: {  	v17 =	vmax.f32 v18, v15  }
0x273: {  	[tilespmem:v16+s3+$0x0] =	vst.idx.msk $0xffff, v17;
	v17 =	vor.u32 v8, v14  }
0x274: {  	[tilespmem:v16+s19+$0x0] =	vst.idx.add.f32.msk $0xffff, v15  }
0x275: {  	v15 =	vld [tilespmem:s7+$0xFFFFFFD0]  }
0x276: {  	v16 =	vld [tilespmem:s1+$0xFFFFFFD0];
	_ =	sdelay $0x1  }
0x277: {  	v18 =	vld.idx.msk [tilespmem:v17+s3+$0x0], $0xffff;
	_ =	sdelay $0x2  }
0x278: {  	v15 =	vsub.f32 v15, v16;
	_ =	sdelay $0x1  }
0x279: {  	v15 =	vmax.f32 v15, $0.0e+00  }
0x27a: {  	v16 =	vmax.f32 v18, v15  }
0x27b: {  	[tilespmem:v17+s3+$0x0] =	vst.idx.msk $0xffff, v16;
	v16 =	vor.u32 v9, v14  }
0x27c: {  	[tilespmem:v17+s19+$0x0] =	vst.idx.add.f32.msk $0xffff, v15  }
0x27d: {  	v15 =	vld [tilespmem:s7+$0xFFFFFFE0]  }
0x27e: {  	v17 =	vld [tilespmem:s1+$0xFFFFFFE0];
	_ =	sdelay $0x1  }
0x27f: {  	v18 =	vld.idx.msk [tilespmem:v16+s3+$0x0], $0xffff;
	_ =	sdelay $0x2  }
0x280: {  	v15 =	vsub.f32 v15, v17;
	_ =	sdelay $0x1  }
0x281: {  	v15 =	vmax.f32 v15, $0.0e+00  }
0x282: {  	v14 =	vor.u32 v10, v14;
	v17 =	vmax.f32 v18, v15  }
0x283: {  	[tilespmem:v16+s3+$0x0] =	vst.idx.msk $0xffff, v17  }
0x284: {  	[tilespmem:v16+s19+$0x0] =	vst.idx.add.f32.msk $0xffff, v15  }
0x285: {  	v15 =	vld [tilespmem:s7+$0xFFFFFFF0]  }
0x286: {  	v16 =	vld [tilespmem:s1+$0xFFFFFFF0]  }
0x287: {  	v17 =	vld.idx.msk [tilespmem:v14+s3+$0x0], $0xffff;
	_ =	sdelay $0x3  }
0x288: {  	v15 =	vsub.f32 v15, v16  }
0x289: {  	v13 =	vor.u32 v2, v13  }
0x28a: {  	v16 =	vmov s26;
	v15 =	vmax.f32 v15, $0.0e+00  }
0x28b: {  	v17 =	vmax.f32 v17, v15  }
0x28c: {  	[tilespmem:v14+s3+$0x0] =	vst.idx.msk $0xffff, v17  }
0x28d: {  	[tilespmem:v14+s19+$0x0] =	vst.idx.add.f32.msk $0xffff, v15  }
0x28e: {  	[tilespmem:v13+s20+$0x0] =	vst.idx.add.f32.msk $0xffff, v11  }
0x28f: {  	v13 =	vld.idx.msk [tilespmem:v16+s16+$0x0], $0xffff;
	_ =	sdelay $0x5  }
0x290: {  	v14 =	vsub.s32 v13, v0  }
0x291: {  	v13 =	vshll.u32 v14, $0x7;
	v14 =	vshll.u32 v14, $0x4  }
0x292: {  	v15 =	vor.u32 v2, v13;
	_ =	sdelay $0x1  }
0x293: {  	v16 =	vld [tilespmem:s1+$0x0]  }
0x294: {  	v17 =	vld [tilespmem:s7+$0x0];
	_ =	sdelay $0x1  }
0x295: {  	v18 =	vld.idx.msk [tilespmem:v15+s3+$0x0], $0xffff;
	_ =	sdelay $0x2  }
0x296: {  	v16 =	vsub.f32 v17, v16;
	_ =	sdelay $0x1  }
0x297: {  	v16 =	vmax.f32 v16, $0.0e+00  }
0x298: {  	v17 =	vmax.f32 v18, v16;
	v18 =	vor.u32 v4, v13  }
0x299: {  	[tilespmem:v15+s3+$0x0] =	vst.idx.msk $0xffff, v17  }
0x29a: {  	[tilespmem:v15+s19+$0x0] =	vst.idx.add.f32.msk $0xffff, v16  }
0x29b: {  	v15 =	vld [tilespmem:s7+$0x10]  }
0x29c: {  	v16 =	vld [tilespmem:s1+$0x10]  }
0x29d: {  	v17 =	vld.idx.msk [tilespmem:v18+s3+$0x0], $0xffff;
	_ =	sdelay $0x3  }
0x29e: {  	v15 =	vsub.f32 v15, v16;
	_ =	sdelay $0x1  }
0x29f: {  	v15 =	vmax.f32 v15, $0.0e+00  }
0x2a0: {  	v16 =	vmax.f32 v17, v15;
	v17 =	vor.u32 v5, v13  }
0x2a1: {  	[tilespmem:v18+s3+$0x0] =	vst.idx.msk $0xffff, v16  }
0x2a2: {  	[tilespmem:v18+s19+$0x0] =	vst.idx.add.f32.msk $0xffff, v15  }
0x2a3: {  	v15 =	vld [tilespmem:s7+$0x20]  }
0x2a4: {  	v16 =	vld [tilespmem:s1+$0x20]  }
0x2a5: {  	v18 =	vld.idx.msk [tilespmem:v17+s3+$0x0], $0xffff;
	_ =	sdelay $0x3  }
0x2a6: {  	v15 =	vsub.f32 v15, v16;
	_ =	sdelay $0x1  }
0x2a7: {  	v15 =	vmax.f32 v15, $0.0e+00  }
0x2a8: {  	v16 =	vmax.f32 v18, v15;
	v18 =	vor.u32 v6, v13  }
0x2a9: {  	[tilespmem:v17+s3+$0x0] =	vst.idx.msk $0xffff, v16  }
0x2aa: {  	[tilespmem:v17+s19+$0x0] =	vst.idx.add.f32.msk $0xffff, v15  }
0x2ab: {  	v15 =	vld [tilespmem:s7+$0x30]  }
0x2ac: {  	v16 =	vld [tilespmem:s1+$0x30]  }
0x2ad: {  	v17 =	vld.idx.msk [tilespmem:v18+s3+$0x0], $0xffff;
	_ =	sdelay $0x3  }
0x2ae: {  	v15 =	vsub.f32 v15, v16;
	_ =	sdelay $0x1  }
0x2af: {  	v15 =	vmax.f32 v15, $0.0e+00  }
0x2b0: {  	v16 =	vmax.f32 v17, v15;
	v17 =	vor.u32 v7, v13  }
0x2b1: {  	[tilespmem:v18+s3+$0x0] =	vst.idx.msk $0xffff, v16  }
0x2b2: {  	[tilespmem:v18+s19+$0x0] =	vst.idx.add.f32.msk $0xffff, v15  }
0x2b3: {  	v15 =	vld [tilespmem:s7+$0x40]  }
0x2b4: {  	v16 =	vld [tilespmem:s1+$0x40]  }
0x2b5: {  	v18 =	vld.idx.msk [tilespmem:v17+s3+$0x0], $0xffff;
	_ =	sdelay $0x3  }
0x2b6: {  	v15 =	vsub.f32 v15, v16;
	_ =	sdelay $0x1  }
0x2b7: {  	v15 =	vmax.f32 v15, $0.0e+00  }
0x2b8: {  	v16 =	vmax.f32 v18, v15;
	v18 =	vor.u32 v8, v13  }
0x2b9: {  	[tilespmem:v17+s3+$0x0] =	vst.idx.msk $0xffff, v16  }
0x2ba: {  	[tilespmem:v17+s19+$0x0] =	vst.idx.add.f32.msk $0xffff, v15  }
0x2bb: {  	v15 =	vld [tilespmem:s7+$0x50]  }
0x2bc: {  	v16 =	vld [tilespmem:s1+$0x50]  }
0x2bd: {  	v17 =	vld.idx.msk [tilespmem:v18+s3+$0x0], $0xffff;
	_ =	sdelay $0x3  }
0x2be: {  	v15 =	vsub.f32 v15, v16;
	_ =	sdelay $0x1  }
0x2bf: {  	v16 =	vmax.f32 v15, $0.0e+00  }
0x2c0: {  	v15 =	vor.u32 v9, v13;
	v17 =	vmax.f32 v17, v16  }
0x2c1: {  	[tilespmem:v18+s3+$0x0] =	vst.idx.msk $0xffff, v17  }
0x2c2: {  	[tilespmem:v18+s19+$0x0] =	vst.idx.add.f32.msk $0xffff, v16  }
0x2c3: {  	v17 =	vld [tilespmem:s7+$0x60]  }
0x2c4: {  	v18 =	vld [tilespmem:s1+$0x60]  }
.Ltmp9:
0x2c5: {  	v16 =	vld.idx.msk [tilespmem:v15+s3+$0x0], $0xffff;
	(pc) =	sbr.rel @p0 .LBB2_16-.Ltmp9, $2  }
0x2c6: {  	_ =	sdelay $0x2  }
0x2c7: {  	v17 =	vsub.f32 v17, v18  }
0x2c8: {  	_ =	sdelay $0x1  }
0x2c9: {  	v17 =	vmax.f32 v17, $0.0e+00  }
0x2ca: {  	v16 =	vmax.f32 v16, v17  }
0x2cb: {  	[tilespmem:v15+s3+$0x0] =	vst.idx.msk $0xffff, v16  }
0x2cc: {  	v13 =	vor.u32 v10, v13;
	[tilespmem:v15+s19+$0x0] =	vst.idx.add.f32.msk $0xffff, v17  }
0x2cd: {  	v15 =	vld [tilespmem:s8+$0x70]  }
0x2ce: {  	v16 =	vld [tilespmem:s9+$0x70];
	_ =	sdelay $0x2  }
0x2cf: {  	v17 =	vld.idx.msk [tilespmem:v13+s3+$0x0], $0xffff  }
0x2d0: {  	s28 =	sadd.s32 $0x40, s28  }
0x2d1: {  	s31 =	ssub.s32 s0, s28;
	v15 =	vsub.f32 v15, v16  }
0x2d2: {  	v14 =	vor.u32 v2, v14;
	p0 =	sgt.s32 s31, $0x1830  }
.Ltmp10:
0x2d3: {  	v15 =	vmax.f32 v15, $0.0e+00;
	(pc) =	sbr.rel @p0 .LBB2_15-.Ltmp10, $4  }
0x2d4: {  	v63 =	vmax.f32 v17, v15  }
0x2d5: {  	[tilespmem:v13+s3+$0x0] =	vst.idx.msk $0xffff, v63  }
0x2d6: {  	[tilespmem:v13+s19+$0x0] =	vst.idx.add.f32.msk $0xffff, v15  }
0x2d7: {  	[tilespmem:v14+s20+$0x0] =	vst.idx.add.f32.msk $0xffff, v11  }
.LBB2_18:
0x2d8: {  	_ =	swait.ge [sflag:s24], $0x7D0;
	s0 =	smin.u32 s30, $0x9C  }
0x2d9: {  	[sflag:s24] =	ssyncset.done $0x0;
	s0 =	smul.u32 $0x7D0, s0  }
0x2da: {  	[sflag:s24] =	ssyncadd.s32 $0xFFFFF830  }
0x2db: {  	_ =	swait.ge [sflag:s24], $0x7D0;
	s0 =	sshrl.u32 s0, $0x3  }
0x2dc: {  	[sflag:s24] =	ssyncset.done $0x0;
	s0 =	sadd.s32 $0x1F4, s0  }
0x2dd: {  	[sflag:s24] =	ssyncadd.s32 $0xFFFFF830;
	s1 =	sadd.s32 s4, s0  }
0x2de: {  	[tilespmem:s10], [sflag:$0x1] =	stream.linear.gather [hbm4b:s1+s3], $0x7D0, $0x38;
	[tilespmem:$0x1F400] =	vst v63  }
0x2df: {  	s0 =	sadd.s32 s5, s0  }
0x2e0: {  	[tilespmem:s11], [sflag:$0x1] =	stream.linear.gather [hbm4b:s0+s3], $0x7D0, $0x38;
	[tilespmem:$0x1F400] =	vst v63  }
0x2e1: {  	p0 =	slt.s32 s31, $0x40;
	s0 =	sand.u32 $0x1FC0, s28  }
0x2e2: {  	s7 =	simm.s32 @!p0 $0x40;
	s8 =	simm.s32 @!p0 $0x1B400;
	s1 =	sadd.s32 @!p0 $0x17400, s0  }
0x2e3: {  	[tilespmem:s8], [sflag:$0x3] =	stream.indirect.gather @!p0 [hbm4b:s2+s7], $0x80, s1, s7, $0xb8;
	[tilespmem:$0x1F400] =	vst v63  }
0x2e4: {  	s1 =	sadd.s32 @!p0 $0x19400, s0;
	s8 =	simm.s32 @!p0 $0x1D400  }
0x2e5: {  	[tilespmem:s8], [sflag:$0x4] =	stream.indirect.gather @!p0 [hbm4b:s6+s7], $0x80, s1, s7, $0xb8;
	[tilespmem:$0x1F400] =	vst v63  }
0x2e6: {  	s1 =	simm.s32 $0xFFFFFFFC;
	s7 =	simm.s32 $0x16420;
	s8 =	simm.s32 $0x16C20  }
.LBB2_19:
0x2e7: {  	v13 =	vld [tilespmem:s8+$0xFFFFFFE0];
	_ =	sdelay $0x4  }
0x2e8: {  	v14 =	vsub.s32 v13, v0  }
0x2e9: {  	vm0 =	vlt.u32 v14, $0x140  }
0x2ea: {  	v14 =	vsel vm0, $0x1, v3  }
0x2eb: {  	(xrf0) =	vadd.scan.msk.s32 $0xffff, v14;
	_ =	sdelay $0x4  }
0x2ec: {  	v14 =	vsel vm0, $0xFFFFFFFF, v3  }
0x2ed: {  	v14 =	vadd.s32 v14, v12;
	v15, _, _ =	vpop (xrf0)  }
0x2ee: {  	v14 =	vadd.s32 v15, v14  }
0x2ef: {  	v15 =	vld [tilespmem:s7+$0xFFFFFFE0];
	v14 =	vand.u32 $0x1FFF, v14;
	_ =	sdelay $0x4  }
0x2f0: {  	[tilespmem:v14+s15+$0x0] =	vst.idx.msk vm0, v15  }
0x2f1: {  	[tilespmem:v14+s16+$0x0] =	vst.idx.msk vm0, v13  }
0x2f2: {  	v13 =	vld [tilespmem:s8+$0xFFFFFFF0];
	_ =	sdelay $0x4  }
0x2f3: {  	v14 =	vsub.s32 v13, v0  }
0x2f4: {  	vm1 =	vlt.u32 v14, $0x140  }
0x2f5: {  	v14 =	vsel vm1, $0x1, v3  }
0x2f6: {  	(xrf0) =	vadd.scan.msk.s32 $0xffff, v14;
	_ =	sdelay $0x2  }
0x2f7: {  	v14 =	vmpcnt.ones.xlane vm0;
	_ =	sdelay $0x1  }
0x2f8: {  	v12 =	vadd.s32 v12, v14;
	v14 =	vsel vm1, $0xFFFFFFFF, v3  }
0x2f9: {  	v14 =	vadd.s32 v14, v12;
	v15, _, _ =	vpop (xrf0)  }
0x2fa: {  	v14 =	vadd.s32 v15, v14  }
0x2fb: {  	v15 =	vld [tilespmem:s7+$0xFFFFFFF0];
	v14 =	vand.u32 $0x1FFF, v14;
	_ =	sdelay $0x4  }
0x2fc: {  	[tilespmem:v14+s15+$0x0] =	vst.idx.msk vm1, v15  }
0x2fd: {  	[tilespmem:v14+s16+$0x0] =	vst.idx.msk vm1, v13  }
0x2fe: {  	v13 =	vld [tilespmem:s8+$0x0];
	_ =	sdelay $0x4  }
0x2ff: {  	v14 =	vsub.s32 v13, v0  }
0x300: {  	vm14 =	vlt.u32 v14, $0x140  }
0x301: {  	v14 =	vsel vm14, $0x1, v3  }
0x302: {  	(xrf0) =	vadd.scan.msk.s32 $0xffff, v14;
	_ =	sdelay $0x2  }
0x303: {  	v14 =	vmpcnt.ones.xlane vm1;
	_ =	sdelay $0x1  }
0x304: {  	v12 =	vadd.s32 v12, v14;
	v14 =	vsel vm14, $0xFFFFFFFF, v3  }
0x305: {  	v14 =	vadd.s32 v14, v12;
	v15, _, _ =	vpop (xrf0)  }
0x306: {  	v14 =	vadd.s32 v15, v14  }
0x307: {  	v15 =	vld [tilespmem:s7+$0x0];
	v14 =	vand.u32 $0x1FFF, v14;
	_ =	sdelay $0x4  }
0x308: {  	[tilespmem:v14+s15+$0x0] =	vst.idx.msk vm14, v15  }
0x309: {  	[tilespmem:v14+s16+$0x0] =	vst.idx.msk vm14, v13  }
0x30a: {  	v13 =	vld [tilespmem:s8+$0x10];
	_ =	sdelay $0x4  }
0x30b: {  	v14 =	vsub.s32 v13, v0  }
0x30c: {  	vm15 =	vlt.u32 v14, $0x140  }
0x30d: {  	v14 =	vsel vm15, $0x1, v3  }
0x30e: {  	(xrf0) =	vadd.scan.msk.s32 $0xffff, v14;
	_ =	sdelay $0x2  }
0x30f: {  	v14 =	vmpcnt.ones.xlane vm14;
	_ =	sdelay $0x1  }
0x310: {  	v12 =	vadd.s32 v12, v14;
	v14 =	vsel vm15, $0xFFFFFFFF, v3  }
0x311: {  	v14 =	vadd.s32 v14, v12;
	v15, _, _ =	vpop (xrf0)  }
0x312: {  	v14 =	vadd.s32 v15, v14  }
0x313: {  	s1 =	sadd.s32 $0x4, s1;
	v15 =	vld [tilespmem:s7+$0x10];
	v14 =	vand.u32 $0x1FFF, v14  }
0x314: {  	p1 =	slt.u32 s1, $0x78  }
.Ltmp11:
0x315: {  	_ = 	snop;
	(pc) =	sbr.rel @p1 .LBB2_19-.Ltmp11, $4  }
0x316: {  	_ = 	snop  }
0x317: {  	v16 =	vmpcnt.ones.xlane vm15  }
0x318: {  	[tilespmem:v14+s15+$0x0] =	vst.idx.msk vm15, v15  }
0x319: {  	s8 =	sadd.s32 $0x40, s8;
	v12 =	vadd.s32 v12, v16;
	s7 =	sadd.s32 $0x40, s7;
	[tilespmem:v14+s16+$0x0] =	vst.idx.msk vm15, v13  }
0x31a: {  	v13 =	vld [tilespmem:$0x173C0];
	_ =	sdelay $0x4  }
0x31b: {  	v14 =	vsub.s32 v13, v0  }
0x31c: {  	vm0 =	vlt.u32 v14, $0x140  }
0x31d: {  	v14 =	vsel vm0, $0x1, v3  }
0x31e: {  	(xrf0) =	vadd.scan.msk.s32 $0xffff, v14;
	_ =	sdelay $0x4  }
0x31f: {  	v14 =	vsel vm0, $0xFFFFFFFF, v3  }
0x320: {  	v14 =	vadd.s32 v14, v12;
	v15, _, _ =	vpop (xrf0)  }
0x321: {  	v14 =	vadd.s32 v15, v14  }
0x322: {  	v15 =	vld [tilespmem:$0x16BC0];
	v14 =	vand.u32 $0x1FFF, v14;
	_ =	sdelay $0x1  }
.Ltmp12:
0x323: {  	_ = 	snop;
	(pc) =	sbr.rel @p0 .LBB2_24-.Ltmp12, $3  }
0x324: {  	_ =	sdelay $0x1  }
0x325: {  	[tilespmem:v14+s15+$0x0] =	vst.idx.msk vm0, v15  }
0x326: {  	[tilespmem:v14+s16+$0x0] =	vst.idx.msk vm0, v13  }
0x327: {  	s8 =	sadd.s32 $0xFFFFFFFE, s0  }
0x328: {  	s1 =	sadd.s32 $0x2, s8  }
0x329: {  	v13 =	vmov s1  }
0x32a: {  	v13 =	vand.u32 $0xFFFFFFFE, v13  }
0x32b: {  	_ =	swait.ge [sflag:s17], $0x2000;
	v13 =	vbroadcast v13, $0x0  }
0x32c: {  	[sflag:s17] =	ssyncset.done $0x0  }
0x32d: {  	[sflag:s17] =	ssyncadd.s32 $0xFFFFE000  }
0x32e: {  	_ =	swait.ge [sflag:s18], $0x2000  }
0x32f: {  	[sflag:s18] =	ssyncset.done $0x0  }
0x330: {  	[sflag:s18] =	ssyncadd.s32 $0xFFFFE000  }
0x331: {  	v13 =	vld.idx.msk [tilespmem:v13+s16+$0x0], $0xffff;
	_ =	sdelay $0x4  }
0x332: {  	v13 =	vsub.s32 v13, v0  }
0x333: {  	v14 =	vshll.u32 v13, $0x7  }
0x334: {  	s1 =	simm.s32 $0x1D480;
	v15 =	vor.u32 v2, v14  }
0x335: {  	s7 =	simm.s32 $0x1B480;
	v16 =	vld [tilespmem:s1+$0xFFFFFF80]  }
0x336: {  	v17 =	vld [tilespmem:s7+$0xFFFFFF80];
	_ =	sdelay $0x2  }
0x337: {  	v18 =	vld.idx.msk [tilespmem:v15+s3+$0x0], $0xffff;
	_ =	sdelay $0x1  }
0x338: {  	v16 =	vsub.f32 v17, v16;
	_ =	sdelay $0x1  }
0x339: {  	v16 =	vmax.f32 v16, $0.0e+00  }
0x33a: {  	v17 =	vmax.f32 v18, v16  }
0x33b: {  	[tilespmem:v15+s3+$0x0] =	vst.idx.msk $0xffff, v17  }
0x33c: {  	v17 =	vor.u32 v4, v14;
	[tilespmem:v15+s19+$0x0] =	vst.idx.add.f32.msk $0xffff, v16  }
0x33d: {  	v15 =	vld [tilespmem:s7+$0xFFFFFF90]  }
0x33e: {  	v16 =	vld [tilespmem:s1+$0xFFFFFF90];
	_ =	sdelay $0x2  }
0x33f: {  	v18 =	vld.idx.msk [tilespmem:v17+s3+$0x0], $0xffff;
	_ =	sdelay $0x1  }
0x340: {  	v15 =	vsub.f32 v15, v16;
	_ =	sdelay $0x1  }
0x341: {  	v15 =	vmax.f32 v15, $0.0e+00  }
0x342: {  	v16 =	vmax.f32 v18, v15  }
0x343: {  	[tilespmem:v17+s3+$0x0] =	vst.idx.msk $0xffff, v16  }
0x344: {  	v16 =	vor.u32 v5, v14;
	[tilespmem:v17+s19+$0x0] =	vst.idx.add.f32.msk $0xffff, v15  }
0x345: {  	v15 =	vld [tilespmem:s7+$0xFFFFFFA0]  }
0x346: {  	v17 =	vld [tilespmem:s1+$0xFFFFFFA0];
	_ =	sdelay $0x2  }
0x347: {  	v18 =	vld.idx.msk [tilespmem:v16+s3+$0x0], $0xffff;
	_ =	sdelay $0x1  }
0x348: {  	v15 =	vsub.f32 v15, v17;
	_ =	sdelay $0x1  }
0x349: {  	v15 =	vmax.f32 v15, $0.0e+00  }
0x34a: {  	v17 =	vmax.f32 v18, v15  }
0x34b: {  	[tilespmem:v16+s3+$0x0] =	vst.idx.msk $0xffff, v17  }
0x34c: {  	v17 =	vor.u32 v6, v14;
	[tilespmem:v16+s19+$0x0] =	vst.idx.add.f32.msk $0xffff, v15  }
0x34d: {  	v15 =	vld [tilespmem:s7+$0xFFFFFFB0]  }
0x34e: {  	v16 =	vld [tilespmem:s1+$0xFFFFFFB0];
	_ =	sdelay $0x2  }
0x34f: {  	v18 =	vld.idx.msk [tilespmem:v17+s3+$0x0], $0xffff;
	_ =	sdelay $0x1  }
0x350: {  	v15 =	vsub.f32 v15, v16;
	_ =	sdelay $0x1  }
0x351: {  	v15 =	vmax.f32 v15, $0.0e+00  }
0x352: {  	v16 =	vmax.f32 v18, v15  }
0x353: {  	[tilespmem:v17+s3+$0x0] =	vst.idx.msk $0xffff, v16  }
0x354: {  	v16 =	vor.u32 v7, v14;
	[tilespmem:v17+s19+$0x0] =	vst.idx.add.f32.msk $0xffff, v15  }
0x355: {  	v15 =	vld [tilespmem:s7+$0xFFFFFFC0]  }
0x356: {  	v17 =	vld [tilespmem:s1+$0xFFFFFFC0];
	_ =	sdelay $0x2  }
0x357: {  	v18 =	vld.idx.msk [tilespmem:v16+s3+$0x0], $0xffff;
	_ =	sdelay $0x1  }
0x358: {  	v15 =	vsub.f32 v15, v17;
	_ =	sdelay $0x1  }
0x359: {  	v15 =	vmax.f32 v15, $0.0e+00  }
0x35a: {  	v17 =	vmax.f32 v18, v15  }
0x35b: {  	[tilespmem:v16+s3+$0x0] =	vst.idx.msk $0xffff, v17  }
0x35c: {  	v17 =	vor.u32 v8, v14;
	[tilespmem:v16+s19+$0x0] =	vst.idx.add.f32.msk $0xffff, v15  }
0x35d: {  	v15 =	vld [tilespmem:s7+$0xFFFFFFD0]  }
0x35e: {  	v16 =	vld [tilespmem:s1+$0xFFFFFFD0];
	_ =	sdelay $0x2  }
0x35f: {  	v18 =	vld.idx.msk [tilespmem:v17+s3+$0x0], $0xffff;
	_ =	sdelay $0x1  }
0x360: {  	v15 =	vsub.f32 v15, v16;
	_ =	sdelay $0x1  }
0x361: {  	v15 =	vmax.f32 v15, $0.0e+00  }
0x362: {  	v16 =	vmax.f32 v18, v15  }
0x363: {  	[tilespmem:v17+s3+$0x0] =	vst.idx.msk $0xffff, v16  }
0x364: {  	v16 =	vor.u32 v9, v14;
	[tilespmem:v17+s19+$0x0] =	vst.idx.add.f32.msk $0xffff, v15  }
0x365: {  	v15 =	vld [tilespmem:s7+$0xFFFFFFE0]  }
0x366: {  	v17 =	vld [tilespmem:s1+$0xFFFFFFE0];
	_ =	sdelay $0x2  }
0x367: {  	v18 =	vld.idx.msk [tilespmem:v16+s3+$0x0], $0xffff;
	_ =	sdelay $0x1  }
0x368: {  	v15 =	vsub.f32 v15, v17;
	_ =	sdelay $0x1  }
0x369: {  	v15 =	vmax.f32 v15, $0.0e+00  }
0x36a: {  	v17 =	vmax.f32 v18, v15  }
0x36b: {  	[tilespmem:v16+s3+$0x0] =	vst.idx.msk $0xffff, v17  }
0x36c: {  	v14 =	vor.u32 v10, v14;
	[tilespmem:v16+s19+$0x0] =	vst.idx.add.f32.msk $0xffff, v15  }
0x36d: {  	v15 =	vld [tilespmem:s7+$0xFFFFFFF0]  }
0x36e: {  	v16 =	vld [tilespmem:s1+$0xFFFFFFF0];
	_ =	sdelay $0x2  }
0x36f: {  	v17 =	vld.idx.msk [tilespmem:v14+s3+$0x0], $0xffff;
	_ =	sdelay $0x1  }
0x370: {  	v13 =	vshll.u32 v13, $0x4;
	v15 =	vsub.f32 v15, v16  }
0x371: {  	s8 =	sadd.s32 $0x3, s8;
	v13 =	vor.u32 v2, v13  }
0x372: {  	v16 =	vmov s8;
	v15 =	vmax.f32 v15, $0.0e+00  }
0x373: {  	v17 =	vmax.f32 v17, v15  }
0x374: {  	[tilespmem:v14+s3+$0x0] =	vst.idx.msk $0xffff, v17  }
0x375: {  	[tilespmem:v14+s19+$0x0] =	vst.idx.add.f32.msk $0xffff, v15  }
0x376: {  	[tilespmem:v13+s20+$0x0] =	vst.idx.add.f32.msk $0xffff, v11  }
0x377: {  	v13 =	vld.idx.msk [tilespmem:v16+s16+$0x0], $0xffff;
	_ =	sdelay $0x4  }
0x378: {  	v14 =	vsub.s32 v13, v0  }
0x379: {  	v13 =	vshll.u32 v14, $0x7  }
0x37a: {  	v15 =	vor.u32 v2, v13  }
0x37b: {  	v16 =	vld [tilespmem:s1+$0x0]  }
0x37c: {  	v17 =	vld [tilespmem:s7+$0x0];
	_ =	sdelay $0x2  }
0x37d: {  	v18 =	vld.idx.msk [tilespmem:v15+s3+$0x0], $0xffff;
	_ =	sdelay $0x1  }
0x37e: {  	v16 =	vsub.f32 v17, v16;
	_ =	sdelay $0x1  }
0x37f: {  	v16 =	vmax.f32 v16, $0.0e+00  }
0x380: {  	v17 =	vmax.f32 v18, v16  }
0x381: {  	[tilespmem:v15+s3+$0x0] =	vst.idx.msk $0xffff, v17  }
0x382: {  	v17 =	vor.u32 v4, v13;
	[tilespmem:v15+s19+$0x0] =	vst.idx.add.f32.msk $0xffff, v16  }
0x383: {  	v15 =	vld [tilespmem:s7+$0x10]  }
0x384: {  	v16 =	vld [tilespmem:s1+$0x10];
	_ =	sdelay $0x2  }
0x385: {  	v18 =	vld.idx.msk [tilespmem:v17+s3+$0x0], $0xffff;
	_ =	sdelay $0x1  }
0x386: {  	v15 =	vsub.f32 v15, v16;
	_ =	sdelay $0x1  }
0x387: {  	v15 =	vmax.f32 v15, $0.0e+00  }
0x388: {  	v16 =	vmax.f32 v18, v15  }
0x389: {  	[tilespmem:v17+s3+$0x0] =	vst.idx.msk $0xffff, v16  }
0x38a: {  	v16 =	vor.u32 v5, v13;
	[tilespmem:v17+s19+$0x0] =	vst.idx.add.f32.msk $0xffff, v15  }
0x38b: {  	v15 =	vld [tilespmem:s7+$0x20]  }
0x38c: {  	v17 =	vld [tilespmem:s1+$0x20];
	_ =	sdelay $0x2  }
0x38d: {  	v18 =	vld.idx.msk [tilespmem:v16+s3+$0x0], $0xffff;
	_ =	sdelay $0x1  }
0x38e: {  	v15 =	vsub.f32 v15, v17;
	_ =	sdelay $0x1  }
0x38f: {  	v15 =	vmax.f32 v15, $0.0e+00  }
0x390: {  	v17 =	vmax.f32 v18, v15  }
0x391: {  	[tilespmem:v16+s3+$0x0] =	vst.idx.msk $0xffff, v17  }
0x392: {  	v17 =	vor.u32 v6, v13;
	[tilespmem:v16+s19+$0x0] =	vst.idx.add.f32.msk $0xffff, v15  }
0x393: {  	v15 =	vld [tilespmem:s7+$0x30]  }
0x394: {  	v16 =	vld [tilespmem:s1+$0x30];
	_ =	sdelay $0x2  }
0x395: {  	v18 =	vld.idx.msk [tilespmem:v17+s3+$0x0], $0xffff;
	_ =	sdelay $0x1  }
0x396: {  	v15 =	vsub.f32 v15, v16;
	_ =	sdelay $0x1  }
0x397: {  	v15 =	vmax.f32 v15, $0.0e+00  }
0x398: {  	v16 =	vmax.f32 v18, v15  }
0x399: {  	[tilespmem:v17+s3+$0x0] =	vst.idx.msk $0xffff, v16  }
0x39a: {  	v16 =	vor.u32 v7, v13;
	[tilespmem:v17+s19+$0x0] =	vst.idx.add.f32.msk $0xffff, v15  }
0x39b: {  	v15 =	vld [tilespmem:s7+$0x40]  }
0x39c: {  	v17 =	vld [tilespmem:s1+$0x40];
	_ =	sdelay $0x2  }
0x39d: {  	v18 =	vld.idx.msk [tilespmem:v16+s3+$0x0], $0xffff;
	_ =	sdelay $0x1  }
0x39e: {  	v15 =	vsub.f32 v15, v17;
	_ =	sdelay $0x1  }
0x39f: {  	v15 =	vmax.f32 v15, $0.0e+00  }
0x3a0: {  	v17 =	vmax.f32 v18, v15  }
0x3a1: {  	[tilespmem:v16+s3+$0x0] =	vst.idx.msk $0xffff, v17  }
0x3a2: {  	v17 =	vor.u32 v8, v13;
	[tilespmem:v16+s19+$0x0] =	vst.idx.add.f32.msk $0xffff, v15  }
0x3a3: {  	v15 =	vld [tilespmem:s7+$0x50]  }
0x3a4: {  	v16 =	vld [tilespmem:s1+$0x50];
	_ =	sdelay $0x2  }
0x3a5: {  	v18 =	vld.idx.msk [tilespmem:v17+s3+$0x0], $0xffff;
	_ =	sdelay $0x1  }
0x3a6: {  	v15 =	vsub.f32 v15, v16;
	_ =	sdelay $0x1  }
0x3a7: {  	v15 =	vmax.f32 v15, $0.0e+00  }
0x3a8: {  	v16 =	vmax.f32 v18, v15  }
0x3a9: {  	[tilespmem:v17+s3+$0x0] =	vst.idx.msk $0xffff, v16  }
0x3aa: {  	[tilespmem:v17+s19+$0x0] =	vst.idx.add.f32.msk $0xffff, v15  }
0x3ab: {  	v15 =	vor.u32 v9, v13;
	v17 =	vld [tilespmem:s7+$0x60]  }
0x3ac: {  	v18 =	vld [tilespmem:s1+$0x60];
	_ =	sdelay $0x3  }
0x3ad: {  	v16 =	vld.idx.msk [tilespmem:v15+s3+$0x0], $0xffff  }
0x3ae: {  	s25 =	simm.s32 $0x0;
	s9 =	simm.s32 $0x1D480;
	s8 =	simm.s32 $0x1B480;
	v14 =	vshll.u32 v14, $0x4;
	v17 =	vsub.f32 v17, v18  }
.LBB2_22:
0x3af: {  	s1 =	sadd.s32 $0x100, s1  }
0x3b0: {  	s7 =	sadd.s32 $0x100, s7;
	s13 =	smov.u32 s25;
	s25 =	sadd.s32 $0x2, s25  }
0x3b1: {  	p0 =	slt.u32 s25, $0x3E;
	v17 =	vmax.f32 v17, $0.0e+00  }
0x3b2: {  	v13 =	vor.u32 v10, v13;
	v16 =	vmax.f32 v16, v17  }
0x3b3: {  	[tilespmem:v15+s3+$0x0] =	vst.idx.msk $0xffff, v16  }
0x3b4: {  	[tilespmem:v15+s19+$0x0] =	vst.idx.add.f32.msk $0xffff, v17  }
0x3b5: {  	s13 =	sadd.s32 s13, s0;
	v15 =	vld [tilespmem:s8+$0x70];
	s8 =	smov.u32 s7  }
0x3b6: {  	s14 =	sadd.s32 $0x2, s13;
	s26 =	sadd.s32 $0x3, s13;
	v16 =	vld [tilespmem:s9+$0x70];
	s9 =	smov.u32 s1  }
0x3b7: {  	v17 =	vmov s14;
	v18 =	vld.idx.msk [tilespmem:v13+s3+$0x0], $0xffff  }
0x3b8: {  	v17 =	vand.u32 $0xFFFFFFFE, v17  }
0x3b9: {  	v14 =	vor.u32 v2, v14;
	v17 =	vbroadcast v17, $0x0;
	_ =	sdelay $0x1  }
0x3ba: {  	v15 =	vsub.f32 v15, v16;
	_ =	sdelay $0x1  }
0x3bb: {  	v15 =	vmax.f32 v15, $0.0e+00  }
0x3bc: {  	v16 =	vmax.f32 v18, v15  }
0x3bd: {  	[tilespmem:v13+s3+$0x0] =	vst.idx.msk $0xffff, v16  }
0x3be: {  	[tilespmem:v13+s19+$0x0] =	vst.idx.add.f32.msk $0xffff, v15  }
0x3bf: {  	[tilespmem:v14+s20+$0x0] =	vst.idx.add.f32.msk $0xffff, v11  }
0x3c0: {  	v13 =	vld.idx.msk [tilespmem:v17+s16+$0x0], $0xffff;
	_ =	sdelay $0x5  }
0x3c1: {  	v13 =	vsub.s32 v13, v0  }
0x3c2: {  	v14 =	vshll.u32 v13, $0x7;
	v13 =	vshll.u32 v13, $0x4;
	v15 =	vld [tilespmem:s1+$0xFFFFFF80]  }
0x3c3: {  	v17 =	vor.u32 v2, v14;
	v16 =	vld [tilespmem:s7+$0xFFFFFF80];
	_ =	sdelay $0x4  }
0x3c4: {  	v15 =	vsub.f32 v16, v15;
	v16 =	vld.idx.msk [tilespmem:v17+s3+$0x0], $0xffff;
	_ =	sdelay $0x1  }
0x3c5: {  	v15 =	vmax.f32 v15, $0.0e+00;
	_ =	sdelay $0x1  }
0x3c6: {  	v18 =	vor.u32 v4, v14;
	_ =	sdelay $0x1  }
0x3c7: {  	v16 =	vmax.f32 v16, v15  }
0x3c8: {  	[tilespmem:v17+s3+$0x0] =	vst.idx.msk $0xffff, v16  }
0x3c9: {  	[tilespmem:v17+s19+$0x0] =	vst.idx.add.f32.msk $0xffff, v15  }
0x3ca: {  	v15 =	vld [tilespmem:s7+$0xFFFFFF90]  }
0x3cb: {  	v16 =	vld [tilespmem:s1+$0xFFFFFF90]  }
0x3cc: {  	v17 =	vld.idx.msk [tilespmem:v18+s3+$0x0], $0xffff;
	_ =	sdelay $0x3  }
0x3cd: {  	v15 =	vsub.f32 v15, v16;
	_ =	sdelay $0x1  }
0x3ce: {  	v15 =	vmax.f32 v15, $0.0e+00  }
0x3cf: {  	v16 =	vmax.f32 v17, v15  }
0x3d0: {  	[tilespmem:v18+s3+$0x0] =	vst.idx.msk $0xffff, v16;
	v16 =	vor.u32 v5, v14  }
0x3d1: {  	[tilespmem:v18+s19+$0x0] =	vst.idx.add.f32.msk $0xffff, v15  }
0x3d2: {  	v15 =	vld [tilespmem:s7+$0xFFFFFFA0]  }
0x3d3: {  	v17 =	vld [tilespmem:s1+$0xFFFFFFA0];
	_ =	sdelay $0x1  }
0x3d4: {  	v18 =	vld.idx.msk [tilespmem:v16+s3+$0x0], $0xffff;
	_ =	sdelay $0x2  }
0x3d5: {  	v15 =	vsub.f32 v15, v17;
	_ =	sdelay $0x1  }
0x3d6: {  	v15 =	vmax.f32 v15, $0.0e+00  }
0x3d7: {  	v17 =	vmax.f32 v18, v15  }
0x3d8: {  	[tilespmem:v16+s3+$0x0] =	vst.idx.msk $0xffff, v17;
	v17 =	vor.u32 v6, v14  }
0x3d9: {  	[tilespmem:v16+s19+$0x0] =	vst.idx.add.f32.msk $0xffff, v15  }
0x3da: {  	v15 =	vld [tilespmem:s7+$0xFFFFFFB0]  }
0x3db: {  	v16 =	vld [tilespmem:s1+$0xFFFFFFB0];
	_ =	sdelay $0x1  }
0x3dc: {  	v18 =	vld.idx.msk [tilespmem:v17+s3+$0x0], $0xffff;
	_ =	sdelay $0x2  }
0x3dd: {  	v15 =	vsub.f32 v15, v16;
	_ =	sdelay $0x1  }
0x3de: {  	v15 =	vmax.f32 v15, $0.0e+00  }
0x3df: {  	v16 =	vmax.f32 v18, v15  }
0x3e0: {  	[tilespmem:v17+s3+$0x0] =	vst.idx.msk $0xffff, v16;
	v16 =	vor.u32 v7, v14  }
0x3e1: {  	[tilespmem:v17+s19+$0x0] =	vst.idx.add.f32.msk $0xffff, v15  }
0x3e2: {  	v15 =	vld [tilespmem:s7+$0xFFFFFFC0]  }
0x3e3: {  	v17 =	vld [tilespmem:s1+$0xFFFFFFC0];
	_ =	sdelay $0x1  }
0x3e4: {  	v18 =	vld.idx.msk [tilespmem:v16+s3+$0x0], $0xffff;
	_ =	sdelay $0x2  }
0x3e5: {  	v15 =	vsub.f32 v15, v17;
	_ =	sdelay $0x1  }
0x3e6: {  	v15 =	vmax.f32 v15, $0.0e+00  }
0x3e7: {  	v17 =	vmax.f32 v18, v15  }
0x3e8: {  	[tilespmem:v16+s3+$0x0] =	vst.idx.msk $0xffff, v17;
	v17 =	vor.u32 v8, v14  }
0x3e9: {  	[tilespmem:v16+s19+$0x0] =	vst.idx.add.f32.msk $0xffff, v15  }
0x3ea: {  	v15 =	vld [tilespmem:s7+$0xFFFFFFD0]  }
0x3eb: {  	v16 =	vld [tilespmem:s1+$0xFFFFFFD0];
	_ =	sdelay $0x1  }
0x3ec: {  	v18 =	vld.idx.msk [tilespmem:v17+s3+$0x0], $0xffff;
	_ =	sdelay $0x2  }
0x3ed: {  	v15 =	vsub.f32 v15, v16;
	_ =	sdelay $0x1  }
0x3ee: {  	v15 =	vmax.f32 v15, $0.0e+00  }
0x3ef: {  	v16 =	vmax.f32 v18, v15  }
0x3f0: {  	[tilespmem:v17+s3+$0x0] =	vst.idx.msk $0xffff, v16;
	v16 =	vor.u32 v9, v14  }
0x3f1: {  	[tilespmem:v17+s19+$0x0] =	vst.idx.add.f32.msk $0xffff, v15  }
0x3f2: {  	v15 =	vld [tilespmem:s7+$0xFFFFFFE0]  }
0x3f3: {  	v17 =	vld [tilespmem:s1+$0xFFFFFFE0];
	_ =	sdelay $0x1  }
0x3f4: {  	v18 =	vld.idx.msk [tilespmem:v16+s3+$0x0], $0xffff;
	_ =	sdelay $0x2  }
0x3f5: {  	v15 =	vsub.f32 v15, v17;
	_ =	sdelay $0x1  }
0x3f6: {  	v15 =	vmax.f32 v15, $0.0e+00  }
0x3f7: {  	v14 =	vor.u32 v10, v14;
	v17 =	vmax.f32 v18, v15  }
0x3f8: {  	[tilespmem:v16+s3+$0x0] =	vst.idx.msk $0xffff, v17  }
0x3f9: {  	[tilespmem:v16+s19+$0x0] =	vst.idx.add.f32.msk $0xffff, v15  }
0x3fa: {  	v15 =	vld [tilespmem:s7+$0xFFFFFFF0]  }
0x3fb: {  	v16 =	vld [tilespmem:s1+$0xFFFFFFF0]  }
0x3fc: {  	v17 =	vld.idx.msk [tilespmem:v14+s3+$0x0], $0xffff;
	_ =	sdelay $0x3  }
0x3fd: {  	v15 =	vsub.f32 v15, v16  }
0x3fe: {  	v13 =	vor.u32 v2, v13  }
0x3ff: {  	v16 =	vmov s26;
	v15 =	vmax.f32 v15, $0.0e+00  }
0x400: {  	v17 =	vmax.f32 v17, v15  }
0x401: {  	[tilespmem:v14+s3+$0x0] =	vst.idx.msk $0xffff, v17  }
0x402: {  	[tilespmem:v14+s19+$0x0] =	vst.idx.add.f32.msk $0xffff, v15  }
0x403: {  	[tilespmem:v13+s20+$0x0] =	vst.idx.add.f32.msk $0xffff, v11  }
0x404: {  	v13 =	vld.idx.msk [tilespmem:v16+s16+$0x0], $0xffff;
	_ =	sdelay $0x5  }
0x405: {  	v14 =	vsub.s32 v13, v0  }
0x406: {  	v13 =	vshll.u32 v14, $0x7;
	v14 =	vshll.u32 v14, $0x4  }
0x407: {  	v15 =	vor.u32 v2, v13;
	_ =	sdelay $0x1  }
0x408: {  	v16 =	vld [tilespmem:s1+$0x0]  }
0x409: {  	v17 =	vld [tilespmem:s7+$0x0];
	_ =	sdelay $0x1  }
0x40a: {  	v18 =	vld.idx.msk [tilespmem:v15+s3+$0x0], $0xffff;
	_ =	sdelay $0x2  }
0x40b: {  	v16 =	vsub.f32 v17, v16;
	_ =	sdelay $0x1  }
0x40c: {  	v16 =	vmax.f32 v16, $0.0e+00  }
0x40d: {  	v17 =	vmax.f32 v18, v16;
	v18 =	vor.u32 v4, v13  }
0x40e: {  	[tilespmem:v15+s3+$0x0] =	vst.idx.msk $0xffff, v17  }
0x40f: {  	[tilespmem:v15+s19+$0x0] =	vst.idx.add.f32.msk $0xffff, v16  }
0x410: {  	v15 =	vld [tilespmem:s7+$0x10]  }
0x411: {  	v16 =	vld [tilespmem:s1+$0x10]  }
0x412: {  	v17 =	vld.idx.msk [tilespmem:v18+s3+$0x0], $0xffff;
	_ =	sdelay $0x3  }
0x413: {  	v15 =	vsub.f32 v15, v16;
	_ =	sdelay $0x1  }
0x414: {  	v15 =	vmax.f32 v15, $0.0e+00  }
0x415: {  	v16 =	vmax.f32 v17, v15;
	v17 =	vor.u32 v5, v13  }
0x416: {  	[tilespmem:v18+s3+$0x0] =	vst.idx.msk $0xffff, v16  }
0x417: {  	[tilespmem:v18+s19+$0x0] =	vst.idx.add.f32.msk $0xffff, v15  }
0x418: {  	v15 =	vld [tilespmem:s7+$0x20]  }
0x419: {  	v16 =	vld [tilespmem:s1+$0x20]  }
0x41a: {  	v18 =	vld.idx.msk [tilespmem:v17+s3+$0x0], $0xffff;
	_ =	sdelay $0x3  }
0x41b: {  	v15 =	vsub.f32 v15, v16;
	_ =	sdelay $0x1  }
0x41c: {  	v15 =	vmax.f32 v15, $0.0e+00  }
0x41d: {  	v16 =	vmax.f32 v18, v15;
	v18 =	vor.u32 v6, v13  }
0x41e: {  	[tilespmem:v17+s3+$0x0] =	vst.idx.msk $0xffff, v16  }
0x41f: {  	[tilespmem:v17+s19+$0x0] =	vst.idx.add.f32.msk $0xffff, v15  }
0x420: {  	v15 =	vld [tilespmem:s7+$0x30]  }
0x421: {  	v16 =	vld [tilespmem:s1+$0x30]  }
0x422: {  	v17 =	vld.idx.msk [tilespmem:v18+s3+$0x0], $0xffff;
	_ =	sdelay $0x3  }
0x423: {  	v15 =	vsub.f32 v15, v16;
	_ =	sdelay $0x1  }
0x424: {  	v15 =	vmax.f32 v15, $0.0e+00  }
0x425: {  	v16 =	vmax.f32 v17, v15;
	v17 =	vor.u32 v7, v13  }
0x426: {  	[tilespmem:v18+s3+$0x0] =	vst.idx.msk $0xffff, v16  }
0x427: {  	[tilespmem:v18+s19+$0x0] =	vst.idx.add.f32.msk $0xffff, v15  }
0x428: {  	v15 =	vld [tilespmem:s7+$0x40]  }
0x429: {  	v16 =	vld [tilespmem:s1+$0x40]  }
0x42a: {  	v18 =	vld.idx.msk [tilespmem:v17+s3+$0x0], $0xffff;
	_ =	sdelay $0x3  }
0x42b: {  	v15 =	vsub.f32 v15, v16;
	_ =	sdelay $0x1  }
0x42c: {  	v15 =	vmax.f32 v15, $0.0e+00  }
0x42d: {  	v16 =	vmax.f32 v18, v15;
	v18 =	vor.u32 v8, v13  }
0x42e: {  	[tilespmem:v17+s3+$0x0] =	vst.idx.msk $0xffff, v16  }
0x42f: {  	[tilespmem:v17+s19+$0x0] =	vst.idx.add.f32.msk $0xffff, v15  }
0x430: {  	v15 =	vld [tilespmem:s7+$0x50]  }
0x431: {  	v16 =	vld [tilespmem:s1+$0x50]  }
0x432: {  	v17 =	vld.idx.msk [tilespmem:v18+s3+$0x0], $0xffff;
	_ =	sdelay $0x3  }
0x433: {  	v15 =	vsub.f32 v15, v16;
	_ =	sdelay $0x1  }
0x434: {  	v16 =	vmax.f32 v15, $0.0e+00  }
0x435: {  	v15 =	vor.u32 v9, v13;
	v17 =	vmax.f32 v17, v16  }
0x436: {  	[tilespmem:v18+s3+$0x0] =	vst.idx.msk $0xffff, v17  }
0x437: {  	[tilespmem:v18+s19+$0x0] =	vst.idx.add.f32.msk $0xffff, v16  }
0x438: {  	v17 =	vld [tilespmem:s7+$0x60]  }
0x439: {  	v18 =	vld [tilespmem:s1+$0x60]  }
.Ltmp13:
0x43a: {  	v16 =	vld.idx.msk [tilespmem:v15+s3+$0x0], $0xffff;
	(pc) =	sbr.rel @p0 .LBB2_22-.Ltmp13, $2  }
0x43b: {  	_ =	sdelay $0x2  }
0x43c: {  	v17 =	vsub.f32 v17, v18  }
0x43d: {  	_ =	sdelay $0x1  }
0x43e: {  	v17 =	vmax.f32 v17, $0.0e+00  }
0x43f: {  	v16 =	vmax.f32 v16, v17  }
0x440: {  	[tilespmem:v15+s3+$0x0] =	vst.idx.msk $0xffff, v16  }
0x441: {  	v13 =	vor.u32 v10, v13;
	[tilespmem:v15+s19+$0x0] =	vst.idx.add.f32.msk $0xffff, v17  }
0x442: {  	v15 =	vld [tilespmem:s8+$0x70]  }
0x443: {  	v16 =	vld [tilespmem:s9+$0x70];
	_ =	sdelay $0x2  }
0x444: {  	v17 =	vld.idx.msk [tilespmem:v13+s3+$0x0], $0xffff;
	_ =	sdelay $0x1  }
0x445: {  	v15 =	vsub.f32 v15, v16  }
0x446: {  	v14 =	vor.u32 v2, v14  }
0x447: {  	v15 =	vmax.f32 v15, $0.0e+00  }
0x448: {  	v63 =	vmax.f32 v17, v15  }
0x449: {  	[tilespmem:v13+s3+$0x0] =	vst.idx.msk $0xffff, v63  }
0x44a: {  	[tilespmem:v13+s19+$0x0] =	vst.idx.add.f32.msk $0xffff, v15  }
0x44b: {  	[tilespmem:v14+s20+$0x0] =	vst.idx.add.f32.msk $0xffff, v11  }
.LBB2_24:
0x44c: {  	v13 =	vmpcnt.ones.xlane vm0;
	_ =	sdelay $0x1  }
0x44d: {  	v12 =	vadd.s32 v12, v13  }
0x44e: {  	v13 =	vxor.u32 $0x80000000, v12  }
0x44f: {  	(xrf0) =	vmax.scan.msk.u32 $0xffff, v13;
	_ =	sdelay $0x5  }
0x450: {  	v13, _, _ =	vpop (xrf0)  }
0x451: {  	(v2sf) =	vpush v13, $0xF;
	_ =	sdelay $0xe  }
0x452: {  	p0 =	sgt.s32 s31, $0x3F;
	s0 =	sadd.s32 $0x40, s28;
	s1 =	spop (v2sf)  }
0x453: {  	s28 =	smov.u32 @p0 s0;
	s30 =	sxor.u32 $0x80000000, s1  }
0x454: {  	s0 =	ssub.s32 s30, s28  }
0x455: {  	p0 =	slt.s32 s0, $0x1831  }
.Ltmp14:
0x456: {  	_ = 	snop;
	(pc) =	sbr.rel @p0 .LBB2_28-.Ltmp14, $1  }
0x457: {  	_ =	sdelay $0x3  }
.LBB2_25:
0x458: {  	s0 =	sand.u32 $0x1FC0, s28  }
0x459: {  	s1 =	sadd.s32 $0x17400, s0;
	s8 =	sadd.s32 $0xFFFFFFFE, s0  }
0x45a: {  	[tilespmem:s22], [sflag:$0x3] =	stream.indirect.gather [hbm4b:s2+s21], $0x80, s1, s21, $0xb8;
	[tilespmem:$0x1F400] =	vst v63  }
0x45b: {  	s31 =	sadd.s32 $0x2, s8  }
0x45c: {  	s7 =	sadd.s32 $0x19400, s0;
	v13 =	vmov s31  }
0x45d: {  	[tilespmem:s23], [sflag:$0x4] =	stream.indirect.gather [hbm4b:s6+s21], $0x80, s7, s21, $0xb8;
	v13 =	vand.u32 $0xFFFFFFFE, v13;
	[tilespmem:$0x1F400] =	vst v63  }
0x45e: {  	_ =	swait.ge [sflag:s17], $0x2000;
	v13 =	vbroadcast v13, $0x0  }
0x45f: {  	[sflag:s17] =	ssyncset.done $0x0  }
0x460: {  	[sflag:s17] =	ssyncadd.s32 $0xFFFFE000  }
0x461: {  	_ =	swait.ge [sflag:s18], $0x2000  }
0x462: {  	[sflag:s18] =	ssyncset.done $0x0  }
0x463: {  	[sflag:s18] =	ssyncadd.s32 $0xFFFFE000  }
0x464: {  	v13 =	vld.idx.msk [tilespmem:v13+s16+$0x0], $0xffff;
	_ =	sdelay $0x4  }
0x465: {  	v13 =	vsub.s32 v13, v0  }
0x466: {  	v14 =	vshll.u32 v13, $0x7  }
0x467: {  	s1 =	simm.s32 $0x1D480;
	v15 =	vor.u32 v2, v14  }
0x468: {  	s7 =	simm.s32 $0x1B480;
	v16 =	vld [tilespmem:s1+$0xFFFFFF80]  }
0x469: {  	v17 =	vld [tilespmem:s7+$0xFFFFFF80];
	_ =	sdelay $0x2  }
0x46a: {  	v18 =	vld.idx.msk [tilespmem:v15+s3+$0x0], $0xffff;
	_ =	sdelay $0x1  }
0x46b: {  	v16 =	vsub.f32 v17, v16;
	_ =	sdelay $0x1  }
0x46c: {  	v16 =	vmax.f32 v16, $0.0e+00  }
0x46d: {  	v17 =	vmax.f32 v18, v16  }
0x46e: {  	[tilespmem:v15+s3+$0x0] =	vst.idx.msk $0xffff, v17  }
0x46f: {  	v17 =	vor.u32 v4, v14;
	[tilespmem:v15+s19+$0x0] =	vst.idx.add.f32.msk $0xffff, v16  }
0x470: {  	v15 =	vld [tilespmem:s7+$0xFFFFFF90]  }
0x471: {  	v16 =	vld [tilespmem:s1+$0xFFFFFF90];
	_ =	sdelay $0x2  }
0x472: {  	v18 =	vld.idx.msk [tilespmem:v17+s3+$0x0], $0xffff;
	_ =	sdelay $0x1  }
0x473: {  	v15 =	vsub.f32 v15, v16;
	_ =	sdelay $0x1  }
0x474: {  	v15 =	vmax.f32 v15, $0.0e+00  }
0x475: {  	v16 =	vmax.f32 v18, v15  }
0x476: {  	[tilespmem:v17+s3+$0x0] =	vst.idx.msk $0xffff, v16  }
0x477: {  	v16 =	vor.u32 v5, v14;
	[tilespmem:v17+s19+$0x0] =	vst.idx.add.f32.msk $0xffff, v15  }
0x478: {  	v15 =	vld [tilespmem:s7+$0xFFFFFFA0]  }
0x479: {  	v17 =	vld [tilespmem:s1+$0xFFFFFFA0];
	_ =	sdelay $0x2  }
0x47a: {  	v18 =	vld.idx.msk [tilespmem:v16+s3+$0x0], $0xffff;
	_ =	sdelay $0x1  }
0x47b: {  	v15 =	vsub.f32 v15, v17;
	_ =	sdelay $0x1  }
0x47c: {  	v15 =	vmax.f32 v15, $0.0e+00  }
0x47d: {  	v17 =	vmax.f32 v18, v15  }
0x47e: {  	[tilespmem:v16+s3+$0x0] =	vst.idx.msk $0xffff, v17  }
0x47f: {  	v17 =	vor.u32 v6, v14;
	[tilespmem:v16+s19+$0x0] =	vst.idx.add.f32.msk $0xffff, v15  }
0x480: {  	v15 =	vld [tilespmem:s7+$0xFFFFFFB0]  }
0x481: {  	v16 =	vld [tilespmem:s1+$0xFFFFFFB0];
	_ =	sdelay $0x2  }
0x482: {  	v18 =	vld.idx.msk [tilespmem:v17+s3+$0x0], $0xffff;
	_ =	sdelay $0x1  }
0x483: {  	v15 =	vsub.f32 v15, v16;
	_ =	sdelay $0x1  }
0x484: {  	v15 =	vmax.f32 v15, $0.0e+00  }
0x485: {  	v16 =	vmax.f32 v18, v15  }
0x486: {  	[tilespmem:v17+s3+$0x0] =	vst.idx.msk $0xffff, v16  }
0x487: {  	v16 =	vor.u32 v7, v14;
	[tilespmem:v17+s19+$0x0] =	vst.idx.add.f32.msk $0xffff, v15  }
0x488: {  	v15 =	vld [tilespmem:s7+$0xFFFFFFC0]  }
0x489: {  	v17 =	vld [tilespmem:s1+$0xFFFFFFC0];
	_ =	sdelay $0x2  }
0x48a: {  	v18 =	vld.idx.msk [tilespmem:v16+s3+$0x0], $0xffff;
	_ =	sdelay $0x1  }
0x48b: {  	v15 =	vsub.f32 v15, v17;
	_ =	sdelay $0x1  }
0x48c: {  	v15 =	vmax.f32 v15, $0.0e+00  }
0x48d: {  	v17 =	vmax.f32 v18, v15  }
0x48e: {  	[tilespmem:v16+s3+$0x0] =	vst.idx.msk $0xffff, v17  }
0x48f: {  	v17 =	vor.u32 v8, v14;
	[tilespmem:v16+s19+$0x0] =	vst.idx.add.f32.msk $0xffff, v15  }
0x490: {  	v15 =	vld [tilespmem:s7+$0xFFFFFFD0]  }
0x491: {  	v16 =	vld [tilespmem:s1+$0xFFFFFFD0];
	_ =	sdelay $0x2  }
0x492: {  	v18 =	vld.idx.msk [tilespmem:v17+s3+$0x0], $0xffff;
	_ =	sdelay $0x1  }
0x493: {  	v15 =	vsub.f32 v15, v16;
	_ =	sdelay $0x1  }
0x494: {  	v15 =	vmax.f32 v15, $0.0e+00  }
0x495: {  	v16 =	vmax.f32 v18, v15  }
0x496: {  	[tilespmem:v17+s3+$0x0] =	vst.idx.msk $0xffff, v16  }
0x497: {  	v16 =	vor.u32 v9, v14;
	[tilespmem:v17+s19+$0x0] =	vst.idx.add.f32.msk $0xffff, v15  }
0x498: {  	v15 =	vld [tilespmem:s7+$0xFFFFFFE0]  }
0x499: {  	v17 =	vld [tilespmem:s1+$0xFFFFFFE0];
	_ =	sdelay $0x2  }
0x49a: {  	v18 =	vld.idx.msk [tilespmem:v16+s3+$0x0], $0xffff;
	_ =	sdelay $0x1  }
0x49b: {  	v15 =	vsub.f32 v15, v17;
	_ =	sdelay $0x1  }
0x49c: {  	v15 =	vmax.f32 v15, $0.0e+00  }
0x49d: {  	v17 =	vmax.f32 v18, v15  }
0x49e: {  	[tilespmem:v16+s3+$0x0] =	vst.idx.msk $0xffff, v17  }
0x49f: {  	v14 =	vor.u32 v10, v14;
	[tilespmem:v16+s19+$0x0] =	vst.idx.add.f32.msk $0xffff, v15  }
0x4a0: {  	v15 =	vld [tilespmem:s7+$0xFFFFFFF0]  }
0x4a1: {  	v16 =	vld [tilespmem:s1+$0xFFFFFFF0];
	_ =	sdelay $0x2  }
0x4a2: {  	v17 =	vld.idx.msk [tilespmem:v14+s3+$0x0], $0xffff;
	_ =	sdelay $0x1  }
0x4a3: {  	v13 =	vshll.u32 v13, $0x4;
	v15 =	vsub.f32 v15, v16  }
0x4a4: {  	s8 =	sadd.s32 $0x3, s8;
	v13 =	vor.u32 v2, v13  }
0x4a5: {  	v16 =	vmov s8;
	v15 =	vmax.f32 v15, $0.0e+00  }
0x4a6: {  	v17 =	vmax.f32 v17, v15  }
0x4a7: {  	[tilespmem:v14+s3+$0x0] =	vst.idx.msk $0xffff, v17  }
0x4a8: {  	[tilespmem:v14+s19+$0x0] =	vst.idx.add.f32.msk $0xffff, v15  }
0x4a9: {  	[tilespmem:v13+s20+$0x0] =	vst.idx.add.f32.msk $0xffff, v11  }
0x4aa: {  	v13 =	vld.idx.msk [tilespmem:v16+s16+$0x0], $0xffff;
	_ =	sdelay $0x4  }
0x4ab: {  	v14 =	vsub.s32 v13, v0  }
0x4ac: {  	v13 =	vshll.u32 v14, $0x7  }
0x4ad: {  	v15 =	vor.u32 v2, v13  }
0x4ae: {  	v16 =	vld [tilespmem:s1+$0x0]  }
0x4af: {  	v17 =	vld [tilespmem:s7+$0x0];
	_ =	sdelay $0x2  }
0x4b0: {  	v18 =	vld.idx.msk [tilespmem:v15+s3+$0x0], $0xffff;
	_ =	sdelay $0x1  }
0x4b1: {  	v16 =	vsub.f32 v17, v16;
	_ =	sdelay $0x1  }
0x4b2: {  	v16 =	vmax.f32 v16, $0.0e+00  }
0x4b3: {  	v17 =	vmax.f32 v18, v16  }
0x4b4: {  	[tilespmem:v15+s3+$0x0] =	vst.idx.msk $0xffff, v17  }
0x4b5: {  	v17 =	vor.u32 v4, v13;
	[tilespmem:v15+s19+$0x0] =	vst.idx.add.f32.msk $0xffff, v16  }
0x4b6: {  	v15 =	vld [tilespmem:s7+$0x10]  }
0x4b7: {  	v16 =	vld [tilespmem:s1+$0x10];
	_ =	sdelay $0x2  }
0x4b8: {  	v18 =	vld.idx.msk [tilespmem:v17+s3+$0x0], $0xffff;
	_ =	sdelay $0x1  }
0x4b9: {  	v15 =	vsub.f32 v15, v16;
	_ =	sdelay $0x1  }
0x4ba: {  	v15 =	vmax.f32 v15, $0.0e+00  }
0x4bb: {  	v16 =	vmax.f32 v18, v15  }
0x4bc: {  	[tilespmem:v17+s3+$0x0] =	vst.idx.msk $0xffff, v16  }
0x4bd: {  	v16 =	vor.u32 v5, v13;
	[tilespmem:v17+s19+$0x0] =	vst.idx.add.f32.msk $0xffff, v15  }
0x4be: {  	v15 =	vld [tilespmem:s7+$0x20]  }
0x4bf: {  	v17 =	vld [tilespmem:s1+$0x20];
	_ =	sdelay $0x2  }
0x4c0: {  	v18 =	vld.idx.msk [tilespmem:v16+s3+$0x0], $0xffff;
	_ =	sdelay $0x1  }
0x4c1: {  	v15 =	vsub.f32 v15, v17;
	_ =	sdelay $0x1  }
0x4c2: {  	v15 =	vmax.f32 v15, $0.0e+00  }
0x4c3: {  	v17 =	vmax.f32 v18, v15  }
0x4c4: {  	[tilespmem:v16+s3+$0x0] =	vst.idx.msk $0xffff, v17  }
0x4c5: {  	v17 =	vor.u32 v6, v13;
	[tilespmem:v16+s19+$0x0] =	vst.idx.add.f32.msk $0xffff, v15  }
0x4c6: {  	v15 =	vld [tilespmem:s7+$0x30]  }
0x4c7: {  	v16 =	vld [tilespmem:s1+$0x30];
	_ =	sdelay $0x2  }
0x4c8: {  	v18 =	vld.idx.msk [tilespmem:v17+s3+$0x0], $0xffff;
	_ =	sdelay $0x1  }
0x4c9: {  	v15 =	vsub.f32 v15, v16;
	_ =	sdelay $0x1  }
0x4ca: {  	v15 =	vmax.f32 v15, $0.0e+00  }
0x4cb: {  	v16 =	vmax.f32 v18, v15  }
0x4cc: {  	[tilespmem:v17+s3+$0x0] =	vst.idx.msk $0xffff, v16  }
0x4cd: {  	v16 =	vor.u32 v7, v13;
	[tilespmem:v17+s19+$0x0] =	vst.idx.add.f32.msk $0xffff, v15  }
0x4ce: {  	v15 =	vld [tilespmem:s7+$0x40]  }
0x4cf: {  	v17 =	vld [tilespmem:s1+$0x40];
	_ =	sdelay $0x2  }
0x4d0: {  	v18 =	vld.idx.msk [tilespmem:v16+s3+$0x0], $0xffff;
	_ =	sdelay $0x1  }
0x4d1: {  	v15 =	vsub.f32 v15, v17;
	_ =	sdelay $0x1  }
0x4d2: {  	v15 =	vmax.f32 v15, $0.0e+00  }
0x4d3: {  	v17 =	vmax.f32 v18, v15  }
0x4d4: {  	[tilespmem:v16+s3+$0x0] =	vst.idx.msk $0xffff, v17  }
0x4d5: {  	v17 =	vor.u32 v8, v13;
	[tilespmem:v16+s19+$0x0] =	vst.idx.add.f32.msk $0xffff, v15  }
0x4d6: {  	v15 =	vld [tilespmem:s7+$0x50]  }
0x4d7: {  	v16 =	vld [tilespmem:s1+$0x50];
	_ =	sdelay $0x2  }
0x4d8: {  	v18 =	vld.idx.msk [tilespmem:v17+s3+$0x0], $0xffff;
	_ =	sdelay $0x1  }
0x4d9: {  	v15 =	vsub.f32 v15, v16;
	_ =	sdelay $0x1  }
0x4da: {  	v15 =	vmax.f32 v15, $0.0e+00  }
0x4db: {  	v16 =	vmax.f32 v18, v15  }
0x4dc: {  	[tilespmem:v17+s3+$0x0] =	vst.idx.msk $0xffff, v16  }
0x4dd: {  	[tilespmem:v17+s19+$0x0] =	vst.idx.add.f32.msk $0xffff, v15  }
0x4de: {  	v15 =	vor.u32 v9, v13;
	v17 =	vld [tilespmem:s7+$0x60]  }
0x4df: {  	v18 =	vld [tilespmem:s1+$0x60];
	_ =	sdelay $0x3  }
0x4e0: {  	v16 =	vld.idx.msk [tilespmem:v15+s3+$0x0], $0xffff  }
0x4e1: {  	s25 =	simm.s32 $0x0;
	s9 =	simm.s32 $0x1D480;
	s8 =	simm.s32 $0x1B480;
	v14 =	vshll.u32 v14, $0x4;
	v17 =	vsub.f32 v17, v18  }
.LBB2_26:
0x4e2: {  	s1 =	sadd.s32 $0x100, s1  }
0x4e3: {  	s7 =	sadd.s32 $0x100, s7;
	s13 =	smov.u32 s25;
	s25 =	sadd.s32 $0x2, s25  }
0x4e4: {  	p0 =	slt.u32 s25, $0x3E;
	v17 =	vmax.f32 v17, $0.0e+00  }
0x4e5: {  	v13 =	vor.u32 v10, v13;
	v16 =	vmax.f32 v16, v17  }
0x4e6: {  	[tilespmem:v15+s3+$0x0] =	vst.idx.msk $0xffff, v16  }
0x4e7: {  	[tilespmem:v15+s19+$0x0] =	vst.idx.add.f32.msk $0xffff, v17  }
0x4e8: {  	s13 =	sadd.s32 s13, s0;
	v15 =	vld [tilespmem:s8+$0x70];
	s8 =	smov.u32 s7  }
0x4e9: {  	s14 =	sadd.s32 $0x2, s13;
	s26 =	sadd.s32 $0x3, s13;
	v16 =	vld [tilespmem:s9+$0x70];
	s9 =	smov.u32 s1  }
0x4ea: {  	v17 =	vmov s14;
	v18 =	vld.idx.msk [tilespmem:v13+s3+$0x0], $0xffff  }
0x4eb: {  	v17 =	vand.u32 $0xFFFFFFFE, v17  }
0x4ec: {  	v14 =	vor.u32 v2, v14;
	v17 =	vbroadcast v17, $0x0;
	_ =	sdelay $0x1  }
0x4ed: {  	v15 =	vsub.f32 v15, v16;
	_ =	sdelay $0x1  }
0x4ee: {  	v15 =	vmax.f32 v15, $0.0e+00  }
0x4ef: {  	v16 =	vmax.f32 v18, v15  }
0x4f0: {  	[tilespmem:v13+s3+$0x0] =	vst.idx.msk $0xffff, v16  }
0x4f1: {  	[tilespmem:v13+s19+$0x0] =	vst.idx.add.f32.msk $0xffff, v15  }
0x4f2: {  	[tilespmem:v14+s20+$0x0] =	vst.idx.add.f32.msk $0xffff, v11  }
0x4f3: {  	v13 =	vld.idx.msk [tilespmem:v17+s16+$0x0], $0xffff;
	_ =	sdelay $0x5  }
0x4f4: {  	v13 =	vsub.s32 v13, v0  }
0x4f5: {  	v14 =	vshll.u32 v13, $0x7;
	v13 =	vshll.u32 v13, $0x4;
	v15 =	vld [tilespmem:s1+$0xFFFFFF80]  }
0x4f6: {  	v17 =	vor.u32 v2, v14;
	v16 =	vld [tilespmem:s7+$0xFFFFFF80];
	_ =	sdelay $0x4  }
0x4f7: {  	v15 =	vsub.f32 v16, v15;
	v16 =	vld.idx.msk [tilespmem:v17+s3+$0x0], $0xffff;
	_ =	sdelay $0x1  }
0x4f8: {  	v15 =	vmax.f32 v15, $0.0e+00;
	_ =	sdelay $0x1  }
0x4f9: {  	v18 =	vor.u32 v4, v14;
	_ =	sdelay $0x1  }
0x4fa: {  	v16 =	vmax.f32 v16, v15  }
0x4fb: {  	[tilespmem:v17+s3+$0x0] =	vst.idx.msk $0xffff, v16  }
0x4fc: {  	[tilespmem:v17+s19+$0x0] =	vst.idx.add.f32.msk $0xffff, v15  }
0x4fd: {  	v15 =	vld [tilespmem:s7+$0xFFFFFF90]  }
0x4fe: {  	v16 =	vld [tilespmem:s1+$0xFFFFFF90]  }
0x4ff: {  	v17 =	vld.idx.msk [tilespmem:v18+s3+$0x0], $0xffff;
	_ =	sdelay $0x3  }
0x500: {  	v15 =	vsub.f32 v15, v16;
	_ =	sdelay $0x1  }
0x501: {  	v15 =	vmax.f32 v15, $0.0e+00  }
0x502: {  	v16 =	vmax.f32 v17, v15  }
0x503: {  	[tilespmem:v18+s3+$0x0] =	vst.idx.msk $0xffff, v16;
	v16 =	vor.u32 v5, v14  }
0x504: {  	[tilespmem:v18+s19+$0x0] =	vst.idx.add.f32.msk $0xffff, v15  }
0x505: {  	v15 =	vld [tilespmem:s7+$0xFFFFFFA0]  }
0x506: {  	v17 =	vld [tilespmem:s1+$0xFFFFFFA0];
	_ =	sdelay $0x1  }
0x507: {  	v18 =	vld.idx.msk [tilespmem:v16+s3+$0x0], $0xffff;
	_ =	sdelay $0x2  }
0x508: {  	v15 =	vsub.f32 v15, v17;
	_ =	sdelay $0x1  }
0x509: {  	v15 =	vmax.f32 v15, $0.0e+00  }
0x50a: {  	v17 =	vmax.f32 v18, v15  }
0x50b: {  	[tilespmem:v16+s3+$0x0] =	vst.idx.msk $0xffff, v17;
	v17 =	vor.u32 v6, v14  }
0x50c: {  	[tilespmem:v16+s19+$0x0] =	vst.idx.add.f32.msk $0xffff, v15  }
0x50d: {  	v15 =	vld [tilespmem:s7+$0xFFFFFFB0]  }
0x50e: {  	v16 =	vld [tilespmem:s1+$0xFFFFFFB0];
	_ =	sdelay $0x1  }
0x50f: {  	v18 =	vld.idx.msk [tilespmem:v17+s3+$0x0], $0xffff;
	_ =	sdelay $0x2  }
0x510: {  	v15 =	vsub.f32 v15, v16;
	_ =	sdelay $0x1  }
0x511: {  	v15 =	vmax.f32 v15, $0.0e+00  }
0x512: {  	v16 =	vmax.f32 v18, v15  }
0x513: {  	[tilespmem:v17+s3+$0x0] =	vst.idx.msk $0xffff, v16;
	v16 =	vor.u32 v7, v14  }
0x514: {  	[tilespmem:v17+s19+$0x0] =	vst.idx.add.f32.msk $0xffff, v15  }
0x515: {  	v15 =	vld [tilespmem:s7+$0xFFFFFFC0]  }
0x516: {  	v17 =	vld [tilespmem:s1+$0xFFFFFFC0];
	_ =	sdelay $0x1  }
0x517: {  	v18 =	vld.idx.msk [tilespmem:v16+s3+$0x0], $0xffff;
	_ =	sdelay $0x2  }
0x518: {  	v15 =	vsub.f32 v15, v17;
	_ =	sdelay $0x1  }
0x519: {  	v15 =	vmax.f32 v15, $0.0e+00  }
0x51a: {  	v17 =	vmax.f32 v18, v15  }
0x51b: {  	[tilespmem:v16+s3+$0x0] =	vst.idx.msk $0xffff, v17;
	v17 =	vor.u32 v8, v14  }
0x51c: {  	[tilespmem:v16+s19+$0x0] =	vst.idx.add.f32.msk $0xffff, v15  }
0x51d: {  	v15 =	vld [tilespmem:s7+$0xFFFFFFD0]  }
0x51e: {  	v16 =	vld [tilespmem:s1+$0xFFFFFFD0];
	_ =	sdelay $0x1  }
0x51f: {  	v18 =	vld.idx.msk [tilespmem:v17+s3+$0x0], $0xffff;
	_ =	sdelay $0x2  }
0x520: {  	v15 =	vsub.f32 v15, v16;
	_ =	sdelay $0x1  }
0x521: {  	v15 =	vmax.f32 v15, $0.0e+00  }
0x522: {  	v16 =	vmax.f32 v18, v15  }
0x523: {  	[tilespmem:v17+s3+$0x0] =	vst.idx.msk $0xffff, v16;
	v16 =	vor.u32 v9, v14  }
0x524: {  	[tilespmem:v17+s19+$0x0] =	vst.idx.add.f32.msk $0xffff, v15  }
0x525: {  	v15 =	vld [tilespmem:s7+$0xFFFFFFE0]  }
0x526: {  	v17 =	vld [tilespmem:s1+$0xFFFFFFE0];
	_ =	sdelay $0x1  }
0x527: {  	v18 =	vld.idx.msk [tilespmem:v16+s3+$0x0], $0xffff;
	_ =	sdelay $0x2  }
0x528: {  	v15 =	vsub.f32 v15, v17;
	_ =	sdelay $0x1  }
0x529: {  	v15 =	vmax.f32 v15, $0.0e+00  }
0x52a: {  	v14 =	vor.u32 v10, v14;
	v17 =	vmax.f32 v18, v15  }
0x52b: {  	[tilespmem:v16+s3+$0x0] =	vst.idx.msk $0xffff, v17  }
0x52c: {  	[tilespmem:v16+s19+$0x0] =	vst.idx.add.f32.msk $0xffff, v15  }
0x52d: {  	v15 =	vld [tilespmem:s7+$0xFFFFFFF0]  }
0x52e: {  	v16 =	vld [tilespmem:s1+$0xFFFFFFF0]  }
0x52f: {  	v17 =	vld.idx.msk [tilespmem:v14+s3+$0x0], $0xffff;
	_ =	sdelay $0x3  }
0x530: {  	v15 =	vsub.f32 v15, v16  }
0x531: {  	v13 =	vor.u32 v2, v13  }
0x532: {  	v16 =	vmov s26;
	v15 =	vmax.f32 v15, $0.0e+00  }
0x533: {  	v17 =	vmax.f32 v17, v15  }
0x534: {  	[tilespmem:v14+s3+$0x0] =	vst.idx.msk $0xffff, v17  }
0x535: {  	[tilespmem:v14+s19+$0x0] =	vst.idx.add.f32.msk $0xffff, v15  }
0x536: {  	[tilespmem:v13+s20+$0x0] =	vst.idx.add.f32.msk $0xffff, v11  }
0x537: {  	v13 =	vld.idx.msk [tilespmem:v16+s16+$0x0], $0xffff;
	_ =	sdelay $0x5  }
0x538: {  	v14 =	vsub.s32 v13, v0  }
0x539: {  	v13 =	vshll.u32 v14, $0x7;
	v14 =	vshll.u32 v14, $0x4  }
0x53a: {  	v15 =	vor.u32 v2, v13;
	_ =	sdelay $0x1  }
0x53b: {  	v16 =	vld [tilespmem:s1+$0x0]  }
0x53c: {  	v17 =	vld [tilespmem:s7+$0x0];
	_ =	sdelay $0x1  }
0x53d: {  	v18 =	vld.idx.msk [tilespmem:v15+s3+$0x0], $0xffff;
	_ =	sdelay $0x2  }
0x53e: {  	v16 =	vsub.f32 v17, v16;
	_ =	sdelay $0x1  }
0x53f: {  	v16 =	vmax.f32 v16, $0.0e+00  }
0x540: {  	v17 =	vmax.f32 v18, v16;
	v18 =	vor.u32 v4, v13  }
0x541: {  	[tilespmem:v15+s3+$0x0] =	vst.idx.msk $0xffff, v17  }
0x542: {  	[tilespmem:v15+s19+$0x0] =	vst.idx.add.f32.msk $0xffff, v16  }
0x543: {  	v15 =	vld [tilespmem:s7+$0x10]  }
0x544: {  	v16 =	vld [tilespmem:s1+$0x10]  }
0x545: {  	v17 =	vld.idx.msk [tilespmem:v18+s3+$0x0], $0xffff;
	_ =	sdelay $0x3  }
0x546: {  	v15 =	vsub.f32 v15, v16;
	_ =	sdelay $0x1  }
0x547: {  	v15 =	vmax.f32 v15, $0.0e+00  }
0x548: {  	v16 =	vmax.f32 v17, v15;
	v17 =	vor.u32 v5, v13  }
0x549: {  	[tilespmem:v18+s3+$0x0] =	vst.idx.msk $0xffff, v16  }
0x54a: {  	[tilespmem:v18+s19+$0x0] =	vst.idx.add.f32.msk $0xffff, v15  }
0x54b: {  	v15 =	vld [tilespmem:s7+$0x20]  }
0x54c: {  	v16 =	vld [tilespmem:s1+$0x20]  }
0x54d: {  	v18 =	vld.idx.msk [tilespmem:v17+s3+$0x0], $0xffff;
	_ =	sdelay $0x3  }
0x54e: {  	v15 =	vsub.f32 v15, v16;
	_ =	sdelay $0x1  }
0x54f: {  	v15 =	vmax.f32 v15, $0.0e+00  }
0x550: {  	v16 =	vmax.f32 v18, v15;
	v18 =	vor.u32 v6, v13  }
0x551: {  	[tilespmem:v17+s3+$0x0] =	vst.idx.msk $0xffff, v16  }
0x552: {  	[tilespmem:v17+s19+$0x0] =	vst.idx.add.f32.msk $0xffff, v15  }
0x553: {  	v15 =	vld [tilespmem:s7+$0x30]  }
0x554: {  	v16 =	vld [tilespmem:s1+$0x30]  }
0x555: {  	v17 =	vld.idx.msk [tilespmem:v18+s3+$0x0], $0xffff;
	_ =	sdelay $0x3  }
0x556: {  	v15 =	vsub.f32 v15, v16;
	_ =	sdelay $0x1  }
0x557: {  	v15 =	vmax.f32 v15, $0.0e+00  }
0x558: {  	v16 =	vmax.f32 v17, v15;
	v17 =	vor.u32 v7, v13  }
0x559: {  	[tilespmem:v18+s3+$0x0] =	vst.idx.msk $0xffff, v16  }
0x55a: {  	[tilespmem:v18+s19+$0x0] =	vst.idx.add.f32.msk $0xffff, v15  }
0x55b: {  	v15 =	vld [tilespmem:s7+$0x40]  }
0x55c: {  	v16 =	vld [tilespmem:s1+$0x40]  }
0x55d: {  	v18 =	vld.idx.msk [tilespmem:v17+s3+$0x0], $0xffff;
	_ =	sdelay $0x3  }
0x55e: {  	v15 =	vsub.f32 v15, v16;
	_ =	sdelay $0x1  }
0x55f: {  	v15 =	vmax.f32 v15, $0.0e+00  }
0x560: {  	v16 =	vmax.f32 v18, v15;
	v18 =	vor.u32 v8, v13  }
0x561: {  	[tilespmem:v17+s3+$0x0] =	vst.idx.msk $0xffff, v16  }
0x562: {  	[tilespmem:v17+s19+$0x0] =	vst.idx.add.f32.msk $0xffff, v15  }
0x563: {  	v15 =	vld [tilespmem:s7+$0x50]  }
0x564: {  	v16 =	vld [tilespmem:s1+$0x50]  }
0x565: {  	v17 =	vld.idx.msk [tilespmem:v18+s3+$0x0], $0xffff;
	_ =	sdelay $0x3  }
0x566: {  	v15 =	vsub.f32 v15, v16;
	_ =	sdelay $0x1  }
0x567: {  	v16 =	vmax.f32 v15, $0.0e+00  }
0x568: {  	v15 =	vor.u32 v9, v13;
	v17 =	vmax.f32 v17, v16  }
0x569: {  	[tilespmem:v18+s3+$0x0] =	vst.idx.msk $0xffff, v17  }
0x56a: {  	[tilespmem:v18+s19+$0x0] =	vst.idx.add.f32.msk $0xffff, v16  }
0x56b: {  	v17 =	vld [tilespmem:s7+$0x60]  }
0x56c: {  	v18 =	vld [tilespmem:s1+$0x60]  }
.Ltmp15:
0x56d: {  	v16 =	vld.idx.msk [tilespmem:v15+s3+$0x0], $0xffff;
	(pc) =	sbr.rel @p0 .LBB2_26-.Ltmp15, $2  }
0x56e: {  	_ =	sdelay $0x2  }
0x56f: {  	v17 =	vsub.f32 v17, v18  }
0x570: {  	_ =	sdelay $0x1  }
0x571: {  	v17 =	vmax.f32 v17, $0.0e+00  }
0x572: {  	v16 =	vmax.f32 v16, v17  }
0x573: {  	[tilespmem:v15+s3+$0x0] =	vst.idx.msk $0xffff, v16  }
0x574: {  	v13 =	vor.u32 v10, v13;
	[tilespmem:v15+s19+$0x0] =	vst.idx.add.f32.msk $0xffff, v17  }
0x575: {  	v15 =	vld [tilespmem:s8+$0x70]  }
0x576: {  	v16 =	vld [tilespmem:s9+$0x70];
	_ =	sdelay $0x2  }
0x577: {  	v17 =	vld.idx.msk [tilespmem:v13+s3+$0x0], $0xffff  }
0x578: {  	s28 =	sadd.s32 $0x40, s28  }
0x579: {  	s0 =	ssub.s32 s30, s28;
	v15 =	vsub.f32 v15, v16  }
0x57a: {  	v14 =	vor.u32 v2, v14;
	p0 =	sgt.s32 s0, $0x1830  }
.Ltmp16:
0x57b: {  	v15 =	vmax.f32 v15, $0.0e+00;
	(pc) =	sbr.rel @p0 .LBB2_25-.Ltmp16, $4  }
.Ltmp17:
0x57c: {  	v63 =	vmax.f32 v17, v15;
	(pc) =	sbr.rel @!p0 .LBB2_28-.Ltmp17, $4  }
0x57d: {  	[tilespmem:v13+s3+$0x0] =	vst.idx.msk $0xffff, v63  }
0x57e: {  	[tilespmem:v13+s19+$0x0] =	vst.idx.add.f32.msk $0xffff, v15  }
0x57f: {  	[tilespmem:v14+s20+$0x0] =	vst.idx.add.f32.msk $0xffff, v11  }
0x580: {  	_ = 	snop  }
.LBB2_29:
0x581: {  	s8 =	ssub.s32 s30, s28  }
0x582: {  	_ =	swait.ge [sflag:s12], $0x7D0;
	p0 =	slt.s32 s8, $0x40  }
.Ltmp18:
0x583: {  	[sflag:s12] =	ssyncset.done $0x0;
	(pc) =	sbr.rel @p0 .LBB2_33-.Ltmp18, $4  }
0x584: {  	[sflag:s12] =	ssyncadd.s32 $0xFFFFF830  }
0x585: {  	_ =	swait.ge [sflag:s12], $0x7D0  }
0x586: {  	[sflag:s12] =	ssyncset.done $0x0  }
0x587: {  	[sflag:s12] =	ssyncadd.s32 $0xFFFFF830  }
.LBB2_30:
0x588: {  	s0 =	sand.u32 $0x1FC0, s28  }
0x589: {  	s1 =	sadd.s32 $0x17400, s0;
	s8 =	sadd.s32 $0xFFFFFFFE, s0  }
0x58a: {  	[tilespmem:s22], [sflag:$0x3] =	stream.indirect.gather [hbm4b:s2+s21], $0x80, s1, s21, $0xb8;
	[tilespmem:$0x1F400] =	vst v63  }
0x58b: {  	s31 =	sadd.s32 $0x2, s8  }
0x58c: {  	s7 =	sadd.s32 $0x19400, s0;
	v12 =	vmov s31  }
0x58d: {  	[tilespmem:s23], [sflag:$0x4] =	stream.indirect.gather [hbm4b:s6+s21], $0x80, s7, s21, $0xb8;
	v12 =	vand.u32 $0xFFFFFFFE, v12;
	[tilespmem:$0x1F400] =	vst v63  }
0x58e: {  	_ =	swait.ge [sflag:s17], $0x2000;
	v12 =	vbroadcast v12, $0x0  }
0x58f: {  	[sflag:s17] =	ssyncset.done $0x0  }
0x590: {  	[sflag:s17] =	ssyncadd.s32 $0xFFFFE000  }
0x591: {  	_ =	swait.ge [sflag:s18], $0x2000  }
0x592: {  	[sflag:s18] =	ssyncset.done $0x0  }
0x593: {  	[sflag:s18] =	ssyncadd.s32 $0xFFFFE000  }
0x594: {  	v12 =	vld.idx.msk [tilespmem:v12+s16+$0x0], $0xffff;
	_ =	sdelay $0x4  }
0x595: {  	v12 =	vsub.s32 v12, v0  }
0x596: {  	v13 =	vshll.u32 v12, $0x7  }
0x597: {  	s1 =	simm.s32 $0x1D480;
	v14 =	vor.u32 v2, v13  }
0x598: {  	s7 =	simm.s32 $0x1B480;
	v15 =	vld [tilespmem:s1+$0xFFFFFF80]  }
0x599: {  	v16 =	vld [tilespmem:s7+$0xFFFFFF80];
	_ =	sdelay $0x2  }
0x59a: {  	v17 =	vld.idx.msk [tilespmem:v14+s3+$0x0], $0xffff;
	_ =	sdelay $0x1  }
0x59b: {  	v15 =	vsub.f32 v16, v15;
	_ =	sdelay $0x1  }
0x59c: {  	v15 =	vmax.f32 v15, $0.0e+00  }
0x59d: {  	v16 =	vmax.f32 v17, v15  }
0x59e: {  	[tilespmem:v14+s3+$0x0] =	vst.idx.msk $0xffff, v16  }
0x59f: {  	v16 =	vor.u32 v4, v13;
	[tilespmem:v14+s19+$0x0] =	vst.idx.add.f32.msk $0xffff, v15  }
0x5a0: {  	v14 =	vld [tilespmem:s7+$0xFFFFFF90]  }
0x5a1: {  	v15 =	vld [tilespmem:s1+$0xFFFFFF90];
	_ =	sdelay $0x2  }
0x5a2: {  	v17 =	vld.idx.msk [tilespmem:v16+s3+$0x0], $0xffff;
	_ =	sdelay $0x1  }
0x5a3: {  	v14 =	vsub.f32 v14, v15;
	_ =	sdelay $0x1  }
0x5a4: {  	v14 =	vmax.f32 v14, $0.0e+00  }
0x5a5: {  	v15 =	vmax.f32 v17, v14  }
0x5a6: {  	[tilespmem:v16+s3+$0x0] =	vst.idx.msk $0xffff, v15  }
0x5a7: {  	v15 =	vor.u32 v5, v13;
	[tilespmem:v16+s19+$0x0] =	vst.idx.add.f32.msk $0xffff, v14  }
0x5a8: {  	v14 =	vld [tilespmem:s7+$0xFFFFFFA0]  }
0x5a9: {  	v16 =	vld [tilespmem:s1+$0xFFFFFFA0];
	_ =	sdelay $0x2  }
0x5aa: {  	v17 =	vld.idx.msk [tilespmem:v15+s3+$0x0], $0xffff;
	_ =	sdelay $0x1  }
0x5ab: {  	v14 =	vsub.f32 v14, v16;
	_ =	sdelay $0x1  }
0x5ac: {  	v14 =	vmax.f32 v14, $0.0e+00  }
0x5ad: {  	v16 =	vmax.f32 v17, v14  }
0x5ae: {  	[tilespmem:v15+s3+$0x0] =	vst.idx.msk $0xffff, v16  }
0x5af: {  	v16 =	vor.u32 v6, v13;
	[tilespmem:v15+s19+$0x0] =	vst.idx.add.f32.msk $0xffff, v14  }
0x5b0: {  	v14 =	vld [tilespmem:s7+$0xFFFFFFB0]  }
0x5b1: {  	v15 =	vld [tilespmem:s1+$0xFFFFFFB0];
	_ =	sdelay $0x2  }
0x5b2: {  	v17 =	vld.idx.msk [tilespmem:v16+s3+$0x0], $0xffff;
	_ =	sdelay $0x1  }
0x5b3: {  	v14 =	vsub.f32 v14, v15;
	_ =	sdelay $0x1  }
0x5b4: {  	v14 =	vmax.f32 v14, $0.0e+00  }
0x5b5: {  	v15 =	vmax.f32 v17, v14  }
0x5b6: {  	[tilespmem:v16+s3+$0x0] =	vst.idx.msk $0xffff, v15  }
0x5b7: {  	v15 =	vor.u32 v7, v13;
	[tilespmem:v16+s19+$0x0] =	vst.idx.add.f32.msk $0xffff, v14  }
0x5b8: {  	v14 =	vld [tilespmem:s7+$0xFFFFFFC0]  }
0x5b9: {  	v16 =	vld [tilespmem:s1+$0xFFFFFFC0];
	_ =	sdelay $0x2  }
0x5ba: {  	v17 =	vld.idx.msk [tilespmem:v15+s3+$0x0], $0xffff;
	_ =	sdelay $0x1  }
0x5bb: {  	v14 =	vsub.f32 v14, v16;
	_ =	sdelay $0x1  }
0x5bc: {  	v14 =	vmax.f32 v14, $0.0e+00  }
0x5bd: {  	v16 =	vmax.f32 v17, v14  }
0x5be: {  	[tilespmem:v15+s3+$0x0] =	vst.idx.msk $0xffff, v16  }
0x5bf: {  	v16 =	vor.u32 v8, v13;
	[tilespmem:v15+s19+$0x0] =	vst.idx.add.f32.msk $0xffff, v14  }
0x5c0: {  	v14 =	vld [tilespmem:s7+$0xFFFFFFD0]  }
0x5c1: {  	v15 =	vld [tilespmem:s1+$0xFFFFFFD0];
	_ =	sdelay $0x2  }
0x5c2: {  	v17 =	vld.idx.msk [tilespmem:v16+s3+$0x0], $0xffff;
	_ =	sdelay $0x1  }
0x5c3: {  	v14 =	vsub.f32 v14, v15;
	_ =	sdelay $0x1  }
0x5c4: {  	v14 =	vmax.f32 v14, $0.0e+00  }
0x5c5: {  	v15 =	vmax.f32 v17, v14  }
0x5c6: {  	[tilespmem:v16+s3+$0x0] =	vst.idx.msk $0xffff, v15  }
0x5c7: {  	v15 =	vor.u32 v9, v13;
	[tilespmem:v16+s19+$0x0] =	vst.idx.add.f32.msk $0xffff, v14  }
0x5c8: {  	v14 =	vld [tilespmem:s7+$0xFFFFFFE0]  }
0x5c9: {  	v16 =	vld [tilespmem:s1+$0xFFFFFFE0];
	_ =	sdelay $0x2  }
0x5ca: {  	v17 =	vld.idx.msk [tilespmem:v15+s3+$0x0], $0xffff;
	_ =	sdelay $0x1  }
0x5cb: {  	v14 =	vsub.f32 v14, v16;
	_ =	sdelay $0x1  }
0x5cc: {  	v14 =	vmax.f32 v14, $0.0e+00  }
0x5cd: {  	v16 =	vmax.f32 v17, v14  }
0x5ce: {  	[tilespmem:v15+s3+$0x0] =	vst.idx.msk $0xffff, v16  }
0x5cf: {  	v13 =	vor.u32 v10, v13;
	[tilespmem:v15+s19+$0x0] =	vst.idx.add.f32.msk $0xffff, v14  }
0x5d0: {  	v14 =	vld [tilespmem:s7+$0xFFFFFFF0]  }
0x5d1: {  	v15 =	vld [tilespmem:s1+$0xFFFFFFF0];
	_ =	sdelay $0x2  }
0x5d2: {  	v16 =	vld.idx.msk [tilespmem:v13+s3+$0x0], $0xffff;
	_ =	sdelay $0x1  }
0x5d3: {  	v12 =	vshll.u32 v12, $0x4;
	v14 =	vsub.f32 v14, v15  }
0x5d4: {  	s8 =	sadd.s32 $0x3, s8;
	v12 =	vor.u32 v2, v12  }
0x5d5: {  	v15 =	vmov s8;
	v14 =	vmax.f32 v14, $0.0e+00  }
0x5d6: {  	v16 =	vmax.f32 v16, v14  }
0x5d7: {  	[tilespmem:v13+s3+$0x0] =	vst.idx.msk $0xffff, v16  }
0x5d8: {  	[tilespmem:v13+s19+$0x0] =	vst.idx.add.f32.msk $0xffff, v14  }
0x5d9: {  	[tilespmem:v12+s20+$0x0] =	vst.idx.add.f32.msk $0xffff, v11  }
0x5da: {  	v12 =	vld.idx.msk [tilespmem:v15+s16+$0x0], $0xffff;
	_ =	sdelay $0x4  }
0x5db: {  	v13 =	vsub.s32 v12, v0  }
0x5dc: {  	v12 =	vshll.u32 v13, $0x7  }
0x5dd: {  	v14 =	vor.u32 v2, v12  }
0x5de: {  	v15 =	vld [tilespmem:s1+$0x0]  }
0x5df: {  	v16 =	vld [tilespmem:s7+$0x0];
	_ =	sdelay $0x2  }
0x5e0: {  	v17 =	vld.idx.msk [tilespmem:v14+s3+$0x0], $0xffff;
	_ =	sdelay $0x1  }
0x5e1: {  	v15 =	vsub.f32 v16, v15;
	_ =	sdelay $0x1  }
0x5e2: {  	v15 =	vmax.f32 v15, $0.0e+00  }
0x5e3: {  	v16 =	vmax.f32 v17, v15  }
0x5e4: {  	[tilespmem:v14+s3+$0x0] =	vst.idx.msk $0xffff, v16  }
0x5e5: {  	v16 =	vor.u32 v4, v12;
	[tilespmem:v14+s19+$0x0] =	vst.idx.add.f32.msk $0xffff, v15  }
0x5e6: {  	v14 =	vld [tilespmem:s7+$0x10]  }
0x5e7: {  	v15 =	vld [tilespmem:s1+$0x10];
	_ =	sdelay $0x2  }
0x5e8: {  	v17 =	vld.idx.msk [tilespmem:v16+s3+$0x0], $0xffff;
	_ =	sdelay $0x1  }
0x5e9: {  	v14 =	vsub.f32 v14, v15;
	_ =	sdelay $0x1  }
0x5ea: {  	v14 =	vmax.f32 v14, $0.0e+00  }
0x5eb: {  	v15 =	vmax.f32 v17, v14  }
0x5ec: {  	[tilespmem:v16+s3+$0x0] =	vst.idx.msk $0xffff, v15  }
0x5ed: {  	v15 =	vor.u32 v5, v12;
	[tilespmem:v16+s19+$0x0] =	vst.idx.add.f32.msk $0xffff, v14  }
0x5ee: {  	v14 =	vld [tilespmem:s7+$0x20]  }
0x5ef: {  	v16 =	vld [tilespmem:s1+$0x20];
	_ =	sdelay $0x2  }
0x5f0: {  	v17 =	vld.idx.msk [tilespmem:v15+s3+$0x0], $0xffff;
	_ =	sdelay $0x1  }
0x5f1: {  	v14 =	vsub.f32 v14, v16;
	_ =	sdelay $0x1  }
0x5f2: {  	v14 =	vmax.f32 v14, $0.0e+00  }
0x5f3: {  	v16 =	vmax.f32 v17, v14  }
0x5f4: {  	[tilespmem:v15+s3+$0x0] =	vst.idx.msk $0xffff, v16  }
0x5f5: {  	v16 =	vor.u32 v6, v12;
	[tilespmem:v15+s19+$0x0] =	vst.idx.add.f32.msk $0xffff, v14  }
0x5f6: {  	v14 =	vld [tilespmem:s7+$0x30]  }
0x5f7: {  	v15 =	vld [tilespmem:s1+$0x30];
	_ =	sdelay $0x2  }
0x5f8: {  	v17 =	vld.idx.msk [tilespmem:v16+s3+$0x0], $0xffff;
	_ =	sdelay $0x1  }
0x5f9: {  	v14 =	vsub.f32 v14, v15;
	_ =	sdelay $0x1  }
0x5fa: {  	v14 =	vmax.f32 v14, $0.0e+00  }
0x5fb: {  	v15 =	vmax.f32 v17, v14  }
0x5fc: {  	[tilespmem:v16+s3+$0x0] =	vst.idx.msk $0xffff, v15  }
0x5fd: {  	v15 =	vor.u32 v7, v12;
	[tilespmem:v16+s19+$0x0] =	vst.idx.add.f32.msk $0xffff, v14  }
0x5fe: {  	v14 =	vld [tilespmem:s7+$0x40]  }
0x5ff: {  	v16 =	vld [tilespmem:s1+$0x40];
	_ =	sdelay $0x2  }
0x600: {  	v17 =	vld.idx.msk [tilespmem:v15+s3+$0x0], $0xffff;
	_ =	sdelay $0x1  }
0x601: {  	v14 =	vsub.f32 v14, v16;
	_ =	sdelay $0x1  }
0x602: {  	v14 =	vmax.f32 v14, $0.0e+00  }
0x603: {  	v16 =	vmax.f32 v17, v14  }
0x604: {  	[tilespmem:v15+s3+$0x0] =	vst.idx.msk $0xffff, v16  }
0x605: {  	v16 =	vor.u32 v8, v12;
	[tilespmem:v15+s19+$0x0] =	vst.idx.add.f32.msk $0xffff, v14  }
0x606: {  	v14 =	vld [tilespmem:s7+$0x50]  }
0x607: {  	v15 =	vld [tilespmem:s1+$0x50];
	_ =	sdelay $0x2  }
0x608: {  	v17 =	vld.idx.msk [tilespmem:v16+s3+$0x0], $0xffff;
	_ =	sdelay $0x1  }
0x609: {  	v14 =	vsub.f32 v14, v15;
	_ =	sdelay $0x1  }
0x60a: {  	v14 =	vmax.f32 v14, $0.0e+00  }
0x60b: {  	v15 =	vmax.f32 v17, v14  }
0x60c: {  	[tilespmem:v16+s3+$0x0] =	vst.idx.msk $0xffff, v15  }
0x60d: {  	[tilespmem:v16+s19+$0x0] =	vst.idx.add.f32.msk $0xffff, v14  }
0x60e: {  	v14 =	vor.u32 v9, v12;
	v16 =	vld [tilespmem:s7+$0x60]  }
0x60f: {  	v17 =	vld [tilespmem:s1+$0x60];
	_ =	sdelay $0x3  }
0x610: {  	v15 =	vld.idx.msk [tilespmem:v14+s3+$0x0], $0xffff  }
0x611: {  	s25 =	simm.s32 $0x0;
	s9 =	simm.s32 $0x1D480;
	s8 =	simm.s32 $0x1B480;
	v13 =	vshll.u32 v13, $0x4;
	v16 =	vsub.f32 v16, v17  }
.LBB2_31:
0x612: {  	s1 =	sadd.s32 $0x100, s1  }
0x613: {  	s7 =	sadd.s32 $0x100, s7;
	s13 =	smov.u32 s25;
	s25 =	sadd.s32 $0x2, s25  }
0x614: {  	p0 =	slt.u32 s25, $0x3E;
	v16 =	vmax.f32 v16, $0.0e+00  }
0x615: {  	v12 =	vor.u32 v10, v12;
	v15 =	vmax.f32 v15, v16  }
0x616: {  	[tilespmem:v14+s3+$0x0] =	vst.idx.msk $0xffff, v15  }
0x617: {  	[tilespmem:v14+s19+$0x0] =	vst.idx.add.f32.msk $0xffff, v16  }
0x618: {  	s13 =	sadd.s32 s13, s0;
	v14 =	vld [tilespmem:s8+$0x70];
	s8 =	smov.u32 s7  }
0x619: {  	s14 =	sadd.s32 $0x2, s13;
	s26 =	sadd.s32 $0x3, s13;
	v15 =	vld [tilespmem:s9+$0x70];
	s9 =	smov.u32 s1  }
0x61a: {  	v16 =	vmov s14;
	v17 =	vld.idx.msk [tilespmem:v12+s3+$0x0], $0xffff  }
0x61b: {  	v16 =	vand.u32 $0xFFFFFFFE, v16  }
0x61c: {  	v13 =	vor.u32 v2, v13;
	v16 =	vbroadcast v16, $0x0;
	_ =	sdelay $0x1  }
0x61d: {  	v14 =	vsub.f32 v14, v15;
	_ =	sdelay $0x1  }
0x61e: {  	v14 =	vmax.f32 v14, $0.0e+00  }
0x61f: {  	v15 =	vmax.f32 v17, v14  }
0x620: {  	[tilespmem:v12+s3+$0x0] =	vst.idx.msk $0xffff, v15  }
0x621: {  	[tilespmem:v12+s19+$0x0] =	vst.idx.add.f32.msk $0xffff, v14  }
0x622: {  	[tilespmem:v13+s20+$0x0] =	vst.idx.add.f32.msk $0xffff, v11  }
0x623: {  	v12 =	vld.idx.msk [tilespmem:v16+s16+$0x0], $0xffff;
	_ =	sdelay $0x5  }
0x624: {  	v12 =	vsub.s32 v12, v0  }
0x625: {  	v13 =	vshll.u32 v12, $0x7;
	v12 =	vshll.u32 v12, $0x4;
	v14 =	vld [tilespmem:s1+$0xFFFFFF80]  }
0x626: {  	v16 =	vor.u32 v2, v13;
	v15 =	vld [tilespmem:s7+$0xFFFFFF80];
	_ =	sdelay $0x4  }
0x627: {  	v14 =	vsub.f32 v15, v14;
	v15 =	vld.idx.msk [tilespmem:v16+s3+$0x0], $0xffff;
	_ =	sdelay $0x1  }
0x628: {  	v14 =	vmax.f32 v14, $0.0e+00;
	_ =	sdelay $0x1  }
0x629: {  	v17 =	vor.u32 v4, v13;
	_ =	sdelay $0x1  }
0x62a: {  	v15 =	vmax.f32 v15, v14  }
0x62b: {  	[tilespmem:v16+s3+$0x0] =	vst.idx.msk $0xffff, v15  }
0x62c: {  	[tilespmem:v16+s19+$0x0] =	vst.idx.add.f32.msk $0xffff, v14  }
0x62d: {  	v14 =	vld [tilespmem:s7+$0xFFFFFF90]  }
0x62e: {  	v15 =	vld [tilespmem:s1+$0xFFFFFF90]  }
0x62f: {  	v16 =	vld.idx.msk [tilespmem:v17+s3+$0x0], $0xffff;
	_ =	sdelay $0x3  }
0x630: {  	v14 =	vsub.f32 v14, v15;
	_ =	sdelay $0x1  }
0x631: {  	v14 =	vmax.f32 v14, $0.0e+00  }
0x632: {  	v15 =	vmax.f32 v16, v14  }
0x633: {  	[tilespmem:v17+s3+$0x0] =	vst.idx.msk $0xffff, v15;
	v15 =	vor.u32 v5, v13  }
0x634: {  	[tilespmem:v17+s19+$0x0] =	vst.idx.add.f32.msk $0xffff, v14  }
0x635: {  	v14 =	vld [tilespmem:s7+$0xFFFFFFA0]  }
0x636: {  	v16 =	vld [tilespmem:s1+$0xFFFFFFA0];
	_ =	sdelay $0x1  }
0x637: {  	v17 =	vld.idx.msk [tilespmem:v15+s3+$0x0], $0xffff;
	_ =	sdelay $0x2  }
0x638: {  	v14 =	vsub.f32 v14, v16;
	_ =	sdelay $0x1  }
0x639: {  	v14 =	vmax.f32 v14, $0.0e+00  }
0x63a: {  	v16 =	vmax.f32 v17, v14  }
0x63b: {  	[tilespmem:v15+s3+$0x0] =	vst.idx.msk $0xffff, v16;
	v16 =	vor.u32 v6, v13  }
0x63c: {  	[tilespmem:v15+s19+$0x0] =	vst.idx.add.f32.msk $0xffff, v14  }
0x63d: {  	v14 =	vld [tilespmem:s7+$0xFFFFFFB0]  }
0x63e: {  	v15 =	vld [tilespmem:s1+$0xFFFFFFB0];
	_ =	sdelay $0x1  }
0x63f: {  	v17 =	vld.idx.msk [tilespmem:v16+s3+$0x0], $0xffff;
	_ =	sdelay $0x2  }
0x640: {  	v14 =	vsub.f32 v14, v15;
	_ =	sdelay $0x1  }
0x641: {  	v14 =	vmax.f32 v14, $0.0e+00  }
0x642: {  	v15 =	vmax.f32 v17, v14  }
0x643: {  	[tilespmem:v16+s3+$0x0] =	vst.idx.msk $0xffff, v15;
	v15 =	vor.u32 v7, v13  }
0x644: {  	[tilespmem:v16+s19+$0x0] =	vst.idx.add.f32.msk $0xffff, v14  }
0x645: {  	v14 =	vld [tilespmem:s7+$0xFFFFFFC0]  }
0x646: {  	v16 =	vld [tilespmem:s1+$0xFFFFFFC0];
	_ =	sdelay $0x1  }
0x647: {  	v17 =	vld.idx.msk [tilespmem:v15+s3+$0x0], $0xffff;
	_ =	sdelay $0x2  }
0x648: {  	v14 =	vsub.f32 v14, v16;
	_ =	sdelay $0x1  }
0x649: {  	v14 =	vmax.f32 v14, $0.0e+00  }
0x64a: {  	v16 =	vmax.f32 v17, v14  }
0x64b: {  	[tilespmem:v15+s3+$0x0] =	vst.idx.msk $0xffff, v16;
	v16 =	vor.u32 v8, v13  }
0x64c: {  	[tilespmem:v15+s19+$0x0] =	vst.idx.add.f32.msk $0xffff, v14  }
0x64d: {  	v14 =	vld [tilespmem:s7+$0xFFFFFFD0]  }
0x64e: {  	v15 =	vld [tilespmem:s1+$0xFFFFFFD0];
	_ =	sdelay $0x1  }
0x64f: {  	v17 =	vld.idx.msk [tilespmem:v16+s3+$0x0], $0xffff;
	_ =	sdelay $0x2  }
0x650: {  	v14 =	vsub.f32 v14, v15;
	_ =	sdelay $0x1  }
0x651: {  	v14 =	vmax.f32 v14, $0.0e+00  }
0x652: {  	v15 =	vmax.f32 v17, v14  }
0x653: {  	[tilespmem:v16+s3+$0x0] =	vst.idx.msk $0xffff, v15;
	v15 =	vor.u32 v9, v13  }
0x654: {  	[tilespmem:v16+s19+$0x0] =	vst.idx.add.f32.msk $0xffff, v14  }
0x655: {  	v14 =	vld [tilespmem:s7+$0xFFFFFFE0]  }
0x656: {  	v16 =	vld [tilespmem:s1+$0xFFFFFFE0];
	_ =	sdelay $0x1  }
0x657: {  	v17 =	vld.idx.msk [tilespmem:v15+s3+$0x0], $0xffff;
	_ =	sdelay $0x2  }
0x658: {  	v14 =	vsub.f32 v14, v16;
	_ =	sdelay $0x1  }
0x659: {  	v14 =	vmax.f32 v14, $0.0e+00  }
0x65a: {  	v13 =	vor.u32 v10, v13;
	v16 =	vmax.f32 v17, v14  }
0x65b: {  	[tilespmem:v15+s3+$0x0] =	vst.idx.msk $0xffff, v16  }
0x65c: {  	[tilespmem:v15+s19+$0x0] =	vst.idx.add.f32.msk $0xffff, v14  }
0x65d: {  	v14 =	vld [tilespmem:s7+$0xFFFFFFF0]  }
0x65e: {  	v15 =	vld [tilespmem:s1+$0xFFFFFFF0]  }
0x65f: {  	v16 =	vld.idx.msk [tilespmem:v13+s3+$0x0], $0xffff;
	_ =	sdelay $0x3  }
0x660: {  	v14 =	vsub.f32 v14, v15  }
0x661: {  	v12 =	vor.u32 v2, v12  }
0x662: {  	v15 =	vmov s26;
	v14 =	vmax.f32 v14, $0.0e+00  }
0x663: {  	v16 =	vmax.f32 v16, v14  }
0x664: {  	[tilespmem:v13+s3+$0x0] =	vst.idx.msk $0xffff, v16  }
0x665: {  	[tilespmem:v13+s19+$0x0] =	vst.idx.add.f32.msk $0xffff, v14  }
0x666: {  	[tilespmem:v12+s20+$0x0] =	vst.idx.add.f32.msk $0xffff, v11  }
0x667: {  	v12 =	vld.idx.msk [tilespmem:v15+s16+$0x0], $0xffff;
	_ =	sdelay $0x5  }
0x668: {  	v13 =	vsub.s32 v12, v0  }
0x669: {  	v12 =	vshll.u32 v13, $0x7;
	v13 =	vshll.u32 v13, $0x4  }
0x66a: {  	v14 =	vor.u32 v2, v12;
	_ =	sdelay $0x1  }
0x66b: {  	v15 =	vld [tilespmem:s1+$0x0]  }
0x66c: {  	v16 =	vld [tilespmem:s7+$0x0];
	_ =	sdelay $0x1  }
0x66d: {  	v17 =	vld.idx.msk [tilespmem:v14+s3+$0x0], $0xffff;
	_ =	sdelay $0x2  }
0x66e: {  	v15 =	vsub.f32 v16, v15;
	_ =	sdelay $0x1  }
0x66f: {  	v15 =	vmax.f32 v15, $0.0e+00  }
0x670: {  	v16 =	vmax.f32 v17, v15;
	v17 =	vor.u32 v4, v12  }
0x671: {  	[tilespmem:v14+s3+$0x0] =	vst.idx.msk $0xffff, v16  }
0x672: {  	[tilespmem:v14+s19+$0x0] =	vst.idx.add.f32.msk $0xffff, v15  }
0x673: {  	v14 =	vld [tilespmem:s7+$0x10]  }
0x674: {  	v15 =	vld [tilespmem:s1+$0x10]  }
0x675: {  	v16 =	vld.idx.msk [tilespmem:v17+s3+$0x0], $0xffff;
	_ =	sdelay $0x3  }
0x676: {  	v14 =	vsub.f32 v14, v15;
	_ =	sdelay $0x1  }
0x677: {  	v14 =	vmax.f32 v14, $0.0e+00  }
0x678: {  	v15 =	vmax.f32 v16, v14;
	v16 =	vor.u32 v5, v12  }
0x679: {  	[tilespmem:v17+s3+$0x0] =	vst.idx.msk $0xffff, v15  }
0x67a: {  	[tilespmem:v17+s19+$0x0] =	vst.idx.add.f32.msk $0xffff, v14  }
0x67b: {  	v14 =	vld [tilespmem:s7+$0x20]  }
0x67c: {  	v15 =	vld [tilespmem:s1+$0x20]  }
0x67d: {  	v17 =	vld.idx.msk [tilespmem:v16+s3+$0x0], $0xffff;
	_ =	sdelay $0x3  }
0x67e: {  	v14 =	vsub.f32 v14, v15;
	_ =	sdelay $0x1  }
0x67f: {  	v14 =	vmax.f32 v14, $0.0e+00  }
0x680: {  	v15 =	vmax.f32 v17, v14;
	v17 =	vor.u32 v6, v12  }
0x681: {  	[tilespmem:v16+s3+$0x0] =	vst.idx.msk $0xffff, v15  }
0x682: {  	[tilespmem:v16+s19+$0x0] =	vst.idx.add.f32.msk $0xffff, v14  }
0x683: {  	v14 =	vld [tilespmem:s7+$0x30]  }
0x684: {  	v15 =	vld [tilespmem:s1+$0x30]  }
0x685: {  	v16 =	vld.idx.msk [tilespmem:v17+s3+$0x0], $0xffff;
	_ =	sdelay $0x3  }
0x686: {  	v14 =	vsub.f32 v14, v15;
	_ =	sdelay $0x1  }
0x687: {  	v14 =	vmax.f32 v14, $0.0e+00  }
0x688: {  	v15 =	vmax.f32 v16, v14;
	v16 =	vor.u32 v7, v12  }
0x689: {  	[tilespmem:v17+s3+$0x0] =	vst.idx.msk $0xffff, v15  }
0x68a: {  	[tilespmem:v17+s19+$0x0] =	vst.idx.add.f32.msk $0xffff, v14  }
0x68b: {  	v14 =	vld [tilespmem:s7+$0x40]  }
0x68c: {  	v15 =	vld [tilespmem:s1+$0x40]  }
0x68d: {  	v17 =	vld.idx.msk [tilespmem:v16+s3+$0x0], $0xffff;
	_ =	sdelay $0x3  }
0x68e: {  	v14 =	vsub.f32 v14, v15;
	_ =	sdelay $0x1  }
0x68f: {  	v14 =	vmax.f32 v14, $0.0e+00  }
0x690: {  	v15 =	vmax.f32 v17, v14;
	v17 =	vor.u32 v8, v12  }
0x691: {  	[tilespmem:v16+s3+$0x0] =	vst.idx.msk $0xffff, v15  }
0x692: {  	[tilespmem:v16+s19+$0x0] =	vst.idx.add.f32.msk $0xffff, v14  }
0x693: {  	v14 =	vld [tilespmem:s7+$0x50]  }
0x694: {  	v15 =	vld [tilespmem:s1+$0x50]  }
0x695: {  	v16 =	vld.idx.msk [tilespmem:v17+s3+$0x0], $0xffff;
	_ =	sdelay $0x3  }
0x696: {  	v14 =	vsub.f32 v14, v15;
	_ =	sdelay $0x1  }
0x697: {  	v15 =	vmax.f32 v14, $0.0e+00  }
0x698: {  	v14 =	vor.u32 v9, v12;
	v16 =	vmax.f32 v16, v15  }
0x699: {  	[tilespmem:v17+s3+$0x0] =	vst.idx.msk $0xffff, v16  }
0x69a: {  	[tilespmem:v17+s19+$0x0] =	vst.idx.add.f32.msk $0xffff, v15  }
0x69b: {  	v16 =	vld [tilespmem:s7+$0x60]  }
0x69c: {  	v17 =	vld [tilespmem:s1+$0x60]  }
.Ltmp19:
0x69d: {  	v15 =	vld.idx.msk [tilespmem:v14+s3+$0x0], $0xffff;
	(pc) =	sbr.rel @p0 .LBB2_31-.Ltmp19, $2  }
0x69e: {  	_ =	sdelay $0x2  }
0x69f: {  	v16 =	vsub.f32 v16, v17  }
0x6a0: {  	_ =	sdelay $0x1  }
0x6a1: {  	v16 =	vmax.f32 v16, $0.0e+00  }
0x6a2: {  	v15 =	vmax.f32 v15, v16  }
0x6a3: {  	[tilespmem:v14+s3+$0x0] =	vst.idx.msk $0xffff, v15  }
0x6a4: {  	v12 =	vor.u32 v10, v12;
	[tilespmem:v14+s19+$0x0] =	vst.idx.add.f32.msk $0xffff, v16  }
0x6a5: {  	v14 =	vld [tilespmem:s8+$0x70]  }
0x6a6: {  	v15 =	vld [tilespmem:s9+$0x70];
	_ =	sdelay $0x2  }
0x6a7: {  	v16 =	vld.idx.msk [tilespmem:v12+s3+$0x0], $0xffff  }
0x6a8: {  	s28 =	sadd.s32 $0x40, s28  }
0x6a9: {  	s8 =	ssub.s32 s30, s28;
	v14 =	vsub.f32 v14, v15  }
0x6aa: {  	v13 =	vor.u32 v2, v13;
	p0 =	sgt.s32 s8, $0x3F  }
.Ltmp20:
0x6ab: {  	v14 =	vmax.f32 v14, $0.0e+00;
	(pc) =	sbr.rel @p0 .LBB2_30-.Ltmp20, $4  }
0x6ac: {  	v63 =	vmax.f32 v16, v14  }
0x6ad: {  	[tilespmem:v12+s3+$0x0] =	vst.idx.msk $0xffff, v63  }
0x6ae: {  	[tilespmem:v12+s19+$0x0] =	vst.idx.add.f32.msk $0xffff, v14  }
0x6af: {  	[tilespmem:v13+s20+$0x0] =	vst.idx.add.f32.msk $0xffff, v11  }
.LBB2_33:
0x6b0: {  	s0 =	sand.u32 $0x1FC0, s28  }
0x6b1: {  	s1 =	sadd.s32 $0x17400, s0  }
0x6b2: {  	[tilespmem:s22], [sflag:$0x3] =	stream.indirect.gather [hbm4b:s2+s21], $0x80, s1, s21, $0xb8;
	[tilespmem:$0x1F400] =	vst v63  }
0x6b3: {  	s31 =	sadd.s32 $0x19400, s0  }
0x6b4: {  	[tilespmem:s23], [sflag:$0x4] =	stream.indirect.gather [hbm4b:s6+s21], $0x80, s31, s21, $0xb8;
	[tilespmem:$0x1F400] =	vst v63  }
0x6b5: {  	p0 =	slt.s32 s8, $0x1;
	_ =	swait.ge [sflag:s17], $0x2000  }
.Ltmp21:
0x6b6: {  	[sflag:s17] =	ssyncset.done $0x0;
	(pc) =	sbr.rel @p0 .LBB2_37-.Ltmp21, $4  }
0x6b7: {  	[sflag:s17] =	ssyncadd.s32 $0xFFFFE000  }
0x6b8: {  	_ =	swait.ge [sflag:s18], $0x2000  }
0x6b9: {  	[sflag:s18] =	ssyncset.done $0x0  }
0x6ba: {  	[sflag:s18] =	ssyncadd.s32 $0xFFFFE000  }
0x6bb: {  	v12 =	vmov s0;
	_ =	sdelay $0x4  }
0x6bc: {  	v12 =	vld.idx.msk [tilespmem:v12+s16+$0x0], $0xffff;
	_ =	sdelay $0x4  }
0x6bd: {  	v12 =	vsub.s32 v12, v0  }
0x6be: {  	v13 =	vshll.u32 v12, $0x7  }
0x6bf: {  	s1 =	simm.s32 $0x1D440;
	v14 =	vor.u32 v2, v13  }
0x6c0: {  	s7 =	simm.s32 $0x1B440;
	v15 =	vld [tilespmem:s1+$0xFFFFFFC0]  }
0x6c1: {  	v16 =	vld [tilespmem:s7+$0xFFFFFFC0];
	_ =	sdelay $0x2  }
0x6c2: {  	v17 =	vld.idx.msk [tilespmem:v14+s3+$0x0], $0xffff;
	_ =	sdelay $0x1  }
0x6c3: {  	v15 =	vsub.f32 v16, v15;
	_ =	sdelay $0x1  }
0x6c4: {  	v15 =	vmax.f32 v15, $0.0e+00  }
0x6c5: {  	v16 =	vmax.f32 v17, v15  }
0x6c6: {  	[tilespmem:v14+s3+$0x0] =	vst.idx.msk $0xffff, v16  }
0x6c7: {  	v16 =	vor.u32 v4, v13;
	[tilespmem:v14+s19+$0x0] =	vst.idx.add.f32.msk $0xffff, v15  }
0x6c8: {  	v14 =	vld [tilespmem:s7+$0xFFFFFFD0]  }
0x6c9: {  	v15 =	vld [tilespmem:s1+$0xFFFFFFD0];
	_ =	sdelay $0x2  }
0x6ca: {  	v17 =	vld.idx.msk [tilespmem:v16+s3+$0x0], $0xffff;
	_ =	sdelay $0x1  }
0x6cb: {  	v14 =	vsub.f32 v14, v15;
	_ =	sdelay $0x1  }
0x6cc: {  	v14 =	vmax.f32 v14, $0.0e+00  }
0x6cd: {  	v15 =	vmax.f32 v17, v14  }
0x6ce: {  	[tilespmem:v16+s3+$0x0] =	vst.idx.msk $0xffff, v15  }
0x6cf: {  	v15 =	vor.u32 v5, v13;
	[tilespmem:v16+s19+$0x0] =	vst.idx.add.f32.msk $0xffff, v14  }
0x6d0: {  	v14 =	vld [tilespmem:s7+$0xFFFFFFE0]  }
0x6d1: {  	v16 =	vld [tilespmem:s1+$0xFFFFFFE0];
	_ =	sdelay $0x2  }
0x6d2: {  	v17 =	vld.idx.msk [tilespmem:v15+s3+$0x0], $0xffff;
	_ =	sdelay $0x1  }
0x6d3: {  	v14 =	vsub.f32 v14, v16;
	_ =	sdelay $0x1  }
0x6d4: {  	v14 =	vmax.f32 v14, $0.0e+00  }
0x6d5: {  	v16 =	vmax.f32 v17, v14  }
0x6d6: {  	[tilespmem:v15+s3+$0x0] =	vst.idx.msk $0xffff, v16  }
0x6d7: {  	v16 =	vor.u32 v6, v13;
	[tilespmem:v15+s19+$0x0] =	vst.idx.add.f32.msk $0xffff, v14  }
0x6d8: {  	v14 =	vld [tilespmem:s7+$0xFFFFFFF0]  }
0x6d9: {  	v15 =	vld [tilespmem:s1+$0xFFFFFFF0];
	_ =	sdelay $0x2  }
0x6da: {  	v17 =	vld.idx.msk [tilespmem:v16+s3+$0x0], $0xffff;
	_ =	sdelay $0x1  }
0x6db: {  	v14 =	vsub.f32 v14, v15;
	_ =	sdelay $0x1  }
0x6dc: {  	v14 =	vmax.f32 v14, $0.0e+00  }
0x6dd: {  	v15 =	vmax.f32 v17, v14  }
0x6de: {  	[tilespmem:v16+s3+$0x0] =	vst.idx.msk $0xffff, v15  }
0x6df: {  	v15 =	vor.u32 v7, v13;
	[tilespmem:v16+s19+$0x0] =	vst.idx.add.f32.msk $0xffff, v14  }
0x6e0: {  	v14 =	vld [tilespmem:s7+$0x0]  }
0x6e1: {  	v16 =	vld [tilespmem:s1+$0x0];
	_ =	sdelay $0x2  }
0x6e2: {  	v17 =	vld.idx.msk [tilespmem:v15+s3+$0x0], $0xffff;
	_ =	sdelay $0x1  }
0x6e3: {  	v14 =	vsub.f32 v14, v16;
	_ =	sdelay $0x1  }
0x6e4: {  	v14 =	vmax.f32 v14, $0.0e+00  }
0x6e5: {  	v16 =	vmax.f32 v17, v14  }
0x6e6: {  	[tilespmem:v15+s3+$0x0] =	vst.idx.msk $0xffff, v16  }
0x6e7: {  	v16 =	vor.u32 v8, v13;
	[tilespmem:v15+s19+$0x0] =	vst.idx.add.f32.msk $0xffff, v14  }
0x6e8: {  	v14 =	vld [tilespmem:s7+$0x10]  }
0x6e9: {  	v15 =	vld [tilespmem:s1+$0x10];
	_ =	sdelay $0x2  }
0x6ea: {  	v17 =	vld.idx.msk [tilespmem:v16+s3+$0x0], $0xffff;
	_ =	sdelay $0x1  }
0x6eb: {  	v14 =	vsub.f32 v14, v15;
	_ =	sdelay $0x1  }
0x6ec: {  	v14 =	vmax.f32 v14, $0.0e+00  }
0x6ed: {  	v15 =	vmax.f32 v17, v14  }
0x6ee: {  	[tilespmem:v16+s3+$0x0] =	vst.idx.msk $0xffff, v15  }
0x6ef: {  	v15 =	vor.u32 v9, v13;
	[tilespmem:v16+s19+$0x0] =	vst.idx.add.f32.msk $0xffff, v14  }
0x6f0: {  	v14 =	vld [tilespmem:s7+$0x20]  }
0x6f1: {  	v16 =	vld [tilespmem:s1+$0x20];
	_ =	sdelay $0x2  }
0x6f2: {  	v17 =	vld.idx.msk [tilespmem:v15+s3+$0x0], $0xffff;
	_ =	sdelay $0x1  }
0x6f3: {  	v14 =	vsub.f32 v14, v16;
	_ =	sdelay $0x1  }
0x6f4: {  	v14 =	vmax.f32 v14, $0.0e+00  }
0x6f5: {  	p0 =	sne.s32 s8, $0x1;
	v13 =	vor.u32 v10, v13;
	v16 =	vmax.f32 v17, v14  }
.Ltmp22:
0x6f6: {  	[tilespmem:v15+s3+$0x0] =	vst.idx.msk $0xffff, v16;
	(pc) =	sbr.rel @!p0 .LBB2_36-.Ltmp22, $4  }
0x6f7: {  	[tilespmem:v15+s19+$0x0] =	vst.idx.add.f32.msk $0xffff, v14  }
0x6f8: {  	v15 =	vld [tilespmem:s7+$0x30]  }
0x6f9: {  	v16 =	vld [tilespmem:s1+$0x30]  }
0x6fa: {  	s8 =	sadd.s32 $0xFFFFFFFF, s8;
	v12 =	vshll.u32 v12, $0x4;
	v14 =	vld.idx.msk [tilespmem:v13+s3+$0x0], $0xffff  }
.LBB2_35:
0x6fb: {  	_ = 	snop  }
0x6fc: {  	s0 =	sadd.s32 $0x1, s0;
	s1 =	sadd.s32 $0x80, s1;
	s7 =	sadd.s32 $0x80, s7  }
0x6fd: {  	p0 =	sne.s32 s8, $0x1;
	s8 =	sadd.s32 $0xFFFFFFFF, s8  }
0x6fe: {  	v12 =	vor.u32 v2, v12;
	v15 =	vsub.f32 v15, v16  }
0x6ff: {  	v16 =	vmov s0  }
0x700: {  	v15 =	vmax.f32 v15, $0.0e+00  }
0x701: {  	v14 =	vmax.f32 v14, v15  }
0x702: {  	[tilespmem:v13+s3+$0x0] =	vst.idx.msk $0xffff, v14  }
0x703: {  	[tilespmem:v13+s19+$0x0] =	vst.idx.add.f32.msk $0xffff, v15  }
0x704: {  	[tilespmem:v12+s20+$0x0] =	vst.idx.add.f32.msk $0xffff, v11  }
0x705: {  	v12 =	vld.idx.msk [tilespmem:v16+s16+$0x0], $0xffff;
	_ =	sdelay $0x5  }
0x706: {  	v12 =	vsub.s32 v12, v0  }
0x707: {  	v13 =	vshll.u32 v12, $0x7;
	v12 =	vshll.u32 v12, $0x4  }
0x708: {  	v14 =	vor.u32 v2, v13;
	_ =	sdelay $0x1  }
0x709: {  	v15 =	vld [tilespmem:s1+$0xFFFFFFC0]  }
0x70a: {  	v16 =	vld [tilespmem:s7+$0xFFFFFFC0];
	_ =	sdelay $0x1  }
0x70b: {  	v17 =	vld.idx.msk [tilespmem:v14+s3+$0x0], $0xffff;
	_ =	sdelay $0x2  }
0x70c: {  	v15 =	vsub.f32 v16, v15;
	_ =	sdelay $0x1  }
0x70d: {  	v15 =	vmax.f32 v15, $0.0e+00  }
0x70e: {  	v16 =	vmax.f32 v17, v15;
	v17 =	vor.u32 v4, v13  }
0x70f: {  	[tilespmem:v14+s3+$0x0] =	vst.idx.msk $0xffff, v16  }
0x710: {  	[tilespmem:v14+s19+$0x0] =	vst.idx.add.f32.msk $0xffff, v15  }
0x711: {  	v14 =	vld [tilespmem:s7+$0xFFFFFFD0]  }
0x712: {  	v15 =	vld [tilespmem:s1+$0xFFFFFFD0]  }
0x713: {  	v16 =	vld.idx.msk [tilespmem:v17+s3+$0x0], $0xffff;
	_ =	sdelay $0x3  }
0x714: {  	v14 =	vsub.f32 v14, v15;
	_ =	sdelay $0x1  }
0x715: {  	v14 =	vmax.f32 v14, $0.0e+00  }
0x716: {  	v15 =	vmax.f32 v16, v14  }
0x717: {  	[tilespmem:v17+s3+$0x0] =	vst.idx.msk $0xffff, v15;
	v15 =	vor.u32 v5, v13  }
0x718: {  	[tilespmem:v17+s19+$0x0] =	vst.idx.add.f32.msk $0xffff, v14  }
0x719: {  	v14 =	vld [tilespmem:s7+$0xFFFFFFE0]  }
0x71a: {  	v16 =	vld [tilespmem:s1+$0xFFFFFFE0];
	_ =	sdelay $0x1  }
0x71b: {  	v17 =	vld.idx.msk [tilespmem:v15+s3+$0x0], $0xffff;
	_ =	sdelay $0x2  }
0x71c: {  	v14 =	vsub.f32 v14, v16;
	_ =	sdelay $0x1  }
0x71d: {  	v14 =	vmax.f32 v14, $0.0e+00  }
0x71e: {  	v16 =	vmax.f32 v17, v14;
	v17 =	vor.u32 v6, v13  }
0x71f: {  	[tilespmem:v15+s3+$0x0] =	vst.idx.msk $0xffff, v16  }
0x720: {  	[tilespmem:v15+s19+$0x0] =	vst.idx.add.f32.msk $0xffff, v14  }
0x721: {  	v14 =	vld [tilespmem:s7+$0xFFFFFFF0]  }
0x722: {  	v15 =	vld [tilespmem:s1+$0xFFFFFFF0]  }
0x723: {  	v16 =	vld.idx.msk [tilespmem:v17+s3+$0x0], $0xffff;
	_ =	sdelay $0x3  }
0x724: {  	v14 =	vsub.f32 v14, v15;
	_ =	sdelay $0x1  }
0x725: {  	v14 =	vmax.f32 v14, $0.0e+00  }
0x726: {  	v15 =	vmax.f32 v16, v14  }
0x727: {  	[tilespmem:v17+s3+$0x0] =	vst.idx.msk $0xffff, v15;
	v15 =	vor.u32 v7, v13  }
0x728: {  	[tilespmem:v17+s19+$0x0] =	vst.idx.add.f32.msk $0xffff, v14  }
0x729: {  	v14 =	vld [tilespmem:s7+$0x0]  }
0x72a: {  	v16 =	vld [tilespmem:s1+$0x0];
	_ =	sdelay $0x1  }
0x72b: {  	v17 =	vld.idx.msk [tilespmem:v15+s3+$0x0], $0xffff;
	_ =	sdelay $0x2  }
0x72c: {  	v14 =	vsub.f32 v14, v16;
	_ =	sdelay $0x1  }
0x72d: {  	v14 =	vmax.f32 v14, $0.0e+00  }
0x72e: {  	v16 =	vmax.f32 v17, v14;
	v17 =	vor.u32 v8, v13  }
0x72f: {  	[tilespmem:v15+s3+$0x0] =	vst.idx.msk $0xffff, v16  }
0x730: {  	[tilespmem:v15+s19+$0x0] =	vst.idx.add.f32.msk $0xffff, v14  }
0x731: {  	v14 =	vld [tilespmem:s7+$0x10]  }
0x732: {  	v15 =	vld [tilespmem:s1+$0x10]  }
0x733: {  	v16 =	vld.idx.msk [tilespmem:v17+s3+$0x0], $0xffff;
	_ =	sdelay $0x3  }
0x734: {  	v14 =	vsub.f32 v14, v15;
	_ =	sdelay $0x1  }
0x735: {  	v14 =	vmax.f32 v14, $0.0e+00  }
0x736: {  	v15 =	vmax.f32 v16, v14;
	v16 =	vor.u32 v9, v13  }
0x737: {  	[tilespmem:v17+s3+$0x0] =	vst.idx.msk $0xffff, v15  }
0x738: {  	[tilespmem:v17+s19+$0x0] =	vst.idx.add.f32.msk $0xffff, v14  }
0x739: {  	v14 =	vld [tilespmem:s7+$0x20]  }
0x73a: {  	v15 =	vld [tilespmem:s1+$0x20]  }
0x73b: {  	v17 =	vld.idx.msk [tilespmem:v16+s3+$0x0], $0xffff;
	_ =	sdelay $0x3  }
0x73c: {  	v14 =	vsub.f32 v14, v15;
	_ =	sdelay $0x1  }
0x73d: {  	v14 =	vmax.f32 v14, $0.0e+00  }
0x73e: {  	v13 =	vor.u32 v10, v13;
	v15 =	vmax.f32 v17, v14  }
.Ltmp23:
0x73f: {  	[tilespmem:v16+s3+$0x0] =	vst.idx.msk $0xffff, v15;
	(pc) =	sbr.rel @p0 .LBB2_35-.Ltmp23, $4  }
0x740: {  	[tilespmem:v16+s19+$0x0] =	vst.idx.add.f32.msk $0xffff, v14  }
0x741: {  	v15 =	vld [tilespmem:s7+$0x30]  }
0x742: {  	v16 =	vld [tilespmem:s1+$0x30]  }
0x743: {  	v14 =	vld.idx.msk [tilespmem:v13+s3+$0x0], $0xffff  }
.LBB2_36:
0x744: {  	_ =	sdelay $0x2  }
0x745: {  	v15 =	vsub.f32 v15, v16  }
0x746: {  	v12 =	vor.u32 v2, v12  }
0x747: {  	v15 =	vmax.f32 v15, $0.0e+00  }
0x748: {  	v14 =	vmax.f32 v14, v15  }
0x749: {  	[tilespmem:v13+s3+$0x0] =	vst.idx.msk $0xffff, v14  }
0x74a: {  	[tilespmem:v13+s19+$0x0] =	vst.idx.add.f32.msk $0xffff, v15  }
0x74b: {  	[tilespmem:v12+s20+$0x0] =	vst.idx.add.f32.msk $0xffff, v11  }
.LBB2_37:
0x74c: {  	s0 =	simm.s32 $0x0  }
0x74d: {  	v12 =	vld [tilespmem:s0+$0x14000];
	_ =	sdelay $0x4  }
0x74e: {  	v12 =	vmax.f32 v12, $1.000000000e+00  }
0x74f: {  	(erf) = vrcp.f32 v12;
	_ =	sdelay $0x3  }
0x750: {  	s0 =	simm.s32 $0xA040  }
0x751: {  	v58 =	vld [tilespmem:s0+$0xFFFFFFC0]  }
0x752: {  	v13 =	vld [tilespmem:s0+$0xFFFFFFD0]  }
0x753: {  	v14 =	vld [tilespmem:s0+$0xFFFFFFE0]  }
0x754: {  	v15 =	vld [tilespmem:s0+$0xFFFFFFF0]  }
0x755: {  	v16 =	vld [tilespmem:s0+$0x0];
	v17 =	vpop (erf)  }
0x756: {  	v18 =	vld [tilespmem:s0+$0x10];
	v12 =	vmul.f32 v17, v58  }
0x757: {  	v19 =	vld [tilespmem:s0+$0x20];
	v13 =	vmul.f32 v13, v17  }
0x758: {  	v20 =	vld [tilespmem:s0+$0x30];
	v14 =	vmul.f32 v14, v17;
	[tilespmem:s0+$0xFFFFFFC0] =	vst v12  }
0x759: {  	v59 =	vmul.f32 v15, v17;
	[tilespmem:s0+$0xFFFFFFD0] =	vst v13  }
0x75a: {  	v60 =	vmul.f32 v16, v17;
	[tilespmem:s0+$0xFFFFFFE0] =	vst v14  }
0x75b: {  	v61 =	vmul.f32 v18, v17;
	[tilespmem:s0+$0xFFFFFFF0] =	vst v59  }
0x75c: {  	v62 =	vmul.f32 v19, v17;
	[tilespmem:s0+$0x0] =	vst v60  }
0x75d: {  	v63 =	vmul.f32 v20, v17;
	[tilespmem:s0+$0x10] =	vst v61  }
0x75e: {  	[tilespmem:s0+$0x20] =	vst v62  }
0x75f: {  	s7 =	simm.s32 $0x10;
	s1 =	simm.s32 $0x80;
	[tilespmem:s0+$0x30] =	vst v63  }
.LBB2_38:
0x760: {  	p0 =	sne.s32 s1, $0x4FC0;
	v12 =	vld [tilespmem:s7+$0x14000];
	_ =	sdelay $0x4  }
0x761: {  	v12 =	vmax.f32 v12, $1.000000000e+00  }
0x762: {  	s0 =	sadd.s32 $0x80, s0;
	(erf) = vrcp.f32 v12  }
0x763: {  	v12 =	vld [tilespmem:s0+$0xFFFFFFF0]  }
0x764: {  	v13 =	vld [tilespmem:s0+$0x30]  }
0x765: {  	v14 =	vld [tilespmem:s0+$0x10]  }
0x766: {  	v15 =	vld [tilespmem:s0+$0xFFFFFFD0]  }
0x767: {  	v16 =	vld [tilespmem:s0+$0xFFFFFFC0]  }
0x768: {  	v17 =	vld [tilespmem:s0+$0xFFFFFFE0]  }
0x769: {  	v18 =	vld [tilespmem:s0+$0x0]  }
0x76a: {  	v19 =	vld [tilespmem:s0+$0x20]  }
0x76b: {  	v20 =	vpop (erf)  }
0x76c: {  	v16 =	vmul.f32 v20, v16;
	v15 =	vmul.f32 v15, v20  }
0x76d: {  	v12 =	vmul.f32 v12, v20;
	v17 =	vmul.f32 v17, v20  }
0x76e: {  	v14 =	vmul.f32 v14, v20;
	[tilespmem:s0+$0xFFFFFFC0] =	vst v16;
	v16 =	vmul.f32 v18, v20  }
0x76f: {  	v13 =	vmul.f32 v13, v20;
	[tilespmem:s0+$0xFFFFFFD0] =	vst v15;
	v15 =	vmul.f32 v19, v20  }
0x770: {  	[tilespmem:s0+$0xFFFFFFE0] =	vst v17  }
.Ltmp24:
0x771: {  	[tilespmem:s0+$0xFFFFFFF0] =	vst v12;
	(pc) =	sbr.rel @p0 .LBB2_38-.Ltmp24, $4  }
0x772: {  	[tilespmem:s0+$0x0] =	vst v16  }
0x773: {  	[tilespmem:s0+$0x10] =	vst v14  }
0x774: {  	[tilespmem:s0+$0x20] =	vst v15  }
0x775: {  	s7 =	sshra.s32 s1, $0x2;
	s1 =	sadd.s32 $0x40, s1;
	[tilespmem:s0+$0x30] =	vst v13  }
0x776: {  	v12 =	vld [tilespmem:s7+$0x14000];
	_ =	sdelay $0x4  }
0x777: {  	v12 =	vmax.f32 v12, $1.000000000e+00  }
0x778: {  	(erf) = vrcp.f32 v12;
	_ =	sdelay $0x3  }
0x779: {  	s0 =	sadd.s32 $0x80, s0  }
0x77a: {  	v58 =	vld [tilespmem:s0+$0xFFFFFFC0]  }
0x77b: {  	v13 =	vld [tilespmem:s0+$0xFFFFFFD0]  }
0x77c: {  	v14 =	vld [tilespmem:s0+$0xFFFFFFE0]  }
0x77d: {  	v15 =	vld [tilespmem:s0+$0xFFFFFFF0]  }
0x77e: {  	v16 =	vld [tilespmem:s0+$0x0];
	v17 =	vpop (erf)  }
0x77f: {  	v18 =	vld [tilespmem:s0+$0x10];
	v12 =	vmul.f32 v17, v58  }
0x780: {  	v19 =	vld [tilespmem:s0+$0x20];
	v13 =	vmul.f32 v13, v17  }
0x781: {  	v20 =	vld [tilespmem:s0+$0x30];
	v14 =	vmul.f32 v14, v17;
	[tilespmem:s0+$0xFFFFFFC0] =	vst v12  }
0x782: {  	v59 =	vmul.f32 v15, v17;
	[tilespmem:s0+$0xFFFFFFD0] =	vst v13  }
0x783: {  	v60 =	vmul.f32 v16, v17;
	[tilespmem:s0+$0xFFFFFFE0] =	vst v14  }
0x784: {  	v61 =	vmul.f32 v18, v17;
	[tilespmem:s0+$0xFFFFFFF0] =	vst v59  }
0x785: {  	v62 =	vmul.f32 v19, v17;
	[tilespmem:s0+$0x0] =	vst v60  }
0x786: {  	v63 =	vmul.f32 v20, v17;
	[tilespmem:s0+$0x10] =	vst v61  }
0x787: {  	[tilespmem:s0+$0x20] =	vst v62  }
0x788: {  	s28 =	rddreg [dreg:$0x3];
	s1 =	simm.s32 $0x5;
	[tilespmem:s0+$0x30] =	vst v63  }
0x789: {  	[hbm4b:s28+s3] =	stream.linear.scatter [tilespmem:s3], [sflag:$0x5], $0xA000, $0x38;
	[tilespmem:$0x1F400] =	vst v63  }
0x78a: {  	_ =	swait.ge [sflag:s1], $0xA000  }
0x78b: {  	[sflag:s1] =	ssyncset.done $0x0  }
0x78c: {  	s29 =	rddreg [dreg:$0x4];
	[sflag:s1] =	ssyncadd.s32 $0xFFFF6000  }
0x78d: {  	[hbm4b:s29+s3] =	stream.linear.scatter [tilespmem:s19], [sflag:$0x5], $0xA000, $0x38;
	[tilespmem:$0x1F400] =	vst v63  }
0x78e: {  	_ =	swait.ge [sflag:s1], $0xA000  }
0x78f: {  	s30 =	rddreg [dreg:$0x6]  }
0x790: {  	s31 =	rddreg [dreg:$0x5];
	s7 =	sadd.s32 $0x1, s30  }
0x791: {  	p0 =	sne.s32 s7, s31  }
.Ltmp25:
0x792: {  	_ = 	snop;
	(pc) =	sbr.rel @p0 .LBB2_1-.Ltmp25, $3  }
0x793: {  	_ =	sdelay $0x1  }
0x794: {  	[sflag:s1] =	ssyncset.done $0x0  }
0x795: {  	[sflag:s1] =	ssyncadd.s32 $0xFFFF6000  }
0x796: {  	_ =	sfence.sel $0x180000  }
0x797: {  	[bflag:$0x0] =	sbarrier.arrive $0xFFFF  }
0x798: {  	_ =	strace $0x90000047  }
0x799: {  	s0 =	stileid.u32;
	[bflag:$0x2] =	sbarrier.arrive $0xFFFF  }
0x79a: {  	p0 =	sne.s32 s0, $0x0;
	s0 =	rddreg [dreg:$0x2]  }
0x79b: {  	s0 =	sadd.s32 @!p0 $0x100000, s0  }
0x79c: {  	[sflag:s0] =	ssyncadd.tile.s32 @!p0 $0x1;
	_ =	shalt  }
.Lfunc_end2:
_tile_overlayer_lowered:
.L_overlay_start_2:
0x79d: {  	(tag) =	ssettag $0x2  }
0x79e: {  	s0 =	rddreg [dreg:$0x0];
	s2 =	stileid.u32  }
0x79f: {  	s1 =	rddreg [dreg:$0x1];
	p0 =	sne.s32 s2, $0x0  }
0x7a0: {  	s3 =	rddreg [dreg:$0x2];
	[bflag:$0x3] =	sbarrier.arrive $0xFFFF;
	s2 =	simm.s32 @!p0 $0x1C05  }
0x7a1: {  	[timem:s3], [sflag:s2] =	dma.local @!p0 [hbm:s0], s1  }
0x7a2: {  	s0 =	simm.s32 @!p0 $0x5  }
0x7a3: {  	_ =	swait.ge @!p0 [sflag:s0], s1  }
0x7a4: {  	s1 =	ssub.s32 @!p0 $0x0, s1;
	[sflag:s0] =	ssyncset.done @!p0 $0x0  }
0x7a5: {  	[sflag:s0] =	ssyncadd.s32 @!p0 s1  }
0x7a6: {  	[bflag:$0x3] =	sbarrier.arrive $0xFFFF  }
0x7a7: {  	_ =	shalt  }

</sc_bundles>
